<compile_context>
chip_gen: v7x
topology: tpu7x:2x2x1
jax: 0.10.2.dev20260603
libtpu: 0.0.44.dev20260713+nightly
codegen_flags: <defaults>
</compile_context>

<pallas_src>
import functools

import jax
import jax.numpy as jnp
from jax import lax
from jax.experimental import pallas as pl
from jax.experimental.pallas import tpu as pltpu
from jax.experimental.pallas import tpu_sc as plsc

N = 10000
E = 320000
D = 128

NC = 2
NS = 16
NW = NC * NS
CHUNK = 80
NCHUNKS = E // CHUNK
GSZ = 8
BLK = GSZ * CHUNK
NGROUPS = NCHUNKS // GSZ
NB = 3
ZCH = 80
NZCH = N // ZCH
TC_BLOCK = 1000

_mesh = plsc.VectorSubcoreMesh(core_axis_name="c", subcore_axis_name="s")


def _copy_idx(blk_ref, off, dst_ref):
    for i in range(CHUNK // 16):
        dst_ref[pl.ds(i * 16, 16)] = blk_ref[pl.ds(off + i * 16, 16)]


@functools.partial(
    pl.kernel,
    out_type=jax.ShapeDtypeStruct((2 * N,), jnp.float32),
    mesh=_mesh,
    scratch_types=[
        pltpu.VMEM((BLK,), jnp.int32),
        pltpu.VMEM((CHUNK,), jnp.int32),
        pltpu.VMEM((CHUNK,), jnp.float32),
        pltpu.VMEM((2000,), jnp.float32),
        pltpu.VMEM_SHARED((N,), jnp.float32),
    ],
)
def _deg_kernel(row_hbm, deg_hbm, blk_v, idx_v, ones_v, zeros_v, acc_sh):
    cid = lax.axis_index("c")
    sid = lax.axis_index("s")
    wid = sid * NC + cid

    one16 = jnp.ones((16,), jnp.float32)
    zero16 = jnp.zeros((16,), jnp.float32)
    for j in range(CHUNK // 16):
        ones_v[pl.ds(j * 16, 16)] = one16

    def fill_zero(i, _):
        zeros_v[pl.ds(i * 16, 16)] = zero16
        return 0

    lax.fori_loop(0, 2000 // 16, fill_zero, 0)

    @pl.when(sid < 5)
    def _():
        pltpu.sync_copy(zeros_v, acc_sh.at[pl.ds(sid * 2000, 2000)])

    plsc.subcore_barrier()

    n_g = (NGROUPS - wid + NW - 1) // NW

    def body(t, _):
        g = wid + NW * t
        pltpu.sync_copy(row_hbm.at[pl.ds(g * BLK, BLK)], blk_v)
        for j in range(GSZ):
            _copy_idx(blk_v, j * CHUNK, idx_v)
            pltpu.sync_copy(ones_v, acc_sh.at[idx_v], add=True)
        return 0

    lax.fori_loop(0, n_g, body, 0)

    plsc.subcore_barrier()

    @pl.when(sid < 10)
    def _():
        pltpu.sync_copy(acc_sh.at[pl.ds(sid * 1000, 1000)],
                        zeros_v.at[pl.ds(0, 1000)])
        pltpu.sync_copy(zeros_v.at[pl.ds(0, 1000)],
                        deg_hbm.at[pl.ds(cid * N + sid * 1000, 1000)])


def _linear_body(x_ref, w_ref, b_ref, d0_ref, d1_ref, h_ref, r_ref):
    deg = d0_ref[:, 0] + d1_ref[:, 0]
    r_full = lax.rsqrt(deg)
    r_safe = jnp.where(deg > 0.0, r_full, 0.0)
    m = lax.dot_general(
        x_ref[...], w_ref[...],
        dimension_numbers=(((1,), (1,)), ((), ())),
        preferred_element_type=jnp.float32,
    )
    h_ref[...] = r_full[:, None] * (m + b_ref[0, :][None, :])
    r_ref[...] = r_safe[:, None]


def _linear(x, W, b2, d0, d1):
    grid = (N // TC_BLOCK,)
    return pl.pallas_call(
        _linear_body,
        grid=grid,
        in_specs=[
            pl.BlockSpec((TC_BLOCK, D), lambda i: (i, 0)),
            pl.BlockSpec((D, D), lambda i: (0, 0)),
            pl.BlockSpec((1, D), lambda i: (0, 0)),
            pl.BlockSpec((TC_BLOCK, 1), lambda i: (i, 0)),
            pl.BlockSpec((TC_BLOCK, 1), lambda i: (i, 0)),
        ],
        out_specs=[
            pl.BlockSpec((TC_BLOCK, D), lambda i: (i, 0)),
            pl.BlockSpec((TC_BLOCK, 1), lambda i: (i, 0)),
        ],
        out_shape=[
            jax.ShapeDtypeStruct((N, D), jnp.float32),
            jax.ShapeDtypeStruct((N, 1), jnp.float32),
        ],
    )(x, W, b2, d0, d1)


@functools.partial(
    pl.kernel,
    out_type=jax.ShapeDtypeStruct((2 * N, D), jnp.float32),
    mesh=_mesh,
    scratch_types=[
        pltpu.VMEM((BLK,), jnp.int32),
        pltpu.VMEM((BLK,), jnp.int32),
        pltpu.VMEM((CHUNK,), jnp.int32),
        pltpu.VMEM((CHUNK,), jnp.int32),
        pltpu.VMEM((CHUNK,), jnp.int32),
        pltpu.VMEM((CHUNK,), jnp.int32),
        pltpu.VMEM((CHUNK,), jnp.int32),
        pltpu.VMEM((CHUNK, D), jnp.float32),
        pltpu.VMEM((CHUNK, D), jnp.float32),
        pltpu.VMEM((CHUNK, D), jnp.float32),
        pltpu.VMEM_SHARED((N, D), jnp.float32),
        pltpu.SemaphoreType.DMA,
        pltpu.SemaphoreType.DMA,
        pltpu.SemaphoreType.DMA,
        pltpu.SemaphoreType.DMA,
        pltpu.SemaphoreType.DMA,
    ],
)
def _agg_kernel(h_hbm, row_hbm, col_hbm, part_hbm,
                dst_blk, src_blk, dst0, dst1, src0, src1, src2,
                rows0, rows1, rows2, acc_sh,
                gsem0, gsem1, gsem2, ssem0, ssem1):
    cid = lax.axis_index("c")
    sid = lax.axis_index("s")
    wid = sid * NC + cid

    rows = (rows0, rows1, rows2)
    dsts = (dst0, dst1)
    srcs = (src0, src1, src2)
    gsems = (gsem0, gsem1, gsem2)
    ssems = (ssem0, ssem1)

    zero16 = jnp.zeros((16,), jnp.float32)

    def zrow(i, _):
        for j in range(D // 16):
            rows0[i, pl.ds(j * 16, 16)] = zero16
        return 0

    lax.fori_loop(0, ZCH, zrow, 0)

    n_z = (NZCH - sid + 15) // 16

    def zchunk(k, _):
        c = sid + 16 * k
        pltpu.sync_copy(rows0, acc_sh.at[pl.ds(c * ZCH, ZCH)])
        return 0

    lax.fori_loop(0, n_z, zchunk, 0)

    plsc.subcore_barrier()

    n_g = (NGROUPS - wid + NW - 1) // NW

    def body(t, _):
        g = wid + NW * t
        di = pltpu.async_copy(row_hbm.at[pl.ds(g * BLK, BLK)], dst_blk, gsem0)
        si = pltpu.async_copy(col_hbm.at[pl.ds(g * BLK, BLK)], src_blk, gsem1)
        di.wait()
        si.wait()

        gd = [None] * GSZ
        sd = [None] * GSZ
        sdone = set()

        def swait(k):
            if k >= 0 and k not in sdone:
                sd[k].wait()
                sdone.add(k)

        _copy_idx(src_blk, 0, srcs[0])
        gd[0] = pltpu.async_copy(h_hbm.at[srcs[0]], rows[0], gsems[0])
        _copy_idx(src_blk, CHUNK, srcs[1])
        gd[1] = pltpu.async_copy(h_hbm.at[srcs[1]], rows[1], gsems[1])

        for j in range(GSZ):
            if j + 2 < GSZ:
                _copy_idx(src_blk, (j + 2) * CHUNK, srcs[(j + 2) % NB])
                gd[j + 2] = pltpu.async_copy(
                    h_hbm.at[srcs[(j + 2) % NB]], rows[(j + 2) % NB],
                    gsems[(j + 2) % NB])
            gd[j].wait()
            _copy_idx(dst_blk, j * CHUNK, dsts[j % 2])
        return 0

    lax.fori_loop(0, n_g, body, 0)

    plsc.subcore_barrier()

    def wchunk(k, _):
        c = sid + 16 * k
        pltpu.sync_copy(acc_sh.at[pl.ds(c * ZCH, ZCH)], rows1)
        pltpu.sync_copy(rows1, part_hbm.at[pl.ds(cid * N + c * ZCH, ZCH)])
        return 0

    lax.fori_loop(0, n_z, wchunk, 0)


def _combine_body(p0_ref, p1_ref, r_ref, o_ref):
    o_ref[...] = (p0_ref[...] + p1_ref[...]) * r_ref[...]


def _combine(p0, p1, r):
    grid = (N // TC_BLOCK,)
    return pl.pallas_call(
        _combine_body,
        grid=grid,
        in_specs=[
            pl.BlockSpec((TC_BLOCK, D), lambda i: (i, 0)),
            pl.BlockSpec((TC_BLOCK, D), lambda i: (i, 0)),
            pl.BlockSpec((TC_BLOCK, 1), lambda i: (i, 0)),
        ],
        out_specs=pl.BlockSpec((TC_BLOCK, D), lambda i: (i, 0)),
        out_shape=jax.ShapeDtypeStruct((N, D), jnp.float32),
    )(p0, p1, r)


@jax.jit
def _impl(x, row, col, W, b):
    degp = _deg_kernel(row)
    d0 = degp[:N].reshape(N, 1)
    d1 = degp[N:].reshape(N, 1)
    h, r = _linear(x, W, b.reshape(1, D), d0, d1)
    parts = _agg_kernel(h, row, col)
    return _combine(parts[:N], parts[N:], r)


def kernel(x, edge_index, W, b):
    row = jnp.asarray(edge_index[0], jnp.int32)
    col = jnp.asarray(edge_index[1], jnp.int32)
    return _impl(x, row, col, W, b)

# --- scband reference (transcript-rebuilt; emitter-appended) ---
"""Pipeline reference for scband-gcnlayer-3977139716216 (READ-ONLY COPY).

The authoritative reference and input builder live on the scoring server;
editing this copy changes nothing except your own understanding.
"""

import jax, jax.numpy as jnp
import numpy as np

N = 10000
E = 320000
D_IN = 128
D_OUT = 128

def setup_inputs(seed: int = 0) -> dict:
    key = jax.random.key(seed)
    k1, k2, k3, k4 = jax.random.split(key, 4)
    x = jax.random.normal(k1, (N, D_IN), dtype=jnp.float32)
    edge_index = jax.random.randint(k2, (2, E), 0, N, dtype=jnp.int64)
    # nn.Linear params (default bias=True inside Linear)
    limit = 1.0 / np.sqrt(D_IN)
    W = jax.random.uniform(k3, (D_OUT, D_IN), minval=-limit, maxval=limit, dtype=jnp.float32)
    b = jax.random.uniform(k4, (D_OUT,), minval=-limit, maxval=limit, dtype=jnp.float32)
    return {"x": x, "edge_index": edge_index, "W": W, "b": b}

def reference(x, edge_index, W, b):
    n = x.shape[0]
    h = x @ W.T + b  # linear layer
    row = edge_index[0]  # dst
    col = edge_index[1]  # src
    deg = jnp.bincount(row, length=n).astype(jnp.float32)
    deg_i = deg[row]
    deg_j = deg[col]
    norm = 1.0 / (jnp.sqrt(deg_i) * jnp.sqrt(deg_j))
    x_j = h[col]
    messages = norm[:, None] * x_j
    out = jnp.zeros((n, h.shape[1]), dtype=h.dtype).at[row].add(messages)
    return out

if __name__ == "__main__":
    import jax
    _d = setup_inputs()
    print(jax.jit(kernel)(*tuple(_d.values())))

</pallas_src>

<mosaic_0001>
#map = affine_map<(d0, d1) -> (0)>
module attributes {stable_mosaic.version = 14 : i64} {
  func.func @_deg_kernel(%arg0: i32, %arg1: i32, %arg2: memref<320000xi32, #tpu.memory_space<hbm>>, %arg3: memref<20000xf32, #tpu.memory_space<hbm>>, %arg4: memref<640xi32, #tpu.memory_space<vmem>>, %arg5: memref<80xi32, #tpu.memory_space<vmem>>, %arg6: memref<80xf32, #tpu.memory_space<vmem>>, %arg7: memref<2000xf32, #tpu.memory_space<vmem>>, %arg8: memref<10000xf32, #tpu.memory_space<vmem_shared>>) attributes {dimension_semantics = [#tpu.dimension_semantics<core_parallel>, #tpu.dimension_semantics<subcore_parallel>], iteration_bounds = array<i64: 2, 16>, scalar_prefetch = 0 : i64, scratch_operands = 5 : i64, tpu.core_type = #tpu.core_type<sc_vector_subcore>, window_params = [{transform_indices = #map}, {transform_indices = #map}]} {
    %mul3A = arith.constant 2 : i32
    %mul3A_0 = arith.muli %arg1, %mul3A : i32
    %add3A = arith.addi %mul3A_0, %arg0 : i32
    %broadcast_in_dim3A = arith.constant 1.000000e+00 : f32
    %broadcast_in_dim3A_1 = vector.broadcast %broadcast_in_dim3A : f32 to vector<16xf32>
    %broadcast_in_dim3A_2 = arith.constant 0.000000e+00 : f32
    %broadcast_in_dim3A_3 = vector.broadcast %broadcast_in_dim3A_2 : f32 to vector<16xf32>
    %swap3A = arith.constant 0 : index
    %swap3A_4 = tpu.vector_load %arg6[%swap3A] {strides = array<i32>} : memref<80xf32, #tpu.memory_space<vmem>>, vector<16xf32>,
    %swap3A_5 = vector.shape_cast %swap3A_4 : vector<16xf32> to vector<16xf32>
    %swap3A_6 = vector.shape_cast %broadcast_in_dim3A_1 : vector<16xf32> to vector<16xf32>
    tpu.vector_store %arg6[%swap3A], %swap3A_6 {strides = array<i32>} : memref<80xf32, #tpu.memory_space<vmem>>, vector<16xf32>,
    %swap3A_7 = arith.constant 16 : index
    %swap3A_8 = tpu.vector_load %arg6[%swap3A_7] {strides = array<i32>} : memref<80xf32, #tpu.memory_space<vmem>>, vector<16xf32>,
    %swap3A_9 = vector.shape_cast %swap3A_8 : vector<16xf32> to vector<16xf32>
    %swap3A_10 = vector.shape_cast %broadcast_in_dim3A_1 : vector<16xf32> to vector<16xf32>
    tpu.vector_store %arg6[%swap3A_7], %swap3A_10 {strides = array<i32>} : memref<80xf32, #tpu.memory_space<vmem>>, vector<16xf32>,
    %swap3A_11 = arith.constant 32 : index
    %swap3A_12 = tpu.vector_load %arg6[%swap3A_11] {strides = array<i32>} : memref<80xf32, #tpu.memory_space<vmem>>, vector<16xf32>,
    %swap3A_13 = vector.shape_cast %swap3A_12 : vector<16xf32> to vector<16xf32>
    %swap3A_14 = vector.shape_cast %broadcast_in_dim3A_1 : vector<16xf32> to vector<16xf32>
    tpu.vector_store %arg6[%swap3A_11], %swap3A_14 {strides = array<i32>} : memref<80xf32, #tpu.memory_space<vmem>>, vector<16xf32>,
    %swap3A_15 = arith.constant 48 : index
    %swap3A_16 = tpu.vector_load %arg6[%swap3A_15] {strides = array<i32>} : memref<80xf32, #tpu.memory_space<vmem>>, vector<16xf32>,
    %swap3A_17 = vector.shape_cast %swap3A_16 : vector<16xf32> to vector<16xf32>
    %swap3A_18 = vector.shape_cast %broadcast_in_dim3A_1 : vector<16xf32> to vector<16xf32>
    tpu.vector_store %arg6[%swap3A_15], %swap3A_18 {strides = array<i32>} : memref<80xf32, #tpu.memory_space<vmem>>, vector<16xf32>,
    %swap3A_19 = arith.constant 64 : index
    %swap3A_20 = tpu.vector_load %arg6[%swap3A_19] {strides = array<i32>} : memref<80xf32, #tpu.memory_space<vmem>>, vector<16xf32>,
    %swap3A_21 = vector.shape_cast %swap3A_20 : vector<16xf32> to vector<16xf32>
    %swap3A_22 = vector.shape_cast %broadcast_in_dim3A_1 : vector<16xf32> to vector<16xf32>
    tpu.vector_store %arg6[%swap3A_19], %swap3A_22 {strides = array<i32>} : memref<80xf32, #tpu.memory_space<vmem>>, vector<16xf32>,
    %scan3A = arith.constant 0 : i32
    %scan3A_23 = arith.constant 0 : i32
    %scan3A_24 = arith.constant 125 : i32
    %scan3A_25 = arith.addi %scan3A_23, %scan3A_24 : i32
    %scan3A_26 = arith.constant 1 : i32
    %scan3A_27 = scf.for %scan3A_70 = %scan3A_23 to %scan3A_25 step %scan3A_26 iter_args(%scan3A_71 = %scan3A) -> (i32)  : i32 {
      %mul3A_72 = arith.constant 16 : i32
      %mul3A_73 = arith.muli %scan3A_70, %mul3A_72 : i32
      %swap3A_74 = arith.index_cast %mul3A_73 : i32 to index
      %swap3A_75 = tpu.vector_load %arg7[%swap3A_74] {strides = array<i32>} : memref<2000xf32, #tpu.memory_space<vmem>>, vector<16xf32>,
      %swap3A_76 = vector.shape_cast %swap3A_75 : vector<16xf32> to vector<16xf32>
      %swap3A_77 = vector.shape_cast %broadcast_in_dim3A_3 : vector<16xf32> to vector<16xf32>
      tpu.vector_store %arg7[%swap3A_74], %swap3A_77 {strides = array<i32>} : memref<2000xf32, #tpu.memory_space<vmem>>, vector<16xf32>,
      %scan3A_78 = arith.constant 0 : i32
      scf.yield %scan3A_78 : i32
    }
    %scan3A_28 = arith.constant 125 : i32
    %lt3A = arith.constant 5 : i32
    %lt3A_29 = arith.cmpi slt, %arg1, %lt3A : i32
    %convert_element_type3A = arith.extui %lt3A_29 : i1 to i32
    %cond3A = arith.constant 0 : i32
    %cond3A_30 = arith.cmpi ne, %convert_element_type3A, %cond3A : i32
    scf.if %cond3A_30 {
      %mul3A_70 = arith.constant 2000 : i32
      %mul3A_71 = arith.muli %arg1, %mul3A_70 : i32
      "tpu.region"() ({
        %run_scoped3A = tpu.sem_alloc : memref<!tpu.dma_semaphore, #tpu.memory_space<semaphore_mem>>
        %dma_start3A = tpu.memref_slice %arg8[%mul3A_71] : memref<10000xf32, #tpu.memory_space<vmem_shared>> -> memref<2000xf32, #tpu.memory_space<vmem_shared>>
        %dma_start3A_72 = tpu.memref_slice %arg8[%mul3A_71] : memref<10000xf32, #tpu.memory_space<vmem_shared>> -> memref<2000xf32, #tpu.memory_space<vmem_shared>>
        tpu.enqueue_dma source(%arg7 : memref<2000xf32, #tpu.memory_space<vmem>>) target(%dma_start3A_72 : memref<2000xf32, #tpu.memory_space<vmem_shared>>) target_semaphore(%run_scoped3A : memref<!tpu.dma_semaphore, #tpu.memory_space<semaphore_mem>>)
        %dma_wait3A = tpu.memref_slice %arg8[%mul3A_71] : memref<10000xf32, #tpu.memory_space<vmem_shared>> -> memref<2000xf32, #tpu.memory_space<vmem_shared>>
        %dma_wait3A_73 = tpu.memref_slice %arg8[%mul3A_71] : memref<10000xf32, #tpu.memory_space<vmem_shared>> -> memref<2000xf32, #tpu.memory_space<vmem_shared>>
        tpu.wait_dma2 semaphore(%run_scoped3A : memref<!tpu.dma_semaphore, #tpu.memory_space<semaphore_mem>>) src(%arg7 : memref<2000xf32, #tpu.memory_space<vmem>>) dst(%dma_wait3A_73 : memref<2000xf32, #tpu.memory_space<vmem_shared>>)
        tpu.yield
      }) : () -> ()
    } else {
    }
    %barrier3A = arith.constant 0 : index
    tpu.barrier barrier_id(%barrier3A)
    %sub3A = arith.constant 500 : i32
    %sub3A_31 = arith.subi %sub3A, %add3A : i32
    %add3A_32 = arith.constant 32 : i32
    %add3A_33 = arith.addi %sub3A_31, %add3A_32 : i32
    %sub3A_34 = arith.constant 1 : i32
    %sub3A_35 = arith.subi %add3A_33, %sub3A_34 : i32
    %jit3A = arith.constant 32 : i32
    %div3A = arith.divsi %sub3A_35, %jit3A : i32
    %sign3A = arith.constant 0 : i32
    %sign3A_36 = arith.cmpi sgt, %sub3A_35, %sign3A : i32
    %sign3A_37 = arith.extui %sign3A_36 : i1 to i32
    %sign3A_38 = arith.constant 0 : i32
    %sign3A_39 = arith.cmpi slt, %sub3A_35, %sign3A_38 : i32
    %sign3A_40 = arith.extui %sign3A_39 : i1 to i32
    %sign3A_41 = arith.subi %sign3A_37, %sign3A_40 : i32
    %sign3A_42 = arith.constant 0 : i32
    %sign3A_43 = arith.cmpi sgt, %jit3A, %sign3A_42 : i32
    %sign3A_44 = arith.extui %sign3A_43 : i1 to i32
    %sign3A_45 = arith.constant 0 : i32
    %sign3A_46 = arith.cmpi slt, %jit3A, %sign3A_45 : i32
    %sign3A_47 = arith.extui %sign3A_46 : i1 to i32
    %sign3A_48 = arith.subi %sign3A_44, %sign3A_47 : i32
    %ne3A = arith.cmpi ne, %sign3A_41, %sign3A_48 : i32
    %rem3A = arith.remsi %sub3A_35, %jit3A : i32
    %ne3A_49 = arith.constant 0 : i32
    %ne3A_50 = arith.cmpi ne, %rem3A, %ne3A_49 : i32
    %and3A = arith.andi %ne3A, %ne3A_50 : i1
    %sub3A_51 = arith.constant 1 : i32
    %sub3A_52 = arith.subi %div3A, %sub3A_51 : i32
    %select_n3A = arith.select %and3A, %sub3A_52, %div3A : i32
    %while3A = arith.constant 0 : i32
    %while3A_53 = arith.constant 0 : i32
    %while3A_54 = arith.subi %select_n3A, %while3A : i32
    %while3A_55 = arith.addi %while3A, %while3A_54 : i32
    %while3A_56 = arith.constant 1 : i32
    %while3A_57 = arith.divsi %while3A_54, %while3A_56 : i32
    %while3A_58 = arith.muli %while3A_57, %while3A_56 : i32
    %while3A_59 = arith.addi %while3A, %while3A_58 : i32
    %while3A_60 = arith.constant 1 : i32
    %while3A_61 = scf.for %while3A_70 = %while3A to %while3A_59 step %while3A_60 iter_args(%while3A_71 = %while3A_53) -> (i32)  : i32 {
      %mul3A_72 = arith.constant 32 : i32
      %mul3A_73 = arith.muli %mul3A_72, %while3A_70 : i32
      %add3A_74 = arith.addi %add3A, %mul3A_73 : i32
      %mul3A_75 = arith.constant 640 : i32
      %mul3A_76 = arith.muli %add3A_74, %mul3A_75 : i32
      "tpu.region"() ({
        %run_scoped3A = tpu.sem_alloc : memref<!tpu.dma_semaphore, #tpu.memory_space<semaphore_mem>>
        %dma_start3A = tpu.memref_slice %arg2[%mul3A_76] : memref<320000xi32, #tpu.memory_space<hbm>> -> memref<640xi32, #tpu.memory_space<hbm>>
        %dma_start3A_357 = tpu.memref_slice %arg2[%mul3A_76] : memref<320000xi32, #tpu.memory_space<hbm>> -> memref<640xi32, #tpu.memory_space<hbm>>
        tpu.enqueue_dma source(%dma_start3A_357 : memref<640xi32, #tpu.memory_space<hbm>>) target(%arg4 : memref<640xi32, #tpu.memory_space<vmem>>) target_semaphore(%run_scoped3A : memref<!tpu.dma_semaphore, #tpu.memory_space<semaphore_mem>>)
        %dma_wait3A = tpu.memref_slice %arg2[%mul3A_76] : memref<320000xi32, #tpu.memory_space<hbm>> -> memref<640xi32, #tpu.memory_space<hbm>>
        %dma_wait3A_358 = tpu.memref_slice %arg2[%mul3A_76] : memref<320000xi32, #tpu.memory_space<hbm>> -> memref<640xi32, #tpu.memory_space<hbm>>
        tpu.wait_dma2 semaphore(%run_scoped3A : memref<!tpu.dma_semaphore, #tpu.memory_space<semaphore_mem>>) src(%dma_wait3A_358 : memref<640xi32, #tpu.memory_space<hbm>>) dst(%arg4 : memref<640xi32, #tpu.memory_space<vmem>>)
        tpu.yield
      }) : () -> ()
      %get3A = arith.constant 0 : index
      %get3A_77 = tpu.vector_load %arg4[%get3A] {strides = array<i32>} : memref<640xi32, #tpu.memory_space<vmem>>, vector<16xi32>,
      %get3A_78 = vector.shape_cast %get3A_77 : vector<16xi32> to vector<16xi32>
      %swap3A_79 = arith.constant 0 : index
      %swap3A_80 = tpu.vector_load %arg5[%swap3A_79] {strides = array<i32>} : memref<80xi32, #tpu.memory_space<vmem>>, vector<16xi32>,
      %swap3A_81 = vector.shape_cast %swap3A_80 : vector<16xi32> to vector<16xi32>
      %swap3A_82 = vector.shape_cast %get3A_78 : vector<16xi32> to vector<16xi32>
      tpu.vector_store %arg5[%swap3A_79], %swap3A_82 {strides = array<i32>} : memref<80xi32, #tpu.memory_space<vmem>>, vector<16xi32>,
      %get3A_83 = arith.constant 16 : index
      %get3A_84 = tpu.vector_load %arg4[%get3A_83] {strides = array<i32>} : memref<640xi32, #tpu.memory_space<vmem>>, vector<16xi32>,
      %get3A_85 = vector.shape_cast %get3A_84 : vector<16xi32> to vector<16xi32>
      %swap3A_86 = arith.constant 16 : index
      %swap3A_87 = tpu.vector_load %arg5[%swap3A_86] {strides = array<i32>} : memref<80xi32, #tpu.memory_space<vmem>>, vector<16xi32>,
      %swap3A_88 = vector.shape_cast %swap3A_87 : vector<16xi32> to vector<16xi32>
      %swap3A_89 = vector.shape_cast %get3A_85 : vector<16xi32> to vector<16xi32>
      tpu.vector_store %arg5[%swap3A_86], %swap3A_89 {strides = array<i32>} : memref<80xi32, #tpu.memory_space<vmem>>, vector<16xi32>,
      %get3A_90 = arith.constant 32 : index
      %get3A_91 = tpu.vector_load %arg4[%get3A_90] {strides = array<i32>} : memref<640xi32, #tpu.memory_space<vmem>>, vector<16xi32>,
      %get3A_92 = vector.shape_cast %get3A_91 : vector<16xi32> to vector<16xi32>
      %swap3A_93 = arith.constant 32 : index
      %swap3A_94 = tpu.vector_load %arg5[%swap3A_93] {strides = array<i32>} : memref<80xi32, #tpu.memory_space<vmem>>, vector<16xi32>,
      %swap3A_95 = vector.shape_cast %swap3A_94 : vector<16xi32> to vector<16xi32>
      %swap3A_96 = vector.shape_cast %get3A_92 : vector<16xi32> to vector<16xi32>
      tpu.vector_store %arg5[%swap3A_93], %swap3A_96 {strides = array<i32>} : memref<80xi32, #tpu.memory_space<vmem>>, vector<16xi32>,
      %get3A_97 = arith.constant 48 : index
      %get3A_98 = tpu.vector_load %arg4[%get3A_97] {strides = array<i32>} : memref<640xi32, #tpu.memory_space<vmem>>, vector<16xi32>,
      %get3A_99 = vector.shape_cast %get3A_98 : vector<16xi32> to vector<16xi32>
      %swap3A_100 = arith.constant 48 : index
      %swap3A_101 = tpu.vector_load %arg5[%swap3A_100] {strides = array<i32>} : memref<80xi32, #tpu.memory_space<vmem>>, vector<16xi32>,
      %swap3A_102 = vector.shape_cast %swap3A_101 : vector<16xi32> to vector<16xi32>
      %swap3A_103 = vector.shape_cast %get3A_99 : vector<16xi32> to vector<16xi32>
      tpu.vector_store %arg5[%swap3A_100], %swap3A_103 {strides = array<i32>} : memref<80xi32, #tpu.memory_space<vmem>>, vector<16xi32>,
      %get3A_104 = arith.constant 64 : index
      %get3A_105 = tpu.vector_load %arg4[%get3A_104] {strides = array<i32>} : memref<640xi32, #tpu.memory_space<vmem>>, vector<16xi32>,
      %get3A_106 = vector.shape_cast %get3A_105 : vector<16xi32> to vector<16xi32>
      %swap3A_107 = arith.constant 64 : index
      %swap3A_108 = tpu.vector_load %arg5[%swap3A_107] {strides = array<i32>} : memref<80xi32, #tpu.memory_space<vmem>>, vector<16xi32>,
      %swap3A_109 = vector.shape_cast %swap3A_108 : vector<16xi32> to vector<16xi32>
      %swap3A_110 = vector.shape_cast %get3A_106 : vector<16xi32> to vector<16xi32>
      tpu.vector_store %arg5[%swap3A_107], %swap3A_110 {strides = array<i32>} : memref<80xi32, #tpu.memory_space<vmem>>, vector<16xi32>,
      "tpu.region"() ({
        %run_scoped3A = tpu.sem_alloc : memref<!tpu.dma_semaphore, #tpu.memory_space<semaphore_mem>>
        %dma_start3A = arith.constant 0 : i32
        %dma_start3A_357 = tpu.memref_slice %arg8[%dma_start3A] : memref<10000xf32, #tpu.memory_space<vmem_shared>> -> memref<10000xf32, #tpu.memory_space<vmem_shared>>
        tpu.enqueue_indirect_dma source(%arg6 : memref<80xf32, #tpu.memory_space<vmem>>) target(%dma_start3A_357 : memref<10000xf32, #tpu.memory_space<vmem_shared>>) offsets(%arg5 : memref<80xi32, #tpu.memory_space<vmem>>) semaphore(%run_scoped3A : memref<!tpu.dma_semaphore, #tpu.memory_space<semaphore_mem>>) {add = true}
        %dma_wait3A = arith.constant 0 : i32
        %dma_wait3A_358 = tpu.memref_slice %arg8[%dma_wait3A] : memref<10000xf32, #tpu.memory_space<vmem_shared>> -> memref<10000xf32, #tpu.memory_space<vmem_shared>>
        tpu.wait_indirect_dma semaphore(%run_scoped3A : memref<!tpu.dma_semaphore, #tpu.memory_space<semaphore_mem>>) src(%arg6 : memref<80xf32, #tpu.memory_space<vmem>>) dst(%dma_wait3A_358 : memref<10000xf32, #tpu.memory_space<vmem_shared>>)
        tpu.yield
      }) : () -> ()
      %get3A_111 = arith.constant 80 : index
      %get3A_112 = tpu.vector_load %arg4[%get3A_111] {strides = array<i32>} : memref<640xi32, #tpu.memory_space<vmem>>, vector<16xi32>,
      %get3A_113 = vector.shape_cast %get3A_112 : vector<16xi32> to vector<16xi32>
      %swap3A_114 = arith.constant 0 : index
      %swap3A_115 = tpu.vector_load %arg5[%swap3A_114] {strides = array<i32>} : memref<80xi32, #tpu.memory_space<vmem>>, vector<16xi32>,
      %swap3A_116 = vector.shape_cast %swap3A_115 : vector<16xi32> to vector<16xi32>
      %swap3A_117 = vector.shape_cast %get3A_113 : vector<16xi32> to vector<16xi32>
      tpu.vector_store %arg5[%swap3A_114], %swap3A_117 {strides = array<i32>} : memref<80xi32, #tpu.memory_space<vmem>>, vector<16xi32>,
      %get3A_118 = arith.constant 96 : index
      %get3A_119 = tpu.vector_load %arg4[%get3A_118] {strides = array<i32>} : memref<640xi32, #tpu.memory_space<vmem>>, vector<16xi32>,
      %get3A_120 = vector.shape_cast %get3A_119 : vector<16xi32> to vector<16xi32>
      %swap3A_121 = arith.constant 16 : index
      %swap3A_122 = tpu.vector_load %arg5[%swap3A_121] {strides = array<i32>} : memref<80xi32, #tpu.memory_space<vmem>>, vector<16xi32>,
      %swap3A_123 = vector.shape_cast %swap3A_122 : vector<16xi32> to vector<16xi32>
      %swap3A_124 = vector.shape_cast %get3A_120 : vector<16xi32> to vector<16xi32>
      tpu.vector_store %arg5[%swap3A_121], %swap3A_124 {strides = array<i32>} : memref<80xi32, #tpu.memory_space<vmem>>, vector<16xi32>,
      %get3A_125 = arith.constant 112 : index
      %get3A_126 = tpu.vector_load %arg4[%get3A_125] {strides = array<i32>} : memref<640xi32, #tpu.memory_space<vmem>>, vector<16xi32>,
      %get3A_127 = vector.shape_cast %get3A_126 : vector<16xi32> to vector<16xi32>
      %swap3A_128 = arith.constant 32 : index
      %swap3A_129 = tpu.vector_load %arg5[%swap3A_128] {strides = array<i32>} : memref<80xi32, #tpu.memory_space<vmem>>, vector<16xi32>,
      %swap3A_130 = vector.shape_cast %swap3A_129 : vector<16xi32> to vector<16xi32>
      %swap3A_131 = vector.shape_cast %get3A_127 : vector<16xi32> to vector<16xi32>
      tpu.vector_store %arg5[%swap3A_128], %swap3A_131 {strides = array<i32>} : memref<80xi32, #tpu.memory_space<vmem>>, vector<16xi32>,
      %get3A_132 = arith.constant 128 : index
      %get3A_133 = tpu.vector_load %arg4[%get3A_132] {strides = array<i32>} : memref<640xi32, #tpu.memory_space<vmem>>, vector<16xi32>,
      %get3A_134 = vector.shape_cast %get3A_133 : vector<16xi32> to vector<16xi32>
      %swap3A_135 = arith.constant 48 : index
      %swap3A_136 = tpu.vector_load %arg5[%swap3A_135] {strides = array<i32>} : memref<80xi32, #tpu.memory_space<vmem>>, vector<16xi32>,
      %swap3A_137 = vector.shape_cast %swap3A_136 : vector<16xi32> to vector<16xi32>
      %swap3A_138 = vector.shape_cast %get3A_134 : vector<16xi32> to vector<16xi32>
      tpu.vector_store %arg5[%swap3A_135], %swap3A_138 {strides = array<i32>} : memref<80xi32, #tpu.memory_space<vmem>>, vector<16xi32>,
      %get3A_139 = arith.constant 144 : index
      %get3A_140 = tpu.vector_load %arg4[%get3A_139] {strides = array<i32>} : memref<640xi32, #tpu.memory_space<vmem>>, vector<16xi32>,
      %get3A_141 = vector.shape_cast %get3A_140 : vector<16xi32> to vector<16xi32>
      %swap3A_142 = arith.constant 64 : index
      %swap3A_143 = tpu.vector_load %arg5[%swap3A_142] {strides = array<i32>} : memref<80xi32, #tpu.memory_space<vmem>>, vector<16xi32>,
      %swap3A_144 = vector.shape_cast %swap3A_143 : vector<16xi32> to vector<16xi32>
      %swap3A_145 = vector.shape_cast %get3A_141 : vector<16xi32> to vector<16xi32>
      tpu.vector_store %arg5[%swap3A_142], %swap3A_145 {strides = array<i32>} : memref<80xi32, #tpu.memory_space<vmem>>, vector<16xi32>,
      "tpu.region"() ({
        %run_scoped3A = tpu.sem_alloc : memref<!tpu.dma_semaphore, #tpu.memory_space<semaphore_mem>>
        %dma_start3A = arith.constant 0 : i32
        %dma_start3A_357 = tpu.memref_slice %arg8[%dma_start3A] : memref<10000xf32, #tpu.memory_space<vmem_shared>> -> memref<10000xf32, #tpu.memory_space<vmem_shared>>
        tpu.enqueue_indirect_dma source(%arg6 : memref<80xf32, #tpu.memory_space<vmem>>) target(%dma_start3A_357 : memref<10000xf32, #tpu.memory_space<vmem_shared>>) offsets(%arg5 : memref<80xi32, #tpu.memory_space<vmem>>) semaphore(%run_scoped3A : memref<!tpu.dma_semaphore, #tpu.memory_space<semaphore_mem>>) {add = true}
        %dma_wait3A = arith.constant 0 : i32
        %dma_wait3A_358 = tpu.memref_slice %arg8[%dma_wait3A] : memref<10000xf32, #tpu.memory_space<vmem_shared>> -> memref<10000xf32, #tpu.memory_space<vmem_shared>>
        tpu.wait_indirect_dma semaphore(%run_scoped3A : memref<!tpu.dma_semaphore, #tpu.memory_space<semaphore_mem>>) src(%arg6 : memref<80xf32, #tpu.memory_space<vmem>>) dst(%dma_wait3A_358 : memref<10000xf32, #tpu.memory_space<vmem_shared>>)
        tpu.yield
      }) : () -> ()
      %get3A_146 = arith.constant 160 : index
      %get3A_147 = tpu.vector_load %arg4[%get3A_146] {strides = array<i32>} : memref<640xi32, #tpu.memory_space<vmem>>, vector<16xi32>,
      %get3A_148 = vector.shape_cast %get3A_147 : vector<16xi32> to vector<16xi32>
      %swap3A_149 = arith.constant 0 : index
      %swap3A_150 = tpu.vector_load %arg5[%swap3A_149] {strides = array<i32>} : memref<80xi32, #tpu.memory_space<vmem>>, vector<16xi32>,
      %swap3A_151 = vector.shape_cast %swap3A_150 : vector<16xi32> to vector<16xi32>
      %swap3A_152 = vector.shape_cast %get3A_148 : vector<16xi32> to vector<16xi32>
      tpu.vector_store %arg5[%swap3A_149], %swap3A_152 {strides = array<i32>} : memref<80xi32, #tpu.memory_space<vmem>>, vector<16xi32>,
      %get3A_153 = arith.constant 176 : index
      %get3A_154 = tpu.vector_load %arg4[%get3A_153] {strides = array<i32>} : memref<640xi32, #tpu.memory_space<vmem>>, vector<16xi32>,
      %get3A_155 = vector.shape_cast %get3A_154 : vector<16xi32> to vector<16xi32>
      %swap3A_156 = arith.constant 16 : index
      %swap3A_157 = tpu.vector_load %arg5[%swap3A_156] {strides = array<i32>} : memref<80xi32, #tpu.memory_space<vmem>>, vector<16xi32>,
      %swap3A_158 = vector.shape_cast %swap3A_157 : vector<16xi32> to vector<16xi32>
      %swap3A_159 = vector.shape_cast %get3A_155 : vector<16xi32> to vector<16xi32>
      tpu.vector_store %arg5[%swap3A_156], %swap3A_159 {strides = array<i32>} : memref<80xi32, #tpu.memory_space<vmem>>, vector<16xi32>,
      %get3A_160 = arith.constant 192 : index
      %get3A_161 = tpu.vector_load %arg4[%get3A_160] {strides = array<i32>} : memref<640xi32, #tpu.memory_space<vmem>>, vector<16xi32>,
      %get3A_162 = vector.shape_cast %get3A_161 : vector<16xi32> to vector<16xi32>
      %swap3A_163 = arith.constant 32 : index
      %swap3A_164 = tpu.vector_load %arg5[%swap3A_163] {strides = array<i32>} : memref<80xi32, #tpu.memory_space<vmem>>, vector<16xi32>,
      %swap3A_165 = vector.shape_cast %swap3A_164 : vector<16xi32> to vector<16xi32>
      %swap3A_166 = vector.shape_cast %get3A_162 : vector<16xi32> to vector<16xi32>
      tpu.vector_store %arg5[%swap3A_163], %swap3A_166 {strides = array<i32>} : memref<80xi32, #tpu.memory_space<vmem>>, vector<16xi32>,
      %get3A_167 = arith.constant 208 : index
      %get3A_168 = tpu.vector_load %arg4[%get3A_167] {strides = array<i32>} : memref<640xi32, #tpu.memory_space<vmem>>, vector<16xi32>,
      %get3A_169 = vector.shape_cast %get3A_168 : vector<16xi32> to vector<16xi32>
      %swap3A_170 = arith.constant 48 : index
      %swap3A_171 = tpu.vector_load %arg5[%swap3A_170] {strides = array<i32>} : memref<80xi32, #tpu.memory_space<vmem>>, vector<16xi32>,
      %swap3A_172 = vector.shape_cast %swap3A_171 : vector<16xi32> to vector<16xi32>
      %swap3A_173 = vector.shape_cast %get3A_169 : vector<16xi32> to vector<16xi32>
      tpu.vector_store %arg5[%swap3A_170], %swap3A_173 {strides = array<i32>} : memref<80xi32, #tpu.memory_space<vmem>>, vector<16xi32>,
      %get3A_174 = arith.constant 224 : index
      %get3A_175 = tpu.vector_load %arg4[%get3A_174] {strides = array<i32>} : memref<640xi32, #tpu.memory_space<vmem>>, vector<16xi32>,
      %get3A_176 = vector.shape_cast %get3A_175 : vector<16xi32> to vector<16xi32>
      %swap3A_177 = arith.constant 64 : index
      %swap3A_178 = tpu.vector_load %arg5[%swap3A_177] {strides = array<i32>} : memref<80xi32, #tpu.memory_space<vmem>>, vector<16xi32>,
      %swap3A_179 = vector.shape_cast %swap3A_178 : vector<16xi32> to vector<16xi32>
      %swap3A_180 = vector.shape_cast %get3A_176 : vector<16xi32> to vector<16xi32>
      tpu.vector_store %arg5[%swap3A_177], %swap3A_180 {strides = array<i32>} : memref<80xi32, #tpu.memory_space<vmem>>, vector<16xi32>,
      "tpu.region"() ({
        %run_scoped3A = tpu.sem_alloc : memref<!tpu.dma_semaphore, #tpu.memory_space<semaphore_mem>>
        %dma_start3A = arith.constant 0 : i32
        %dma_start3A_357 = tpu.memref_slice %arg8[%dma_start3A] : memref<10000xf32, #tpu.memory_space<vmem_shared>> -> memref<10000xf32, #tpu.memory_space<vmem_shared>>
        tpu.enqueue_indirect_dma source(%arg6 : memref<80xf32, #tpu.memory_space<vmem>>) target(%dma_start3A_357 : memref<10000xf32, #tpu.memory_space<vmem_shared>>) offsets(%arg5 : memref<80xi32, #tpu.memory_space<vmem>>) semaphore(%run_scoped3A : memref<!tpu.dma_semaphore, #tpu.memory_space<semaphore_mem>>) {add = true}
        %dma_wait3A = arith.constant 0 : i32
        %dma_wait3A_358 = tpu.memref_slice %arg8[%dma_wait3A] : memref<10000xf32, #tpu.memory_space<vmem_shared>> -> memref<10000xf32, #tpu.memory_space<vmem_shared>>
        tpu.wait_indirect_dma semaphore(%run_scoped3A : memref<!tpu.dma_semaphore, #tpu.memory_space<semaphore_mem>>) src(%arg6 : memref<80xf32, #tpu.memory_space<vmem>>) dst(%dma_wait3A_358 : memref<10000xf32, #tpu.memory_space<vmem_shared>>)
        tpu.yield
      }) : () -> ()
      %get3A_181 = arith.constant 240 : index
      %get3A_182 = tpu.vector_load %arg4[%get3A_181] {strides = array<i32>} : memref<640xi32, #tpu.memory_space<vmem>>, vector<16xi32>,
      %get3A_183 = vector.shape_cast %get3A_182 : vector<16xi32> to vector<16xi32>
      %swap3A_184 = arith.constant 0 : index
      %swap3A_185 = tpu.vector_load %arg5[%swap3A_184] {strides = array<i32>} : memref<80xi32, #tpu.memory_space<vmem>>, vector<16xi32>,
      %swap3A_186 = vector.shape_cast %swap3A_185 : vector<16xi32> to vector<16xi32>
      %swap3A_187 = vector.shape_cast %get3A_183 : vector<16xi32> to vector<16xi32>
      tpu.vector_store %arg5[%swap3A_184], %swap3A_187 {strides = array<i32>} : memref<80xi32, #tpu.memory_space<vmem>>, vector<16xi32>,
      %get3A_188 = arith.constant 256 : index
      %get3A_189 = tpu.vector_load %arg4[%get3A_188] {strides = array<i32>} : memref<640xi32, #tpu.memory_space<vmem>>, vector<16xi32>,
      %get3A_190 = vector.shape_cast %get3A_189 : vector<16xi32> to vector<16xi32>
      %swap3A_191 = arith.constant 16 : index
      %swap3A_192 = tpu.vector_load %arg5[%swap3A_191] {strides = array<i32>} : memref<80xi32, #tpu.memory_space<vmem>>, vector<16xi32>,
      %swap3A_193 = vector.shape_cast %swap3A_192 : vector<16xi32> to vector<16xi32>
      %swap3A_194 = vector.shape_cast %get3A_190 : vector<16xi32> to vector<16xi32>
      tpu.vector_store %arg5[%swap3A_191], %swap3A_194 {strides = array<i32>} : memref<80xi32, #tpu.memory_space<vmem>>, vector<16xi32>,
      %get3A_195 = arith.constant 272 : index
      %get3A_196 = tpu.vector_load %arg4[%get3A_195] {strides = array<i32>} : memref<640xi32, #tpu.memory_space<vmem>>, vector<16xi32>,
      %get3A_197 = vector.shape_cast %get3A_196 : vector<16xi32> to vector<16xi32>
      %swap3A_198 = arith.constant 32 : index
      %swap3A_199 = tpu.vector_load %arg5[%swap3A_198] {strides = array<i32>} : memref<80xi32, #tpu.memory_space<vmem>>, vector<16xi32>,
      %swap3A_200 = vector.shape_cast %swap3A_199 : vector<16xi32> to vector<16xi32>
      %swap3A_201 = vector.shape_cast %get3A_197 : vector<16xi32> to vector<16xi32>
      tpu.vector_store %arg5[%swap3A_198], %swap3A_201 {strides = array<i32>} : memref<80xi32, #tpu.memory_space<vmem>>, vector<16xi32>,
      %get3A_202 = arith.constant 288 : index
      %get3A_203 = tpu.vector_load %arg4[%get3A_202] {strides = array<i32>} : memref<640xi32, #tpu.memory_space<vmem>>, vector<16xi32>,
      %get3A_204 = vector.shape_cast %get3A_203 : vector<16xi32> to vector<16xi32>
      %swap3A_205 = arith.constant 48 : index
      %swap3A_206 = tpu.vector_load %arg5[%swap3A_205] {strides = array<i32>} : memref<80xi32, #tpu.memory_space<vmem>>, vector<16xi32>,
      %swap3A_207 = vector.shape_cast %swap3A_206 : vector<16xi32> to vector<16xi32>
      %swap3A_208 = vector.shape_cast %get3A_204 : vector<16xi32> to vector<16xi32>
      tpu.vector_store %arg5[%swap3A_205], %swap3A_208 {strides = array<i32>} : memref<80xi32, #tpu.memory_space<vmem>>, vector<16xi32>,
      %get3A_209 = arith.constant 304 : index
      %get3A_210 = tpu.vector_load %arg4[%get3A_209] {strides = array<i32>} : memref<640xi32, #tpu.memory_space<vmem>>, vector<16xi32>,
      %get3A_211 = vector.shape_cast %get3A_210 : vector<16xi32> to vector<16xi32>
      %swap3A_212 = arith.constant 64 : index
      %swap3A_213 = tpu.vector_load %arg5[%swap3A_212] {strides = array<i32>} : memref<80xi32, #tpu.memory_space<vmem>>, vector<16xi32>,
      %swap3A_214 = vector.shape_cast %swap3A_213 : vector<16xi32> to vector<16xi32>
      %swap3A_215 = vector.shape_cast %get3A_211 : vector<16xi32> to vector<16xi32>
      tpu.vector_store %arg5[%swap3A_212], %swap3A_215 {strides = array<i32>} : memref<80xi32, #tpu.memory_space<vmem>>, vector<16xi32>,
      "tpu.region"() ({
        %run_scoped3A = tpu.sem_alloc : memref<!tpu.dma_semaphore, #tpu.memory_space<semaphore_mem>>
        %dma_start3A = arith.constant 0 : i32
        %dma_start3A_357 = tpu.memref_slice %arg8[%dma_start3A] : memref<10000xf32, #tpu.memory_space<vmem_shared>> -> memref<10000xf32, #tpu.memory_space<vmem_shared>>
        tpu.enqueue_indirect_dma source(%arg6 : memref<80xf32, #tpu.memory_space<vmem>>) target(%dma_start3A_357 : memref<10000xf32, #tpu.memory_space<vmem_shared>>) offsets(%arg5 : memref<80xi32, #tpu.memory_space<vmem>>) semaphore(%run_scoped3A : memref<!tpu.dma_semaphore, #tpu.memory_space<semaphore_mem>>) {add = true}
        %dma_wait3A = arith.constant 0 : i32
        %dma_wait3A_358 = tpu.memref_slice %arg8[%dma_wait3A] : memref<10000xf32, #tpu.memory_space<vmem_shared>> -> memref<10000xf32, #tpu.memory_space<vmem_shared>>
        tpu.wait_indirect_dma semaphore(%run_scoped3A : memref<!tpu.dma_semaphore, #tpu.memory_space<semaphore_mem>>) src(%arg6 : memref<80xf32, #tpu.memory_space<vmem>>) dst(%dma_wait3A_358 : memref<10000xf32, #tpu.memory_space<vmem_shared>>)
        tpu.yield
      }) : () -> ()
      %get3A_216 = arith.constant 320 : index
      %get3A_217 = tpu.vector_load %arg4[%get3A_216] {strides = array<i32>} : memref<640xi32, #tpu.memory_space<vmem>>, vector<16xi32>,
      %get3A_218 = vector.shape_cast %get3A_217 : vector<16xi32> to vector<16xi32>
      %swap3A_219 = arith.constant 0 : index
      %swap3A_220 = tpu.vector_load %arg5[%swap3A_219] {strides = array<i32>} : memref<80xi32, #tpu.memory_space<vmem>>, vector<16xi32>,
      %swap3A_221 = vector.shape_cast %swap3A_220 : vector<16xi32> to vector<16xi32>
      %swap3A_222 = vector.shape_cast %get3A_218 : vector<16xi32> to vector<16xi32>
      tpu.vector_store %arg5[%swap3A_219], %swap3A_222 {strides = array<i32>} : memref<80xi32, #tpu.memory_space<vmem>>, vector<16xi32>,
      %get3A_223 = arith.constant 336 : index
      %get3A_224 = tpu.vector_load %arg4[%get3A_223] {strides = array<i32>} : memref<640xi32, #tpu.memory_space<vmem>>, vector<16xi32>,
      %get3A_225 = vector.shape_cast %get3A_224 : vector<16xi32> to vector<16xi32>
      %swap3A_226 = arith.constant 16 : index
      %swap3A_227 = tpu.vector_load %arg5[%swap3A_226] {strides = array<i32>} : memref<80xi32, #tpu.memory_space<vmem>>, vector<16xi32>,
      %swap3A_228 = vector.shape_cast %swap3A_227 : vector<16xi32> to vector<16xi32>
      %swap3A_229 = vector.shape_cast %get3A_225 : vector<16xi32> to vector<16xi32>
      tpu.vector_store %arg5[%swap3A_226], %swap3A_229 {strides = array<i32>} : memref<80xi32, #tpu.memory_space<vmem>>, vector<16xi32>,
      %get3A_230 = arith.constant 352 : index
      %get3A_231 = tpu.vector_load %arg4[%get3A_230] {strides = array<i32>} : memref<640xi32, #tpu.memory_space<vmem>>, vector<16xi32>,
      %get3A_232 = vector.shape_cast %get3A_231 : vector<16xi32> to vector<16xi32>
      %swap3A_233 = arith.constant 32 : index
      %swap3A_234 = tpu.vector_load %arg5[%swap3A_233] {strides = array<i32>} : memref<80xi32, #tpu.memory_space<vmem>>, vector<16xi32>,
      %swap3A_235 = vector.shape_cast %swap3A_234 : vector<16xi32> to vector<16xi32>
      %swap3A_236 = vector.shape_cast %get3A_232 : vector<16xi32> to vector<16xi32>
      tpu.vector_store %arg5[%swap3A_233], %swap3A_236 {strides = array<i32>} : memref<80xi32, #tpu.memory_space<vmem>>, vector<16xi32>,
      %get3A_237 = arith.constant 368 : index
      %get3A_238 = tpu.vector_load %arg4[%get3A_237] {strides = array<i32>} : memref<640xi32, #tpu.memory_space<vmem>>, vector<16xi32>,
      %get3A_239 = vector.shape_cast %get3A_238 : vector<16xi32> to vector<16xi32>
      %swap3A_240 = arith.constant 48 : index
      %swap3A_241 = tpu.vector_load %arg5[%swap3A_240] {strides = array<i32>} : memref<80xi32, #tpu.memory_space<vmem>>, vector<16xi32>,
      %swap3A_242 = vector.shape_cast %swap3A_241 : vector<16xi32> to vector<16xi32>
      %swap3A_243 = vector.shape_cast %get3A_239 : vector<16xi32> to vector<16xi32>
      tpu.vector_store %arg5[%swap3A_240], %swap3A_243 {strides = array<i32>} : memref<80xi32, #tpu.memory_space<vmem>>, vector<16xi32>,
      %get3A_244 = arith.constant 384 : index
      %get3A_245 = tpu.vector_load %arg4[%get3A_244] {strides = array<i32>} : memref<640xi32, #tpu.memory_space<vmem>>, vector<16xi32>,
      %get3A_246 = vector.shape_cast %get3A_245 : vector<16xi32> to vector<16xi32>
      %swap3A_247 = arith.constant 64 : index
      %swap3A_248 = tpu.vector_load %arg5[%swap3A_247] {strides = array<i32>} : memref<80xi32, #tpu.memory_space<vmem>>, vector<16xi32>,
      %swap3A_249 = vector.shape_cast %swap3A_248 : vector<16xi32> to vector<16xi32>
      %swap3A_250 = vector.shape_cast %get3A_246 : vector<16xi32> to vector<16xi32>
      tpu.vector_store %arg5[%swap3A_247], %swap3A_250 {strides = array<i32>} : memref<80xi32, #tpu.memory_space<vmem>>, vector<16xi32>,
      "tpu.region"() ({
        %run_scoped3A = tpu.sem_alloc : memref<!tpu.dma_semaphore, #tpu.memory_space<semaphore_mem>>
        %dma_start3A = arith.constant 0 : i32
        %dma_start3A_357 = tpu.memref_slice %arg8[%dma_start3A] : memref<10000xf32, #tpu.memory_space<vmem_shared>> -> memref<10000xf32, #tpu.memory_space<vmem_shared>>
        tpu.enqueue_indirect_dma source(%arg6 : memref<80xf32, #tpu.memory_space<vmem>>) target(%dma_start3A_357 : memref<10000xf32, #tpu.memory_space<vmem_shared>>) offsets(%arg5 : memref<80xi32, #tpu.memory_space<vmem>>) semaphore(%run_scoped3A : memref<!tpu.dma_semaphore, #tpu.memory_space<semaphore_mem>>) {add = true}
        %dma_wait3A = arith.constant 0 : i32
        %dma_wait3A_358 = tpu.memref_slice %arg8[%dma_wait3A] : memref<10000xf32, #tpu.memory_space<vmem_shared>> -> memref<10000xf32, #tpu.memory_space<vmem_shared>>
        tpu.wait_indirect_dma semaphore(%run_scoped3A : memref<!tpu.dma_semaphore, #tpu.memory_space<semaphore_mem>>) src(%arg6 : memref<80xf32, #tpu.memory_space<vmem>>) dst(%dma_wait3A_358 : memref<10000xf32, #tpu.memory_space<vmem_shared>>)
        tpu.yield
      }) : () -> ()
      %get3A_251 = arith.constant 400 : index
      %get3A_252 = tpu.vector_load %arg4[%get3A_251] {strides = array<i32>} : memref<640xi32, #tpu.memory_space<vmem>>, vector<16xi32>,
      %get3A_253 = vector.shape_cast %get3A_252 : vector<16xi32> to vector<16xi32>
      %swap3A_254 = arith.constant 0 : index
      %swap3A_255 = tpu.vector_load %arg5[%swap3A_254] {strides = array<i32>} : memref<80xi32, #tpu.memory_space<vmem>>, vector<16xi32>,
      %swap3A_256 = vector.shape_cast %swap3A_255 : vector<16xi32> to vector<16xi32>
      %swap3A_257 = vector.shape_cast %get3A_253 : vector<16xi32> to vector<16xi32>
      tpu.vector_store %arg5[%swap3A_254], %swap3A_257 {strides = array<i32>} : memref<80xi32, #tpu.memory_space<vmem>>, vector<16xi32>,
      %get3A_258 = arith.constant 416 : index
      %get3A_259 = tpu.vector_load %arg4[%get3A_258] {strides = array<i32>} : memref<640xi32, #tpu.memory_space<vmem>>, vector<16xi32>,
      %get3A_260 = vector.shape_cast %get3A_259 : vector<16xi32> to vector<16xi32>
      %swap3A_261 = arith.constant 16 : index
      %swap3A_262 = tpu.vector_load %arg5[%swap3A_261] {strides = array<i32>} : memref<80xi32, #tpu.memory_space<vmem>>, vector<16xi32>,
      %swap3A_263 = vector.shape_cast %swap3A_262 : vector<16xi32> to vector<16xi32>
      %swap3A_264 = vector.shape_cast %get3A_260 : vector<16xi32> to vector<16xi32>
      tpu.vector_store %arg5[%swap3A_261], %swap3A_264 {strides = array<i32>} : memref<80xi32, #tpu.memory_space<vmem>>, vector<16xi32>,
      %get3A_265 = arith.constant 432 : index
      %get3A_266 = tpu.vector_load %arg4[%get3A_265] {strides = array<i32>} : memref<640xi32, #tpu.memory_space<vmem>>, vector<16xi32>,
      %get3A_267 = vector.shape_cast %get3A_266 : vector<16xi32> to vector<16xi32>
      %swap3A_268 = arith.constant 32 : index
      %swap3A_269 = tpu.vector_load %arg5[%swap3A_268] {strides = array<i32>} : memref<80xi32, #tpu.memory_space<vmem>>, vector<16xi32>,
      %swap3A_270 = vector.shape_cast %swap3A_269 : vector<16xi32> to vector<16xi32>
      %swap3A_271 = vector.shape_cast %get3A_267 : vector<16xi32> to vector<16xi32>
      tpu.vector_store %arg5[%swap3A_268], %swap3A_271 {strides = array<i32>} : memref<80xi32, #tpu.memory_space<vmem>>, vector<16xi32>,
      %get3A_272 = arith.constant 448 : index
      %get3A_273 = tpu.vector_load %arg4[%get3A_272] {strides = array<i32>} : memref<640xi32, #tpu.memory_space<vmem>>, vector<16xi32>,
      %get3A_274 = vector.shape_cast %get3A_273 : vector<16xi32> to vector<16xi32>
      %swap3A_275 = arith.constant 48 : index
      %swap3A_276 = tpu.vector_load %arg5[%swap3A_275] {strides = array<i32>} : memref<80xi32, #tpu.memory_space<vmem>>, vector<16xi32>,
      %swap3A_277 = vector.shape_cast %swap3A_276 : vector<16xi32> to vector<16xi32>
      %swap3A_278 = vector.shape_cast %get3A_274 : vector<16xi32> to vector<16xi32>
      tpu.vector_store %arg5[%swap3A_275], %swap3A_278 {strides = array<i32>} : memref<80xi32, #tpu.memory_space<vmem>>, vector<16xi32>,
      %get3A_279 = arith.constant 464 : index
      %get3A_280 = tpu.vector_load %arg4[%get3A_279] {strides = array<i32>} : memref<640xi32, #tpu.memory_space<vmem>>, vector<16xi32>,
      %get3A_281 = vector.shape_cast %get3A_280 : vector<16xi32> to vector<16xi32>
      %swap3A_282 = arith.constant 64 : index
      %swap3A_283 = tpu.vector_load %arg5[%swap3A_282] {strides = array<i32>} : memref<80xi32, #tpu.memory_space<vmem>>, vector<16xi32>,
      %swap3A_284 = vector.shape_cast %swap3A_283 : vector<16xi32> to vector<16xi32>
      %swap3A_285 = vector.shape_cast %get3A_281 : vector<16xi32> to vector<16xi32>
      tpu.vector_store %arg5[%swap3A_282], %swap3A_285 {strides = array<i32>} : memref<80xi32, #tpu.memory_space<vmem>>, vector<16xi32>,
      "tpu.region"() ({
        %run_scoped3A = tpu.sem_alloc : memref<!tpu.dma_semaphore, #tpu.memory_space<semaphore_mem>>
        %dma_start3A = arith.constant 0 : i32
        %dma_start3A_357 = tpu.memref_slice %arg8[%dma_start3A] : memref<10000xf32, #tpu.memory_space<vmem_shared>> -> memref<10000xf32, #tpu.memory_space<vmem_shared>>
        tpu.enqueue_indirect_dma source(%arg6 : memref<80xf32, #tpu.memory_space<vmem>>) target(%dma_start3A_357 : memref<10000xf32, #tpu.memory_space<vmem_shared>>) offsets(%arg5 : memref<80xi32, #tpu.memory_space<vmem>>) semaphore(%run_scoped3A : memref<!tpu.dma_semaphore, #tpu.memory_space<semaphore_mem>>) {add = true}
        %dma_wait3A = arith.constant 0 : i32
        %dma_wait3A_358 = tpu.memref_slice %arg8[%dma_wait3A] : memref<10000xf32, #tpu.memory_space<vmem_shared>> -> memref<10000xf32, #tpu.memory_space<vmem_shared>>
        tpu.wait_indirect_dma semaphore(%run_scoped3A : memref<!tpu.dma_semaphore, #tpu.memory_space<semaphore_mem>>) src(%arg6 : memref<80xf32, #tpu.memory_space<vmem>>) dst(%dma_wait3A_358 : memref<10000xf32, #tpu.memory_space<vmem_shared>>)
        tpu.yield
      }) : () -> ()
      %get3A_286 = arith.constant 480 : index
      %get3A_287 = tpu.vector_load %arg4[%get3A_286] {strides = array<i32>} : memref<640xi32, #tpu.memory_space<vmem>>, vector<16xi32>,
      %get3A_288 = vector.shape_cast %get3A_287 : vector<16xi32> to vector<16xi32>
      %swap3A_289 = arith.constant 0 : index
      %swap3A_290 = tpu.vector_load %arg5[%swap3A_289] {strides = array<i32>} : memref<80xi32, #tpu.memory_space<vmem>>, vector<16xi32>,
      %swap3A_291 = vector.shape_cast %swap3A_290 : vector<16xi32> to vector<16xi32>
      %swap3A_292 = vector.shape_cast %get3A_288 : vector<16xi32> to vector<16xi32>
      tpu.vector_store %arg5[%swap3A_289], %swap3A_292 {strides = array<i32>} : memref<80xi32, #tpu.memory_space<vmem>>, vector<16xi32>,
      %get3A_293 = arith.constant 496 : index
      %get3A_294 = tpu.vector_load %arg4[%get3A_293] {strides = array<i32>} : memref<640xi32, #tpu.memory_space<vmem>>, vector<16xi32>,
      %get3A_295 = vector.shape_cast %get3A_294 : vector<16xi32> to vector<16xi32>
      %swap3A_296 = arith.constant 16 : index
      %swap3A_297 = tpu.vector_load %arg5[%swap3A_296] {strides = array<i32>} : memref<80xi32, #tpu.memory_space<vmem>>, vector<16xi32>,
      %swap3A_298 = vector.shape_cast %swap3A_297 : vector<16xi32> to vector<16xi32>
      %swap3A_299 = vector.shape_cast %get3A_295 : vector<16xi32> to vector<16xi32>
      tpu.vector_store %arg5[%swap3A_296], %swap3A_299 {strides = array<i32>} : memref<80xi32, #tpu.memory_space<vmem>>, vector<16xi32>,
      %get3A_300 = arith.constant 512 : index
      %get3A_301 = tpu.vector_load %arg4[%get3A_300] {strides = array<i32>} : memref<640xi32, #tpu.memory_space<vmem>>, vector<16xi32>,
      %get3A_302 = vector.shape_cast %get3A_301 : vector<16xi32> to vector<16xi32>
      %swap3A_303 = arith.constant 32 : index
      %swap3A_304 = tpu.vector_load %arg5[%swap3A_303] {strides = array<i32>} : memref<80xi32, #tpu.memory_space<vmem>>, vector<16xi32>,
      %swap3A_305 = vector.shape_cast %swap3A_304 : vector<16xi32> to vector<16xi32>
      %swap3A_306 = vector.shape_cast %get3A_302 : vector<16xi32> to vector<16xi32>
      tpu.vector_store %arg5[%swap3A_303], %swap3A_306 {strides = array<i32>} : memref<80xi32, #tpu.memory_space<vmem>>, vector<16xi32>,
      %get3A_307 = arith.constant 528 : index
      %get3A_308 = tpu.vector_load %arg4[%get3A_307] {strides = array<i32>} : memref<640xi32, #tpu.memory_space<vmem>>, vector<16xi32>,
      %get3A_309 = vector.shape_cast %get3A_308 : vector<16xi32> to vector<16xi32>
      %swap3A_310 = arith.constant 48 : index
      %swap3A_311 = tpu.vector_load %arg5[%swap3A_310] {strides = array<i32>} : memref<80xi32, #tpu.memory_space<vmem>>, vector<16xi32>,
      %swap3A_312 = vector.shape_cast %swap3A_311 : vector<16xi32> to vector<16xi32>
      %swap3A_313 = vector.shape_cast %get3A_309 : vector<16xi32> to vector<16xi32>
      tpu.vector_store %arg5[%swap3A_310], %swap3A_313 {strides = array<i32>} : memref<80xi32, #tpu.memory_space<vmem>>, vector<16xi32>,
      %get3A_314 = arith.constant 544 : index
      %get3A_315 = tpu.vector_load %arg4[%get3A_314] {strides = array<i32>} : memref<640xi32, #tpu.memory_space<vmem>>, vector<16xi32>,
      %get3A_316 = vector.shape_cast %get3A_315 : vector<16xi32> to vector<16xi32>
      %swap3A_317 = arith.constant 64 : index
      %swap3A_318 = tpu.vector_load %arg5[%swap3A_317] {strides = array<i32>} : memref<80xi32, #tpu.memory_space<vmem>>, vector<16xi32>,
      %swap3A_319 = vector.shape_cast %swap3A_318 : vector<16xi32> to vector<16xi32>
      %swap3A_320 = vector.shape_cast %get3A_316 : vector<16xi32> to vector<16xi32>
      tpu.vector_store %arg5[%swap3A_317], %swap3A_320 {strides = array<i32>} : memref<80xi32, #tpu.memory_space<vmem>>, vector<16xi32>,
      "tpu.region"() ({
        %run_scoped3A = tpu.sem_alloc : memref<!tpu.dma_semaphore, #tpu.memory_space<semaphore_mem>>
        %dma_start3A = arith.constant 0 : i32
        %dma_start3A_357 = tpu.memref_slice %arg8[%dma_start3A] : memref<10000xf32, #tpu.memory_space<vmem_shared>> -> memref<10000xf32, #tpu.memory_space<vmem_shared>>
        tpu.enqueue_indirect_dma source(%arg6 : memref<80xf32, #tpu.memory_space<vmem>>) target(%dma_start3A_357 : memref<10000xf32, #tpu.memory_space<vmem_shared>>) offsets(%arg5 : memref<80xi32, #tpu.memory_space<vmem>>) semaphore(%run_scoped3A : memref<!tpu.dma_semaphore, #tpu.memory_space<semaphore_mem>>) {add = true}
        %dma_wait3A = arith.constant 0 : i32
        %dma_wait3A_358 = tpu.memref_slice %arg8[%dma_wait3A] : memref<10000xf32, #tpu.memory_space<vmem_shared>> -> memref<10000xf32, #tpu.memory_space<vmem_shared>>
        tpu.wait_indirect_dma semaphore(%run_scoped3A : memref<!tpu.dma_semaphore, #tpu.memory_space<semaphore_mem>>) src(%arg6 : memref<80xf32, #tpu.memory_space<vmem>>) dst(%dma_wait3A_358 : memref<10000xf32, #tpu.memory_space<vmem_shared>>)
        tpu.yield
      }) : () -> ()
      %get3A_321 = arith.constant 560 : index
      %get3A_322 = tpu.vector_load %arg4[%get3A_321] {strides = array<i32>} : memref<640xi32, #tpu.memory_space<vmem>>, vector<16xi32>,
      %get3A_323 = vector.shape_cast %get3A_322 : vector<16xi32> to vector<16xi32>
      %swap3A_324 = arith.constant 0 : index
      %swap3A_325 = tpu.vector_load %arg5[%swap3A_324] {strides = array<i32>} : memref<80xi32, #tpu.memory_space<vmem>>, vector<16xi32>,
      %swap3A_326 = vector.shape_cast %swap3A_325 : vector<16xi32> to vector<16xi32>
      %swap3A_327 = vector.shape_cast %get3A_323 : vector<16xi32> to vector<16xi32>
      tpu.vector_store %arg5[%swap3A_324], %swap3A_327 {strides = array<i32>} : memref<80xi32, #tpu.memory_space<vmem>>, vector<16xi32>,
      %get3A_328 = arith.constant 576 : index
      %get3A_329 = tpu.vector_load %arg4[%get3A_328] {strides = array<i32>} : memref<640xi32, #tpu.memory_space<vmem>>, vector<16xi32>,
      %get3A_330 = vector.shape_cast %get3A_329 : vector<16xi32> to vector<16xi32>
      %swap3A_331 = arith.constant 16 : index
      %swap3A_332 = tpu.vector_load %arg5[%swap3A_331] {strides = array<i32>} : memref<80xi32, #tpu.memory_space<vmem>>, vector<16xi32>,
      %swap3A_333 = vector.shape_cast %swap3A_332 : vector<16xi32> to vector<16xi32>
      %swap3A_334 = vector.shape_cast %get3A_330 : vector<16xi32> to vector<16xi32>
      tpu.vector_store %arg5[%swap3A_331], %swap3A_334 {strides = array<i32>} : memref<80xi32, #tpu.memory_space<vmem>>, vector<16xi32>,
      %get3A_335 = arith.constant 592 : index
      %get3A_336 = tpu.vector_load %arg4[%get3A_335] {strides = array<i32>} : memref<640xi32, #tpu.memory_space<vmem>>, vector<16xi32>,
      %get3A_337 = vector.shape_cast %get3A_336 : vector<16xi32> to vector<16xi32>
      %swap3A_338 = arith.constant 32 : index
      %swap3A_339 = tpu.vector_load %arg5[%swap3A_338] {strides = array<i32>} : memref<80xi32, #tpu.memory_space<vmem>>, vector<16xi32>,
      %swap3A_340 = vector.shape_cast %swap3A_339 : vector<16xi32> to vector<16xi32>
      %swap3A_341 = vector.shape_cast %get3A_337 : vector<16xi32> to vector<16xi32>
      tpu.vector_store %arg5[%swap3A_338], %swap3A_341 {strides = array<i32>} : memref<80xi32, #tpu.memory_space<vmem>>, vector<16xi32>,
      %get3A_342 = arith.constant 608 : index
      %get3A_343 = tpu.vector_load %arg4[%get3A_342] {strides = array<i32>} : memref<640xi32, #tpu.memory_space<vmem>>, vector<16xi32>,
      %get3A_344 = vector.shape_cast %get3A_343 : vector<16xi32> to vector<16xi32>
      %swap3A_345 = arith.constant 48 : index
      %swap3A_346 = tpu.vector_load %arg5[%swap3A_345] {strides = array<i32>} : memref<80xi32, #tpu.memory_space<vmem>>, vector<16xi32>,
      %swap3A_347 = vector.shape_cast %swap3A_346 : vector<16xi32> to vector<16xi32>
      %swap3A_348 = vector.shape_cast %get3A_344 : vector<16xi32> to vector<16xi32>
      tpu.vector_store %arg5[%swap3A_345], %swap3A_348 {strides = array<i32>} : memref<80xi32, #tpu.memory_space<vmem>>, vector<16xi32>,
      %get3A_349 = arith.constant 624 : index
      %get3A_350 = tpu.vector_load %arg4[%get3A_349] {strides = array<i32>} : memref<640xi32, #tpu.memory_space<vmem>>, vector<16xi32>,
      %get3A_351 = vector.shape_cast %get3A_350 : vector<16xi32> to vector<16xi32>
      %swap3A_352 = arith.constant 64 : index
      %swap3A_353 = tpu.vector_load %arg5[%swap3A_352] {strides = array<i32>} : memref<80xi32, #tpu.memory_space<vmem>>, vector<16xi32>,
      %swap3A_354 = vector.shape_cast %swap3A_353 : vector<16xi32> to vector<16xi32>
      %swap3A_355 = vector.shape_cast %get3A_351 : vector<16xi32> to vector<16xi32>
      tpu.vector_store %arg5[%swap3A_352], %swap3A_355 {strides = array<i32>} : memref<80xi32, #tpu.memory_space<vmem>>, vector<16xi32>,
      "tpu.region"() ({
        %run_scoped3A = tpu.sem_alloc : memref<!tpu.dma_semaphore, #tpu.memory_space<semaphore_mem>>
        %dma_start3A = arith.constant 0 : i32
        %dma_start3A_357 = tpu.memref_slice %arg8[%dma_start3A] : memref<10000xf32, #tpu.memory_space<vmem_shared>> -> memref<10000xf32, #tpu.memory_space<vmem_shared>>
        tpu.enqueue_indirect_dma source(%arg6 : memref<80xf32, #tpu.memory_space<vmem>>) target(%dma_start3A_357 : memref<10000xf32, #tpu.memory_space<vmem_shared>>) offsets(%arg5 : memref<80xi32, #tpu.memory_space<vmem>>) semaphore(%run_scoped3A : memref<!tpu.dma_semaphore, #tpu.memory_space<semaphore_mem>>) {add = true}
        %dma_wait3A = arith.constant 0 : i32
        %dma_wait3A_358 = tpu.memref_slice %arg8[%dma_wait3A] : memref<10000xf32, #tpu.memory_space<vmem_shared>> -> memref<10000xf32, #tpu.memory_space<vmem_shared>>
        tpu.wait_indirect_dma semaphore(%run_scoped3A : memref<!tpu.dma_semaphore, #tpu.memory_space<semaphore_mem>>) src(%arg6 : memref<80xf32, #tpu.memory_space<vmem>>) dst(%dma_wait3A_358 : memref<10000xf32, #tpu.memory_space<vmem_shared>>)
        tpu.yield
      }) : () -> ()
      %while3A_356 = arith.constant 0 : i32
      scf.yield %while3A_356 : i32
    }
    %while3A_62 = arith.constant 1 : i32
    %while3A_63 = scf.for %while3A_70 = %while3A_59 to %while3A_55 step %while3A_62 iter_args(%while3A_71 = %while3A_61) -> (i32)  : i32 {
      %mul3A_72 = arith.constant 32 : i32
      %mul3A_73 = arith.muli %mul3A_72, %while3A_70 : i32
      %add3A_74 = arith.addi %add3A, %mul3A_73 : i32
      %mul3A_75 = arith.constant 640 : i32
      %mul3A_76 = arith.muli %add3A_74, %mul3A_75 : i32
      "tpu.region"() ({
        %run_scoped3A = tpu.sem_alloc : memref<!tpu.dma_semaphore, #tpu.memory_space<semaphore_mem>>
        %dma_start3A = tpu.memref_slice %arg2[%mul3A_76] : memref<320000xi32, #tpu.memory_space<hbm>> -> memref<640xi32, #tpu.memory_space<hbm>>
        %dma_start3A_357 = tpu.memref_slice %arg2[%mul3A_76] : memref<320000xi32, #tpu.memory_space<hbm>> -> memref<640xi32, #tpu.memory_space<hbm>>
        tpu.enqueue_dma source(%dma_start3A_357 : memref<640xi32, #tpu.memory_space<hbm>>) target(%arg4 : memref<640xi32, #tpu.memory_space<vmem>>) target_semaphore(%run_scoped3A : memref<!tpu.dma_semaphore, #tpu.memory_space<semaphore_mem>>)
        %dma_wait3A = tpu.memref_slice %arg2[%mul3A_76] : memref<320000xi32, #tpu.memory_space<hbm>> -> memref<640xi32, #tpu.memory_space<hbm>>
        %dma_wait3A_358 = tpu.memref_slice %arg2[%mul3A_76] : memref<320000xi32, #tpu.memory_space<hbm>> -> memref<640xi32, #tpu.memory_space<hbm>>
        tpu.wait_dma2 semaphore(%run_scoped3A : memref<!tpu.dma_semaphore, #tpu.memory_space<semaphore_mem>>) src(%dma_wait3A_358 : memref<640xi32, #tpu.memory_space<hbm>>) dst(%arg4 : memref<640xi32, #tpu.memory_space<vmem>>)
        tpu.yield
      }) : () -> ()
      %get3A = arith.constant 0 : index
      %get3A_77 = tpu.vector_load %arg4[%get3A] {strides = array<i32>} : memref<640xi32, #tpu.memory_space<vmem>>, vector<16xi32>,
      %get3A_78 = vector.shape_cast %get3A_77 : vector<16xi32> to vector<16xi32>
      %swap3A_79 = arith.constant 0 : index
      %swap3A_80 = tpu.vector_load %arg5[%swap3A_79] {strides = array<i32>} : memref<80xi32, #tpu.memory_space<vmem>>, vector<16xi32>,
      %swap3A_81 = vector.shape_cast %swap3A_80 : vector<16xi32> to vector<16xi32>
      %swap3A_82 = vector.shape_cast %get3A_78 : vector<16xi32> to vector<16xi32>
      tpu.vector_store %arg5[%swap3A_79], %swap3A_82 {strides = array<i32>} : memref<80xi32, #tpu.memory_space<vmem>>, vector<16xi32>,
      %get3A_83 = arith.constant 16 : index
      %get3A_84 = tpu.vector_load %arg4[%get3A_83] {strides = array<i32>} : memref<640xi32, #tpu.memory_space<vmem>>, vector<16xi32>,
      %get3A_85 = vector.shape_cast %get3A_84 : vector<16xi32> to vector<16xi32>
      %swap3A_86 = arith.constant 16 : index
      %swap3A_87 = tpu.vector_load %arg5[%swap3A_86] {strides = array<i32>} : memref<80xi32, #tpu.memory_space<vmem>>, vector<16xi32>,
      %swap3A_88 = vector.shape_cast %swap3A_87 : vector<16xi32> to vector<16xi32>
      %swap3A_89 = vector.shape_cast %get3A_85 : vector<16xi32> to vector<16xi32>
      tpu.vector_store %arg5[%swap3A_86], %swap3A_89 {strides = array<i32>} : memref<80xi32, #tpu.memory_space<vmem>>, vector<16xi32>,
      %get3A_90 = arith.constant 32 : index
      %get3A_91 = tpu.vector_load %arg4[%get3A_90] {strides = array<i32>} : memref<640xi32, #tpu.memory_space<vmem>>, vector<16xi32>,
      %get3A_92 = vector.shape_cast %get3A_91 : vector<16xi32> to vector<16xi32>
      %swap3A_93 = arith.constant 32 : index
      %swap3A_94 = tpu.vector_load %arg5[%swap3A_93] {strides = array<i32>} : memref<80xi32, #tpu.memory_space<vmem>>, vector<16xi32>,
      %swap3A_95 = vector.shape_cast %swap3A_94 : vector<16xi32> to vector<16xi32>
      %swap3A_96 = vector.shape_cast %get3A_92 : vector<16xi32> to vector<16xi32>
      tpu.vector_store %arg5[%swap3A_93], %swap3A_96 {strides = array<i32>} : memref<80xi32, #tpu.memory_space<vmem>>, vector<16xi32>,
      %get3A_97 = arith.constant 48 : index
      %get3A_98 = tpu.vector_load %arg4[%get3A_97] {strides = array<i32>} : memref<640xi32, #tpu.memory_space<vmem>>, vector<16xi32>,
      %get3A_99 = vector.shape_cast %get3A_98 : vector<16xi32> to vector<16xi32>
      %swap3A_100 = arith.constant 48 : index
      %swap3A_101 = tpu.vector_load %arg5[%swap3A_100] {strides = array<i32>} : memref<80xi32, #tpu.memory_space<vmem>>, vector<16xi32>,
      %swap3A_102 = vector.shape_cast %swap3A_101 : vector<16xi32> to vector<16xi32>
      %swap3A_103 = vector.shape_cast %get3A_99 : vector<16xi32> to vector<16xi32>
      tpu.vector_store %arg5[%swap3A_100], %swap3A_103 {strides = array<i32>} : memref<80xi32, #tpu.memory_space<vmem>>, vector<16xi32>,
      %get3A_104 = arith.constant 64 : index
      %get3A_105 = tpu.vector_load %arg4[%get3A_104] {strides = array<i32>} : memref<640xi32, #tpu.memory_space<vmem>>, vector<16xi32>,
      %get3A_106 = vector.shape_cast %get3A_105 : vector<16xi32> to vector<16xi32>
      %swap3A_107 = arith.constant 64 : index
      %swap3A_108 = tpu.vector_load %arg5[%swap3A_107] {strides = array<i32>} : memref<80xi32, #tpu.memory_space<vmem>>, vector<16xi32>,
      %swap3A_109 = vector.shape_cast %swap3A_108 : vector<16xi32> to vector<16xi32>
      %swap3A_110 = vector.shape_cast %get3A_106 : vector<16xi32> to vector<16xi32>
      tpu.vector_store %arg5[%swap3A_107], %swap3A_110 {strides = array<i32>} : memref<80xi32, #tpu.memory_space<vmem>>, vector<16xi32>,
      "tpu.region"() ({
        %run_scoped3A = tpu.sem_alloc : memref<!tpu.dma_semaphore, #tpu.memory_space<semaphore_mem>>
        %dma_start3A = arith.constant 0 : i32
        %dma_start3A_357 = tpu.memref_slice %arg8[%dma_start3A] : memref<10000xf32, #tpu.memory_space<vmem_shared>> -> memref<10000xf32, #tpu.memory_space<vmem_shared>>
        tpu.enqueue_indirect_dma source(%arg6 : memref<80xf32, #tpu.memory_space<vmem>>) target(%dma_start3A_357 : memref<10000xf32, #tpu.memory_space<vmem_shared>>) offsets(%arg5 : memref<80xi32, #tpu.memory_space<vmem>>) semaphore(%run_scoped3A : memref<!tpu.dma_semaphore, #tpu.memory_space<semaphore_mem>>) {add = true}
        %dma_wait3A = arith.constant 0 : i32
        %dma_wait3A_358 = tpu.memref_slice %arg8[%dma_wait3A] : memref<10000xf32, #tpu.memory_space<vmem_shared>> -> memref<10000xf32, #tpu.memory_space<vmem_shared>>
        tpu.wait_indirect_dma semaphore(%run_scoped3A : memref<!tpu.dma_semaphore, #tpu.memory_space<semaphore_mem>>) src(%arg6 : memref<80xf32, #tpu.memory_space<vmem>>) dst(%dma_wait3A_358 : memref<10000xf32, #tpu.memory_space<vmem_shared>>)
        tpu.yield
      }) : () -> ()
      %get3A_111 = arith.constant 80 : index
      %get3A_112 = tpu.vector_load %arg4[%get3A_111] {strides = array<i32>} : memref<640xi32, #tpu.memory_space<vmem>>, vector<16xi32>,
      %get3A_113 = vector.shape_cast %get3A_112 : vector<16xi32> to vector<16xi32>
      %swap3A_114 = arith.constant 0 : index
      %swap3A_115 = tpu.vector_load %arg5[%swap3A_114] {strides = array<i32>} : memref<80xi32, #tpu.memory_space<vmem>>, vector<16xi32>,
      %swap3A_116 = vector.shape_cast %swap3A_115 : vector<16xi32> to vector<16xi32>
      %swap3A_117 = vector.shape_cast %get3A_113 : vector<16xi32> to vector<16xi32>
      tpu.vector_store %arg5[%swap3A_114], %swap3A_117 {strides = array<i32>} : memref<80xi32, #tpu.memory_space<vmem>>, vector<16xi32>,
      %get3A_118 = arith.constant 96 : index
      %get3A_119 = tpu.vector_load %arg4[%get3A_118] {strides = array<i32>} : memref<640xi32, #tpu.memory_space<vmem>>, vector<16xi32>,
      %get3A_120 = vector.shape_cast %get3A_119 : vector<16xi32> to vector<16xi32>
      %swap3A_121 = arith.constant 16 : index
      %swap3A_122 = tpu.vector_load %arg5[%swap3A_121] {strides = array<i32>} : memref<80xi32, #tpu.memory_space<vmem>>, vector<16xi32>,
      %swap3A_123 = vector.shape_cast %swap3A_122 : vector<16xi32> to vector<16xi32>
      %swap3A_124 = vector.shape_cast %get3A_120 : vector<16xi32> to vector<16xi32>
      tpu.vector_store %arg5[%swap3A_121], %swap3A_124 {strides = array<i32>} : memref<80xi32, #tpu.memory_space<vmem>>, vector<16xi32>,
      %get3A_125 = arith.constant 112 : index
      %get3A_126 = tpu.vector_load %arg4[%get3A_125] {strides = array<i32>} : memref<640xi32, #tpu.memory_space<vmem>>, vector<16xi32>,
      %get3A_127 = vector.shape_cast %get3A_126 : vector<16xi32> to vector<16xi32>
      %swap3A_128 = arith.constant 32 : index
      %swap3A_129 = tpu.vector_load %arg5[%swap3A_128] {strides = array<i32>} : memref<80xi32, #tpu.memory_space<vmem>>, vector<16xi32>,
      %swap3A_130 = vector.shape_cast %swap3A_129 : vector<16xi32> to vector<16xi32>
      %swap3A_131 = vector.shape_cast %get3A_127 : vector<16xi32> to vector<16xi32>
      tpu.vector_store %arg5[%swap3A_128], %swap3A_131 {strides = array<i32>} : memref<80xi32, #tpu.memory_space<vmem>>, vector<16xi32>,
      %get3A_132 = arith.constant 128 : index
      %get3A_133 = tpu.vector_load %arg4[%get3A_132] {strides = array<i32>} : memref<640xi32, #tpu.memory_space<vmem>>, vector<16xi32>,
      %get3A_134 = vector.shape_cast %get3A_133 : vector<16xi32> to vector<16xi32>
      %swap3A_135 = arith.constant 48 : index
      %swap3A_136 = tpu.vector_load %arg5[%swap3A_135] {strides = array<i32>} : memref<80xi32, #tpu.memory_space<vmem>>, vector<16xi32>,
      %swap3A_137 = vector.shape_cast %swap3A_136 : vector<16xi32> to vector<16xi32>
      %swap3A_138 = vector.shape_cast %get3A_134 : vector<16xi32> to vector<16xi32>
      tpu.vector_store %arg5[%swap3A_135], %swap3A_138 {strides = array<i32>} : memref<80xi32, #tpu.memory_space<vmem>>, vector<16xi32>,
      %get3A_139 = arith.constant 144 : index
      %get3A_140 = tpu.vector_load %arg4[%get3A_139] {strides = array<i32>} : memref<640xi32, #tpu.memory_space<vmem>>, vector<16xi32>,
      %get3A_141 = vector.shape_cast %get3A_140 : vector<16xi32> to vector<16xi32>
      %swap3A_142 = arith.constant 64 : index
      %swap3A_143 = tpu.vector_load %arg5[%swap3A_142] {strides = array<i32>} : memref<80xi32, #tpu.memory_space<vmem>>, vector<16xi32>,
      %swap3A_144 = vector.shape_cast %swap3A_143 : vector<16xi32> to vector<16xi32>
      %swap3A_145 = vector.shape_cast %get3A_141 : vector<16xi32> to vector<16xi32>
      tpu.vector_store %arg5[%swap3A_142], %swap3A_145 {strides = array<i32>} : memref<80xi32, #tpu.memory_space<vmem>>, vector<16xi32>,
      "tpu.region"() ({
        %run_scoped3A = tpu.sem_alloc : memref<!tpu.dma_semaphore, #tpu.memory_space<semaphore_mem>>
        %dma_start3A = arith.constant 0 : i32
        %dma_start3A_357 = tpu.memref_slice %arg8[%dma_start3A] : memref<10000xf32, #tpu.memory_space<vmem_shared>> -> memref<10000xf32, #tpu.memory_space<vmem_shared>>
        tpu.enqueue_indirect_dma source(%arg6 : memref<80xf32, #tpu.memory_space<vmem>>) target(%dma_start3A_357 : memref<10000xf32, #tpu.memory_space<vmem_shared>>) offsets(%arg5 : memref<80xi32, #tpu.memory_space<vmem>>) semaphore(%run_scoped3A : memref<!tpu.dma_semaphore, #tpu.memory_space<semaphore_mem>>) {add = true}
        %dma_wait3A = arith.constant 0 : i32
        %dma_wait3A_358 = tpu.memref_slice %arg8[%dma_wait3A] : memref<10000xf32, #tpu.memory_space<vmem_shared>> -> memref<10000xf32, #tpu.memory_space<vmem_shared>>
        tpu.wait_indirect_dma semaphore(%run_scoped3A : memref<!tpu.dma_semaphore, #tpu.memory_space<semaphore_mem>>) src(%arg6 : memref<80xf32, #tpu.memory_space<vmem>>) dst(%dma_wait3A_358 : memref<10000xf32, #tpu.memory_space<vmem_shared>>)
        tpu.yield
      }) : () -> ()
      %get3A_146 = arith.constant 160 : index
      %get3A_147 = tpu.vector_load %arg4[%get3A_146] {strides = array<i32>} : memref<640xi32, #tpu.memory_space<vmem>>, vector<16xi32>,
      %get3A_148 = vector.shape_cast %get3A_147 : vector<16xi32> to vector<16xi32>
      %swap3A_149 = arith.constant 0 : index
      %swap3A_150 = tpu.vector_load %arg5[%swap3A_149] {strides = array<i32>} : memref<80xi32, #tpu.memory_space<vmem>>, vector<16xi32>,
      %swap3A_151 = vector.shape_cast %swap3A_150 : vector<16xi32> to vector<16xi32>
      %swap3A_152 = vector.shape_cast %get3A_148 : vector<16xi32> to vector<16xi32>
      tpu.vector_store %arg5[%swap3A_149], %swap3A_152 {strides = array<i32>} : memref<80xi32, #tpu.memory_space<vmem>>, vector<16xi32>,
      %get3A_153 = arith.constant 176 : index
      %get3A_154 = tpu.vector_load %arg4[%get3A_153] {strides = array<i32>} : memref<640xi32, #tpu.memory_space<vmem>>, vector<16xi32>,
      %get3A_155 = vector.shape_cast %get3A_154 : vector<16xi32> to vector<16xi32>
      %swap3A_156 = arith.constant 16 : index
      %swap3A_157 = tpu.vector_load %arg5[%swap3A_156] {strides = array<i32>} : memref<80xi32, #tpu.memory_space<vmem>>, vector<16xi32>,
      %swap3A_158 = vector.shape_cast %swap3A_157 : vector<16xi32> to vector<16xi32>
      %swap3A_159 = vector.shape_cast %get3A_155 : vector<16xi32> to vector<16xi32>
      tpu.vector_store %arg5[%swap3A_156], %swap3A_159 {strides = array<i32>} : memref<80xi32, #tpu.memory_space<vmem>>, vector<16xi32>,
      %get3A_160 = arith.constant 192 : index
      %get3A_161 = tpu.vector_load %arg4[%get3A_160] {strides = array<i32>} : memref<640xi32, #tpu.memory_space<vmem>>, vector<16xi32>,
      %get3A_162 = vector.shape_cast %get3A_161 : vector<16xi32> to vector<16xi32>
      %swap3A_163 = arith.constant 32 : index
      %swap3A_164 = tpu.vector_load %arg5[%swap3A_163] {strides = array<i32>} : memref<80xi32, #tpu.memory_space<vmem>>, vector<16xi32>,
      %swap3A_165 = vector.shape_cast %swap3A_164 : vector<16xi32> to vector<16xi32>
      %swap3A_166 = vector.shape_cast %get3A_162 : vector<16xi32> to vector<16xi32>
      tpu.vector_store %arg5[%swap3A_163], %swap3A_166 {strides = array<i32>} : memref<80xi32, #tpu.memory_space<vmem>>, vector<16xi32>,
      %get3A_167 = arith.constant 208 : index
      %get3A_168 = tpu.vector_load %arg4[%get3A_167] {strides = array<i32>} : memref<640xi32, #tpu.memory_space<vmem>>, vector<16xi32>,
      %get3A_169 = vector.shape_cast %get3A_168 : vector<16xi32> to vector<16xi32>
      %swap3A_170 = arith.constant 48 : index
      %swap3A_171 = tpu.vector_load %arg5[%swap3A_170] {strides = array<i32>} : memref<80xi32, #tpu.memory_space<vmem>>, vector<16xi32>,
      %swap3A_172 = vector.shape_cast %swap3A_171 : vector<16xi32> to vector<16xi32>
      %swap3A_173 = vector.shape_cast %get3A_169 : vector<16xi32> to vector<16xi32>
      tpu.vector_store %arg5[%swap3A_170], %swap3A_173 {strides = array<i32>} : memref<80xi32, #tpu.memory_space<vmem>>, vector<16xi32>,
      %get3A_174 = arith.constant 224 : index
      %get3A_175 = tpu.vector_load %arg4[%get3A_174] {strides = array<i32>} : memref<640xi32, #tpu.memory_space<vmem>>, vector<16xi32>,
      %get3A_176 = vector.shape_cast %get3A_175 : vector<16xi32> to vector<16xi32>
      %swap3A_177 = arith.constant 64 : index
      %swap3A_178 = tpu.vector_load %arg5[%swap3A_177] {strides = array<i32>} : memref<80xi32, #tpu.memory_space<vmem>>, vector<16xi32>,
      %swap3A_179 = vector.shape_cast %swap3A_178 : vector<16xi32> to vector<16xi32>
      %swap3A_180 = vector.shape_cast %get3A_176 : vector<16xi32> to vector<16xi32>
      tpu.vector_store %arg5[%swap3A_177], %swap3A_180 {strides = array<i32>} : memref<80xi32, #tpu.memory_space<vmem>>, vector<16xi32>,
      "tpu.region"() ({
        %run_scoped3A = tpu.sem_alloc : memref<!tpu.dma_semaphore, #tpu.memory_space<semaphore_mem>>
        %dma_start3A = arith.constant 0 : i32
        %dma_start3A_357 = tpu.memref_slice %arg8[%dma_start3A] : memref<10000xf32, #tpu.memory_space<vmem_shared>> -> memref<10000xf32, #tpu.memory_space<vmem_shared>>
        tpu.enqueue_indirect_dma source(%arg6 : memref<80xf32, #tpu.memory_space<vmem>>) target(%dma_start3A_357 : memref<10000xf32, #tpu.memory_space<vmem_shared>>) offsets(%arg5 : memref<80xi32, #tpu.memory_space<vmem>>) semaphore(%run_scoped3A : memref<!tpu.dma_semaphore, #tpu.memory_space<semaphore_mem>>) {add = true}
        %dma_wait3A = arith.constant 0 : i32
        %dma_wait3A_358 = tpu.memref_slice %arg8[%dma_wait3A] : memref<10000xf32, #tpu.memory_space<vmem_shared>> -> memref<10000xf32, #tpu.memory_space<vmem_shared>>
        tpu.wait_indirect_dma semaphore(%run_scoped3A : memref<!tpu.dma_semaphore, #tpu.memory_space<semaphore_mem>>) src(%arg6 : memref<80xf32, #tpu.memory_space<vmem>>) dst(%dma_wait3A_358 : memref<10000xf32, #tpu.memory_space<vmem_shared>>)
        tpu.yield
      }) : () -> ()
      %get3A_181 = arith.constant 240 : index
      %get3A_182 = tpu.vector_load %arg4[%get3A_181] {strides = array<i32>} : memref<640xi32, #tpu.memory_space<vmem>>, vector<16xi32>,
      %get3A_183 = vector.shape_cast %get3A_182 : vector<16xi32> to vector<16xi32>
      %swap3A_184 = arith.constant 0 : index
      %swap3A_185 = tpu.vector_load %arg5[%swap3A_184] {strides = array<i32>} : memref<80xi32, #tpu.memory_space<vmem>>, vector<16xi32>,
      %swap3A_186 = vector.shape_cast %swap3A_185 : vector<16xi32> to vector<16xi32>
      %swap3A_187 = vector.shape_cast %get3A_183 : vector<16xi32> to vector<16xi32>
      tpu.vector_store %arg5[%swap3A_184], %swap3A_187 {strides = array<i32>} : memref<80xi32, #tpu.memory_space<vmem>>, vector<16xi32>,
      %get3A_188 = arith.constant 256 : index
      %get3A_189 = tpu.vector_load %arg4[%get3A_188] {strides = array<i32>} : memref<640xi32, #tpu.memory_space<vmem>>, vector<16xi32>,
      %get3A_190 = vector.shape_cast %get3A_189 : vector<16xi32> to vector<16xi32>
      %swap3A_191 = arith.constant 16 : index
      %swap3A_192 = tpu.vector_load %arg5[%swap3A_191] {strides = array<i32>} : memref<80xi32, #tpu.memory_space<vmem>>, vector<16xi32>,
      %swap3A_193 = vector.shape_cast %swap3A_192 : vector<16xi32> to vector<16xi32>
      %swap3A_194 = vector.shape_cast %get3A_190 : vector<16xi32> to vector<16xi32>
      tpu.vector_store %arg5[%swap3A_191], %swap3A_194 {strides = array<i32>} : memref<80xi32, #tpu.memory_space<vmem>>, vector<16xi32>,
      %get3A_195 = arith.constant 272 : index
      %get3A_196 = tpu.vector_load %arg4[%get3A_195] {strides = array<i32>} : memref<640xi32, #tpu.memory_space<vmem>>, vector<16xi32>,
      %get3A_197 = vector.shape_cast %get3A_196 : vector<16xi32> to vector<16xi32>
      %swap3A_198 = arith.constant 32 : index
      %swap3A_199 = tpu.vector_load %arg5[%swap3A_198] {strides = array<i32>} : memref<80xi32, #tpu.memory_space<vmem>>, vector<16xi32>,
      %swap3A_200 = vector.shape_cast %swap3A_199 : vector<16xi32> to vector<16xi32>
      %swap3A_201 = vector.shape_cast %get3A_197 : vector<16xi32> to vector<16xi32>
      tpu.vector_store %arg5[%swap3A_198], %swap3A_201 {strides = array<i32>} : memref<80xi32, #tpu.memory_space<vmem>>, vector<16xi32>,
      %get3A_202 = arith.constant 288 : index
      %get3A_203 = tpu.vector_load %arg4[%get3A_202] {strides = array<i32>} : memref<640xi32, #tpu.memory_space<vmem>>, vector<16xi32>,
      %get3A_204 = vector.shape_cast %get3A_203 : vector<16xi32> to vector<16xi32>
      %swap3A_205 = arith.constant 48 : index
      %swap3A_206 = tpu.vector_load %arg5[%swap3A_205] {strides = array<i32>} : memref<80xi32, #tpu.memory_space<vmem>>, vector<16xi32>,
      %swap3A_207 = vector.shape_cast %swap3A_206 : vector<16xi32> to vector<16xi32>
      %swap3A_208 = vector.shape_cast %get3A_204 : vector<16xi32> to vector<16xi32>
      tpu.vector_store %arg5[%swap3A_205], %swap3A_208 {strides = array<i32>} : memref<80xi32, #tpu.memory_space<vmem>>, vector<16xi32>,
      %get3A_209 = arith.constant 304 : index
      %get3A_210 = tpu.vector_load %arg4[%get3A_209] {strides = array<i32>} : memref<640xi32, #tpu.memory_space<vmem>>, vector<16xi32>,
      %get3A_211 = vector.shape_cast %get3A_210 : vector<16xi32> to vector<16xi32>
      %swap3A_212 = arith.constant 64 : index
      %swap3A_213 = tpu.vector_load %arg5[%swap3A_212] {strides = array<i32>} : memref<80xi32, #tpu.memory_space<vmem>>, vector<16xi32>,
      %swap3A_214 = vector.shape_cast %swap3A_213 : vector<16xi32> to vector<16xi32>
      %swap3A_215 = vector.shape_cast %get3A_211 : vector<16xi32> to vector<16xi32>
      tpu.vector_store %arg5[%swap3A_212], %swap3A_215 {strides = array<i32>} : memref<80xi32, #tpu.memory_space<vmem>>, vector<16xi32>,
      "tpu.region"() ({
        %run_scoped3A = tpu.sem_alloc : memref<!tpu.dma_semaphore, #tpu.memory_space<semaphore_mem>>
        %dma_start3A = arith.constant 0 : i32
        %dma_start3A_357 = tpu.memref_slice %arg8[%dma_start3A] : memref<10000xf32, #tpu.memory_space<vmem_shared>> -> memref<10000xf32, #tpu.memory_space<vmem_shared>>
        tpu.enqueue_indirect_dma source(%arg6 : memref<80xf32, #tpu.memory_space<vmem>>) target(%dma_start3A_357 : memref<10000xf32, #tpu.memory_space<vmem_shared>>) offsets(%arg5 : memref<80xi32, #tpu.memory_space<vmem>>) semaphore(%run_scoped3A : memref<!tpu.dma_semaphore, #tpu.memory_space<semaphore_mem>>) {add = true}
        %dma_wait3A = arith.constant 0 : i32
        %dma_wait3A_358 = tpu.memref_slice %arg8[%dma_wait3A] : memref<10000xf32, #tpu.memory_space<vmem_shared>> -> memref<10000xf32, #tpu.memory_space<vmem_shared>>
        tpu.wait_indirect_dma semaphore(%run_scoped3A : memref<!tpu.dma_semaphore, #tpu.memory_space<semaphore_mem>>) src(%arg6 : memref<80xf32, #tpu.memory_space<vmem>>) dst(%dma_wait3A_358 : memref<10000xf32, #tpu.memory_space<vmem_shared>>)
        tpu.yield
      }) : () -> ()
      %get3A_216 = arith.constant 320 : index
      %get3A_217 = tpu.vector_load %arg4[%get3A_216] {strides = array<i32>} : memref<640xi32, #tpu.memory_space<vmem>>, vector<16xi32>,
      %get3A_218 = vector.shape_cast %get3A_217 : vector<16xi32> to vector<16xi32>
      %swap3A_219 = arith.constant 0 : index
      %swap3A_220 = tpu.vector_load %arg5[%swap3A_219] {strides = array<i32>} : memref<80xi32, #tpu.memory_space<vmem>>, vector<16xi32>,
      %swap3A_221 = vector.shape_cast %swap3A_220 : vector<16xi32> to vector<16xi32>
      %swap3A_222 = vector.shape_cast %get3A_218 : vector<16xi32> to vector<16xi32>
      tpu.vector_store %arg5[%swap3A_219], %swap3A_222 {strides = array<i32>} : memref<80xi32, #tpu.memory_space<vmem>>, vector<16xi32>,
      %get3A_223 = arith.constant 336 : index
      %get3A_224 = tpu.vector_load %arg4[%get3A_223] {strides = array<i32>} : memref<640xi32, #tpu.memory_space<vmem>>, vector<16xi32>,
      %get3A_225 = vector.shape_cast %get3A_224 : vector<16xi32> to vector<16xi32>
      %swap3A_226 = arith.constant 16 : index
      %swap3A_227 = tpu.vector_load %arg5[%swap3A_226] {strides = array<i32>} : memref<80xi32, #tpu.memory_space<vmem>>, vector<16xi32>,
      %swap3A_228 = vector.shape_cast %swap3A_227 : vector<16xi32> to vector<16xi32>
      %swap3A_229 = vector.shape_cast %get3A_225 : vector<16xi32> to vector<16xi32>
      tpu.vector_store %arg5[%swap3A_226], %swap3A_229 {strides = array<i32>} : memref<80xi32, #tpu.memory_space<vmem>>, vector<16xi32>,
      %get3A_230 = arith.constant 352 : index
      %get3A_231 = tpu.vector_load %arg4[%get3A_230] {strides = array<i32>} : memref<640xi32, #tpu.memory_space<vmem>>, vector<16xi32>,
      %get3A_232 = vector.shape_cast %get3A_231 : vector<16xi32> to vector<16xi32>
      %swap3A_233 = arith.constant 32 : index
      %swap3A_234 = tpu.vector_load %arg5[%swap3A_233] {strides = array<i32>} : memref<80xi32, #tpu.memory_space<vmem>>, vector<16xi32>,
      %swap3A_235 = vector.shape_cast %swap3A_234 : vector<16xi32> to vector<16xi32>
      %swap3A_236 = vector.shape_cast %get3A_232 : vector<16xi32> to vector<16xi32>
      tpu.vector_store %arg5[%swap3A_233], %swap3A_236 {strides = array<i32>} : memref<80xi32, #tpu.memory_space<vmem>>, vector<16xi32>,
      %get3A_237 = arith.constant 368 : index
      %get3A_238 = tpu.vector_load %arg4[%get3A_237] {strides = array<i32>} : memref<640xi32, #tpu.memory_space<vmem>>, vector<16xi32>,
      %get3A_239 = vector.shape_cast %get3A_238 : vector<16xi32> to vector<16xi32>
      %swap3A_240 = arith.constant 48 : index
      %swap3A_241 = tpu.vector_load %arg5[%swap3A_240] {strides = array<i32>} : memref<80xi32, #tpu.memory_space<vmem>>, vector<16xi32>,
      %swap3A_242 = vector.shape_cast %swap3A_241 : vector<16xi32> to vector<16xi32>
      %swap3A_243 = vector.shape_cast %get3A_239 : vector<16xi32> to vector<16xi32>
      tpu.vector_store %arg5[%swap3A_240], %swap3A_243 {strides = array<i32>} : memref<80xi32, #tpu.memory_space<vmem>>, vector<16xi32>,
      %get3A_244 = arith.constant 384 : index
      %get3A_245 = tpu.vector_load %arg4[%get3A_244] {strides = array<i32>} : memref<640xi32, #tpu.memory_space<vmem>>, vector<16xi32>,
      %get3A_246 = vector.shape_cast %get3A_245 : vector<16xi32> to vector<16xi32>
      %swap3A_247 = arith.constant 64 : index
      %swap3A_248 = tpu.vector_load %arg5[%swap3A_247] {strides = array<i32>} : memref<80xi32, #tpu.memory_space<vmem>>, vector<16xi32>,
      %swap3A_249 = vector.shape_cast %swap3A_248 : vector<16xi32> to vector<16xi32>
      %swap3A_250 = vector.shape_cast %get3A_246 : vector<16xi32> to vector<16xi32>
      tpu.vector_store %arg5[%swap3A_247], %swap3A_250 {strides = array<i32>} : memref<80xi32, #tpu.memory_space<vmem>>, vector<16xi32>,
      "tpu.region"() ({
        %run_scoped3A = tpu.sem_alloc : memref<!tpu.dma_semaphore, #tpu.memory_space<semaphore_mem>>
        %dma_start3A = arith.constant 0 : i32
        %dma_start3A_357 = tpu.memref_slice %arg8[%dma_start3A] : memref<10000xf32, #tpu.memory_space<vmem_shared>> -> memref<10000xf32, #tpu.memory_space<vmem_shared>>
        tpu.enqueue_indirect_dma source(%arg6 : memref<80xf32, #tpu.memory_space<vmem>>) target(%dma_start3A_357 : memref<10000xf32, #tpu.memory_space<vmem_shared>>) offsets(%arg5 : memref<80xi32, #tpu.memory_space<vmem>>) semaphore(%run_scoped3A : memref<!tpu.dma_semaphore, #tpu.memory_space<semaphore_mem>>) {add = true}
        %dma_wait3A = arith.constant 0 : i32
        %dma_wait3A_358 = tpu.memref_slice %arg8[%dma_wait3A] : memref<10000xf32, #tpu.memory_space<vmem_shared>> -> memref<10000xf32, #tpu.memory_space<vmem_shared>>
        tpu.wait_indirect_dma semaphore(%run_scoped3A : memref<!tpu.dma_semaphore, #tpu.memory_space<semaphore_mem>>) src(%arg6 : memref<80xf32, #tpu.memory_space<vmem>>) dst(%dma_wait3A_358 : memref<10000xf32, #tpu.memory_space<vmem_shared>>)
        tpu.yield
      }) : () -> ()
      %get3A_251 = arith.constant 400 : index
      %get3A_252 = tpu.vector_load %arg4[%get3A_251] {strides = array<i32>} : memref<640xi32, #tpu.memory_space<vmem>>, vector<16xi32>,
      %get3A_253 = vector.shape_cast %get3A_252 : vector<16xi32> to vector<16xi32>
      %swap3A_254 = arith.constant 0 : index
      %swap3A_255 = tpu.vector_load %arg5[%swap3A_254] {strides = array<i32>} : memref<80xi32, #tpu.memory_space<vmem>>, vector<16xi32>,
      %swap3A_256 = vector.shape_cast %swap3A_255 : vector<16xi32> to vector<16xi32>
      %swap3A_257 = vector.shape_cast %get3A_253 : vector<16xi32> to vector<16xi32>
      tpu.vector_store %arg5[%swap3A_254], %swap3A_257 {strides = array<i32>} : memref<80xi32, #tpu.memory_space<vmem>>, vector<16xi32>,
      %get3A_258 = arith.constant 416 : index
      %get3A_259 = tpu.vector_load %arg4[%get3A_258] {strides = array<i32>} : memref<640xi32, #tpu.memory_space<vmem>>, vector<16xi32>,
      %get3A_260 = vector.shape_cast %get3A_259 : vector<16xi32> to vector<16xi32>
      %swap3A_261 = arith.constant 16 : index
      %swap3A_262 = tpu.vector_load %arg5[%swap3A_261] {strides = array<i32>} : memref<80xi32, #tpu.memory_space<vmem>>, vector<16xi32>,
      %swap3A_263 = vector.shape_cast %swap3A_262 : vector<16xi32> to vector<16xi32>
      %swap3A_264 = vector.shape_cast %get3A_260 : vector<16xi32> to vector<16xi32>
      tpu.vector_store %arg5[%swap3A_261], %swap3A_264 {strides = array<i32>} : memref<80xi32, #tpu.memory_space<vmem>>, vector<16xi32>,
      %get3A_265 = arith.constant 432 : index
      %get3A_266 = tpu.vector_load %arg4[%get3A_265] {strides = array<i32>} : memref<640xi32, #tpu.memory_space<vmem>>, vector<16xi32>,
      %get3A_267 = vector.shape_cast %get3A_266 : vector<16xi32> to vector<16xi32>
      %swap3A_268 = arith.constant 32 : index
      %swap3A_269 = tpu.vector_load %arg5[%swap3A_268] {strides = array<i32>} : memref<80xi32, #tpu.memory_space<vmem>>, vector<16xi32>,
      %swap3A_270 = vector.shape_cast %swap3A_269 : vector<16xi32> to vector<16xi32>
      %swap3A_271 = vector.shape_cast %get3A_267 : vector<16xi32> to vector<16xi32>
      tpu.vector_store %arg5[%swap3A_268], %swap3A_271 {strides = array<i32>} : memref<80xi32, #tpu.memory_space<vmem>>, vector<16xi32>,
      %get3A_272 = arith.constant 448 : index
      %get3A_273 = tpu.vector_load %arg4[%get3A_272] {strides = array<i32>} : memref<640xi32, #tpu.memory_space<vmem>>, vector<16xi32>,
      %get3A_274 = vector.shape_cast %get3A_273 : vector<16xi32> to vector<16xi32>
      %swap3A_275 = arith.constant 48 : index
      %swap3A_276 = tpu.vector_load %arg5[%swap3A_275] {strides = array<i32>} : memref<80xi32, #tpu.memory_space<vmem>>, vector<16xi32>,
      %swap3A_277 = vector.shape_cast %swap3A_276 : vector<16xi32> to vector<16xi32>
      %swap3A_278 = vector.shape_cast %get3A_274 : vector<16xi32> to vector<16xi32>
      tpu.vector_store %arg5[%swap3A_275], %swap3A_278 {strides = array<i32>} : memref<80xi32, #tpu.memory_space<vmem>>, vector<16xi32>,
      %get3A_279 = arith.constant 464 : index
      %get3A_280 = tpu.vector_load %arg4[%get3A_279] {strides = array<i32>} : memref<640xi32, #tpu.memory_space<vmem>>, vector<16xi32>,
      %get3A_281 = vector.shape_cast %get3A_280 : vector<16xi32> to vector<16xi32>
      %swap3A_282 = arith.constant 64 : index
      %swap3A_283 = tpu.vector_load %arg5[%swap3A_282] {strides = array<i32>} : memref<80xi32, #tpu.memory_space<vmem>>, vector<16xi32>,
      %swap3A_284 = vector.shape_cast %swap3A_283 : vector<16xi32> to vector<16xi32>
      %swap3A_285 = vector.shape_cast %get3A_281 : vector<16xi32> to vector<16xi32>
      tpu.vector_store %arg5[%swap3A_282], %swap3A_285 {strides = array<i32>} : memref<80xi32, #tpu.memory_space<vmem>>, vector<16xi32>,
      "tpu.region"() ({
        %run_scoped3A = tpu.sem_alloc : memref<!tpu.dma_semaphore, #tpu.memory_space<semaphore_mem>>
        %dma_start3A = arith.constant 0 : i32
        %dma_start3A_357 = tpu.memref_slice %arg8[%dma_start3A] : memref<10000xf32, #tpu.memory_space<vmem_shared>> -> memref<10000xf32, #tpu.memory_space<vmem_shared>>
        tpu.enqueue_indirect_dma source(%arg6 : memref<80xf32, #tpu.memory_space<vmem>>) target(%dma_start3A_357 : memref<10000xf32, #tpu.memory_space<vmem_shared>>) offsets(%arg5 : memref<80xi32, #tpu.memory_space<vmem>>) semaphore(%run_scoped3A : memref<!tpu.dma_semaphore, #tpu.memory_space<semaphore_mem>>) {add = true}
        %dma_wait3A = arith.constant 0 : i32
        %dma_wait3A_358 = tpu.memref_slice %arg8[%dma_wait3A] : memref<10000xf32, #tpu.memory_space<vmem_shared>> -> memref<10000xf32, #tpu.memory_space<vmem_shared>>
        tpu.wait_indirect_dma semaphore(%run_scoped3A : memref<!tpu.dma_semaphore, #tpu.memory_space<semaphore_mem>>) src(%arg6 : memref<80xf32, #tpu.memory_space<vmem>>) dst(%dma_wait3A_358 : memref<10000xf32, #tpu.memory_space<vmem_shared>>)
        tpu.yield
      }) : () -> ()
      %get3A_286 = arith.constant 480 : index
      %get3A_287 = tpu.vector_load %arg4[%get3A_286] {strides = array<i32>} : memref<640xi32, #tpu.memory_space<vmem>>, vector<16xi32>,
      %get3A_288 = vector.shape_cast %get3A_287 : vector<16xi32> to vector<16xi32>
      %swap3A_289 = arith.constant 0 : index
      %swap3A_290 = tpu.vector_load %arg5[%swap3A_289] {strides = array<i32>} : memref<80xi32, #tpu.memory_space<vmem>>, vector<16xi32>,
      %swap3A_291 = vector.shape_cast %swap3A_290 : vector<16xi32> to vector<16xi32>
      %swap3A_292 = vector.shape_cast %get3A_288 : vector<16xi32> to vector<16xi32>
      tpu.vector_store %arg5[%swap3A_289], %swap3A_292 {strides = array<i32>} : memref<80xi32, #tpu.memory_space<vmem>>, vector<16xi32>,
      %get3A_293 = arith.constant 496 : index
      %get3A_294 = tpu.vector_load %arg4[%get3A_293] {strides = array<i32>} : memref<640xi32, #tpu.memory_space<vmem>>, vector<16xi32>,
      %get3A_295 = vector.shape_cast %get3A_294 : vector<16xi32> to vector<16xi32>
      %swap3A_296 = arith.constant 16 : index
      %swap3A_297 = tpu.vector_load %arg5[%swap3A_296] {strides = array<i32>} : memref<80xi32, #tpu.memory_space<vmem>>, vector<16xi32>,
      %swap3A_298 = vector.shape_cast %swap3A_297 : vector<16xi32> to vector<16xi32>
      %swap3A_299 = vector.shape_cast %get3A_295 : vector<16xi32> to vector<16xi32>
      tpu.vector_store %arg5[%swap3A_296], %swap3A_299 {strides = array<i32>} : memref<80xi32, #tpu.memory_space<vmem>>, vector<16xi32>,
      %get3A_300 = arith.constant 512 : index
      %get3A_301 = tpu.vector_load %arg4[%get3A_300] {strides = array<i32>} : memref<640xi32, #tpu.memory_space<vmem>>, vector<16xi32>,
      %get3A_302 = vector.shape_cast %get3A_301 : vector<16xi32> to vector<16xi32>
      %swap3A_303 = arith.constant 32 : index
      %swap3A_304 = tpu.vector_load %arg5[%swap3A_303] {strides = array<i32>} : memref<80xi32, #tpu.memory_space<vmem>>, vector<16xi32>,
      %swap3A_305 = vector.shape_cast %swap3A_304 : vector<16xi32> to vector<16xi32>
      %swap3A_306 = vector.shape_cast %get3A_302 : vector<16xi32> to vector<16xi32>
      tpu.vector_store %arg5[%swap3A_303], %swap3A_306 {strides = array<i32>} : memref<80xi32, #tpu.memory_space<vmem>>, vector<16xi32>,
      %get3A_307 = arith.constant 528 : index
      %get3A_308 = tpu.vector_load %arg4[%get3A_307] {strides = array<i32>} : memref<640xi32, #tpu.memory_space<vmem>>, vector<16xi32>,
      %get3A_309 = vector.shape_cast %get3A_308 : vector<16xi32> to vector<16xi32>
      %swap3A_310 = arith.constant 48 : index
      %swap3A_311 = tpu.vector_load %arg5[%swap3A_310] {strides = array<i32>} : memref<80xi32, #tpu.memory_space<vmem>>, vector<16xi32>,
      %swap3A_312 = vector.shape_cast %swap3A_311 : vector<16xi32> to vector<16xi32>
      %swap3A_313 = vector.shape_cast %get3A_309 : vector<16xi32> to vector<16xi32>
      tpu.vector_store %arg5[%swap3A_310], %swap3A_313 {strides = array<i32>} : memref<80xi32, #tpu.memory_space<vmem>>, vector<16xi32>,
      %get3A_314 = arith.constant 544 : index
      %get3A_315 = tpu.vector_load %arg4[%get3A_314] {strides = array<i32>} : memref<640xi32, #tpu.memory_space<vmem>>, vector<16xi32>,
      %get3A_316 = vector.shape_cast %get3A_315 : vector<16xi32> to vector<16xi32>
      %swap3A_317 = arith.constant 64 : index
      %swap3A_318 = tpu.vector_load %arg5[%swap3A_317] {strides = array<i32>} : memref<80xi32, #tpu.memory_space<vmem>>, vector<16xi32>,
      %swap3A_319 = vector.shape_cast %swap3A_318 : vector<16xi32> to vector<16xi32>
      %swap3A_320 = vector.shape_cast %get3A_316 : vector<16xi32> to vector<16xi32>
      tpu.vector_store %arg5[%swap3A_317], %swap3A_320 {strides = array<i32>} : memref<80xi32, #tpu.memory_space<vmem>>, vector<16xi32>,
      "tpu.region"() ({
        %run_scoped3A = tpu.sem_alloc : memref<!tpu.dma_semaphore, #tpu.memory_space<semaphore_mem>>
        %dma_start3A = arith.constant 0 : i32
        %dma_start3A_357 = tpu.memref_slice %arg8[%dma_start3A] : memref<10000xf32, #tpu.memory_space<vmem_shared>> -> memref<10000xf32, #tpu.memory_space<vmem_shared>>
        tpu.enqueue_indirect_dma source(%arg6 : memref<80xf32, #tpu.memory_space<vmem>>) target(%dma_start3A_357 : memref<10000xf32, #tpu.memory_space<vmem_shared>>) offsets(%arg5 : memref<80xi32, #tpu.memory_space<vmem>>) semaphore(%run_scoped3A : memref<!tpu.dma_semaphore, #tpu.memory_space<semaphore_mem>>) {add = true}
        %dma_wait3A = arith.constant 0 : i32
        %dma_wait3A_358 = tpu.memref_slice %arg8[%dma_wait3A] : memref<10000xf32, #tpu.memory_space<vmem_shared>> -> memref<10000xf32, #tpu.memory_space<vmem_shared>>
        tpu.wait_indirect_dma semaphore(%run_scoped3A : memref<!tpu.dma_semaphore, #tpu.memory_space<semaphore_mem>>) src(%arg6 : memref<80xf32, #tpu.memory_space<vmem>>) dst(%dma_wait3A_358 : memref<10000xf32, #tpu.memory_space<vmem_shared>>)
        tpu.yield
      }) : () -> ()
      %get3A_321 = arith.constant 560 : index
      %get3A_322 = tpu.vector_load %arg4[%get3A_321] {strides = array<i32>} : memref<640xi32, #tpu.memory_space<vmem>>, vector<16xi32>,
      %get3A_323 = vector.shape_cast %get3A_322 : vector<16xi32> to vector<16xi32>
      %swap3A_324 = arith.constant 0 : index
      %swap3A_325 = tpu.vector_load %arg5[%swap3A_324] {strides = array<i32>} : memref<80xi32, #tpu.memory_space<vmem>>, vector<16xi32>,
      %swap3A_326 = vector.shape_cast %swap3A_325 : vector<16xi32> to vector<16xi32>
      %swap3A_327 = vector.shape_cast %get3A_323 : vector<16xi32> to vector<16xi32>
      tpu.vector_store %arg5[%swap3A_324], %swap3A_327 {strides = array<i32>} : memref<80xi32, #tpu.memory_space<vmem>>, vector<16xi32>,
      %get3A_328 = arith.constant 576 : index
      %get3A_329 = tpu.vector_load %arg4[%get3A_328] {strides = array<i32>} : memref<640xi32, #tpu.memory_space<vmem>>, vector<16xi32>,
      %get3A_330 = vector.shape_cast %get3A_329 : vector<16xi32> to vector<16xi32>
      %swap3A_331 = arith.constant 16 : index
      %swap3A_332 = tpu.vector_load %arg5[%swap3A_331] {strides = array<i32>} : memref<80xi32, #tpu.memory_space<vmem>>, vector<16xi32>,
      %swap3A_333 = vector.shape_cast %swap3A_332 : vector<16xi32> to vector<16xi32>
      %swap3A_334 = vector.shape_cast %get3A_330 : vector<16xi32> to vector<16xi32>
      tpu.vector_store %arg5[%swap3A_331], %swap3A_334 {strides = array<i32>} : memref<80xi32, #tpu.memory_space<vmem>>, vector<16xi32>,
      %get3A_335 = arith.constant 592 : index
      %get3A_336 = tpu.vector_load %arg4[%get3A_335] {strides = array<i32>} : memref<640xi32, #tpu.memory_space<vmem>>, vector<16xi32>,
      %get3A_337 = vector.shape_cast %get3A_336 : vector<16xi32> to vector<16xi32>
      %swap3A_338 = arith.constant 32 : index
      %swap3A_339 = tpu.vector_load %arg5[%swap3A_338] {strides = array<i32>} : memref<80xi32, #tpu.memory_space<vmem>>, vector<16xi32>,
      %swap3A_340 = vector.shape_cast %swap3A_339 : vector<16xi32> to vector<16xi32>
      %swap3A_341 = vector.shape_cast %get3A_337 : vector<16xi32> to vector<16xi32>
      tpu.vector_store %arg5[%swap3A_338], %swap3A_341 {strides = array<i32>} : memref<80xi32, #tpu.memory_space<vmem>>, vector<16xi32>,
      %get3A_342 = arith.constant 608 : index
      %get3A_343 = tpu.vector_load %arg4[%get3A_342] {strides = array<i32>} : memref<640xi32, #tpu.memory_space<vmem>>, vector<16xi32>,
      %get3A_344 = vector.shape_cast %get3A_343 : vector<16xi32> to vector<16xi32>
      %swap3A_345 = arith.constant 48 : index
      %swap3A_346 = tpu.vector_load %arg5[%swap3A_345] {strides = array<i32>} : memref<80xi32, #tpu.memory_space<vmem>>, vector<16xi32>,
      %swap3A_347 = vector.shape_cast %swap3A_346 : vector<16xi32> to vector<16xi32>
      %swap3A_348 = vector.shape_cast %get3A_344 : vector<16xi32> to vector<16xi32>
      tpu.vector_store %arg5[%swap3A_345], %swap3A_348 {strides = array<i32>} : memref<80xi32, #tpu.memory_space<vmem>>, vector<16xi32>,
      %get3A_349 = arith.constant 624 : index
      %get3A_350 = tpu.vector_load %arg4[%get3A_349] {strides = array<i32>} : memref<640xi32, #tpu.memory_space<vmem>>, vector<16xi32>,
      %get3A_351 = vector.shape_cast %get3A_350 : vector<16xi32> to vector<16xi32>
      %swap3A_352 = arith.constant 64 : index
      %swap3A_353 = tpu.vector_load %arg5[%swap3A_352] {strides = array<i32>} : memref<80xi32, #tpu.memory_space<vmem>>, vector<16xi32>,
      %swap3A_354 = vector.shape_cast %swap3A_353 : vector<16xi32> to vector<16xi32>
      %swap3A_355 = vector.shape_cast %get3A_351 : vector<16xi32> to vector<16xi32>
      tpu.vector_store %arg5[%swap3A_352], %swap3A_355 {strides = array<i32>} : memref<80xi32, #tpu.memory_space<vmem>>, vector<16xi32>,
      "tpu.region"() ({
        %run_scoped3A = tpu.sem_alloc : memref<!tpu.dma_semaphore, #tpu.memory_space<semaphore_mem>>
        %dma_start3A = arith.constant 0 : i32
        %dma_start3A_357 = tpu.memref_slice %arg8[%dma_start3A] : memref<10000xf32, #tpu.memory_space<vmem_shared>> -> memref<10000xf32, #tpu.memory_space<vmem_shared>>
        tpu.enqueue_indirect_dma source(%arg6 : memref<80xf32, #tpu.memory_space<vmem>>) target(%dma_start3A_357 : memref<10000xf32, #tpu.memory_space<vmem_shared>>) offsets(%arg5 : memref<80xi32, #tpu.memory_space<vmem>>) semaphore(%run_scoped3A : memref<!tpu.dma_semaphore, #tpu.memory_space<semaphore_mem>>) {add = true}
        %dma_wait3A = arith.constant 0 : i32
        %dma_wait3A_358 = tpu.memref_slice %arg8[%dma_wait3A] : memref<10000xf32, #tpu.memory_space<vmem_shared>> -> memref<10000xf32, #tpu.memory_space<vmem_shared>>
        tpu.wait_indirect_dma semaphore(%run_scoped3A : memref<!tpu.dma_semaphore, #tpu.memory_space<semaphore_mem>>) src(%arg6 : memref<80xf32, #tpu.memory_space<vmem>>) dst(%dma_wait3A_358 : memref<10000xf32, #tpu.memory_space<vmem_shared>>)
        tpu.yield
      }) : () -> ()
      %while3A_356 = arith.constant 0 : i32
      scf.yield %while3A_356 : i32
    }
    %barrier3A_64 = arith.constant 0 : index
    tpu.barrier barrier_id(%barrier3A_64)
    %lt3A_65 = arith.constant 10 : i32
    %lt3A_66 = arith.cmpi slt, %arg1, %lt3A_65 : i32
    %convert_element_type3A_67 = arith.extui %lt3A_66 : i1 to i32
    %cond3A_68 = arith.constant 0 : i32
    %cond3A_69 = arith.cmpi ne, %convert_element_type3A_67, %cond3A_68 : i32
    scf.if %cond3A_69 {
      %mul3A_70 = arith.constant 1000 : i32
      %mul3A_71 = arith.muli %arg1, %mul3A_70 : i32
      "tpu.region"() ({
        %run_scoped3A = tpu.sem_alloc : memref<!tpu.dma_semaphore, #tpu.memory_space<semaphore_mem>>
        %dma_start3A = arith.constant 0 : i32
        %dma_start3A_77 = tpu.memref_slice %arg7[%dma_start3A] : memref<2000xf32, #tpu.memory_space<vmem>> -> memref<1000xf32, #tpu.memory_space<vmem>>
        %dma_start3A_78 = tpu.memref_slice %arg8[%mul3A_71] : memref<10000xf32, #tpu.memory_space<vmem_shared>> -> memref<1000xf32, #tpu.memory_space<vmem_shared>>
        %dma_start3A_79 = arith.constant 0 : i32
        %dma_start3A_80 = tpu.memref_slice %arg7[%dma_start3A_79] : memref<2000xf32, #tpu.memory_space<vmem>> -> memref<1000xf32, #tpu.memory_space<vmem>>
        %dma_start3A_81 = tpu.memref_slice %arg8[%mul3A_71] : memref<10000xf32, #tpu.memory_space<vmem_shared>> -> memref<1000xf32, #tpu.memory_space<vmem_shared>>
        tpu.enqueue_dma source(%dma_start3A_81 : memref<1000xf32, #tpu.memory_space<vmem_shared>>) target(%dma_start3A_80 : memref<1000xf32, #tpu.memory_space<vmem>>) target_semaphore(%run_scoped3A : memref<!tpu.dma_semaphore, #tpu.memory_space<semaphore_mem>>)
        %dma_wait3A = arith.constant 0 : i32
        %dma_wait3A_82 = tpu.memref_slice %arg7[%dma_wait3A] : memref<2000xf32, #tpu.memory_space<vmem>> -> memref<1000xf32, #tpu.memory_space<vmem>>
        %dma_wait3A_83 = tpu.memref_slice %arg8[%mul3A_71] : memref<10000xf32, #tpu.memory_space<vmem_shared>> -> memref<1000xf32, #tpu.memory_space<vmem_shared>>
        %dma_wait3A_84 = arith.constant 0 : i32
        %dma_wait3A_85 = tpu.memref_slice %arg7[%dma_wait3A_84] : memref<2000xf32, #tpu.memory_space<vmem>> -> memref<1000xf32, #tpu.memory_space<vmem>>
        %dma_wait3A_86 = tpu.memref_slice %arg8[%mul3A_71] : memref<10000xf32, #tpu.memory_space<vmem_shared>> -> memref<1000xf32, #tpu.memory_space<vmem_shared>>
        tpu.wait_dma2 semaphore(%run_scoped3A : memref<!tpu.dma_semaphore, #tpu.memory_space<semaphore_mem>>) src(%dma_wait3A_86 : memref<1000xf32, #tpu.memory_space<vmem_shared>>) dst(%dma_wait3A_85 : memref<1000xf32, #tpu.memory_space<vmem>>)
        tpu.yield
      }) : () -> ()
      %mul3A_72 = arith.constant 10000 : i32
      %mul3A_73 = arith.muli %arg0, %mul3A_72 : i32
      %mul3A_74 = arith.constant 1000 : i32
      %mul3A_75 = arith.muli %arg1, %mul3A_74 : i32
      %add3A_76 = arith.addi %mul3A_73, %mul3A_75 : i32
      "tpu.region"() ({
        %run_scoped3A = tpu.sem_alloc : memref<!tpu.dma_semaphore, #tpu.memory_space<semaphore_mem>>
        %dma_start3A = arith.constant 0 : i32
        %dma_start3A_77 = tpu.memref_slice %arg7[%dma_start3A] : memref<2000xf32, #tpu.memory_space<vmem>> -> memref<1000xf32, #tpu.memory_space<vmem>>
        %dma_start3A_78 = tpu.memref_slice %arg3[%add3A_76] : memref<20000xf32, #tpu.memory_space<hbm>> -> memref<1000xf32, #tpu.memory_space<hbm>>
        %dma_start3A_79 = tpu.memref_slice %arg3[%add3A_76] : memref<20000xf32, #tpu.memory_space<hbm>> -> memref<1000xf32, #tpu.memory_space<hbm>>
        %dma_start3A_80 = arith.constant 0 : i32
        %dma_start3A_81 = tpu.memref_slice %arg7[%dma_start3A_80] : memref<2000xf32, #tpu.memory_space<vmem>> -> memref<1000xf32, #tpu.memory_space<vmem>>
        tpu.enqueue_dma source(%dma_start3A_81 : memref<1000xf32, #tpu.memory_space<vmem>>) target(%dma_start3A_79 : memref<1000xf32, #tpu.memory_space<hbm>>) target_semaphore(%run_scoped3A : memref<!tpu.dma_semaphore, #tpu.memory_space<semaphore_mem>>)
        %dma_wait3A = arith.constant 0 : i32
        %dma_wait3A_82 = tpu.memref_slice %arg7[%dma_wait3A] : memref<2000xf32, #tpu.memory_space<vmem>> -> memref<1000xf32, #tpu.memory_space<vmem>>
        %dma_wait3A_83 = tpu.memref_slice %arg3[%add3A_76] : memref<20000xf32, #tpu.memory_space<hbm>> -> memref<1000xf32, #tpu.memory_space<hbm>>
        %dma_wait3A_84 = tpu.memref_slice %arg3[%add3A_76] : memref<20000xf32, #tpu.memory_space<hbm>> -> memref<1000xf32, #tpu.memory_space<hbm>>
        %dma_wait3A_85 = arith.constant 0 : i32
        %dma_wait3A_86 = tpu.memref_slice %arg7[%dma_wait3A_85] : memref<2000xf32, #tpu.memory_space<vmem>> -> memref<1000xf32, #tpu.memory_space<vmem>>
        tpu.wait_dma2 semaphore(%run_scoped3A : memref<!tpu.dma_semaphore, #tpu.memory_space<semaphore_mem>>) src(%dma_wait3A_86 : memref<1000xf32, #tpu.memory_space<vmem>>) dst(%dma_wait3A_84 : memref<1000xf32, #tpu.memory_space<hbm>>)
        tpu.yield
      }) : () -> ()
    } else {
    }
    return
  }
}

#map = affine_map<(d0, d1) -> (0, 0)>
#map1 = affine_map<(d0, d1) -> (0)>
module attributes {stable_mosaic.version = 14 : i64} {
  func.func @_agg_kernel(%arg0: i32, %arg1: i32, %arg2: memref<10000x128xf32, #tpu.memory_space<hbm>>, %arg3: memref<320000xi32, #tpu.memory_space<hbm>>, %arg4: memref<320000xi32, #tpu.memory_space<hbm>>, %arg5: memref<20000x128xf32, #tpu.memory_space<hbm>>, %arg6: memref<640xi32, #tpu.memory_space<vmem>>, %arg7: memref<640xi32, #tpu.memory_space<vmem>>, %arg8: memref<80xi32, #tpu.memory_space<vmem>>, %arg9: memref<80xi32, #tpu.memory_space<vmem>>, %arg10: memref<80xi32, #tpu.memory_space<vmem>>, %arg11: memref<80xi32, #tpu.memory_space<vmem>>, %arg12: memref<80xi32, #tpu.memory_space<vmem>>, %arg13: memref<80x128xf32, #tpu.memory_space<vmem>>, %arg14: memref<80x128xf32, #tpu.memory_space<vmem>>, %arg15: memref<80x128xf32, #tpu.memory_space<vmem>>, %arg16: memref<10000x128xf32, #tpu.memory_space<vmem_shared>>, %arg17: memref<!tpu.dma_semaphore, #tpu.memory_space<semaphore_mem>>, %arg18: memref<!tpu.dma_semaphore, #tpu.memory_space<semaphore_mem>>, %arg19: memref<!tpu.dma_semaphore, #tpu.memory_space<semaphore_mem>>, %arg20: memref<!tpu.dma_semaphore, #tpu.memory_space<semaphore_mem>>, %arg21: memref<!tpu.dma_semaphore, #tpu.memory_space<semaphore_mem>>) attributes {dimension_semantics = [#tpu.dimension_semantics<core_parallel>, #tpu.dimension_semantics<subcore_parallel>], iteration_bounds = array<i64: 2, 16>, scalar_prefetch = 0 : i64, scratch_operands = 16 : i64, tpu.core_type = #tpu.core_type<sc_vector_subcore>, window_params = [{transform_indices = #map}, {transform_indices = #map1}, {transform_indices = #map1}, {transform_indices = #map}]} {
    %mul3A = arith.constant 2 : i32
    %mul3A_0 = arith.muli %arg1, %mul3A : i32
    %add3A = arith.addi %mul3A_0, %arg0 : i32
    %broadcast_in_dim3A = arith.constant 0.000000e+00 : f32
    %broadcast_in_dim3A_1 = vector.broadcast %broadcast_in_dim3A : f32 to vector<16xf32>
    %scan3A = arith.constant 0 : i32
    %scan3A_2 = arith.constant 0 : i32
    %scan3A_3 = arith.constant 80 : i32
    %scan3A_4 = arith.addi %scan3A_2, %scan3A_3 : i32
    %scan3A_5 = arith.constant 1 : i32
    %scan3A_6 = scf.for %scan3A_94 = %scan3A_2 to %scan3A_4 step %scan3A_5 iter_args(%scan3A_95 = %scan3A) -> (i32)  : i32 {
      %swap3A = arith.index_cast %scan3A_94 : i32 to index
      %swap3A_96 = arith.constant 0 : index
      %swap3A_97 = tpu.vector_load %arg13[%swap3A, %swap3A_96] {strides = array<i32>} : memref<80x128xf32, #tpu.memory_space<vmem>>, vector<1x16xf32>,
      %swap3A_98 = vector.shape_cast %swap3A_97 : vector<1x16xf32> to vector<16xf32>
      %swap3A_99 = vector.shape_cast %broadcast_in_dim3A_1 : vector<16xf32> to vector<1x16xf32>
      tpu.vector_store %arg13[%swap3A, %swap3A_96], %swap3A_99 {strides = array<i32>} : memref<80x128xf32, #tpu.memory_space<vmem>>, vector<1x16xf32>,
      %swap3A_100 = arith.index_cast %scan3A_94 : i32 to index
      %swap3A_101 = arith.constant 16 : index
      %swap3A_102 = tpu.vector_load %arg13[%swap3A_100, %swap3A_101] {strides = array<i32>} : memref<80x128xf32, #tpu.memory_space<vmem>>, vector<1x16xf32>,
      %swap3A_103 = vector.shape_cast %swap3A_102 : vector<1x16xf32> to vector<16xf32>
      %swap3A_104 = vector.shape_cast %broadcast_in_dim3A_1 : vector<16xf32> to vector<1x16xf32>
      tpu.vector_store %arg13[%swap3A_100, %swap3A_101], %swap3A_104 {strides = array<i32>} : memref<80x128xf32, #tpu.memory_space<vmem>>, vector<1x16xf32>,
      %swap3A_105 = arith.index_cast %scan3A_94 : i32 to index
      %swap3A_106 = arith.constant 32 : index
      %swap3A_107 = tpu.vector_load %arg13[%swap3A_105, %swap3A_106] {strides = array<i32>} : memref<80x128xf32, #tpu.memory_space<vmem>>, vector<1x16xf32>,
      %swap3A_108 = vector.shape_cast %swap3A_107 : vector<1x16xf32> to vector<16xf32>
      %swap3A_109 = vector.shape_cast %broadcast_in_dim3A_1 : vector<16xf32> to vector<1x16xf32>
      tpu.vector_store %arg13[%swap3A_105, %swap3A_106], %swap3A_109 {strides = array<i32>} : memref<80x128xf32, #tpu.memory_space<vmem>>, vector<1x16xf32>,
      %swap3A_110 = arith.index_cast %scan3A_94 : i32 to index
      %swap3A_111 = arith.constant 48 : index
      %swap3A_112 = tpu.vector_load %arg13[%swap3A_110, %swap3A_111] {strides = array<i32>} : memref<80x128xf32, #tpu.memory_space<vmem>>, vector<1x16xf32>,
      %swap3A_113 = vector.shape_cast %swap3A_112 : vector<1x16xf32> to vector<16xf32>
      %swap3A_114 = vector.shape_cast %broadcast_in_dim3A_1 : vector<16xf32> to vector<1x16xf32>
      tpu.vector_store %arg13[%swap3A_110, %swap3A_111], %swap3A_114 {strides = array<i32>} : memref<80x128xf32, #tpu.memory_space<vmem>>, vector<1x16xf32>,
      %swap3A_115 = arith.index_cast %scan3A_94 : i32 to index
      %swap3A_116 = arith.constant 64 : index
      %swap3A_117 = tpu.vector_load %arg13[%swap3A_115, %swap3A_116] {strides = array<i32>} : memref<80x128xf32, #tpu.memory_space<vmem>>, vector<1x16xf32>,
      %swap3A_118 = vector.shape_cast %swap3A_117 : vector<1x16xf32> to vector<16xf32>
      %swap3A_119 = vector.shape_cast %broadcast_in_dim3A_1 : vector<16xf32> to vector<1x16xf32>
      tpu.vector_store %arg13[%swap3A_115, %swap3A_116], %swap3A_119 {strides = array<i32>} : memref<80x128xf32, #tpu.memory_space<vmem>>, vector<1x16xf32>,
      %swap3A_120 = arith.index_cast %scan3A_94 : i32 to index
      %swap3A_121 = arith.constant 80 : index
      %swap3A_122 = tpu.vector_load %arg13[%swap3A_120, %swap3A_121] {strides = array<i32>} : memref<80x128xf32, #tpu.memory_space<vmem>>, vector<1x16xf32>,
      %swap3A_123 = vector.shape_cast %swap3A_122 : vector<1x16xf32> to vector<16xf32>
      %swap3A_124 = vector.shape_cast %broadcast_in_dim3A_1 : vector<16xf32> to vector<1x16xf32>
      tpu.vector_store %arg13[%swap3A_120, %swap3A_121], %swap3A_124 {strides = array<i32>} : memref<80x128xf32, #tpu.memory_space<vmem>>, vector<1x16xf32>,
      %swap3A_125 = arith.index_cast %scan3A_94 : i32 to index
      %swap3A_126 = arith.constant 96 : index
      %swap3A_127 = tpu.vector_load %arg13[%swap3A_125, %swap3A_126] {strides = array<i32>} : memref<80x128xf32, #tpu.memory_space<vmem>>, vector<1x16xf32>,
      %swap3A_128 = vector.shape_cast %swap3A_127 : vector<1x16xf32> to vector<16xf32>
      %swap3A_129 = vector.shape_cast %broadcast_in_dim3A_1 : vector<16xf32> to vector<1x16xf32>
      tpu.vector_store %arg13[%swap3A_125, %swap3A_126], %swap3A_129 {strides = array<i32>} : memref<80x128xf32, #tpu.memory_space<vmem>>, vector<1x16xf32>,
      %swap3A_130 = arith.index_cast %scan3A_94 : i32 to index
      %swap3A_131 = arith.constant 112 : index
      %swap3A_132 = tpu.vector_load %arg13[%swap3A_130, %swap3A_131] {strides = array<i32>} : memref<80x128xf32, #tpu.memory_space<vmem>>, vector<1x16xf32>,
      %swap3A_133 = vector.shape_cast %swap3A_132 : vector<1x16xf32> to vector<16xf32>
      %swap3A_134 = vector.shape_cast %broadcast_in_dim3A_1 : vector<16xf32> to vector<1x16xf32>
      tpu.vector_store %arg13[%swap3A_130, %swap3A_131], %swap3A_134 {strides = array<i32>} : memref<80x128xf32, #tpu.memory_space<vmem>>, vector<1x16xf32>,
      %scan3A_135 = arith.constant 0 : i32
      scf.yield %scan3A_135 : i32
    }
    %scan3A_7 = arith.constant 80 : i32
    %sub3A = arith.constant 125 : i32
    %sub3A_8 = arith.subi %sub3A, %arg1 : i32
    %add3A_9 = arith.constant 15 : i32
    %add3A_10 = arith.addi %sub3A_8, %add3A_9 : i32
    %jit3A = arith.constant 16 : i32
    %div3A = arith.divsi %add3A_10, %jit3A : i32
    %sign3A = arith.constant 0 : i32
    %sign3A_11 = arith.cmpi sgt, %add3A_10, %sign3A : i32
    %sign3A_12 = arith.extui %sign3A_11 : i1 to i32
    %sign3A_13 = arith.constant 0 : i32
    %sign3A_14 = arith.cmpi slt, %add3A_10, %sign3A_13 : i32
    %sign3A_15 = arith.extui %sign3A_14 : i1 to i32
    %sign3A_16 = arith.subi %sign3A_12, %sign3A_15 : i32
    %sign3A_17 = arith.constant 0 : i32
    %sign3A_18 = arith.cmpi sgt, %jit3A, %sign3A_17 : i32
    %sign3A_19 = arith.extui %sign3A_18 : i1 to i32
    %sign3A_20 = arith.constant 0 : i32
    %sign3A_21 = arith.cmpi slt, %jit3A, %sign3A_20 : i32
    %sign3A_22 = arith.extui %sign3A_21 : i1 to i32
    %sign3A_23 = arith.subi %sign3A_19, %sign3A_22 : i32
    %ne3A = arith.cmpi ne, %sign3A_16, %sign3A_23 : i32
    %rem3A = arith.remsi %add3A_10, %jit3A : i32
    %ne3A_24 = arith.constant 0 : i32
    %ne3A_25 = arith.cmpi ne, %rem3A, %ne3A_24 : i32
    %and3A = arith.andi %ne3A, %ne3A_25 : i1
    %sub3A_26 = arith.constant 1 : i32
    %sub3A_27 = arith.subi %div3A, %sub3A_26 : i32
    %select_n3A = arith.select %and3A, %sub3A_27, %div3A : i32
    %while3A = arith.constant 0 : i32
    %while3A_28 = arith.constant 0 : i32
    %while3A_29 = arith.subi %select_n3A, %while3A : i32
    %while3A_30 = arith.addi %while3A, %while3A_29 : i32
    %while3A_31 = arith.constant 1 : i32
    %while3A_32 = arith.divsi %while3A_29, %while3A_31 : i32
    %while3A_33 = arith.muli %while3A_32, %while3A_31 : i32
    %while3A_34 = arith.addi %while3A, %while3A_33 : i32
    %while3A_35 = arith.constant 1 : i32
    %while3A_36 = scf.for %while3A_94 = %while3A to %while3A_34 step %while3A_35 iter_args(%while3A_95 = %while3A_28) -> (i32)  : i32 {
      %mul3A_96 = arith.constant 16 : i32
      %mul3A_97 = arith.muli %mul3A_96, %while3A_94 : i32
      %add3A_98 = arith.addi %arg1, %mul3A_97 : i32
      %mul3A_99 = arith.constant 80 : i32
      %mul3A_100 = arith.muli %add3A_98, %mul3A_99 : i32
      "tpu.region"() ({
        %run_scoped3A = tpu.sem_alloc : memref<!tpu.dma_semaphore, #tpu.memory_space<semaphore_mem>>
        %dma_start3A = arith.constant 0 : i32
        %dma_start3A_102 = tpu.memref_slice %arg16[%mul3A_100, %dma_start3A] : memref<10000x128xf32, #tpu.memory_space<vmem_shared>> -> memref<80x128xf32, #tpu.memory_space<vmem_shared>>
        %dma_start3A_103 = arith.constant 0 : i32
        %dma_start3A_104 = tpu.memref_slice %arg16[%mul3A_100, %dma_start3A_103] : memref<10000x128xf32, #tpu.memory_space<vmem_shared>> -> memref<80x128xf32, #tpu.memory_space<vmem_shared>>
        tpu.enqueue_dma source(%arg13 : memref<80x128xf32, #tpu.memory_space<vmem>>) target(%dma_start3A_104 : memref<80x128xf32, #tpu.memory_space<vmem_shared>>) target_semaphore(%run_scoped3A : memref<!tpu.dma_semaphore, #tpu.memory_space<semaphore_mem>>)
        %dma_wait3A = arith.constant 0 : i32
        %dma_wait3A_105 = tpu.memref_slice %arg16[%mul3A_100, %dma_wait3A] : memref<10000x128xf32, #tpu.memory_space<vmem_shared>> -> memref<80x128xf32, #tpu.memory_space<vmem_shared>>
        %dma_wait3A_106 = arith.constant 0 : i32
        %dma_wait3A_107 = tpu.memref_slice %arg16[%mul3A_100, %dma_wait3A_106] : memref<10000x128xf32, #tpu.memory_space<vmem_shared>> -> memref<80x128xf32, #tpu.memory_space<vmem_shared>>
        tpu.wait_dma2 semaphore(%run_scoped3A : memref<!tpu.dma_semaphore, #tpu.memory_space<semaphore_mem>>) src(%arg13 : memref<80x128xf32, #tpu.memory_space<vmem>>) dst(%dma_wait3A_107 : memref<80x128xf32, #tpu.memory_space<vmem_shared>>)
        tpu.yield
      }) : () -> ()
      %while3A_101 = arith.constant 0 : i32
      scf.yield %while3A_101 : i32
    }
    %while3A_37 = arith.constant 1 : i32
    %while3A_38 = scf.for %while3A_94 = %while3A_34 to %while3A_30 step %while3A_37 iter_args(%while3A_95 = %while3A_36) -> (i32)  : i32 {
      %mul3A_96 = arith.constant 16 : i32
      %mul3A_97 = arith.muli %mul3A_96, %while3A_94 : i32
      %add3A_98 = arith.addi %arg1, %mul3A_97 : i32
      %mul3A_99 = arith.constant 80 : i32
      %mul3A_100 = arith.muli %add3A_98, %mul3A_99 : i32
      "tpu.region"() ({
        %run_scoped3A = tpu.sem_alloc : memref<!tpu.dma_semaphore, #tpu.memory_space<semaphore_mem>>
        %dma_start3A = arith.constant 0 : i32
        %dma_start3A_102 = tpu.memref_slice %arg16[%mul3A_100, %dma_start3A] : memref<10000x128xf32, #tpu.memory_space<vmem_shared>> -> memref<80x128xf32, #tpu.memory_space<vmem_shared>>
        %dma_start3A_103 = arith.constant 0 : i32
        %dma_start3A_104 = tpu.memref_slice %arg16[%mul3A_100, %dma_start3A_103] : memref<10000x128xf32, #tpu.memory_space<vmem_shared>> -> memref<80x128xf32, #tpu.memory_space<vmem_shared>>
        tpu.enqueue_dma source(%arg13 : memref<80x128xf32, #tpu.memory_space<vmem>>) target(%dma_start3A_104 : memref<80x128xf32, #tpu.memory_space<vmem_shared>>) target_semaphore(%run_scoped3A : memref<!tpu.dma_semaphore, #tpu.memory_space<semaphore_mem>>)
        %dma_wait3A = arith.constant 0 : i32
        %dma_wait3A_105 = tpu.memref_slice %arg16[%mul3A_100, %dma_wait3A] : memref<10000x128xf32, #tpu.memory_space<vmem_shared>> -> memref<80x128xf32, #tpu.memory_space<vmem_shared>>
        %dma_wait3A_106 = arith.constant 0 : i32
        %dma_wait3A_107 = tpu.memref_slice %arg16[%mul3A_100, %dma_wait3A_106] : memref<10000x128xf32, #tpu.memory_space<vmem_shared>> -> memref<80x128xf32, #tpu.memory_space<vmem_shared>>
        tpu.wait_dma2 semaphore(%run_scoped3A : memref<!tpu.dma_semaphore, #tpu.memory_space<semaphore_mem>>) src(%arg13 : memref<80x128xf32, #tpu.memory_space<vmem>>) dst(%dma_wait3A_107 : memref<80x128xf32, #tpu.memory_space<vmem_shared>>)
        tpu.yield
      }) : () -> ()
      %while3A_101 = arith.constant 0 : i32
      scf.yield %while3A_101 : i32
    }
    %barrier3A = arith.constant 0 : index
    tpu.barrier barrier_id(%barrier3A)
    %sub3A_39 = arith.constant 500 : i32
    %sub3A_40 = arith.subi %sub3A_39, %add3A : i32
    %add3A_41 = arith.constant 32 : i32
    %add3A_42 = arith.addi %sub3A_40, %add3A_41 : i32
    %sub3A_43 = arith.constant 1 : i32
    %sub3A_44 = arith.subi %add3A_42, %sub3A_43 : i32
    %jit3A_45 = arith.constant 32 : i32
    %div3A_46 = arith.divsi %sub3A_44, %jit3A_45 : i32
    %sign3A_47 = arith.constant 0 : i32
    %sign3A_48 = arith.cmpi sgt, %sub3A_44, %sign3A_47 : i32
    %sign3A_49 = arith.extui %sign3A_48 : i1 to i32
    %sign3A_50 = arith.constant 0 : i32
    %sign3A_51 = arith.cmpi slt, %sub3A_44, %sign3A_50 : i32
    %sign3A_52 = arith.extui %sign3A_51 : i1 to i32
    %sign3A_53 = arith.subi %sign3A_49, %sign3A_52 : i32
    %sign3A_54 = arith.constant 0 : i32
    %sign3A_55 = arith.cmpi sgt, %jit3A_45, %sign3A_54 : i32
    %sign3A_56 = arith.extui %sign3A_55 : i1 to i32
    %sign3A_57 = arith.constant 0 : i32
    %sign3A_58 = arith.cmpi slt, %jit3A_45, %sign3A_57 : i32
    %sign3A_59 = arith.extui %sign3A_58 : i1 to i32
    %sign3A_60 = arith.subi %sign3A_56, %sign3A_59 : i32
    %ne3A_61 = arith.cmpi ne, %sign3A_53, %sign3A_60 : i32
    %rem3A_62 = arith.remsi %sub3A_44, %jit3A_45 : i32
    %ne3A_63 = arith.constant 0 : i32
    %ne3A_64 = arith.cmpi ne, %rem3A_62, %ne3A_63 : i32
    %and3A_65 = arith.andi %ne3A_61, %ne3A_64 : i1
    %sub3A_66 = arith.constant 1 : i32
    %sub3A_67 = arith.subi %div3A_46, %sub3A_66 : i32
    %select_n3A_68 = arith.select %and3A_65, %sub3A_67, %div3A_46 : i32
    %while3A_69 = arith.constant 0 : i32
    %while3A_70 = arith.constant 0 : i32
    %while3A_71 = arith.subi %select_n3A_68, %while3A_69 : i32
    %while3A_72 = arith.addi %while3A_69, %while3A_71 : i32
    %while3A_73 = arith.constant 1 : i32
    %while3A_74 = arith.divsi %while3A_71, %while3A_73 : i32
    %while3A_75 = arith.muli %while3A_74, %while3A_73 : i32
    %while3A_76 = arith.addi %while3A_69, %while3A_75 : i32
    %while3A_77 = arith.constant 1 : i32
    %while3A_78 = scf.for %while3A_94 = %while3A_69 to %while3A_76 step %while3A_77 iter_args(%while3A_95 = %while3A_70) -> (i32)  : i32 {
      %mul3A_96 = arith.constant 32 : i32
      %mul3A_97 = arith.muli %mul3A_96, %while3A_94 : i32
      %add3A_98 = arith.addi %add3A, %mul3A_97 : i32
      %mul3A_99 = arith.constant 640 : i32
      %mul3A_100 = arith.muli %add3A_98, %mul3A_99 : i32
      %dma_start3A = tpu.memref_slice %arg3[%mul3A_100] : memref<320000xi32, #tpu.memory_space<hbm>> -> memref<640xi32, #tpu.memory_space<hbm>>
      %dma_start3A_101 = tpu.memref_slice %arg3[%mul3A_100] : memref<320000xi32, #tpu.memory_space<hbm>> -> memref<640xi32, #tpu.memory_space<hbm>>
      tpu.enqueue_dma source(%dma_start3A_101 : memref<640xi32, #tpu.memory_space<hbm>>) target(%arg6 : memref<640xi32, #tpu.memory_space<vmem>>) target_semaphore(%arg17 : memref<!tpu.dma_semaphore, #tpu.memory_space<semaphore_mem>>)
      %mul3A_102 = arith.constant 640 : i32
      %mul3A_103 = arith.muli %add3A_98, %mul3A_102 : i32
      %dma_start3A_104 = tpu.memref_slice %arg4[%mul3A_103] : memref<320000xi32, #tpu.memory_space<hbm>> -> memref<640xi32, #tpu.memory_space<hbm>>
      %dma_start3A_105 = tpu.memref_slice %arg4[%mul3A_103] : memref<320000xi32, #tpu.memory_space<hbm>> -> memref<640xi32, #tpu.memory_space<hbm>>
      tpu.enqueue_dma source(%dma_start3A_105 : memref<640xi32, #tpu.memory_space<hbm>>) target(%arg7 : memref<640xi32, #tpu.memory_space<vmem>>) target_semaphore(%arg18 : memref<!tpu.dma_semaphore, #tpu.memory_space<semaphore_mem>>)
      %dma_wait3A = tpu.memref_slice %arg3[%mul3A_100] : memref<320000xi32, #tpu.memory_space<hbm>> -> memref<640xi32, #tpu.memory_space<hbm>>
      %dma_wait3A_106 = tpu.memref_slice %arg3[%mul3A_100] : memref<320000xi32, #tpu.memory_space<hbm>> -> memref<640xi32, #tpu.memory_space<hbm>>
      tpu.wait_dma2 semaphore(%arg17 : memref<!tpu.dma_semaphore, #tpu.memory_space<semaphore_mem>>) src(%dma_wait3A_106 : memref<640xi32, #tpu.memory_space<hbm>>) dst(%arg6 : memref<640xi32, #tpu.memory_space<vmem>>)
      %dma_wait3A_107 = tpu.memref_slice %arg4[%mul3A_103] : memref<320000xi32, #tpu.memory_space<hbm>> -> memref<640xi32, #tpu.memory_space<hbm>>
      %dma_wait3A_108 = tpu.memref_slice %arg4[%mul3A_103] : memref<320000xi32, #tpu.memory_space<hbm>> -> memref<640xi32, #tpu.memory_space<hbm>>
      tpu.wait_dma2 semaphore(%arg18 : memref<!tpu.dma_semaphore, #tpu.memory_space<semaphore_mem>>) src(%dma_wait3A_108 : memref<640xi32, #tpu.memory_space<hbm>>) dst(%arg7 : memref<640xi32, #tpu.memory_space<vmem>>)
      %get3A = arith.constant 0 : index
      %get3A_109 = tpu.vector_load %arg7[%get3A] {strides = array<i32>} : memref<640xi32, #tpu.memory_space<vmem>>, vector<16xi32>,
      %get3A_110 = vector.shape_cast %get3A_109 : vector<16xi32> to vector<16xi32>
      %swap3A = arith.constant 0 : index
      %swap3A_111 = tpu.vector_load %arg10[%swap3A] {strides = array<i32>} : memref<80xi32, #tpu.memory_space<vmem>>, vector<16xi32>,
      %swap3A_112 = vector.shape_cast %swap3A_111 : vector<16xi32> to vector<16xi32>
      %swap3A_113 = vector.shape_cast %get3A_110 : vector<16xi32> to vector<16xi32>
      tpu.vector_store %arg10[%swap3A], %swap3A_113 {strides = array<i32>} : memref<80xi32, #tpu.memory_space<vmem>>, vector<16xi32>,
      %get3A_114 = arith.constant 16 : index
      %get3A_115 = tpu.vector_load %arg7[%get3A_114] {strides = array<i32>} : memref<640xi32, #tpu.memory_space<vmem>>, vector<16xi32>,
      %get3A_116 = vector.shape_cast %get3A_115 : vector<16xi32> to vector<16xi32>
      %swap3A_117 = arith.constant 16 : index
      %swap3A_118 = tpu.vector_load %arg10[%swap3A_117] {strides = array<i32>} : memref<80xi32, #tpu.memory_space<vmem>>, vector<16xi32>,
      %swap3A_119 = vector.shape_cast %swap3A_118 : vector<16xi32> to vector<16xi32>
      %swap3A_120 = vector.shape_cast %get3A_116 : vector<16xi32> to vector<16xi32>
      tpu.vector_store %arg10[%swap3A_117], %swap3A_120 {strides = array<i32>} : memref<80xi32, #tpu.memory_space<vmem>>, vector<16xi32>,
      %get3A_121 = arith.constant 32 : index
      %get3A_122 = tpu.vector_load %arg7[%get3A_121] {strides = array<i32>} : memref<640xi32, #tpu.memory_space<vmem>>, vector<16xi32>,
      %get3A_123 = vector.shape_cast %get3A_122 : vector<16xi32> to vector<16xi32>
      %swap3A_124 = arith.constant 32 : index
      %swap3A_125 = tpu.vector_load %arg10[%swap3A_124] {strides = array<i32>} : memref<80xi32, #tpu.memory_space<vmem>>, vector<16xi32>,
      %swap3A_126 = vector.shape_cast %swap3A_125 : vector<16xi32> to vector<16xi32>
      %swap3A_127 = vector.shape_cast %get3A_123 : vector<16xi32> to vector<16xi32>
      tpu.vector_store %arg10[%swap3A_124], %swap3A_127 {strides = array<i32>} : memref<80xi32, #tpu.memory_space<vmem>>, vector<16xi32>,
      %get3A_128 = arith.constant 48 : index
      %get3A_129 = tpu.vector_load %arg7[%get3A_128] {strides = array<i32>} : memref<640xi32, #tpu.memory_space<vmem>>, vector<16xi32>,
      %get3A_130 = vector.shape_cast %get3A_129 : vector<16xi32> to vector<16xi32>
      %swap3A_131 = arith.constant 48 : index
      %swap3A_132 = tpu.vector_load %arg10[%swap3A_131] {strides = array<i32>} : memref<80xi32, #tpu.memory_space<vmem>>, vector<16xi32>,
      %swap3A_133 = vector.shape_cast %swap3A_132 : vector<16xi32> to vector<16xi32>
      %swap3A_134 = vector.shape_cast %get3A_130 : vector<16xi32> to vector<16xi32>
      tpu.vector_store %arg10[%swap3A_131], %swap3A_134 {strides = array<i32>} : memref<80xi32, #tpu.memory_space<vmem>>, vector<16xi32>,
      %get3A_135 = arith.constant 64 : index
      %get3A_136 = tpu.vector_load %arg7[%get3A_135] {strides = array<i32>} : memref<640xi32, #tpu.memory_space<vmem>>, vector<16xi32>,
      %get3A_137 = vector.shape_cast %get3A_136 : vector<16xi32> to vector<16xi32>
      %swap3A_138 = arith.constant 64 : index
      %swap3A_139 = tpu.vector_load %arg10[%swap3A_138] {strides = array<i32>} : memref<80xi32, #tpu.memory_space<vmem>>, vector<16xi32>,
      %swap3A_140 = vector.shape_cast %swap3A_139 : vector<16xi32> to vector<16xi32>
      %swap3A_141 = vector.shape_cast %get3A_137 : vector<16xi32> to vector<16xi32>
      tpu.vector_store %arg10[%swap3A_138], %swap3A_141 {strides = array<i32>} : memref<80xi32, #tpu.memory_space<vmem>>, vector<16xi32>,
      %dma_start3A_142 = arith.constant 0 : i32
      %dma_start3A_143 = arith.constant 0 : i32
      %dma_start3A_144 = tpu.memref_slice %arg2[%dma_start3A_142, %dma_start3A_143] : memref<10000x128xf32, #tpu.memory_space<hbm>> -> memref<10000x128xf32, #tpu.memory_space<hbm>>
      tpu.enqueue_indirect_dma source(%dma_start3A_144 : memref<10000x128xf32, #tpu.memory_space<hbm>>) target(%arg13 : memref<80x128xf32, #tpu.memory_space<vmem>>) offsets(%arg10 : memref<80xi32, #tpu.memory_space<vmem>>) semaphore(%arg17 : memref<!tpu.dma_semaphore, #tpu.memory_space<semaphore_mem>>)
      %get3A_145 = arith.constant 80 : index
      %get3A_146 = tpu.vector_load %arg7[%get3A_145] {strides = array<i32>} : memref<640xi32, #tpu.memory_space<vmem>>, vector<16xi32>,
      %get3A_147 = vector.shape_cast %get3A_146 : vector<16xi32> to vector<16xi32>
      %swap3A_148 = arith.constant 0 : index
      %swap3A_149 = tpu.vector_load %arg11[%swap3A_148] {strides = array<i32>} : memref<80xi32, #tpu.memory_space<vmem>>, vector<16xi32>,
      %swap3A_150 = vector.shape_cast %swap3A_149 : vector<16xi32> to vector<16xi32>
      %swap3A_151 = vector.shape_cast %get3A_147 : vector<16xi32> to vector<16xi32>
      tpu.vector_store %arg11[%swap3A_148], %swap3A_151 {strides = array<i32>} : memref<80xi32, #tpu.memory_space<vmem>>, vector<16xi32>,
      %get3A_152 = arith.constant 96 : index
      %get3A_153 = tpu.vector_load %arg7[%get3A_152] {strides = array<i32>} : memref<640xi32, #tpu.memory_space<vmem>>, vector<16xi32>,
      %get3A_154 = vector.shape_cast %get3A_153 : vector<16xi32> to vector<16xi32>
      %swap3A_155 = arith.constant 16 : index
      %swap3A_156 = tpu.vector_load %arg11[%swap3A_155] {strides = array<i32>} : memref<80xi32, #tpu.memory_space<vmem>>, vector<16xi32>,
      %swap3A_157 = vector.shape_cast %swap3A_156 : vector<16xi32> to vector<16xi32>
      %swap3A_158 = vector.shape_cast %get3A_154 : vector<16xi32> to vector<16xi32>
      tpu.vector_store %arg11[%swap3A_155], %swap3A_158 {strides = array<i32>} : memref<80xi32, #tpu.memory_space<vmem>>, vector<16xi32>,
      %get3A_159 = arith.constant 112 : index
      %get3A_160 = tpu.vector_load %arg7[%get3A_159] {strides = array<i32>} : memref<640xi32, #tpu.memory_space<vmem>>, vector<16xi32>,
      %get3A_161 = vector.shape_cast %get3A_160 : vector<16xi32> to vector<16xi32>
      %swap3A_162 = arith.constant 32 : index
      %swap3A_163 = tpu.vector_load %arg11[%swap3A_162] {strides = array<i32>} : memref<80xi32, #tpu.memory_space<vmem>>, vector<16xi32>,
      %swap3A_164 = vector.shape_cast %swap3A_163 : vector<16xi32> to vector<16xi32>
      %swap3A_165 = vector.shape_cast %get3A_161 : vector<16xi32> to vector<16xi32>
      tpu.vector_store %arg11[%swap3A_162], %swap3A_165 {strides = array<i32>} : memref<80xi32, #tpu.memory_space<vmem>>, vector<16xi32>,
      %get3A_166 = arith.constant 128 : index
      %get3A_167 = tpu.vector_load %arg7[%get3A_166] {strides = array<i32>} : memref<640xi32, #tpu.memory_space<vmem>>, vector<16xi32>,
      %get3A_168 = vector.shape_cast %get3A_167 : vector<16xi32> to vector<16xi32>
      %swap3A_169 = arith.constant 48 : index
      %swap3A_170 = tpu.vector_load %arg11[%swap3A_169] {strides = array<i32>} : memref<80xi32, #tpu.memory_space<vmem>>, vector<16xi32>,
      %swap3A_171 = vector.shape_cast %swap3A_170 : vector<16xi32> to vector<16xi32>
      %swap3A_172 = vector.shape_cast %get3A_168 : vector<16xi32> to vector<16xi32>
      tpu.vector_store %arg11[%swap3A_169], %swap3A_172 {strides = array<i32>} : memref<80xi32, #tpu.memory_space<vmem>>, vector<16xi32>,
      %get3A_173 = arith.constant 144 : index
      %get3A_174 = tpu.vector_load %arg7[%get3A_173] {strides = array<i32>} : memref<640xi32, #tpu.memory_space<vmem>>, vector<16xi32>,
      %get3A_175 = vector.shape_cast %get3A_174 : vector<16xi32> to vector<16xi32>
      %swap3A_176 = arith.constant 64 : index
      %swap3A_177 = tpu.vector_load %arg11[%swap3A_176] {strides = array<i32>} : memref<80xi32, #tpu.memory_space<vmem>>, vector<16xi32>,
      %swap3A_178 = vector.shape_cast %swap3A_177 : vector<16xi32> to vector<16xi32>
      %swap3A_179 = vector.shape_cast %get3A_175 : vector<16xi32> to vector<16xi32>
      tpu.vector_store %arg11[%swap3A_176], %swap3A_179 {strides = array<i32>} : memref<80xi32, #tpu.memory_space<vmem>>, vector<16xi32>,
      %dma_start3A_180 = arith.constant 0 : i32
      %dma_start3A_181 = arith.constant 0 : i32
      %dma_start3A_182 = tpu.memref_slice %arg2[%dma_start3A_180, %dma_start3A_181] : memref<10000x128xf32, #tpu.memory_space<hbm>> -> memref<10000x128xf32, #tpu.memory_space<hbm>>
      tpu.enqueue_indirect_dma source(%dma_start3A_182 : memref<10000x128xf32, #tpu.memory_space<hbm>>) target(%arg14 : memref<80x128xf32, #tpu.memory_space<vmem>>) offsets(%arg11 : memref<80xi32, #tpu.memory_space<vmem>>) semaphore(%arg18 : memref<!tpu.dma_semaphore, #tpu.memory_space<semaphore_mem>>)
      %get3A_183 = arith.constant 160 : index
      %get3A_184 = tpu.vector_load %arg7[%get3A_183] {strides = array<i32>} : memref<640xi32, #tpu.memory_space<vmem>>, vector<16xi32>,
      %get3A_185 = vector.shape_cast %get3A_184 : vector<16xi32> to vector<16xi32>
      %swap3A_186 = arith.constant 0 : index
      %swap3A_187 = tpu.vector_load %arg12[%swap3A_186] {strides = array<i32>} : memref<80xi32, #tpu.memory_space<vmem>>, vector<16xi32>,
      %swap3A_188 = vector.shape_cast %swap3A_187 : vector<16xi32> to vector<16xi32>
      %swap3A_189 = vector.shape_cast %get3A_185 : vector<16xi32> to vector<16xi32>
      tpu.vector_store %arg12[%swap3A_186], %swap3A_189 {strides = array<i32>} : memref<80xi32, #tpu.memory_space<vmem>>, vector<16xi32>,
      %get3A_190 = arith.constant 176 : index
      %get3A_191 = tpu.vector_load %arg7[%get3A_190] {strides = array<i32>} : memref<640xi32, #tpu.memory_space<vmem>>, vector<16xi32>,
      %get3A_192 = vector.shape_cast %get3A_191 : vector<16xi32> to vector<16xi32>
      %swap3A_193 = arith.constant 16 : index
      %swap3A_194 = tpu.vector_load %arg12[%swap3A_193] {strides = array<i32>} : memref<80xi32, #tpu.memory_space<vmem>>, vector<16xi32>,
      %swap3A_195 = vector.shape_cast %swap3A_194 : vector<16xi32> to vector<16xi32>
      %swap3A_196 = vector.shape_cast %get3A_192 : vector<16xi32> to vector<16xi32>
      tpu.vector_store %arg12[%swap3A_193], %swap3A_196 {strides = array<i32>} : memref<80xi32, #tpu.memory_space<vmem>>, vector<16xi32>,
      %get3A_197 = arith.constant 192 : index
      %get3A_198 = tpu.vector_load %arg7[%get3A_197] {strides = array<i32>} : memref<640xi32, #tpu.memory_space<vmem>>, vector<16xi32>,
      %get3A_199 = vector.shape_cast %get3A_198 : vector<16xi32> to vector<16xi32>
      %swap3A_200 = arith.constant 32 : index
      %swap3A_201 = tpu.vector_load %arg12[%swap3A_200] {strides = array<i32>} : memref<80xi32, #tpu.memory_space<vmem>>, vector<16xi32>,
      %swap3A_202 = vector.shape_cast %swap3A_201 : vector<16xi32> to vector<16xi32>
      %swap3A_203 = vector.shape_cast %get3A_199 : vector<16xi32> to vector<16xi32>
      tpu.vector_store %arg12[%swap3A_200], %swap3A_203 {strides = array<i32>} : memref<80xi32, #tpu.memory_space<vmem>>, vector<16xi32>,
      %get3A_204 = arith.constant 208 : index
      %get3A_205 = tpu.vector_load %arg7[%get3A_204] {strides = array<i32>} : memref<640xi32, #tpu.memory_space<vmem>>, vector<16xi32>,
      %get3A_206 = vector.shape_cast %get3A_205 : vector<16xi32> to vector<16xi32>
      %swap3A_207 = arith.constant 48 : index
      %swap3A_208 = tpu.vector_load %arg12[%swap3A_207] {strides = array<i32>} : memref<80xi32, #tpu.memory_space<vmem>>, vector<16xi32>,
      %swap3A_209 = vector.shape_cast %swap3A_208 : vector<16xi32> to vector<16xi32>
      %swap3A_210 = vector.shape_cast %get3A_206 : vector<16xi32> to vector<16xi32>
      tpu.vector_store %arg12[%swap3A_207], %swap3A_210 {strides = array<i32>} : memref<80xi32, #tpu.memory_space<vmem>>, vector<16xi32>,
      %get3A_211 = arith.constant 224 : index
      %get3A_212 = tpu.vector_load %arg7[%get3A_211] {strides = array<i32>} : memref<640xi32, #tpu.memory_space<vmem>>, vector<16xi32>,
      %get3A_213 = vector.shape_cast %get3A_212 : vector<16xi32> to vector<16xi32>
      %swap3A_214 = arith.constant 64 : index
      %swap3A_215 = tpu.vector_load %arg12[%swap3A_214] {strides = array<i32>} : memref<80xi32, #tpu.memory_space<vmem>>, vector<16xi32>,
      %swap3A_216 = vector.shape_cast %swap3A_215 : vector<16xi32> to vector<16xi32>
      %swap3A_217 = vector.shape_cast %get3A_213 : vector<16xi32> to vector<16xi32>
      tpu.vector_store %arg12[%swap3A_214], %swap3A_217 {strides = array<i32>} : memref<80xi32, #tpu.memory_space<vmem>>, vector<16xi32>,
      %dma_start3A_218 = arith.constant 0 : i32
      %dma_start3A_219 = arith.constant 0 : i32
      %dma_start3A_220 = tpu.memref_slice %arg2[%dma_start3A_218, %dma_start3A_219] : memref<10000x128xf32, #tpu.memory_space<hbm>> -> memref<10000x128xf32, #tpu.memory_space<hbm>>
      tpu.enqueue_indirect_dma source(%dma_start3A_220 : memref<10000x128xf32, #tpu.memory_space<hbm>>) target(%arg15 : memref<80x128xf32, #tpu.memory_space<vmem>>) offsets(%arg12 : memref<80xi32, #tpu.memory_space<vmem>>) semaphore(%arg19 : memref<!tpu.dma_semaphore, #tpu.memory_space<semaphore_mem>>)
      %dma_wait3A_221 = arith.constant 0 : i32
      %dma_wait3A_222 = arith.constant 0 : i32
      %dma_wait3A_223 = tpu.memref_slice %arg2[%dma_wait3A_221, %dma_wait3A_222] : memref<10000x128xf32, #tpu.memory_space<hbm>> -> memref<10000x128xf32, #tpu.memory_space<hbm>>
      tpu.wait_indirect_dma semaphore(%arg17 : memref<!tpu.dma_semaphore, #tpu.memory_space<semaphore_mem>>) src(%dma_wait3A_223 : memref<10000x128xf32, #tpu.memory_space<hbm>>) dst(%arg13 : memref<80x128xf32, #tpu.memory_space<vmem>>)
      %get3A_224 = arith.constant 0 : index
      %get3A_225 = tpu.vector_load %arg6[%get3A_224] {strides = array<i32>} : memref<640xi32, #tpu.memory_space<vmem>>, vector<16xi32>,
      %get3A_226 = vector.shape_cast %get3A_225 : vector<16xi32> to vector<16xi32>
      %swap3A_227 = arith.constant 0 : index
      %swap3A_228 = tpu.vector_load %arg8[%swap3A_227] {strides = array<i32>} : memref<80xi32, #tpu.memory_space<vmem>>, vector<16xi32>,
      %swap3A_229 = vector.shape_cast %swap3A_228 : vector<16xi32> to vector<16xi32>
      %swap3A_230 = vector.shape_cast %get3A_226 : vector<16xi32> to vector<16xi32>
      tpu.vector_store %arg8[%swap3A_227], %swap3A_230 {strides = array<i32>} : memref<80xi32, #tpu.memory_space<vmem>>, vector<16xi32>,
      %get3A_231 = arith.constant 16 : index
      %get3A_232 = tpu.vector_load %arg6[%get3A_231] {strides = array<i32>} : memref<640xi32, #tpu.memory_space<vmem>>, vector<16xi32>,
      %get3A_233 = vector.shape_cast %get3A_232 : vector<16xi32> to vector<16xi32>
      %swap3A_234 = arith.constant 16 : index
      %swap3A_235 = tpu.vector_load %arg8[%swap3A_234] {strides = array<i32>} : memref<80xi32, #tpu.memory_space<vmem>>, vector<16xi32>,
      %swap3A_236 = vector.shape_cast %swap3A_235 : vector<16xi32> to vector<16xi32>
      %swap3A_237 = vector.shape_cast %get3A_233 : vector<16xi32> to vector<16xi32>
      tpu.vector_store %arg8[%swap3A_234], %swap3A_237 {strides = array<i32>} : memref<80xi32, #tpu.memory_space<vmem>>, vector<16xi32>,
      %get3A_238 = arith.constant 32 : index
      %get3A_239 = tpu.vector_load %arg6[%get3A_238] {strides = array<i32>} : memref<640xi32, #tpu.memory_space<vmem>>, vector<16xi32>,
      %get3A_240 = vector.shape_cast %get3A_239 : vector<16xi32> to vector<16xi32>
      %swap3A_241 = arith.constant 32 : index
      %swap3A_242 = tpu.vector_load %arg8[%swap3A_241] {strides = array<i32>} : memref<80xi32, #tpu.memory_space<vmem>>, vector<16xi32>,
      %swap3A_243 = vector.shape_cast %swap3A_242 : vector<16xi32> to vector<16xi32>
      %swap3A_244 = vector.shape_cast %get3A_240 : vector<16xi32> to vector<16xi32>
      tpu.vector_store %arg8[%swap3A_241], %swap3A_244 {strides = array<i32>} : memref<80xi32, #tpu.memory_space<vmem>>, vector<16xi32>,
      %get3A_245 = arith.constant 48 : index
      %get3A_246 = tpu.vector_load %arg6[%get3A_245] {strides = array<i32>} : memref<640xi32, #tpu.memory_space<vmem>>, vector<16xi32>,
      %get3A_247 = vector.shape_cast %get3A_246 : vector<16xi32> to vector<16xi32>
      %swap3A_248 = arith.constant 48 : index
      %swap3A_249 = tpu.vector_load %arg8[%swap3A_248] {strides = array<i32>} : memref<80xi32, #tpu.memory_space<vmem>>, vector<16xi32>,
      %swap3A_250 = vector.shape_cast %swap3A_249 : vector<16xi32> to vector<16xi32>
      %swap3A_251 = vector.shape_cast %get3A_247 : vector<16xi32> to vector<16xi32>
      tpu.vector_store %arg8[%swap3A_248], %swap3A_251 {strides = array<i32>} : memref<80xi32, #tpu.memory_space<vmem>>, vector<16xi32>,
      %get3A_252 = arith.constant 64 : index
      %get3A_253 = tpu.vector_load %arg6[%get3A_252] {strides = array<i32>} : memref<640xi32, #tpu.memory_space<vmem>>, vector<16xi32>,
      %get3A_254 = vector.shape_cast %get3A_253 : vector<16xi32> to vector<16xi32>
      %swap3A_255 = arith.constant 64 : index
      %swap3A_256 = tpu.vector_load %arg8[%swap3A_255] {strides = array<i32>} : memref<80xi32, #tpu.memory_space<vmem>>, vector<16xi32>,
      %swap3A_257 = vector.shape_cast %swap3A_256 : vector<16xi32> to vector<16xi32>
      %swap3A_258 = vector.shape_cast %get3A_254 : vector<16xi32> to vector<16xi32>
      tpu.vector_store %arg8[%swap3A_255], %swap3A_258 {strides = array<i32>} : memref<80xi32, #tpu.memory_space<vmem>>, vector<16xi32>,
      %get3A_259 = arith.constant 240 : index
      %get3A_260 = tpu.vector_load %arg7[%get3A_259] {strides = array<i32>} : memref<640xi32, #tpu.memory_space<vmem>>, vector<16xi32>,
      %get3A_261 = vector.shape_cast %get3A_260 : vector<16xi32> to vector<16xi32>
      %swap3A_262 = arith.constant 0 : index
      %swap3A_263 = tpu.vector_load %arg10[%swap3A_262] {strides = array<i32>} : memref<80xi32, #tpu.memory_space<vmem>>, vector<16xi32>,
      %swap3A_264 = vector.shape_cast %swap3A_263 : vector<16xi32> to vector<16xi32>
      %swap3A_265 = vector.shape_cast %get3A_261 : vector<16xi32> to vector<16xi32>
      tpu.vector_store %arg10[%swap3A_262], %swap3A_265 {strides = array<i32>} : memref<80xi32, #tpu.memory_space<vmem>>, vector<16xi32>,
      %get3A_266 = arith.constant 256 : index
      %get3A_267 = tpu.vector_load %arg7[%get3A_266] {strides = array<i32>} : memref<640xi32, #tpu.memory_space<vmem>>, vector<16xi32>,
      %get3A_268 = vector.shape_cast %get3A_267 : vector<16xi32> to vector<16xi32>
      %swap3A_269 = arith.constant 16 : index
      %swap3A_270 = tpu.vector_load %arg10[%swap3A_269] {strides = array<i32>} : memref<80xi32, #tpu.memory_space<vmem>>, vector<16xi32>,
      %swap3A_271 = vector.shape_cast %swap3A_270 : vector<16xi32> to vector<16xi32>
      %swap3A_272 = vector.shape_cast %get3A_268 : vector<16xi32> to vector<16xi32>
      tpu.vector_store %arg10[%swap3A_269], %swap3A_272 {strides = array<i32>} : memref<80xi32, #tpu.memory_space<vmem>>, vector<16xi32>,
      %get3A_273 = arith.constant 272 : index
      %get3A_274 = tpu.vector_load %arg7[%get3A_273] {strides = array<i32>} : memref<640xi32, #tpu.memory_space<vmem>>, vector<16xi32>,
      %get3A_275 = vector.shape_cast %get3A_274 : vector<16xi32> to vector<16xi32>
      %swap3A_276 = arith.constant 32 : index
      %swap3A_277 = tpu.vector_load %arg10[%swap3A_276] {strides = array<i32>} : memref<80xi32, #tpu.memory_space<vmem>>, vector<16xi32>,
      %swap3A_278 = vector.shape_cast %swap3A_277 : vector<16xi32> to vector<16xi32>
      %swap3A_279 = vector.shape_cast %get3A_275 : vector<16xi32> to vector<16xi32>
      tpu.vector_store %arg10[%swap3A_276], %swap3A_279 {strides = array<i32>} : memref<80xi32, #tpu.memory_space<vmem>>, vector<16xi32>,
      %get3A_280 = arith.constant 288 : index
      %get3A_281 = tpu.vector_load %arg7[%get3A_280] {strides = array<i32>} : memref<640xi32, #tpu.memory_space<vmem>>, vector<16xi32>,
      %get3A_282 = vector.shape_cast %get3A_281 : vector<16xi32> to vector<16xi32>
      %swap3A_283 = arith.constant 48 : index
      %swap3A_284 = tpu.vector_load %arg10[%swap3A_283] {strides = array<i32>} : memref<80xi32, #tpu.memory_space<vmem>>, vector<16xi32>,
      %swap3A_285 = vector.shape_cast %swap3A_284 : vector<16xi32> to vector<16xi32>
      %swap3A_286 = vector.shape_cast %get3A_282 : vector<16xi32> to vector<16xi32>
      tpu.vector_store %arg10[%swap3A_283], %swap3A_286 {strides = array<i32>} : memref<80xi32, #tpu.memory_space<vmem>>, vector<16xi32>,
      %get3A_287 = arith.constant 304 : index
      %get3A_288 = tpu.vector_load %arg7[%get3A_287] {strides = array<i32>} : memref<640xi32, #tpu.memory_space<vmem>>, vector<16xi32>,
      %get3A_289 = vector.shape_cast %get3A_288 : vector<16xi32> to vector<16xi32>
      %swap3A_290 = arith.constant 64 : index
      %swap3A_291 = tpu.vector_load %arg10[%swap3A_290] {strides = array<i32>} : memref<80xi32, #tpu.memory_space<vmem>>, vector<16xi32>,
      %swap3A_292 = vector.shape_cast %swap3A_291 : vector<16xi32> to vector<16xi32>
      %swap3A_293 = vector.shape_cast %get3A_289 : vector<16xi32> to vector<16xi32>
      tpu.vector_store %arg10[%swap3A_290], %swap3A_293 {strides = array<i32>} : memref<80xi32, #tpu.memory_space<vmem>>, vector<16xi32>,
      %dma_start3A_294 = arith.constant 0 : i32
      %dma_start3A_295 = arith.constant 0 : i32
      %dma_start3A_296 = tpu.memref_slice %arg2[%dma_start3A_294, %dma_start3A_295] : memref<10000x128xf32, #tpu.memory_space<hbm>> -> memref<10000x128xf32, #tpu.memory_space<hbm>>
      tpu.enqueue_indirect_dma source(%dma_start3A_296 : memref<10000x128xf32, #tpu.memory_space<hbm>>) target(%arg13 : memref<80x128xf32, #tpu.memory_space<vmem>>) offsets(%arg10 : memref<80xi32, #tpu.memory_space<vmem>>) semaphore(%arg17 : memref<!tpu.dma_semaphore, #tpu.memory_space<semaphore_mem>>)
      %dma_wait3A_297 = arith.constant 0 : i32
      %dma_wait3A_298 = arith.constant 0 : i32
      %dma_wait3A_299 = tpu.memref_slice %arg2[%dma_wait3A_297, %dma_wait3A_298] : memref<10000x128xf32, #tpu.memory_space<hbm>> -> memref<10000x128xf32, #tpu.memory_space<hbm>>
      tpu.wait_indirect_dma semaphore(%arg18 : memref<!tpu.dma_semaphore, #tpu.memory_space<semaphore_mem>>) src(%dma_wait3A_299 : memref<10000x128xf32, #tpu.memory_space<hbm>>) dst(%arg14 : memref<80x128xf32, #tpu.memory_space<vmem>>)
      %get3A_300 = arith.constant 80 : index
      %get3A_301 = tpu.vector_load %arg6[%get3A_300] {strides = array<i32>} : memref<640xi32, #tpu.memory_space<vmem>>, vector<16xi32>,
      %get3A_302 = vector.shape_cast %get3A_301 : vector<16xi32> to vector<16xi32>
      %swap3A_303 = arith.constant 0 : index
      %swap3A_304 = tpu.vector_load %arg9[%swap3A_303] {strides = array<i32>} : memref<80xi32, #tpu.memory_space<vmem>>, vector<16xi32>,
      %swap3A_305 = vector.shape_cast %swap3A_304 : vector<16xi32> to vector<16xi32>
      %swap3A_306 = vector.shape_cast %get3A_302 : vector<16xi32> to vector<16xi32>
      tpu.vector_store %arg9[%swap3A_303], %swap3A_306 {strides = array<i32>} : memref<80xi32, #tpu.memory_space<vmem>>, vector<16xi32>,
      %get3A_307 = arith.constant 96 : index
      %get3A_308 = tpu.vector_load %arg6[%get3A_307] {strides = array<i32>} : memref<640xi32, #tpu.memory_space<vmem>>, vector<16xi32>,
      %get3A_309 = vector.shape_cast %get3A_308 : vector<16xi32> to vector<16xi32>
      %swap3A_310 = arith.constant 16 : index
      %swap3A_311 = tpu.vector_load %arg9[%swap3A_310] {strides = array<i32>} : memref<80xi32, #tpu.memory_space<vmem>>, vector<16xi32>,
      %swap3A_312 = vector.shape_cast %swap3A_311 : vector<16xi32> to vector<16xi32>
      %swap3A_313 = vector.shape_cast %get3A_309 : vector<16xi32> to vector<16xi32>
      tpu.vector_store %arg9[%swap3A_310], %swap3A_313 {strides = array<i32>} : memref<80xi32, #tpu.memory_space<vmem>>, vector<16xi32>,
      %get3A_314 = arith.constant 112 : index
      %get3A_315 = tpu.vector_load %arg6[%get3A_314] {strides = array<i32>} : memref<640xi32, #tpu.memory_space<vmem>>, vector<16xi32>,
      %get3A_316 = vector.shape_cast %get3A_315 : vector<16xi32> to vector<16xi32>
      %swap3A_317 = arith.constant 32 : index
      %swap3A_318 = tpu.vector_load %arg9[%swap3A_317] {strides = array<i32>} : memref<80xi32, #tpu.memory_space<vmem>>, vector<16xi32>,
      %swap3A_319 = vector.shape_cast %swap3A_318 : vector<16xi32> to vector<16xi32>
      %swap3A_320 = vector.shape_cast %get3A_316 : vector<16xi32> to vector<16xi32>
      tpu.vector_store %arg9[%swap3A_317], %swap3A_320 {strides = array<i32>} : memref<80xi32, #tpu.memory_space<vmem>>, vector<16xi32>,
      %get3A_321 = arith.constant 128 : index
      %get3A_322 = tpu.vector_load %arg6[%get3A_321] {strides = array<i32>} : memref<640xi32, #tpu.memory_space<vmem>>, vector<16xi32>,
      %get3A_323 = vector.shape_cast %get3A_322 : vector<16xi32> to vector<16xi32>
      %swap3A_324 = arith.constant 48 : index
      %swap3A_325 = tpu.vector_load %arg9[%swap3A_324] {strides = array<i32>} : memref<80xi32, #tpu.memory_space<vmem>>, vector<16xi32>,
      %swap3A_326 = vector.shape_cast %swap3A_325 : vector<16xi32> to vector<16xi32>
      %swap3A_327 = vector.shape_cast %get3A_323 : vector<16xi32> to vector<16xi32>
      tpu.vector_store %arg9[%swap3A_324], %swap3A_327 {strides = array<i32>} : memref<80xi32, #tpu.memory_space<vmem>>, vector<16xi32>,
      %get3A_328 = arith.constant 144 : index
      %get3A_329 = tpu.vector_load %arg6[%get3A_328] {strides = array<i32>} : memref<640xi32, #tpu.memory_space<vmem>>, vector<16xi32>,
      %get3A_330 = vector.shape_cast %get3A_329 : vector<16xi32> to vector<16xi32>
      %swap3A_331 = arith.constant 64 : index
      %swap3A_332 = tpu.vector_load %arg9[%swap3A_331] {strides = array<i32>} : memref<80xi32, #tpu.memory_space<vmem>>, vector<16xi32>,
      %swap3A_333 = vector.shape_cast %swap3A_332 : vector<16xi32> to vector<16xi32>
      %swap3A_334 = vector.shape_cast %get3A_330 : vector<16xi32> to vector<16xi32>
      tpu.vector_store %arg9[%swap3A_331], %swap3A_334 {strides = array<i32>} : memref<80xi32, #tpu.memory_space<vmem>>, vector<16xi32>,
      %get3A_335 = arith.constant 320 : index
      %get3A_336 = tpu.vector_load %arg7[%get3A_335] {strides = array<i32>} : memref<640xi32, #tpu.memory_space<vmem>>, vector<16xi32>,
      %get3A_337 = vector.shape_cast %get3A_336 : vector<16xi32> to vector<16xi32>
      %swap3A_338 = arith.constant 0 : index
      %swap3A_339 = tpu.vector_load %arg11[%swap3A_338] {strides = array<i32>} : memref<80xi32, #tpu.memory_space<vmem>>, vector<16xi32>,
      %swap3A_340 = vector.shape_cast %swap3A_339 : vector<16xi32> to vector<16xi32>
      %swap3A_341 = vector.shape_cast %get3A_337 : vector<16xi32> to vector<16xi32>
      tpu.vector_store %arg11[%swap3A_338], %swap3A_341 {strides = array<i32>} : memref<80xi32, #tpu.memory_space<vmem>>, vector<16xi32>,
      %get3A_342 = arith.constant 336 : index
      %get3A_343 = tpu.vector_load %arg7[%get3A_342] {strides = array<i32>} : memref<640xi32, #tpu.memory_space<vmem>>, vector<16xi32>,
      %get3A_344 = vector.shape_cast %get3A_343 : vector<16xi32> to vector<16xi32>
      %swap3A_345 = arith.constant 16 : index
      %swap3A_346 = tpu.vector_load %arg11[%swap3A_345] {strides = array<i32>} : memref<80xi32, #tpu.memory_space<vmem>>, vector<16xi32>,
      %swap3A_347 = vector.shape_cast %swap3A_346 : vector<16xi32> to vector<16xi32>
      %swap3A_348 = vector.shape_cast %get3A_344 : vector<16xi32> to vector<16xi32>
      tpu.vector_store %arg11[%swap3A_345], %swap3A_348 {strides = array<i32>} : memref<80xi32, #tpu.memory_space<vmem>>, vector<16xi32>,
      %get3A_349 = arith.constant 352 : index
      %get3A_350 = tpu.vector_load %arg7[%get3A_349] {strides = array<i32>} : memref<640xi32, #tpu.memory_space<vmem>>, vector<16xi32>,
      %get3A_351 = vector.shape_cast %get3A_350 : vector<16xi32> to vector<16xi32>
      %swap3A_352 = arith.constant 32 : index
      %swap3A_353 = tpu.vector_load %arg11[%swap3A_352] {strides = array<i32>} : memref<80xi32, #tpu.memory_space<vmem>>, vector<16xi32>,
      %swap3A_354 = vector.shape_cast %swap3A_353 : vector<16xi32> to vector<16xi32>
      %swap3A_355 = vector.shape_cast %get3A_351 : vector<16xi32> to vector<16xi32>
      tpu.vector_store %arg11[%swap3A_352], %swap3A_355 {strides = array<i32>} : memref<80xi32, #tpu.memory_space<vmem>>, vector<16xi32>,
      %get3A_356 = arith.constant 368 : index
      %get3A_357 = tpu.vector_load %arg7[%get3A_356] {strides = array<i32>} : memref<640xi32, #tpu.memory_space<vmem>>, vector<16xi32>,
      %get3A_358 = vector.shape_cast %get3A_357 : vector<16xi32> to vector<16xi32>
      %swap3A_359 = arith.constant 48 : index
      %swap3A_360 = tpu.vector_load %arg11[%swap3A_359] {strides = array<i32>} : memref<80xi32, #tpu.memory_space<vmem>>, vector<16xi32>,
      %swap3A_361 = vector.shape_cast %swap3A_360 : vector<16xi32> to vector<16xi32>
      %swap3A_362 = vector.shape_cast %get3A_358 : vector<16xi32> to vector<16xi32>
      tpu.vector_store %arg11[%swap3A_359], %swap3A_362 {strides = array<i32>} : memref<80xi32, #tpu.memory_space<vmem>>, vector<16xi32>,
      %get3A_363 = arith.constant 384 : index
      %get3A_364 = tpu.vector_load %arg7[%get3A_363] {strides = array<i32>} : memref<640xi32, #tpu.memory_space<vmem>>, vector<16xi32>,
      %get3A_365 = vector.shape_cast %get3A_364 : vector<16xi32> to vector<16xi32>
      %swap3A_366 = arith.constant 64 : index
      %swap3A_367 = tpu.vector_load %arg11[%swap3A_366] {strides = array<i32>} : memref<80xi32, #tpu.memory_space<vmem>>, vector<16xi32>,
      %swap3A_368 = vector.shape_cast %swap3A_367 : vector<16xi32> to vector<16xi32>
      %swap3A_369 = vector.shape_cast %get3A_365 : vector<16xi32> to vector<16xi32>
      tpu.vector_store %arg11[%swap3A_366], %swap3A_369 {strides = array<i32>} : memref<80xi32, #tpu.memory_space<vmem>>, vector<16xi32>,
      %dma_start3A_370 = arith.constant 0 : i32
      %dma_start3A_371 = arith.constant 0 : i32
      %dma_start3A_372 = tpu.memref_slice %arg2[%dma_start3A_370, %dma_start3A_371] : memref<10000x128xf32, #tpu.memory_space<hbm>> -> memref<10000x128xf32, #tpu.memory_space<hbm>>
      tpu.enqueue_indirect_dma source(%dma_start3A_372 : memref<10000x128xf32, #tpu.memory_space<hbm>>) target(%arg14 : memref<80x128xf32, #tpu.memory_space<vmem>>) offsets(%arg11 : memref<80xi32, #tpu.memory_space<vmem>>) semaphore(%arg18 : memref<!tpu.dma_semaphore, #tpu.memory_space<semaphore_mem>>)
      %dma_wait3A_373 = arith.constant 0 : i32
      %dma_wait3A_374 = arith.constant 0 : i32
      %dma_wait3A_375 = tpu.memref_slice %arg2[%dma_wait3A_373, %dma_wait3A_374] : memref<10000x128xf32, #tpu.memory_space<hbm>> -> memref<10000x128xf32, #tpu.memory_space<hbm>>
      tpu.wait_indirect_dma semaphore(%arg19 : memref<!tpu.dma_semaphore, #tpu.memory_space<semaphore_mem>>) src(%dma_wait3A_375 : memref<10000x128xf32, #tpu.memory_space<hbm>>) dst(%arg15 : memref<80x128xf32, #tpu.memory_space<vmem>>)
      %get3A_376 = arith.constant 160 : index
      %get3A_377 = tpu.vector_load %arg6[%get3A_376] {strides = array<i32>} : memref<640xi32, #tpu.memory_space<vmem>>, vector<16xi32>,
      %get3A_378 = vector.shape_cast %get3A_377 : vector<16xi32> to vector<16xi32>
      %swap3A_379 = arith.constant 0 : index
      %swap3A_380 = tpu.vector_load %arg8[%swap3A_379] {strides = array<i32>} : memref<80xi32, #tpu.memory_space<vmem>>, vector<16xi32>,
      %swap3A_381 = vector.shape_cast %swap3A_380 : vector<16xi32> to vector<16xi32>
      %swap3A_382 = vector.shape_cast %get3A_378 : vector<16xi32> to vector<16xi32>
      tpu.vector_store %arg8[%swap3A_379], %swap3A_382 {strides = array<i32>} : memref<80xi32, #tpu.memory_space<vmem>>, vector<16xi32>,
      %get3A_383 = arith.constant 176 : index
      %get3A_384 = tpu.vector_load %arg6[%get3A_383] {strides = array<i32>} : memref<640xi32, #tpu.memory_space<vmem>>, vector<16xi32>,
      %get3A_385 = vector.shape_cast %get3A_384 : vector<16xi32> to vector<16xi32>
      %swap3A_386 = arith.constant 16 : index
      %swap3A_387 = tpu.vector_load %arg8[%swap3A_386] {strides = array<i32>} : memref<80xi32, #tpu.memory_space<vmem>>, vector<16xi32>,
      %swap3A_388 = vector.shape_cast %swap3A_387 : vector<16xi32> to vector<16xi32>
      %swap3A_389 = vector.shape_cast %get3A_385 : vector<16xi32> to vector<16xi32>
      tpu.vector_store %arg8[%swap3A_386], %swap3A_389 {strides = array<i32>} : memref<80xi32, #tpu.memory_space<vmem>>, vector<16xi32>,
      %get3A_390 = arith.constant 192 : index
      %get3A_391 = tpu.vector_load %arg6[%get3A_390] {strides = array<i32>} : memref<640xi32, #tpu.memory_space<vmem>>, vector<16xi32>,
      %get3A_392 = vector.shape_cast %get3A_391 : vector<16xi32> to vector<16xi32>
      %swap3A_393 = arith.constant 32 : index
      %swap3A_394 = tpu.vector_load %arg8[%swap3A_393] {strides = array<i32>} : memref<80xi32, #tpu.memory_space<vmem>>, vector<16xi32>,
      %swap3A_395 = vector.shape_cast %swap3A_394 : vector<16xi32> to vector<16xi32>
      %swap3A_396 = vector.shape_cast %get3A_392 : vector<16xi32> to vector<16xi32>
      tpu.vector_store %arg8[%swap3A_393], %swap3A_396 {strides = array<i32>} : memref<80xi32, #tpu.memory_space<vmem>>, vector<16xi32>,
      %get3A_397 = arith.constant 208 : index
      %get3A_398 = tpu.vector_load %arg6[%get3A_397] {strides = array<i32>} : memref<640xi32, #tpu.memory_space<vmem>>, vector<16xi32>,
      %get3A_399 = vector.shape_cast %get3A_398 : vector<16xi32> to vector<16xi32>
      %swap3A_400 = arith.constant 48 : index
      %swap3A_401 = tpu.vector_load %arg8[%swap3A_400] {strides = array<i32>} : memref<80xi32, #tpu.memory_space<vmem>>, vector<16xi32>,
      %swap3A_402 = vector.shape_cast %swap3A_401 : vector<16xi32> to vector<16xi32>
      %swap3A_403 = vector.shape_cast %get3A_399 : vector<16xi32> to vector<16xi32>
      tpu.vector_store %arg8[%swap3A_400], %swap3A_403 {strides = array<i32>} : memref<80xi32, #tpu.memory_space<vmem>>, vector<16xi32>,
      %get3A_404 = arith.constant 224 : index
      %get3A_405 = tpu.vector_load %arg6[%get3A_404] {strides = array<i32>} : memref<640xi32, #tpu.memory_space<vmem>>, vector<16xi32>,
      %get3A_406 = vector.shape_cast %get3A_405 : vector<16xi32> to vector<16xi32>
      %swap3A_407 = arith.constant 64 : index
      %swap3A_408 = tpu.vector_load %arg8[%swap3A_407] {strides = array<i32>} : memref<80xi32, #tpu.memory_space<vmem>>, vector<16xi32>,
      %swap3A_409 = vector.shape_cast %swap3A_408 : vector<16xi32> to vector<16xi32>
      %swap3A_410 = vector.shape_cast %get3A_406 : vector<16xi32> to vector<16xi32>
      tpu.vector_store %arg8[%swap3A_407], %swap3A_410 {strides = array<i32>} : memref<80xi32, #tpu.memory_space<vmem>>, vector<16xi32>,
      %get3A_411 = arith.constant 400 : index
      %get3A_412 = tpu.vector_load %arg7[%get3A_411] {strides = array<i32>} : memref<640xi32, #tpu.memory_space<vmem>>, vector<16xi32>,
      %get3A_413 = vector.shape_cast %get3A_412 : vector<16xi32> to vector<16xi32>
      %swap3A_414 = arith.constant 0 : index
      %swap3A_415 = tpu.vector_load %arg12[%swap3A_414] {strides = array<i32>} : memref<80xi32, #tpu.memory_space<vmem>>, vector<16xi32>,
      %swap3A_416 = vector.shape_cast %swap3A_415 : vector<16xi32> to vector<16xi32>
      %swap3A_417 = vector.shape_cast %get3A_413 : vector<16xi32> to vector<16xi32>
      tpu.vector_store %arg12[%swap3A_414], %swap3A_417 {strides = array<i32>} : memref<80xi32, #tpu.memory_space<vmem>>, vector<16xi32>,
      %get3A_418 = arith.constant 416 : index
      %get3A_419 = tpu.vector_load %arg7[%get3A_418] {strides = array<i32>} : memref<640xi32, #tpu.memory_space<vmem>>, vector<16xi32>,
      %get3A_420 = vector.shape_cast %get3A_419 : vector<16xi32> to vector<16xi32>
      %swap3A_421 = arith.constant 16 : index
      %swap3A_422 = tpu.vector_load %arg12[%swap3A_421] {strides = array<i32>} : memref<80xi32, #tpu.memory_space<vmem>>, vector<16xi32>,
      %swap3A_423 = vector.shape_cast %swap3A_422 : vector<16xi32> to vector<16xi32>
      %swap3A_424 = vector.shape_cast %get3A_420 : vector<16xi32> to vector<16xi32>
      tpu.vector_store %arg12[%swap3A_421], %swap3A_424 {strides = array<i32>} : memref<80xi32, #tpu.memory_space<vmem>>, vector<16xi32>,
      %get3A_425 = arith.constant 432 : index
      %get3A_426 = tpu.vector_load %arg7[%get3A_425] {strides = array<i32>} : memref<640xi32, #tpu.memory_space<vmem>>, vector<16xi32>,
      %get3A_427 = vector.shape_cast %get3A_426 : vector<16xi32> to vector<16xi32>
      %swap3A_428 = arith.constant 32 : index
      %swap3A_429 = tpu.vector_load %arg12[%swap3A_428] {strides = array<i32>} : memref<80xi32, #tpu.memory_space<vmem>>, vector<16xi32>,
      %swap3A_430 = vector.shape_cast %swap3A_429 : vector<16xi32> to vector<16xi32>
      %swap3A_431 = vector.shape_cast %get3A_427 : vector<16xi32> to vector<16xi32>
      tpu.vector_store %arg12[%swap3A_428], %swap3A_431 {strides = array<i32>} : memref<80xi32, #tpu.memory_space<vmem>>, vector<16xi32>,
      %get3A_432 = arith.constant 448 : index
      %get3A_433 = tpu.vector_load %arg7[%get3A_432] {strides = array<i32>} : memref<640xi32, #tpu.memory_space<vmem>>, vector<16xi32>,
      %get3A_434 = vector.shape_cast %get3A_433 : vector<16xi32> to vector<16xi32>
      %swap3A_435 = arith.constant 48 : index
      %swap3A_436 = tpu.vector_load %arg12[%swap3A_435] {strides = array<i32>} : memref<80xi32, #tpu.memory_space<vmem>>, vector<16xi32>,
      %swap3A_437 = vector.shape_cast %swap3A_436 : vector<16xi32> to vector<16xi32>
      %swap3A_438 = vector.shape_cast %get3A_434 : vector<16xi32> to vector<16xi32>
      tpu.vector_store %arg12[%swap3A_435], %swap3A_438 {strides = array<i32>} : memref<80xi32, #tpu.memory_space<vmem>>, vector<16xi32>,
      %get3A_439 = arith.constant 464 : index
      %get3A_440 = tpu.vector_load %arg7[%get3A_439] {strides = array<i32>} : memref<640xi32, #tpu.memory_space<vmem>>, vector<16xi32>,
      %get3A_441 = vector.shape_cast %get3A_440 : vector<16xi32> to vector<16xi32>
      %swap3A_442 = arith.constant 64 : index
      %swap3A_443 = tpu.vector_load %arg12[%swap3A_442] {strides = array<i32>} : memref<80xi32, #tpu.memory_space<vmem>>, vector<16xi32>,
      %swap3A_444 = vector.shape_cast %swap3A_443 : vector<16xi32> to vector<16xi32>
      %swap3A_445 = vector.shape_cast %get3A_441 : vector<16xi32> to vector<16xi32>
      tpu.vector_store %arg12[%swap3A_442], %swap3A_445 {strides = array<i32>} : memref<80xi32, #tpu.memory_space<vmem>>, vector<16xi32>,
      %dma_start3A_446 = arith.constant 0 : i32
      %dma_start3A_447 = arith.constant 0 : i32
      %dma_start3A_448 = tpu.memref_slice %arg2[%dma_start3A_446, %dma_start3A_447] : memref<10000x128xf32, #tpu.memory_space<hbm>> -> memref<10000x128xf32, #tpu.memory_space<hbm>>
      tpu.enqueue_indirect_dma source(%dma_start3A_448 : memref<10000x128xf32, #tpu.memory_space<hbm>>) target(%arg15 : memref<80x128xf32, #tpu.memory_space<vmem>>) offsets(%arg12 : memref<80xi32, #tpu.memory_space<vmem>>) semaphore(%arg19 : memref<!tpu.dma_semaphore, #tpu.memory_space<semaphore_mem>>)
      %dma_wait3A_449 = arith.constant 0 : i32
      %dma_wait3A_450 = arith.constant 0 : i32
      %dma_wait3A_451 = tpu.memref_slice %arg2[%dma_wait3A_449, %dma_wait3A_450] : memref<10000x128xf32, #tpu.memory_space<hbm>> -> memref<10000x128xf32, #tpu.memory_space<hbm>>
      tpu.wait_indirect_dma semaphore(%arg17 : memref<!tpu.dma_semaphore, #tpu.memory_space<semaphore_mem>>) src(%dma_wait3A_451 : memref<10000x128xf32, #tpu.memory_space<hbm>>) dst(%arg13 : memref<80x128xf32, #tpu.memory_space<vmem>>)
      %get3A_452 = arith.constant 240 : index
      %get3A_453 = tpu.vector_load %arg6[%get3A_452] {strides = array<i32>} : memref<640xi32, #tpu.memory_space<vmem>>, vector<16xi32>,
      %get3A_454 = vector.shape_cast %get3A_453 : vector<16xi32> to vector<16xi32>
      %swap3A_455 = arith.constant 0 : index
      %swap3A_456 = tpu.vector_load %arg9[%swap3A_455] {strides = array<i32>} : memref<80xi32, #tpu.memory_space<vmem>>, vector<16xi32>,
      %swap3A_457 = vector.shape_cast %swap3A_456 : vector<16xi32> to vector<16xi32>
      %swap3A_458 = vector.shape_cast %get3A_454 : vector<16xi32> to vector<16xi32>
      tpu.vector_store %arg9[%swap3A_455], %swap3A_458 {strides = array<i32>} : memref<80xi32, #tpu.memory_space<vmem>>, vector<16xi32>,
      %get3A_459 = arith.constant 256 : index
      %get3A_460 = tpu.vector_load %arg6[%get3A_459] {strides = array<i32>} : memref<640xi32, #tpu.memory_space<vmem>>, vector<16xi32>,
      %get3A_461 = vector.shape_cast %get3A_460 : vector<16xi32> to vector<16xi32>
      %swap3A_462 = arith.constant 16 : index
      %swap3A_463 = tpu.vector_load %arg9[%swap3A_462] {strides = array<i32>} : memref<80xi32, #tpu.memory_space<vmem>>, vector<16xi32>,
      %swap3A_464 = vector.shape_cast %swap3A_463 : vector<16xi32> to vector<16xi32>
      %swap3A_465 = vector.shape_cast %get3A_461 : vector<16xi32> to vector<16xi32>
      tpu.vector_store %arg9[%swap3A_462], %swap3A_465 {strides = array<i32>} : memref<80xi32, #tpu.memory_space<vmem>>, vector<16xi32>,
      %get3A_466 = arith.constant 272 : index
      %get3A_467 = tpu.vector_load %arg6[%get3A_466] {strides = array<i32>} : memref<640xi32, #tpu.memory_space<vmem>>, vector<16xi32>,
      %get3A_468 = vector.shape_cast %get3A_467 : vector<16xi32> to vector<16xi32>
      %swap3A_469 = arith.constant 32 : index
      %swap3A_470 = tpu.vector_load %arg9[%swap3A_469] {strides = array<i32>} : memref<80xi32, #tpu.memory_space<vmem>>, vector<16xi32>,
      %swap3A_471 = vector.shape_cast %swap3A_470 : vector<16xi32> to vector<16xi32>
      %swap3A_472 = vector.shape_cast %get3A_468 : vector<16xi32> to vector<16xi32>
      tpu.vector_store %arg9[%swap3A_469], %swap3A_472 {strides = array<i32>} : memref<80xi32, #tpu.memory_space<vmem>>, vector<16xi32>,
      %get3A_473 = arith.constant 288 : index
      %get3A_474 = tpu.vector_load %arg6[%get3A_473] {strides = array<i32>} : memref<640xi32, #tpu.memory_space<vmem>>, vector<16xi32>,
      %get3A_475 = vector.shape_cast %get3A_474 : vector<16xi32> to vector<16xi32>
      %swap3A_476 = arith.constant 48 : index
      %swap3A_477 = tpu.vector_load %arg9[%swap3A_476] {strides = array<i32>} : memref<80xi32, #tpu.memory_space<vmem>>, vector<16xi32>,
      %swap3A_478 = vector.shape_cast %swap3A_477 : vector<16xi32> to vector<16xi32>
      %swap3A_479 = vector.shape_cast %get3A_475 : vector<16xi32> to vector<16xi32>
      tpu.vector_store %arg9[%swap3A_476], %swap3A_479 {strides = array<i32>} : memref<80xi32, #tpu.memory_space<vmem>>, vector<16xi32>,
      %get3A_480 = arith.constant 304 : index
      %get3A_481 = tpu.vector_load %arg6[%get3A_480] {strides = array<i32>} : memref<640xi32, #tpu.memory_space<vmem>>, vector<16xi32>,
      %get3A_482 = vector.shape_cast %get3A_481 : vector<16xi32> to vector<16xi32>
      %swap3A_483 = arith.constant 64 : index
      %swap3A_484 = tpu.vector_load %arg9[%swap3A_483] {strides = array<i32>} : memref<80xi32, #tpu.memory_space<vmem>>, vector<16xi32>,
      %swap3A_485 = vector.shape_cast %swap3A_484 : vector<16xi32> to vector<16xi32>
      %swap3A_486 = vector.shape_cast %get3A_482 : vector<16xi32> to vector<16xi32>
      tpu.vector_store %arg9[%swap3A_483], %swap3A_486 {strides = array<i32>} : memref<80xi32, #tpu.memory_space<vmem>>, vector<16xi32>,
      %get3A_487 = arith.constant 480 : index
      %get3A_488 = tpu.vector_load %arg7[%get3A_487] {strides = array<i32>} : memref<640xi32, #tpu.memory_space<vmem>>, vector<16xi32>,
      %get3A_489 = vector.shape_cast %get3A_488 : vector<16xi32> to vector<16xi32>
      %swap3A_490 = arith.constant 0 : index
      %swap3A_491 = tpu.vector_load %arg10[%swap3A_490] {strides = array<i32>} : memref<80xi32, #tpu.memory_space<vmem>>, vector<16xi32>,
      %swap3A_492 = vector.shape_cast %swap3A_491 : vector<16xi32> to vector<16xi32>
      %swap3A_493 = vector.shape_cast %get3A_489 : vector<16xi32> to vector<16xi32>
      tpu.vector_store %arg10[%swap3A_490], %swap3A_493 {strides = array<i32>} : memref<80xi32, #tpu.memory_space<vmem>>, vector<16xi32>,
      %get3A_494 = arith.constant 496 : index
      %get3A_495 = tpu.vector_load %arg7[%get3A_494] {strides = array<i32>} : memref<640xi32, #tpu.memory_space<vmem>>, vector<16xi32>,
      %get3A_496 = vector.shape_cast %get3A_495 : vector<16xi32> to vector<16xi32>
      %swap3A_497 = arith.constant 16 : index
      %swap3A_498 = tpu.vector_load %arg10[%swap3A_497] {strides = array<i32>} : memref<80xi32, #tpu.memory_space<vmem>>, vector<16xi32>,
      %swap3A_499 = vector.shape_cast %swap3A_498 : vector<16xi32> to vector<16xi32>
      %swap3A_500 = vector.shape_cast %get3A_496 : vector<16xi32> to vector<16xi32>
      tpu.vector_store %arg10[%swap3A_497], %swap3A_500 {strides = array<i32>} : memref<80xi32, #tpu.memory_space<vmem>>, vector<16xi32>,
      %get3A_501 = arith.constant 512 : index
      %get3A_502 = tpu.vector_load %arg7[%get3A_501] {strides = array<i32>} : memref<640xi32, #tpu.memory_space<vmem>>, vector<16xi32>,
      %get3A_503 = vector.shape_cast %get3A_502 : vector<16xi32> to vector<16xi32>
      %swap3A_504 = arith.constant 32 : index
      %swap3A_505 = tpu.vector_load %arg10[%swap3A_504] {strides = array<i32>} : memref<80xi32, #tpu.memory_space<vmem>>, vector<16xi32>,
      %swap3A_506 = vector.shape_cast %swap3A_505 : vector<16xi32> to vector<16xi32>
      %swap3A_507 = vector.shape_cast %get3A_503 : vector<16xi32> to vector<16xi32>
      tpu.vector_store %arg10[%swap3A_504], %swap3A_507 {strides = array<i32>} : memref<80xi32, #tpu.memory_space<vmem>>, vector<16xi32>,
      %get3A_508 = arith.constant 528 : index
      %get3A_509 = tpu.vector_load %arg7[%get3A_508] {strides = array<i32>} : memref<640xi32, #tpu.memory_space<vmem>>, vector<16xi32>,
      %get3A_510 = vector.shape_cast %get3A_509 : vector<16xi32> to vector<16xi32>
      %swap3A_511 = arith.constant 48 : index
      %swap3A_512 = tpu.vector_load %arg10[%swap3A_511] {strides = array<i32>} : memref<80xi32, #tpu.memory_space<vmem>>, vector<16xi32>,
      %swap3A_513 = vector.shape_cast %swap3A_512 : vector<16xi32> to vector<16xi32>
      %swap3A_514 = vector.shape_cast %get3A_510 : vector<16xi32> to vector<16xi32>
      tpu.vector_store %arg10[%swap3A_511], %swap3A_514 {strides = array<i32>} : memref<80xi32, #tpu.memory_space<vmem>>, vector<16xi32>,
      %get3A_515 = arith.constant 544 : index
      %get3A_516 = tpu.vector_load %arg7[%get3A_515] {strides = array<i32>} : memref<640xi32, #tpu.memory_space<vmem>>, vector<16xi32>,
      %get3A_517 = vector.shape_cast %get3A_516 : vector<16xi32> to vector<16xi32>
      %swap3A_518 = arith.constant 64 : index
      %swap3A_519 = tpu.vector_load %arg10[%swap3A_518] {strides = array<i32>} : memref<80xi32, #tpu.memory_space<vmem>>, vector<16xi32>,
      %swap3A_520 = vector.shape_cast %swap3A_519 : vector<16xi32> to vector<16xi32>
      %swap3A_521 = vector.shape_cast %get3A_517 : vector<16xi32> to vector<16xi32>
      tpu.vector_store %arg10[%swap3A_518], %swap3A_521 {strides = array<i32>} : memref<80xi32, #tpu.memory_space<vmem>>, vector<16xi32>,
      %dma_start3A_522 = arith.constant 0 : i32
      %dma_start3A_523 = arith.constant 0 : i32
      %dma_start3A_524 = tpu.memref_slice %arg2[%dma_start3A_522, %dma_start3A_523] : memref<10000x128xf32, #tpu.memory_space<hbm>> -> memref<10000x128xf32, #tpu.memory_space<hbm>>
      tpu.enqueue_indirect_dma source(%dma_start3A_524 : memref<10000x128xf32, #tpu.memory_space<hbm>>) target(%arg13 : memref<80x128xf32, #tpu.memory_space<vmem>>) offsets(%arg10 : memref<80xi32, #tpu.memory_space<vmem>>) semaphore(%arg17 : memref<!tpu.dma_semaphore, #tpu.memory_space<semaphore_mem>>)
      %dma_wait3A_525 = arith.constant 0 : i32
      %dma_wait3A_526 = arith.constant 0 : i32
      %dma_wait3A_527 = tpu.memref_slice %arg2[%dma_wait3A_525, %dma_wait3A_526] : memref<10000x128xf32, #tpu.memory_space<hbm>> -> memref<10000x128xf32, #tpu.memory_space<hbm>>
      tpu.wait_indirect_dma semaphore(%arg18 : memref<!tpu.dma_semaphore, #tpu.memory_space<semaphore_mem>>) src(%dma_wait3A_527 : memref<10000x128xf32, #tpu.memory_space<hbm>>) dst(%arg14 : memref<80x128xf32, #tpu.memory_space<vmem>>)
      %get3A_528 = arith.constant 320 : index
      %get3A_529 = tpu.vector_load %arg6[%get3A_528] {strides = array<i32>} : memref<640xi32, #tpu.memory_space<vmem>>, vector<16xi32>,
      %get3A_530 = vector.shape_cast %get3A_529 : vector<16xi32> to vector<16xi32>
      %swap3A_531 = arith.constant 0 : index
      %swap3A_532 = tpu.vector_load %arg8[%swap3A_531] {strides = array<i32>} : memref<80xi32, #tpu.memory_space<vmem>>, vector<16xi32>,
      %swap3A_533 = vector.shape_cast %swap3A_532 : vector<16xi32> to vector<16xi32>
      %swap3A_534 = vector.shape_cast %get3A_530 : vector<16xi32> to vector<16xi32>
      tpu.vector_store %arg8[%swap3A_531], %swap3A_534 {strides = array<i32>} : memref<80xi32, #tpu.memory_space<vmem>>, vector<16xi32>,
      %get3A_535 = arith.constant 336 : index
      %get3A_536 = tpu.vector_load %arg6[%get3A_535] {strides = array<i32>} : memref<640xi32, #tpu.memory_space<vmem>>, vector<16xi32>,
      %get3A_537 = vector.shape_cast %get3A_536 : vector<16xi32> to vector<16xi32>
      %swap3A_538 = arith.constant 16 : index
      %swap3A_539 = tpu.vector_load %arg8[%swap3A_538] {strides = array<i32>} : memref<80xi32, #tpu.memory_space<vmem>>, vector<16xi32>,
      %swap3A_540 = vector.shape_cast %swap3A_539 : vector<16xi32> to vector<16xi32>
      %swap3A_541 = vector.shape_cast %get3A_537 : vector<16xi32> to vector<16xi32>
      tpu.vector_store %arg8[%swap3A_538], %swap3A_541 {strides = array<i32>} : memref<80xi32, #tpu.memory_space<vmem>>, vector<16xi32>,
      %get3A_542 = arith.constant 352 : index
      %get3A_543 = tpu.vector_load %arg6[%get3A_542] {strides = array<i32>} : memref<640xi32, #tpu.memory_space<vmem>>, vector<16xi32>,
      %get3A_544 = vector.shape_cast %get3A_543 : vector<16xi32> to vector<16xi32>
      %swap3A_545 = arith.constant 32 : index
      %swap3A_546 = tpu.vector_load %arg8[%swap3A_545] {strides = array<i32>} : memref<80xi32, #tpu.memory_space<vmem>>, vector<16xi32>,
      %swap3A_547 = vector.shape_cast %swap3A_546 : vector<16xi32> to vector<16xi32>
      %swap3A_548 = vector.shape_cast %get3A_544 : vector<16xi32> to vector<16xi32>
      tpu.vector_store %arg8[%swap3A_545], %swap3A_548 {strides = array<i32>} : memref<80xi32, #tpu.memory_space<vmem>>, vector<16xi32>,
      %get3A_549 = arith.constant 368 : index
      %get3A_550 = tpu.vector_load %arg6[%get3A_549] {strides = array<i32>} : memref<640xi32, #tpu.memory_space<vmem>>, vector<16xi32>,
      %get3A_551 = vector.shape_cast %get3A_550 : vector<16xi32> to vector<16xi32>
      %swap3A_552 = arith.constant 48 : index
      %swap3A_553 = tpu.vector_load %arg8[%swap3A_552] {strides = array<i32>} : memref<80xi32, #tpu.memory_space<vmem>>, vector<16xi32>,
      %swap3A_554 = vector.shape_cast %swap3A_553 : vector<16xi32> to vector<16xi32>
      %swap3A_555 = vector.shape_cast %get3A_551 : vector<16xi32> to vector<16xi32>
      tpu.vector_store %arg8[%swap3A_552], %swap3A_555 {strides = array<i32>} : memref<80xi32, #tpu.memory_space<vmem>>, vector<16xi32>,
      %get3A_556 = arith.constant 384 : index
      %get3A_557 = tpu.vector_load %arg6[%get3A_556] {strides = array<i32>} : memref<640xi32, #tpu.memory_space<vmem>>, vector<16xi32>,
      %get3A_558 = vector.shape_cast %get3A_557 : vector<16xi32> to vector<16xi32>
      %swap3A_559 = arith.constant 64 : index
      %swap3A_560 = tpu.vector_load %arg8[%swap3A_559] {strides = array<i32>} : memref<80xi32, #tpu.memory_space<vmem>>, vector<16xi32>,
      %swap3A_561 = vector.shape_cast %swap3A_560 : vector<16xi32> to vector<16xi32>
      %swap3A_562 = vector.shape_cast %get3A_558 : vector<16xi32> to vector<16xi32>
      tpu.vector_store %arg8[%swap3A_559], %swap3A_562 {strides = array<i32>} : memref<80xi32, #tpu.memory_space<vmem>>, vector<16xi32>,
      %get3A_563 = arith.constant 560 : index
      %get3A_564 = tpu.vector_load %arg7[%get3A_563] {strides = array<i32>} : memref<640xi32, #tpu.memory_space<vmem>>, vector<16xi32>,
      %get3A_565 = vector.shape_cast %get3A_564 : vector<16xi32> to vector<16xi32>
      %swap3A_566 = arith.constant 0 : index
      %swap3A_567 = tpu.vector_load %arg11[%swap3A_566] {strides = array<i32>} : memref<80xi32, #tpu.memory_space<vmem>>, vector<16xi32>,
      %swap3A_568 = vector.shape_cast %swap3A_567 : vector<16xi32> to vector<16xi32>
      %swap3A_569 = vector.shape_cast %get3A_565 : vector<16xi32> to vector<16xi32>
      tpu.vector_store %arg11[%swap3A_566], %swap3A_569 {strides = array<i32>} : memref<80xi32, #tpu.memory_space<vmem>>, vector<16xi32>,
      %get3A_570 = arith.constant 576 : index
      %get3A_571 = tpu.vector_load %arg7[%get3A_570] {strides = array<i32>} : memref<640xi32, #tpu.memory_space<vmem>>, vector<16xi32>,
      %get3A_572 = vector.shape_cast %get3A_571 : vector<16xi32> to vector<16xi32>
      %swap3A_573 = arith.constant 16 : index
      %swap3A_574 = tpu.vector_load %arg11[%swap3A_573] {strides = array<i32>} : memref<80xi32, #tpu.memory_space<vmem>>, vector<16xi32>,
      %swap3A_575 = vector.shape_cast %swap3A_574 : vector<16xi32> to vector<16xi32>
      %swap3A_576 = vector.shape_cast %get3A_572 : vector<16xi32> to vector<16xi32>
      tpu.vector_store %arg11[%swap3A_573], %swap3A_576 {strides = array<i32>} : memref<80xi32, #tpu.memory_space<vmem>>, vector<16xi32>,
      %get3A_577 = arith.constant 592 : index
      %get3A_578 = tpu.vector_load %arg7[%get3A_577] {strides = array<i32>} : memref<640xi32, #tpu.memory_space<vmem>>, vector<16xi32>,
      %get3A_579 = vector.shape_cast %get3A_578 : vector<16xi32> to vector<16xi32>
      %swap3A_580 = arith.constant 32 : index
      %swap3A_581 = tpu.vector_load %arg11[%swap3A_580] {strides = array<i32>} : memref<80xi32, #tpu.memory_space<vmem>>, vector<16xi32>,
      %swap3A_582 = vector.shape_cast %swap3A_581 : vector<16xi32> to vector<16xi32>
      %swap3A_583 = vector.shape_cast %get3A_579 : vector<16xi32> to vector<16xi32>
      tpu.vector_store %arg11[%swap3A_580], %swap3A_583 {strides = array<i32>} : memref<80xi32, #tpu.memory_space<vmem>>, vector<16xi32>,
      %get3A_584 = arith.constant 608 : index
      %get3A_585 = tpu.vector_load %arg7[%get3A_584] {strides = array<i32>} : memref<640xi32, #tpu.memory_space<vmem>>, vector<16xi32>,
      %get3A_586 = vector.shape_cast %get3A_585 : vector<16xi32> to vector<16xi32>
      %swap3A_587 = arith.constant 48 : index
      %swap3A_588 = tpu.vector_load %arg11[%swap3A_587] {strides = array<i32>} : memref<80xi32, #tpu.memory_space<vmem>>, vector<16xi32>,
      %swap3A_589 = vector.shape_cast %swap3A_588 : vector<16xi32> to vector<16xi32>
      %swap3A_590 = vector.shape_cast %get3A_586 : vector<16xi32> to vector<16xi32>
      tpu.vector_store %arg11[%swap3A_587], %swap3A_590 {strides = array<i32>} : memref<80xi32, #tpu.memory_space<vmem>>, vector<16xi32>,
      %get3A_591 = arith.constant 624 : index
      %get3A_592 = tpu.vector_load %arg7[%get3A_591] {strides = array<i32>} : memref<640xi32, #tpu.memory_space<vmem>>, vector<16xi32>,
      %get3A_593 = vector.shape_cast %get3A_592 : vector<16xi32> to vector<16xi32>
      %swap3A_594 = arith.constant 64 : index
      %swap3A_595 = tpu.vector_load %arg11[%swap3A_594] {strides = array<i32>} : memref<80xi32, #tpu.memory_space<vmem>>, vector<16xi32>,
      %swap3A_596 = vector.shape_cast %swap3A_595 : vector<16xi32> to vector<16xi32>
      %swap3A_597 = vector.shape_cast %get3A_593 : vector<16xi32> to vector<16xi32>
      tpu.vector_store %arg11[%swap3A_594], %swap3A_597 {strides = array<i32>} : memref<80xi32, #tpu.memory_space<vmem>>, vector<16xi32>,
      %dma_start3A_598 = arith.constant 0 : i32
      %dma_start3A_599 = arith.constant 0 : i32
      %dma_start3A_600 = tpu.memref_slice %arg2[%dma_start3A_598, %dma_start3A_599] : memref<10000x128xf32, #tpu.memory_space<hbm>> -> memref<10000x128xf32, #tpu.memory_space<hbm>>
      tpu.enqueue_indirect_dma source(%dma_start3A_600 : memref<10000x128xf32, #tpu.memory_space<hbm>>) target(%arg14 : memref<80x128xf32, #tpu.memory_space<vmem>>) offsets(%arg11 : memref<80xi32, #tpu.memory_space<vmem>>) semaphore(%arg18 : memref<!tpu.dma_semaphore, #tpu.memory_space<semaphore_mem>>)
      %dma_wait3A_601 = arith.constant 0 : i32
      %dma_wait3A_602 = arith.constant 0 : i32
      %dma_wait3A_603 = tpu.memref_slice %arg2[%dma_wait3A_601, %dma_wait3A_602] : memref<10000x128xf32, #tpu.memory_space<hbm>> -> memref<10000x128xf32, #tpu.memory_space<hbm>>
      tpu.wait_indirect_dma semaphore(%arg19 : memref<!tpu.dma_semaphore, #tpu.memory_space<semaphore_mem>>) src(%dma_wait3A_603 : memref<10000x128xf32, #tpu.memory_space<hbm>>) dst(%arg15 : memref<80x128xf32, #tpu.memory_space<vmem>>)
      %get3A_604 = arith.constant 400 : index
      %get3A_605 = tpu.vector_load %arg6[%get3A_604] {strides = array<i32>} : memref<640xi32, #tpu.memory_space<vmem>>, vector<16xi32>,
      %get3A_606 = vector.shape_cast %get3A_605 : vector<16xi32> to vector<16xi32>
      %swap3A_607 = arith.constant 0 : index
      %swap3A_608 = tpu.vector_load %arg9[%swap3A_607] {strides = array<i32>} : memref<80xi32, #tpu.memory_space<vmem>>, vector<16xi32>,
      %swap3A_609 = vector.shape_cast %swap3A_608 : vector<16xi32> to vector<16xi32>
      %swap3A_610 = vector.shape_cast %get3A_606 : vector<16xi32> to vector<16xi32>
      tpu.vector_store %arg9[%swap3A_607], %swap3A_610 {strides = array<i32>} : memref<80xi32, #tpu.memory_space<vmem>>, vector<16xi32>,
      %get3A_611 = arith.constant 416 : index
      %get3A_612 = tpu.vector_load %arg6[%get3A_611] {strides = array<i32>} : memref<640xi32, #tpu.memory_space<vmem>>, vector<16xi32>,
      %get3A_613 = vector.shape_cast %get3A_612 : vector<16xi32> to vector<16xi32>
      %swap3A_614 = arith.constant 16 : index
      %swap3A_615 = tpu.vector_load %arg9[%swap3A_614] {strides = array<i32>} : memref<80xi32, #tpu.memory_space<vmem>>, vector<16xi32>,
      %swap3A_616 = vector.shape_cast %swap3A_615 : vector<16xi32> to vector<16xi32>
      %swap3A_617 = vector.shape_cast %get3A_613 : vector<16xi32> to vector<16xi32>
      tpu.vector_store %arg9[%swap3A_614], %swap3A_617 {strides = array<i32>} : memref<80xi32, #tpu.memory_space<vmem>>, vector<16xi32>,
      %get3A_618 = arith.constant 432 : index
      %get3A_619 = tpu.vector_load %arg6[%get3A_618] {strides = array<i32>} : memref<640xi32, #tpu.memory_space<vmem>>, vector<16xi32>,
      %get3A_620 = vector.shape_cast %get3A_619 : vector<16xi32> to vector<16xi32>
      %swap3A_621 = arith.constant 32 : index
      %swap3A_622 = tpu.vector_load %arg9[%swap3A_621] {strides = array<i32>} : memref<80xi32, #tpu.memory_space<vmem>>, vector<16xi32>,
      %swap3A_623 = vector.shape_cast %swap3A_622 : vector<16xi32> to vector<16xi32>
      %swap3A_624 = vector.shape_cast %get3A_620 : vector<16xi32> to vector<16xi32>
      tpu.vector_store %arg9[%swap3A_621], %swap3A_624 {strides = array<i32>} : memref<80xi32, #tpu.memory_space<vmem>>, vector<16xi32>,
      %get3A_625 = arith.constant 448 : index
      %get3A_626 = tpu.vector_load %arg6[%get3A_625] {strides = array<i32>} : memref<640xi32, #tpu.memory_space<vmem>>, vector<16xi32>,
      %get3A_627 = vector.shape_cast %get3A_626 : vector<16xi32> to vector<16xi32>
      %swap3A_628 = arith.constant 48 : index
      %swap3A_629 = tpu.vector_load %arg9[%swap3A_628] {strides = array<i32>} : memref<80xi32, #tpu.memory_space<vmem>>, vector<16xi32>,
      %swap3A_630 = vector.shape_cast %swap3A_629 : vector<16xi32> to vector<16xi32>
      %swap3A_631 = vector.shape_cast %get3A_627 : vector<16xi32> to vector<16xi32>
      tpu.vector_store %arg9[%swap3A_628], %swap3A_631 {strides = array<i32>} : memref<80xi32, #tpu.memory_space<vmem>>, vector<16xi32>,
      %get3A_632 = arith.constant 464 : index
      %get3A_633 = tpu.vector_load %arg6[%get3A_632] {strides = array<i32>} : memref<640xi32, #tpu.memory_space<vmem>>, vector<16xi32>,
      %get3A_634 = vector.shape_cast %get3A_633 : vector<16xi32> to vector<16xi32>
      %swap3A_635 = arith.constant 64 : index
      %swap3A_636 = tpu.vector_load %arg9[%swap3A_635] {strides = array<i32>} : memref<80xi32, #tpu.memory_space<vmem>>, vector<16xi32>,
      %swap3A_637 = vector.shape_cast %swap3A_636 : vector<16xi32> to vector<16xi32>
      %swap3A_638 = vector.shape_cast %get3A_634 : vector<16xi32> to vector<16xi32>
      tpu.vector_store %arg9[%swap3A_635], %swap3A_638 {strides = array<i32>} : memref<80xi32, #tpu.memory_space<vmem>>, vector<16xi32>,
      %dma_wait3A_639 = arith.constant 0 : i32
      %dma_wait3A_640 = arith.constant 0 : i32
      %dma_wait3A_641 = tpu.memref_slice %arg2[%dma_wait3A_639, %dma_wait3A_640] : memref<10000x128xf32, #tpu.memory_space<hbm>> -> memref<10000x128xf32, #tpu.memory_space<hbm>>
      tpu.wait_indirect_dma semaphore(%arg17 : memref<!tpu.dma_semaphore, #tpu.memory_space<semaphore_mem>>) src(%dma_wait3A_641 : memref<10000x128xf32, #tpu.memory_space<hbm>>) dst(%arg13 : memref<80x128xf32, #tpu.memory_space<vmem>>)
      %get3A_642 = arith.constant 480 : index
      %get3A_643 = tpu.vector_load %arg6[%get3A_642] {strides = array<i32>} : memref<640xi32, #tpu.memory_space<vmem>>, vector<16xi32>,
      %get3A_644 = vector.shape_cast %get3A_643 : vector<16xi32> to vector<16xi32>
      %swap3A_645 = arith.constant 0 : index
      %swap3A_646 = tpu.vector_load %arg8[%swap3A_645] {strides = array<i32>} : memref<80xi32, #tpu.memory_space<vmem>>, vector<16xi32>,
      %swap3A_647 = vector.shape_cast %swap3A_646 : vector<16xi32> to vector<16xi32>
      %swap3A_648 = vector.shape_cast %get3A_644 : vector<16xi32> to vector<16xi32>
      tpu.vector_store %arg8[%swap3A_645], %swap3A_648 {strides = array<i32>} : memref<80xi32, #tpu.memory_space<vmem>>, vector<16xi32>,
      %get3A_649 = arith.constant 496 : index
      %get3A_650 = tpu.vector_load %arg6[%get3A_649] {strides = array<i32>} : memref<640xi32, #tpu.memory_space<vmem>>, vector<16xi32>,
      %get3A_651 = vector.shape_cast %get3A_650 : vector<16xi32> to vector<16xi32>
      %swap3A_652 = arith.constant 16 : index
      %swap3A_653 = tpu.vector_load %arg8[%swap3A_652] {strides = array<i32>} : memref<80xi32, #tpu.memory_space<vmem>>, vector<16xi32>,
      %swap3A_654 = vector.shape_cast %swap3A_653 : vector<16xi32> to vector<16xi32>
      %swap3A_655 = vector.shape_cast %get3A_651 : vector<16xi32> to vector<16xi32>
      tpu.vector_store %arg8[%swap3A_652], %swap3A_655 {strides = array<i32>} : memref<80xi32, #tpu.memory_space<vmem>>, vector<16xi32>,
      %get3A_656 = arith.constant 512 : index
      %get3A_657 = tpu.vector_load %arg6[%get3A_656] {strides = array<i32>} : memref<640xi32, #tpu.memory_space<vmem>>, vector<16xi32>,
      %get3A_658 = vector.shape_cast %get3A_657 : vector<16xi32> to vector<16xi32>
      %swap3A_659 = arith.constant 32 : index
      %swap3A_660 = tpu.vector_load %arg8[%swap3A_659] {strides = array<i32>} : memref<80xi32, #tpu.memory_space<vmem>>, vector<16xi32>,
      %swap3A_661 = vector.shape_cast %swap3A_660 : vector<16xi32> to vector<16xi32>
      %swap3A_662 = vector.shape_cast %get3A_658 : vector<16xi32> to vector<16xi32>
      tpu.vector_store %arg8[%swap3A_659], %swap3A_662 {strides = array<i32>} : memref<80xi32, #tpu.memory_space<vmem>>, vector<16xi32>,
      %get3A_663 = arith.constant 528 : index
      %get3A_664 = tpu.vector_load %arg6[%get3A_663] {strides = array<i32>} : memref<640xi32, #tpu.memory_space<vmem>>, vector<16xi32>,
      %get3A_665 = vector.shape_cast %get3A_664 : vector<16xi32> to vector<16xi32>
      %swap3A_666 = arith.constant 48 : index
      %swap3A_667 = tpu.vector_load %arg8[%swap3A_666] {strides = array<i32>} : memref<80xi32, #tpu.memory_space<vmem>>, vector<16xi32>,
      %swap3A_668 = vector.shape_cast %swap3A_667 : vector<16xi32> to vector<16xi32>
      %swap3A_669 = vector.shape_cast %get3A_665 : vector<16xi32> to vector<16xi32>
      tpu.vector_store %arg8[%swap3A_666], %swap3A_669 {strides = array<i32>} : memref<80xi32, #tpu.memory_space<vmem>>, vector<16xi32>,
      %get3A_670 = arith.constant 544 : index
      %get3A_671 = tpu.vector_load %arg6[%get3A_670] {strides = array<i32>} : memref<640xi32, #tpu.memory_space<vmem>>, vector<16xi32>,
      %get3A_672 = vector.shape_cast %get3A_671 : vector<16xi32> to vector<16xi32>
      %swap3A_673 = arith.constant 64 : index
      %swap3A_674 = tpu.vector_load %arg8[%swap3A_673] {strides = array<i32>} : memref<80xi32, #tpu.memory_space<vmem>>, vector<16xi32>,
      %swap3A_675 = vector.shape_cast %swap3A_674 : vector<16xi32> to vector<16xi32>
      %swap3A_676 = vector.shape_cast %get3A_672 : vector<16xi32> to vector<16xi32>
      tpu.vector_store %arg8[%swap3A_673], %swap3A_676 {strides = array<i32>} : memref<80xi32, #tpu.memory_space<vmem>>, vector<16xi32>,
      %dma_wait3A_677 = arith.constant 0 : i32
      %dma_wait3A_678 = arith.constant 0 : i32
      %dma_wait3A_679 = tpu.memref_slice %arg2[%dma_wait3A_677, %dma_wait3A_678] : memref<10000x128xf32, #tpu.memory_space<hbm>> -> memref<10000x128xf32, #tpu.memory_space<hbm>>
      tpu.wait_indirect_dma semaphore(%arg18 : memref<!tpu.dma_semaphore, #tpu.memory_space<semaphore_mem>>) src(%dma_wait3A_679 : memref<10000x128xf32, #tpu.memory_space<hbm>>) dst(%arg14 : memref<80x128xf32, #tpu.memory_space<vmem>>)
      %get3A_680 = arith.constant 560 : index
      %get3A_681 = tpu.vector_load %arg6[%get3A_680] {strides = array<i32>} : memref<640xi32, #tpu.memory_space<vmem>>, vector<16xi32>,
      %get3A_682 = vector.shape_cast %get3A_681 : vector<16xi32> to vector<16xi32>
      %swap3A_683 = arith.constant 0 : index
      %swap3A_684 = tpu.vector_load %arg9[%swap3A_683] {strides = array<i32>} : memref<80xi32, #tpu.memory_space<vmem>>, vector<16xi32>,
      %swap3A_685 = vector.shape_cast %swap3A_684 : vector<16xi32> to vector<16xi32>
      %swap3A_686 = vector.shape_cast %get3A_682 : vector<16xi32> to vector<16xi32>
      tpu.vector_store %arg9[%swap3A_683], %swap3A_686 {strides = array<i32>} : memref<80xi32, #tpu.memory_space<vmem>>, vector<16xi32>,
      %get3A_687 = arith.constant 576 : index
      %get3A_688 = tpu.vector_load %arg6[%get3A_687] {strides = array<i32>} : memref<640xi32, #tpu.memory_space<vmem>>, vector<16xi32>,
      %get3A_689 = vector.shape_cast %get3A_688 : vector<16xi32> to vector<16xi32>
      %swap3A_690 = arith.constant 16 : index
      %swap3A_691 = tpu.vector_load %arg9[%swap3A_690] {strides = array<i32>} : memref<80xi32, #tpu.memory_space<vmem>>, vector<16xi32>,
      %swap3A_692 = vector.shape_cast %swap3A_691 : vector<16xi32> to vector<16xi32>
      %swap3A_693 = vector.shape_cast %get3A_689 : vector<16xi32> to vector<16xi32>
      tpu.vector_store %arg9[%swap3A_690], %swap3A_693 {strides = array<i32>} : memref<80xi32, #tpu.memory_space<vmem>>, vector<16xi32>,
      %get3A_694 = arith.constant 592 : index
      %get3A_695 = tpu.vector_load %arg6[%get3A_694] {strides = array<i32>} : memref<640xi32, #tpu.memory_space<vmem>>, vector<16xi32>,
      %get3A_696 = vector.shape_cast %get3A_695 : vector<16xi32> to vector<16xi32>
      %swap3A_697 = arith.constant 32 : index
      %swap3A_698 = tpu.vector_load %arg9[%swap3A_697] {strides = array<i32>} : memref<80xi32, #tpu.memory_space<vmem>>, vector<16xi32>,
      %swap3A_699 = vector.shape_cast %swap3A_698 : vector<16xi32> to vector<16xi32>
      %swap3A_700 = vector.shape_cast %get3A_696 : vector<16xi32> to vector<16xi32>
      tpu.vector_store %arg9[%swap3A_697], %swap3A_700 {strides = array<i32>} : memref<80xi32, #tpu.memory_space<vmem>>, vector<16xi32>,
      %get3A_701 = arith.constant 608 : index
      %get3A_702 = tpu.vector_load %arg6[%get3A_701] {strides = array<i32>} : memref<640xi32, #tpu.memory_space<vmem>>, vector<16xi32>,
      %get3A_703 = vector.shape_cast %get3A_702 : vector<16xi32> to vector<16xi32>
      %swap3A_704 = arith.constant 48 : index
      %swap3A_705 = tpu.vector_load %arg9[%swap3A_704] {strides = array<i32>} : memref<80xi32, #tpu.memory_space<vmem>>, vector<16xi32>,
      %swap3A_706 = vector.shape_cast %swap3A_705 : vector<16xi32> to vector<16xi32>
      %swap3A_707 = vector.shape_cast %get3A_703 : vector<16xi32> to vector<16xi32>
      tpu.vector_store %arg9[%swap3A_704], %swap3A_707 {strides = array<i32>} : memref<80xi32, #tpu.memory_space<vmem>>, vector<16xi32>,
      %get3A_708 = arith.constant 624 : index
      %get3A_709 = tpu.vector_load %arg6[%get3A_708] {strides = array<i32>} : memref<640xi32, #tpu.memory_space<vmem>>, vector<16xi32>,
      %get3A_710 = vector.shape_cast %get3A_709 : vector<16xi32> to vector<16xi32>
      %swap3A_711 = arith.constant 64 : index
      %swap3A_712 = tpu.vector_load %arg9[%swap3A_711] {strides = array<i32>} : memref<80xi32, #tpu.memory_space<vmem>>, vector<16xi32>,
      %swap3A_713 = vector.shape_cast %swap3A_712 : vector<16xi32> to vector<16xi32>
      %swap3A_714 = vector.shape_cast %get3A_710 : vector<16xi32> to vector<16xi32>
      tpu.vector_store %arg9[%swap3A_711], %swap3A_714 {strides = array<i32>} : memref<80xi32, #tpu.memory_space<vmem>>, vector<16xi32>,
      %while3A_715 = arith.constant 0 : i32
      scf.yield %while3A_715 : i32
    }
    %while3A_79 = arith.constant 1 : i32
    %while3A_80 = scf.for %while3A_94 = %while3A_76 to %while3A_72 step %while3A_79 iter_args(%while3A_95 = %while3A_78) -> (i32)  : i32 {
      %mul3A_96 = arith.constant 32 : i32
      %mul3A_97 = arith.muli %mul3A_96, %while3A_94 : i32
      %add3A_98 = arith.addi %add3A, %mul3A_97 : i32
      %mul3A_99 = arith.constant 640 : i32
      %mul3A_100 = arith.muli %add3A_98, %mul3A_99 : i32
      %dma_start3A = tpu.memref_slice %arg3[%mul3A_100] : memref<320000xi32, #tpu.memory_space<hbm>> -> memref<640xi32, #tpu.memory_space<hbm>>
      %dma_start3A_101 = tpu.memref_slice %arg3[%mul3A_100] : memref<320000xi32, #tpu.memory_space<hbm>> -> memref<640xi32, #tpu.memory_space<hbm>>
      tpu.enqueue_dma source(%dma_start3A_101 : memref<640xi32, #tpu.memory_space<hbm>>) target(%arg6 : memref<640xi32, #tpu.memory_space<vmem>>) target_semaphore(%arg17 : memref<!tpu.dma_semaphore, #tpu.memory_space<semaphore_mem>>)
      %mul3A_102 = arith.constant 640 : i32
      %mul3A_103 = arith.muli %add3A_98, %mul3A_102 : i32
      %dma_start3A_104 = tpu.memref_slice %arg4[%mul3A_103] : memref<320000xi32, #tpu.memory_space<hbm>> -> memref<640xi32, #tpu.memory_space<hbm>>
      %dma_start3A_105 = tpu.memref_slice %arg4[%mul3A_103] : memref<320000xi32, #tpu.memory_space<hbm>> -> memref<640xi32, #tpu.memory_space<hbm>>
      tpu.enqueue_dma source(%dma_start3A_105 : memref<640xi32, #tpu.memory_space<hbm>>) target(%arg7 : memref<640xi32, #tpu.memory_space<vmem>>) target_semaphore(%arg18 : memref<!tpu.dma_semaphore, #tpu.memory_space<semaphore_mem>>)
      %dma_wait3A = tpu.memref_slice %arg3[%mul3A_100] : memref<320000xi32, #tpu.memory_space<hbm>> -> memref<640xi32, #tpu.memory_space<hbm>>
      %dma_wait3A_106 = tpu.memref_slice %arg3[%mul3A_100] : memref<320000xi32, #tpu.memory_space<hbm>> -> memref<640xi32, #tpu.memory_space<hbm>>
      tpu.wait_dma2 semaphore(%arg17 : memref<!tpu.dma_semaphore, #tpu.memory_space<semaphore_mem>>) src(%dma_wait3A_106 : memref<640xi32, #tpu.memory_space<hbm>>) dst(%arg6 : memref<640xi32, #tpu.memory_space<vmem>>)
      %dma_wait3A_107 = tpu.memref_slice %arg4[%mul3A_103] : memref<320000xi32, #tpu.memory_space<hbm>> -> memref<640xi32, #tpu.memory_space<hbm>>
      %dma_wait3A_108 = tpu.memref_slice %arg4[%mul3A_103] : memref<320000xi32, #tpu.memory_space<hbm>> -> memref<640xi32, #tpu.memory_space<hbm>>
      tpu.wait_dma2 semaphore(%arg18 : memref<!tpu.dma_semaphore, #tpu.memory_space<semaphore_mem>>) src(%dma_wait3A_108 : memref<640xi32, #tpu.memory_space<hbm>>) dst(%arg7 : memref<640xi32, #tpu.memory_space<vmem>>)
      %get3A = arith.constant 0 : index
      %get3A_109 = tpu.vector_load %arg7[%get3A] {strides = array<i32>} : memref<640xi32, #tpu.memory_space<vmem>>, vector<16xi32>,
      %get3A_110 = vector.shape_cast %get3A_109 : vector<16xi32> to vector<16xi32>
      %swap3A = arith.constant 0 : index
      %swap3A_111 = tpu.vector_load %arg10[%swap3A] {strides = array<i32>} : memref<80xi32, #tpu.memory_space<vmem>>, vector<16xi32>,
      %swap3A_112 = vector.shape_cast %swap3A_111 : vector<16xi32> to vector<16xi32>
      %swap3A_113 = vector.shape_cast %get3A_110 : vector<16xi32> to vector<16xi32>
      tpu.vector_store %arg10[%swap3A], %swap3A_113 {strides = array<i32>} : memref<80xi32, #tpu.memory_space<vmem>>, vector<16xi32>,
      %get3A_114 = arith.constant 16 : index
      %get3A_115 = tpu.vector_load %arg7[%get3A_114] {strides = array<i32>} : memref<640xi32, #tpu.memory_space<vmem>>, vector<16xi32>,
      %get3A_116 = vector.shape_cast %get3A_115 : vector<16xi32> to vector<16xi32>
      %swap3A_117 = arith.constant 16 : index
      %swap3A_118 = tpu.vector_load %arg10[%swap3A_117] {strides = array<i32>} : memref<80xi32, #tpu.memory_space<vmem>>, vector<16xi32>,
      %swap3A_119 = vector.shape_cast %swap3A_118 : vector<16xi32> to vector<16xi32>
      %swap3A_120 = vector.shape_cast %get3A_116 : vector<16xi32> to vector<16xi32>
      tpu.vector_store %arg10[%swap3A_117], %swap3A_120 {strides = array<i32>} : memref<80xi32, #tpu.memory_space<vmem>>, vector<16xi32>,
      %get3A_121 = arith.constant 32 : index
      %get3A_122 = tpu.vector_load %arg7[%get3A_121] {strides = array<i32>} : memref<640xi32, #tpu.memory_space<vmem>>, vector<16xi32>,
      %get3A_123 = vector.shape_cast %get3A_122 : vector<16xi32> to vector<16xi32>
      %swap3A_124 = arith.constant 32 : index
      %swap3A_125 = tpu.vector_load %arg10[%swap3A_124] {strides = array<i32>} : memref<80xi32, #tpu.memory_space<vmem>>, vector<16xi32>,
      %swap3A_126 = vector.shape_cast %swap3A_125 : vector<16xi32> to vector<16xi32>
      %swap3A_127 = vector.shape_cast %get3A_123 : vector<16xi32> to vector<16xi32>
      tpu.vector_store %arg10[%swap3A_124], %swap3A_127 {strides = array<i32>} : memref<80xi32, #tpu.memory_space<vmem>>, vector<16xi32>,
      %get3A_128 = arith.constant 48 : index
      %get3A_129 = tpu.vector_load %arg7[%get3A_128] {strides = array<i32>} : memref<640xi32, #tpu.memory_space<vmem>>, vector<16xi32>,
      %get3A_130 = vector.shape_cast %get3A_129 : vector<16xi32> to vector<16xi32>
      %swap3A_131 = arith.constant 48 : index
      %swap3A_132 = tpu.vector_load %arg10[%swap3A_131] {strides = array<i32>} : memref<80xi32, #tpu.memory_space<vmem>>, vector<16xi32>,
      %swap3A_133 = vector.shape_cast %swap3A_132 : vector<16xi32> to vector<16xi32>
      %swap3A_134 = vector.shape_cast %get3A_130 : vector<16xi32> to vector<16xi32>
      tpu.vector_store %arg10[%swap3A_131], %swap3A_134 {strides = array<i32>} : memref<80xi32, #tpu.memory_space<vmem>>, vector<16xi32>,
      %get3A_135 = arith.constant 64 : index
      %get3A_136 = tpu.vector_load %arg7[%get3A_135] {strides = array<i32>} : memref<640xi32, #tpu.memory_space<vmem>>, vector<16xi32>,
      %get3A_137 = vector.shape_cast %get3A_136 : vector<16xi32> to vector<16xi32>
      %swap3A_138 = arith.constant 64 : index
      %swap3A_139 = tpu.vector_load %arg10[%swap3A_138] {strides = array<i32>} : memref<80xi32, #tpu.memory_space<vmem>>, vector<16xi32>,
      %swap3A_140 = vector.shape_cast %swap3A_139 : vector<16xi32> to vector<16xi32>
      %swap3A_141 = vector.shape_cast %get3A_137 : vector<16xi32> to vector<16xi32>
      tpu.vector_store %arg10[%swap3A_138], %swap3A_141 {strides = array<i32>} : memref<80xi32, #tpu.memory_space<vmem>>, vector<16xi32>,
      %dma_start3A_142 = arith.constant 0 : i32
      %dma_start3A_143 = arith.constant 0 : i32
      %dma_start3A_144 = tpu.memref_slice %arg2[%dma_start3A_142, %dma_start3A_143] : memref<10000x128xf32, #tpu.memory_space<hbm>> -> memref<10000x128xf32, #tpu.memory_space<hbm>>
      tpu.enqueue_indirect_dma source(%dma_start3A_144 : memref<10000x128xf32, #tpu.memory_space<hbm>>) target(%arg13 : memref<80x128xf32, #tpu.memory_space<vmem>>) offsets(%arg10 : memref<80xi32, #tpu.memory_space<vmem>>) semaphore(%arg17 : memref<!tpu.dma_semaphore, #tpu.memory_space<semaphore_mem>>)
      %get3A_145 = arith.constant 80 : index
      %get3A_146 = tpu.vector_load %arg7[%get3A_145] {strides = array<i32>} : memref<640xi32, #tpu.memory_space<vmem>>, vector<16xi32>,
      %get3A_147 = vector.shape_cast %get3A_146 : vector<16xi32> to vector<16xi32>
      %swap3A_148 = arith.constant 0 : index
      %swap3A_149 = tpu.vector_load %arg11[%swap3A_148] {strides = array<i32>} : memref<80xi32, #tpu.memory_space<vmem>>, vector<16xi32>,
      %swap3A_150 = vector.shape_cast %swap3A_149 : vector<16xi32> to vector<16xi32>
      %swap3A_151 = vector.shape_cast %get3A_147 : vector<16xi32> to vector<16xi32>
      tpu.vector_store %arg11[%swap3A_148], %swap3A_151 {strides = array<i32>} : memref<80xi32, #tpu.memory_space<vmem>>, vector<16xi32>,
      %get3A_152 = arith.constant 96 : index
      %get3A_153 = tpu.vector_load %arg7[%get3A_152] {strides = array<i32>} : memref<640xi32, #tpu.memory_space<vmem>>, vector<16xi32>,
      %get3A_154 = vector.shape_cast %get3A_153 : vector<16xi32> to vector<16xi32>
      %swap3A_155 = arith.constant 16 : index
      %swap3A_156 = tpu.vector_load %arg11[%swap3A_155] {strides = array<i32>} : memref<80xi32, #tpu.memory_space<vmem>>, vector<16xi32>,
      %swap3A_157 = vector.shape_cast %swap3A_156 : vector<16xi32> to vector<16xi32>
      %swap3A_158 = vector.shape_cast %get3A_154 : vector<16xi32> to vector<16xi32>
      tpu.vector_store %arg11[%swap3A_155], %swap3A_158 {strides = array<i32>} : memref<80xi32, #tpu.memory_space<vmem>>, vector<16xi32>,
      %get3A_159 = arith.constant 112 : index
      %get3A_160 = tpu.vector_load %arg7[%get3A_159] {strides = array<i32>} : memref<640xi32, #tpu.memory_space<vmem>>, vector<16xi32>,
      %get3A_161 = vector.shape_cast %get3A_160 : vector<16xi32> to vector<16xi32>
      %swap3A_162 = arith.constant 32 : index
      %swap3A_163 = tpu.vector_load %arg11[%swap3A_162] {strides = array<i32>} : memref<80xi32, #tpu.memory_space<vmem>>, vector<16xi32>,
      %swap3A_164 = vector.shape_cast %swap3A_163 : vector<16xi32> to vector<16xi32>
      %swap3A_165 = vector.shape_cast %get3A_161 : vector<16xi32> to vector<16xi32>
      tpu.vector_store %arg11[%swap3A_162], %swap3A_165 {strides = array<i32>} : memref<80xi32, #tpu.memory_space<vmem>>, vector<16xi32>,
      %get3A_166 = arith.constant 128 : index
      %get3A_167 = tpu.vector_load %arg7[%get3A_166] {strides = array<i32>} : memref<640xi32, #tpu.memory_space<vmem>>, vector<16xi32>,
      %get3A_168 = vector.shape_cast %get3A_167 : vector<16xi32> to vector<16xi32>
      %swap3A_169 = arith.constant 48 : index
      %swap3A_170 = tpu.vector_load %arg11[%swap3A_169] {strides = array<i32>} : memref<80xi32, #tpu.memory_space<vmem>>, vector<16xi32>,
      %swap3A_171 = vector.shape_cast %swap3A_170 : vector<16xi32> to vector<16xi32>
      %swap3A_172 = vector.shape_cast %get3A_168 : vector<16xi32> to vector<16xi32>
      tpu.vector_store %arg11[%swap3A_169], %swap3A_172 {strides = array<i32>} : memref<80xi32, #tpu.memory_space<vmem>>, vector<16xi32>,
      %get3A_173 = arith.constant 144 : index
      %get3A_174 = tpu.vector_load %arg7[%get3A_173] {strides = array<i32>} : memref<640xi32, #tpu.memory_space<vmem>>, vector<16xi32>,
      %get3A_175 = vector.shape_cast %get3A_174 : vector<16xi32> to vector<16xi32>
      %swap3A_176 = arith.constant 64 : index
      %swap3A_177 = tpu.vector_load %arg11[%swap3A_176] {strides = array<i32>} : memref<80xi32, #tpu.memory_space<vmem>>, vector<16xi32>,
      %swap3A_178 = vector.shape_cast %swap3A_177 : vector<16xi32> to vector<16xi32>
      %swap3A_179 = vector.shape_cast %get3A_175 : vector<16xi32> to vector<16xi32>
      tpu.vector_store %arg11[%swap3A_176], %swap3A_179 {strides = array<i32>} : memref<80xi32, #tpu.memory_space<vmem>>, vector<16xi32>,
      %dma_start3A_180 = arith.constant 0 : i32
      %dma_start3A_181 = arith.constant 0 : i32
      %dma_start3A_182 = tpu.memref_slice %arg2[%dma_start3A_180, %dma_start3A_181] : memref<10000x128xf32, #tpu.memory_space<hbm>> -> memref<10000x128xf32, #tpu.memory_space<hbm>>
      tpu.enqueue_indirect_dma source(%dma_start3A_182 : memref<10000x128xf32, #tpu.memory_space<hbm>>) target(%arg14 : memref<80x128xf32, #tpu.memory_space<vmem>>) offsets(%arg11 : memref<80xi32, #tpu.memory_space<vmem>>) semaphore(%arg18 : memref<!tpu.dma_semaphore, #tpu.memory_space<semaphore_mem>>)
      %get3A_183 = arith.constant 160 : index
      %get3A_184 = tpu.vector_load %arg7[%get3A_183] {strides = array<i32>} : memref<640xi32, #tpu.memory_space<vmem>>, vector<16xi32>,
      %get3A_185 = vector.shape_cast %get3A_184 : vector<16xi32> to vector<16xi32>
      %swap3A_186 = arith.constant 0 : index
      %swap3A_187 = tpu.vector_load %arg12[%swap3A_186] {strides = array<i32>} : memref<80xi32, #tpu.memory_space<vmem>>, vector<16xi32>,
      %swap3A_188 = vector.shape_cast %swap3A_187 : vector<16xi32> to vector<16xi32>
      %swap3A_189 = vector.shape_cast %get3A_185 : vector<16xi32> to vector<16xi32>
      tpu.vector_store %arg12[%swap3A_186], %swap3A_189 {strides = array<i32>} : memref<80xi32, #tpu.memory_space<vmem>>, vector<16xi32>,
      %get3A_190 = arith.constant 176 : index
      %get3A_191 = tpu.vector_load %arg7[%get3A_190] {strides = array<i32>} : memref<640xi32, #tpu.memory_space<vmem>>, vector<16xi32>,
      %get3A_192 = vector.shape_cast %get3A_191 : vector<16xi32> to vector<16xi32>
      %swap3A_193 = arith.constant 16 : index
      %swap3A_194 = tpu.vector_load %arg12[%swap3A_193] {strides = array<i32>} : memref<80xi32, #tpu.memory_space<vmem>>, vector<16xi32>,
      %swap3A_195 = vector.shape_cast %swap3A_194 : vector<16xi32> to vector<16xi32>
      %swap3A_196 = vector.shape_cast %get3A_192 : vector<16xi32> to vector<16xi32>
      tpu.vector_store %arg12[%swap3A_193], %swap3A_196 {strides = array<i32>} : memref<80xi32, #tpu.memory_space<vmem>>, vector<16xi32>,
      %get3A_197 = arith.constant 192 : index
      %get3A_198 = tpu.vector_load %arg7[%get3A_197] {strides = array<i32>} : memref<640xi32, #tpu.memory_space<vmem>>, vector<16xi32>,
      %get3A_199 = vector.shape_cast %get3A_198 : vector<16xi32> to vector<16xi32>
      %swap3A_200 = arith.constant 32 : index
      %swap3A_201 = tpu.vector_load %arg12[%swap3A_200] {strides = array<i32>} : memref<80xi32, #tpu.memory_space<vmem>>, vector<16xi32>,
      %swap3A_202 = vector.shape_cast %swap3A_201 : vector<16xi32> to vector<16xi32>
      %swap3A_203 = vector.shape_cast %get3A_199 : vector<16xi32> to vector<16xi32>
      tpu.vector_store %arg12[%swap3A_200], %swap3A_203 {strides = array<i32>} : memref<80xi32, #tpu.memory_space<vmem>>, vector<16xi32>,
      %get3A_204 = arith.constant 208 : index
      %get3A_205 = tpu.vector_load %arg7[%get3A_204] {strides = array<i32>} : memref<640xi32, #tpu.memory_space<vmem>>, vector<16xi32>,
      %get3A_206 = vector.shape_cast %get3A_205 : vector<16xi32> to vector<16xi32>
      %swap3A_207 = arith.constant 48 : index
      %swap3A_208 = tpu.vector_load %arg12[%swap3A_207] {strides = array<i32>} : memref<80xi32, #tpu.memory_space<vmem>>, vector<16xi32>,
      %swap3A_209 = vector.shape_cast %swap3A_208 : vector<16xi32> to vector<16xi32>
      %swap3A_210 = vector.shape_cast %get3A_206 : vector<16xi32> to vector<16xi32>
      tpu.vector_store %arg12[%swap3A_207], %swap3A_210 {strides = array<i32>} : memref<80xi32, #tpu.memory_space<vmem>>, vector<16xi32>,
      %get3A_211 = arith.constant 224 : index
      %get3A_212 = tpu.vector_load %arg7[%get3A_211] {strides = array<i32>} : memref<640xi32, #tpu.memory_space<vmem>>, vector<16xi32>,
      %get3A_213 = vector.shape_cast %get3A_212 : vector<16xi32> to vector<16xi32>
      %swap3A_214 = arith.constant 64 : index
      %swap3A_215 = tpu.vector_load %arg12[%swap3A_214] {strides = array<i32>} : memref<80xi32, #tpu.memory_space<vmem>>, vector<16xi32>,
      %swap3A_216 = vector.shape_cast %swap3A_215 : vector<16xi32> to vector<16xi32>
      %swap3A_217 = vector.shape_cast %get3A_213 : vector<16xi32> to vector<16xi32>
      tpu.vector_store %arg12[%swap3A_214], %swap3A_217 {strides = array<i32>} : memref<80xi32, #tpu.memory_space<vmem>>, vector<16xi32>,
      %dma_start3A_218 = arith.constant 0 : i32
      %dma_start3A_219 = arith.constant 0 : i32
      %dma_start3A_220 = tpu.memref_slice %arg2[%dma_start3A_218, %dma_start3A_219] : memref<10000x128xf32, #tpu.memory_space<hbm>> -> memref<10000x128xf32, #tpu.memory_space<hbm>>
      tpu.enqueue_indirect_dma source(%dma_start3A_220 : memref<10000x128xf32, #tpu.memory_space<hbm>>) target(%arg15 : memref<80x128xf32, #tpu.memory_space<vmem>>) offsets(%arg12 : memref<80xi32, #tpu.memory_space<vmem>>) semaphore(%arg19 : memref<!tpu.dma_semaphore, #tpu.memory_space<semaphore_mem>>)
      %dma_wait3A_221 = arith.constant 0 : i32
      %dma_wait3A_222 = arith.constant 0 : i32
      %dma_wait3A_223 = tpu.memref_slice %arg2[%dma_wait3A_221, %dma_wait3A_222] : memref<10000x128xf32, #tpu.memory_space<hbm>> -> memref<10000x128xf32, #tpu.memory_space<hbm>>
      tpu.wait_indirect_dma semaphore(%arg17 : memref<!tpu.dma_semaphore, #tpu.memory_space<semaphore_mem>>) src(%dma_wait3A_223 : memref<10000x128xf32, #tpu.memory_space<hbm>>) dst(%arg13 : memref<80x128xf32, #tpu.memory_space<vmem>>)
      %get3A_224 = arith.constant 0 : index
      %get3A_225 = tpu.vector_load %arg6[%get3A_224] {strides = array<i32>} : memref<640xi32, #tpu.memory_space<vmem>>, vector<16xi32>,
      %get3A_226 = vector.shape_cast %get3A_225 : vector<16xi32> to vector<16xi32>
      %swap3A_227 = arith.constant 0 : index
      %swap3A_228 = tpu.vector_load %arg8[%swap3A_227] {strides = array<i32>} : memref<80xi32, #tpu.memory_space<vmem>>, vector<16xi32>,
      %swap3A_229 = vector.shape_cast %swap3A_228 : vector<16xi32> to vector<16xi32>
      %swap3A_230 = vector.shape_cast %get3A_226 : vector<16xi32> to vector<16xi32>
      tpu.vector_store %arg8[%swap3A_227], %swap3A_230 {strides = array<i32>} : memref<80xi32, #tpu.memory_space<vmem>>, vector<16xi32>,
      %get3A_231 = arith.constant 16 : index
      %get3A_232 = tpu.vector_load %arg6[%get3A_231] {strides = array<i32>} : memref<640xi32, #tpu.memory_space<vmem>>, vector<16xi32>,
      %get3A_233 = vector.shape_cast %get3A_232 : vector<16xi32> to vector<16xi32>
      %swap3A_234 = arith.constant 16 : index
      %swap3A_235 = tpu.vector_load %arg8[%swap3A_234] {strides = array<i32>} : memref<80xi32, #tpu.memory_space<vmem>>, vector<16xi32>,
      %swap3A_236 = vector.shape_cast %swap3A_235 : vector<16xi32> to vector<16xi32>
      %swap3A_237 = vector.shape_cast %get3A_233 : vector<16xi32> to vector<16xi32>
      tpu.vector_store %arg8[%swap3A_234], %swap3A_237 {strides = array<i32>} : memref<80xi32, #tpu.memory_space<vmem>>, vector<16xi32>,
      %get3A_238 = arith.constant 32 : index
      %get3A_239 = tpu.vector_load %arg6[%get3A_238] {strides = array<i32>} : memref<640xi32, #tpu.memory_space<vmem>>, vector<16xi32>,
      %get3A_240 = vector.shape_cast %get3A_239 : vector<16xi32> to vector<16xi32>
      %swap3A_241 = arith.constant 32 : index
      %swap3A_242 = tpu.vector_load %arg8[%swap3A_241] {strides = array<i32>} : memref<80xi32, #tpu.memory_space<vmem>>, vector<16xi32>,
      %swap3A_243 = vector.shape_cast %swap3A_242 : vector<16xi32> to vector<16xi32>
      %swap3A_244 = vector.shape_cast %get3A_240 : vector<16xi32> to vector<16xi32>
      tpu.vector_store %arg8[%swap3A_241], %swap3A_244 {strides = array<i32>} : memref<80xi32, #tpu.memory_space<vmem>>, vector<16xi32>,
      %get3A_245 = arith.constant 48 : index
      %get3A_246 = tpu.vector_load %arg6[%get3A_245] {strides = array<i32>} : memref<640xi32, #tpu.memory_space<vmem>>, vector<16xi32>,
      %get3A_247 = vector.shape_cast %get3A_246 : vector<16xi32> to vector<16xi32>
      %swap3A_248 = arith.constant 48 : index
      %swap3A_249 = tpu.vector_load %arg8[%swap3A_248] {strides = array<i32>} : memref<80xi32, #tpu.memory_space<vmem>>, vector<16xi32>,
      %swap3A_250 = vector.shape_cast %swap3A_249 : vector<16xi32> to vector<16xi32>
      %swap3A_251 = vector.shape_cast %get3A_247 : vector<16xi32> to vector<16xi32>
      tpu.vector_store %arg8[%swap3A_248], %swap3A_251 {strides = array<i32>} : memref<80xi32, #tpu.memory_space<vmem>>, vector<16xi32>,
      %get3A_252 = arith.constant 64 : index
      %get3A_253 = tpu.vector_load %arg6[%get3A_252] {strides = array<i32>} : memref<640xi32, #tpu.memory_space<vmem>>, vector<16xi32>,
      %get3A_254 = vector.shape_cast %get3A_253 : vector<16xi32> to vector<16xi32>
      %swap3A_255 = arith.constant 64 : index
      %swap3A_256 = tpu.vector_load %arg8[%swap3A_255] {strides = array<i32>} : memref<80xi32, #tpu.memory_space<vmem>>, vector<16xi32>,
      %swap3A_257 = vector.shape_cast %swap3A_256 : vector<16xi32> to vector<16xi32>
      %swap3A_258 = vector.shape_cast %get3A_254 : vector<16xi32> to vector<16xi32>
      tpu.vector_store %arg8[%swap3A_255], %swap3A_258 {strides = array<i32>} : memref<80xi32, #tpu.memory_space<vmem>>, vector<16xi32>,
      %get3A_259 = arith.constant 240 : index
      %get3A_260 = tpu.vector_load %arg7[%get3A_259] {strides = array<i32>} : memref<640xi32, #tpu.memory_space<vmem>>, vector<16xi32>,
      %get3A_261 = vector.shape_cast %get3A_260 : vector<16xi32> to vector<16xi32>
      %swap3A_262 = arith.constant 0 : index
      %swap3A_263 = tpu.vector_load %arg10[%swap3A_262] {strides = array<i32>} : memref<80xi32, #tpu.memory_space<vmem>>, vector<16xi32>,
      %swap3A_264 = vector.shape_cast %swap3A_263 : vector<16xi32> to vector<16xi32>
      %swap3A_265 = vector.shape_cast %get3A_261 : vector<16xi32> to vector<16xi32>
      tpu.vector_store %arg10[%swap3A_262], %swap3A_265 {strides = array<i32>} : memref<80xi32, #tpu.memory_space<vmem>>, vector<16xi32>,
      %get3A_266 = arith.constant 256 : index
      %get3A_267 = tpu.vector_load %arg7[%get3A_266] {strides = array<i32>} : memref<640xi32, #tpu.memory_space<vmem>>, vector<16xi32>,
      %get3A_268 = vector.shape_cast %get3A_267 : vector<16xi32> to vector<16xi32>
      %swap3A_269 = arith.constant 16 : index
      %swap3A_270 = tpu.vector_load %arg10[%swap3A_269] {strides = array<i32>} : memref<80xi32, #tpu.memory_space<vmem>>, vector<16xi32>,
      %swap3A_271 = vector.shape_cast %swap3A_270 : vector<16xi32> to vector<16xi32>
      %swap3A_272 = vector.shape_cast %get3A_268 : vector<16xi32> to vector<16xi32>
      tpu.vector_store %arg10[%swap3A_269], %swap3A_272 {strides = array<i32>} : memref<80xi32, #tpu.memory_space<vmem>>, vector<16xi32>,
      %get3A_273 = arith.constant 272 : index
      %get3A_274 = tpu.vector_load %arg7[%get3A_273] {strides = array<i32>} : memref<640xi32, #tpu.memory_space<vmem>>, vector<16xi32>,
      %get3A_275 = vector.shape_cast %get3A_274 : vector<16xi32> to vector<16xi32>
      %swap3A_276 = arith.constant 32 : index
      %swap3A_277 = tpu.vector_load %arg10[%swap3A_276] {strides = array<i32>} : memref<80xi32, #tpu.memory_space<vmem>>, vector<16xi32>,
      %swap3A_278 = vector.shape_cast %swap3A_277 : vector<16xi32> to vector<16xi32>
      %swap3A_279 = vector.shape_cast %get3A_275 : vector<16xi32> to vector<16xi32>
      tpu.vector_store %arg10[%swap3A_276], %swap3A_279 {strides = array<i32>} : memref<80xi32, #tpu.memory_space<vmem>>, vector<16xi32>,
      %get3A_280 = arith.constant 288 : index
      %get3A_281 = tpu.vector_load %arg7[%get3A_280] {strides = array<i32>} : memref<640xi32, #tpu.memory_space<vmem>>, vector<16xi32>,
      %get3A_282 = vector.shape_cast %get3A_281 : vector<16xi32> to vector<16xi32>
      %swap3A_283 = arith.constant 48 : index
      %swap3A_284 = tpu.vector_load %arg10[%swap3A_283] {strides = array<i32>} : memref<80xi32, #tpu.memory_space<vmem>>, vector<16xi32>,
      %swap3A_285 = vector.shape_cast %swap3A_284 : vector<16xi32> to vector<16xi32>
      %swap3A_286 = vector.shape_cast %get3A_282 : vector<16xi32> to vector<16xi32>
      tpu.vector_store %arg10[%swap3A_283], %swap3A_286 {strides = array<i32>} : memref<80xi32, #tpu.memory_space<vmem>>, vector<16xi32>,
      %get3A_287 = arith.constant 304 : index
      %get3A_288 = tpu.vector_load %arg7[%get3A_287] {strides = array<i32>} : memref<640xi32, #tpu.memory_space<vmem>>, vector<16xi32>,
      %get3A_289 = vector.shape_cast %get3A_288 : vector<16xi32> to vector<16xi32>
      %swap3A_290 = arith.constant 64 : index
      %swap3A_291 = tpu.vector_load %arg10[%swap3A_290] {strides = array<i32>} : memref<80xi32, #tpu.memory_space<vmem>>, vector<16xi32>,
      %swap3A_292 = vector.shape_cast %swap3A_291 : vector<16xi32> to vector<16xi32>
      %swap3A_293 = vector.shape_cast %get3A_289 : vector<16xi32> to vector<16xi32>
      tpu.vector_store %arg10[%swap3A_290], %swap3A_293 {strides = array<i32>} : memref<80xi32, #tpu.memory_space<vmem>>, vector<16xi32>,
      %dma_start3A_294 = arith.constant 0 : i32
      %dma_start3A_295 = arith.constant 0 : i32
      %dma_start3A_296 = tpu.memref_slice %arg2[%dma_start3A_294, %dma_start3A_295] : memref<10000x128xf32, #tpu.memory_space<hbm>> -> memref<10000x128xf32, #tpu.memory_space<hbm>>
      tpu.enqueue_indirect_dma source(%dma_start3A_296 : memref<10000x128xf32, #tpu.memory_space<hbm>>) target(%arg13 : memref<80x128xf32, #tpu.memory_space<vmem>>) offsets(%arg10 : memref<80xi32, #tpu.memory_space<vmem>>) semaphore(%arg17 : memref<!tpu.dma_semaphore, #tpu.memory_space<semaphore_mem>>)
      %dma_wait3A_297 = arith.constant 0 : i32
      %dma_wait3A_298 = arith.constant 0 : i32
      %dma_wait3A_299 = tpu.memref_slice %arg2[%dma_wait3A_297, %dma_wait3A_298] : memref<10000x128xf32, #tpu.memory_space<hbm>> -> memref<10000x128xf32, #tpu.memory_space<hbm>>
      tpu.wait_indirect_dma semaphore(%arg18 : memref<!tpu.dma_semaphore, #tpu.memory_space<semaphore_mem>>) src(%dma_wait3A_299 : memref<10000x128xf32, #tpu.memory_space<hbm>>) dst(%arg14 : memref<80x128xf32, #tpu.memory_space<vmem>>)
      %get3A_300 = arith.constant 80 : index
      %get3A_301 = tpu.vector_load %arg6[%get3A_300] {strides = array<i32>} : memref<640xi32, #tpu.memory_space<vmem>>, vector<16xi32>,
      %get3A_302 = vector.shape_cast %get3A_301 : vector<16xi32> to vector<16xi32>
      %swap3A_303 = arith.constant 0 : index
      %swap3A_304 = tpu.vector_load %arg9[%swap3A_303] {strides = array<i32>} : memref<80xi32, #tpu.memory_space<vmem>>, vector<16xi32>,
      %swap3A_305 = vector.shape_cast %swap3A_304 : vector<16xi32> to vector<16xi32>
      %swap3A_306 = vector.shape_cast %get3A_302 : vector<16xi32> to vector<16xi32>
      tpu.vector_store %arg9[%swap3A_303], %swap3A_306 {strides = array<i32>} : memref<80xi32, #tpu.memory_space<vmem>>, vector<16xi32>,
      %get3A_307 = arith.constant 96 : index
      %get3A_308 = tpu.vector_load %arg6[%get3A_307] {strides = array<i32>} : memref<640xi32, #tpu.memory_space<vmem>>, vector<16xi32>,
      %get3A_309 = vector.shape_cast %get3A_308 : vector<16xi32> to vector<16xi32>
      %swap3A_310 = arith.constant 16 : index
      %swap3A_311 = tpu.vector_load %arg9[%swap3A_310] {strides = array<i32>} : memref<80xi32, #tpu.memory_space<vmem>>, vector<16xi32>,
      %swap3A_312 = vector.shape_cast %swap3A_311 : vector<16xi32> to vector<16xi32>
      %swap3A_313 = vector.shape_cast %get3A_309 : vector<16xi32> to vector<16xi32>
      tpu.vector_store %arg9[%swap3A_310], %swap3A_313 {strides = array<i32>} : memref<80xi32, #tpu.memory_space<vmem>>, vector<16xi32>,
      %get3A_314 = arith.constant 112 : index
      %get3A_315 = tpu.vector_load %arg6[%get3A_314] {strides = array<i32>} : memref<640xi32, #tpu.memory_space<vmem>>, vector<16xi32>,
      %get3A_316 = vector.shape_cast %get3A_315 : vector<16xi32> to vector<16xi32>
      %swap3A_317 = arith.constant 32 : index
      %swap3A_318 = tpu.vector_load %arg9[%swap3A_317] {strides = array<i32>} : memref<80xi32, #tpu.memory_space<vmem>>, vector<16xi32>,
      %swap3A_319 = vector.shape_cast %swap3A_318 : vector<16xi32> to vector<16xi32>
      %swap3A_320 = vector.shape_cast %get3A_316 : vector<16xi32> to vector<16xi32>
      tpu.vector_store %arg9[%swap3A_317], %swap3A_320 {strides = array<i32>} : memref<80xi32, #tpu.memory_space<vmem>>, vector<16xi32>,
      %get3A_321 = arith.constant 128 : index
      %get3A_322 = tpu.vector_load %arg6[%get3A_321] {strides = array<i32>} : memref<640xi32, #tpu.memory_space<vmem>>, vector<16xi32>,
      %get3A_323 = vector.shape_cast %get3A_322 : vector<16xi32> to vector<16xi32>
      %swap3A_324 = arith.constant 48 : index
      %swap3A_325 = tpu.vector_load %arg9[%swap3A_324] {strides = array<i32>} : memref<80xi32, #tpu.memory_space<vmem>>, vector<16xi32>,
      %swap3A_326 = vector.shape_cast %swap3A_325 : vector<16xi32> to vector<16xi32>
      %swap3A_327 = vector.shape_cast %get3A_323 : vector<16xi32> to vector<16xi32>
      tpu.vector_store %arg9[%swap3A_324], %swap3A_327 {strides = array<i32>} : memref<80xi32, #tpu.memory_space<vmem>>, vector<16xi32>,
      %get3A_328 = arith.constant 144 : index
      %get3A_329 = tpu.vector_load %arg6[%get3A_328] {strides = array<i32>} : memref<640xi32, #tpu.memory_space<vmem>>, vector<16xi32>,
      %get3A_330 = vector.shape_cast %get3A_329 : vector<16xi32> to vector<16xi32>
      %swap3A_331 = arith.constant 64 : index
      %swap3A_332 = tpu.vector_load %arg9[%swap3A_331] {strides = array<i32>} : memref<80xi32, #tpu.memory_space<vmem>>, vector<16xi32>,
      %swap3A_333 = vector.shape_cast %swap3A_332 : vector<16xi32> to vector<16xi32>
      %swap3A_334 = vector.shape_cast %get3A_330 : vector<16xi32> to vector<16xi32>
      tpu.vector_store %arg9[%swap3A_331], %swap3A_334 {strides = array<i32>} : memref<80xi32, #tpu.memory_space<vmem>>, vector<16xi32>,
      %get3A_335 = arith.constant 320 : index
      %get3A_336 = tpu.vector_load %arg7[%get3A_335] {strides = array<i32>} : memref<640xi32, #tpu.memory_space<vmem>>, vector<16xi32>,
      %get3A_337 = vector.shape_cast %get3A_336 : vector<16xi32> to vector<16xi32>
      %swap3A_338 = arith.constant 0 : index
      %swap3A_339 = tpu.vector_load %arg11[%swap3A_338] {strides = array<i32>} : memref<80xi32, #tpu.memory_space<vmem>>, vector<16xi32>,
      %swap3A_340 = vector.shape_cast %swap3A_339 : vector<16xi32> to vector<16xi32>
      %swap3A_341 = vector.shape_cast %get3A_337 : vector<16xi32> to vector<16xi32>
      tpu.vector_store %arg11[%swap3A_338], %swap3A_341 {strides = array<i32>} : memref<80xi32, #tpu.memory_space<vmem>>, vector<16xi32>,
      %get3A_342 = arith.constant 336 : index
      %get3A_343 = tpu.vector_load %arg7[%get3A_342] {strides = array<i32>} : memref<640xi32, #tpu.memory_space<vmem>>, vector<16xi32>,
      %get3A_344 = vector.shape_cast %get3A_343 : vector<16xi32> to vector<16xi32>
      %swap3A_345 = arith.constant 16 : index
      %swap3A_346 = tpu.vector_load %arg11[%swap3A_345] {strides = array<i32>} : memref<80xi32, #tpu.memory_space<vmem>>, vector<16xi32>,
      %swap3A_347 = vector.shape_cast %swap3A_346 : vector<16xi32> to vector<16xi32>
      %swap3A_348 = vector.shape_cast %get3A_344 : vector<16xi32> to vector<16xi32>
      tpu.vector_store %arg11[%swap3A_345], %swap3A_348 {strides = array<i32>} : memref<80xi32, #tpu.memory_space<vmem>>, vector<16xi32>,
      %get3A_349 = arith.constant 352 : index
      %get3A_350 = tpu.vector_load %arg7[%get3A_349] {strides = array<i32>} : memref<640xi32, #tpu.memory_space<vmem>>, vector<16xi32>,
      %get3A_351 = vector.shape_cast %get3A_350 : vector<16xi32> to vector<16xi32>
      %swap3A_352 = arith.constant 32 : index
      %swap3A_353 = tpu.vector_load %arg11[%swap3A_352] {strides = array<i32>} : memref<80xi32, #tpu.memory_space<vmem>>, vector<16xi32>,
      %swap3A_354 = vector.shape_cast %swap3A_353 : vector<16xi32> to vector<16xi32>
      %swap3A_355 = vector.shape_cast %get3A_351 : vector<16xi32> to vector<16xi32>
      tpu.vector_store %arg11[%swap3A_352], %swap3A_355 {strides = array<i32>} : memref<80xi32, #tpu.memory_space<vmem>>, vector<16xi32>,
      %get3A_356 = arith.constant 368 : index
      %get3A_357 = tpu.vector_load %arg7[%get3A_356] {strides = array<i32>} : memref<640xi32, #tpu.memory_space<vmem>>, vector<16xi32>,
      %get3A_358 = vector.shape_cast %get3A_357 : vector<16xi32> to vector<16xi32>
      %swap3A_359 = arith.constant 48 : index
      %swap3A_360 = tpu.vector_load %arg11[%swap3A_359] {strides = array<i32>} : memref<80xi32, #tpu.memory_space<vmem>>, vector<16xi32>,
      %swap3A_361 = vector.shape_cast %swap3A_360 : vector<16xi32> to vector<16xi32>
      %swap3A_362 = vector.shape_cast %get3A_358 : vector<16xi32> to vector<16xi32>
      tpu.vector_store %arg11[%swap3A_359], %swap3A_362 {strides = array<i32>} : memref<80xi32, #tpu.memory_space<vmem>>, vector<16xi32>,
      %get3A_363 = arith.constant 384 : index
      %get3A_364 = tpu.vector_load %arg7[%get3A_363] {strides = array<i32>} : memref<640xi32, #tpu.memory_space<vmem>>, vector<16xi32>,
      %get3A_365 = vector.shape_cast %get3A_364 : vector<16xi32> to vector<16xi32>
      %swap3A_366 = arith.constant 64 : index
      %swap3A_367 = tpu.vector_load %arg11[%swap3A_366] {strides = array<i32>} : memref<80xi32, #tpu.memory_space<vmem>>, vector<16xi32>,
      %swap3A_368 = vector.shape_cast %swap3A_367 : vector<16xi32> to vector<16xi32>
      %swap3A_369 = vector.shape_cast %get3A_365 : vector<16xi32> to vector<16xi32>
      tpu.vector_store %arg11[%swap3A_366], %swap3A_369 {strides = array<i32>} : memref<80xi32, #tpu.memory_space<vmem>>, vector<16xi32>,
      %dma_start3A_370 = arith.constant 0 : i32
      %dma_start3A_371 = arith.constant 0 : i32
      %dma_start3A_372 = tpu.memref_slice %arg2[%dma_start3A_370, %dma_start3A_371] : memref<10000x128xf32, #tpu.memory_space<hbm>> -> memref<10000x128xf32, #tpu.memory_space<hbm>>
      tpu.enqueue_indirect_dma source(%dma_start3A_372 : memref<10000x128xf32, #tpu.memory_space<hbm>>) target(%arg14 : memref<80x128xf32, #tpu.memory_space<vmem>>) offsets(%arg11 : memref<80xi32, #tpu.memory_space<vmem>>) semaphore(%arg18 : memref<!tpu.dma_semaphore, #tpu.memory_space<semaphore_mem>>)
      %dma_wait3A_373 = arith.constant 0 : i32
      %dma_wait3A_374 = arith.constant 0 : i32
      %dma_wait3A_375 = tpu.memref_slice %arg2[%dma_wait3A_373, %dma_wait3A_374] : memref<10000x128xf32, #tpu.memory_space<hbm>> -> memref<10000x128xf32, #tpu.memory_space<hbm>>
      tpu.wait_indirect_dma semaphore(%arg19 : memref<!tpu.dma_semaphore, #tpu.memory_space<semaphore_mem>>) src(%dma_wait3A_375 : memref<10000x128xf32, #tpu.memory_space<hbm>>) dst(%arg15 : memref<80x128xf32, #tpu.memory_space<vmem>>)
      %get3A_376 = arith.constant 160 : index
      %get3A_377 = tpu.vector_load %arg6[%get3A_376] {strides = array<i32>} : memref<640xi32, #tpu.memory_space<vmem>>, vector<16xi32>,
      %get3A_378 = vector.shape_cast %get3A_377 : vector<16xi32> to vector<16xi32>
      %swap3A_379 = arith.constant 0 : index
      %swap3A_380 = tpu.vector_load %arg8[%swap3A_379] {strides = array<i32>} : memref<80xi32, #tpu.memory_space<vmem>>, vector<16xi32>,
      %swap3A_381 = vector.shape_cast %swap3A_380 : vector<16xi32> to vector<16xi32>
      %swap3A_382 = vector.shape_cast %get3A_378 : vector<16xi32> to vector<16xi32>
      tpu.vector_store %arg8[%swap3A_379], %swap3A_382 {strides = array<i32>} : memref<80xi32, #tpu.memory_space<vmem>>, vector<16xi32>,
      %get3A_383 = arith.constant 176 : index
      %get3A_384 = tpu.vector_load %arg6[%get3A_383] {strides = array<i32>} : memref<640xi32, #tpu.memory_space<vmem>>, vector<16xi32>,
      %get3A_385 = vector.shape_cast %get3A_384 : vector<16xi32> to vector<16xi32>
      %swap3A_386 = arith.constant 16 : index
      %swap3A_387 = tpu.vector_load %arg8[%swap3A_386] {strides = array<i32>} : memref<80xi32, #tpu.memory_space<vmem>>, vector<16xi32>,
      %swap3A_388 = vector.shape_cast %swap3A_387 : vector<16xi32> to vector<16xi32>
      %swap3A_389 = vector.shape_cast %get3A_385 : vector<16xi32> to vector<16xi32>
      tpu.vector_store %arg8[%swap3A_386], %swap3A_389 {strides = array<i32>} : memref<80xi32, #tpu.memory_space<vmem>>, vector<16xi32>,
      %get3A_390 = arith.constant 192 : index
      %get3A_391 = tpu.vector_load %arg6[%get3A_390] {strides = array<i32>} : memref<640xi32, #tpu.memory_space<vmem>>, vector<16xi32>,
      %get3A_392 = vector.shape_cast %get3A_391 : vector<16xi32> to vector<16xi32>
      %swap3A_393 = arith.constant 32 : index
      %swap3A_394 = tpu.vector_load %arg8[%swap3A_393] {strides = array<i32>} : memref<80xi32, #tpu.memory_space<vmem>>, vector<16xi32>,
      %swap3A_395 = vector.shape_cast %swap3A_394 : vector<16xi32> to vector<16xi32>
      %swap3A_396 = vector.shape_cast %get3A_392 : vector<16xi32> to vector<16xi32>
      tpu.vector_store %arg8[%swap3A_393], %swap3A_396 {strides = array<i32>} : memref<80xi32, #tpu.memory_space<vmem>>, vector<16xi32>,
      %get3A_397 = arith.constant 208 : index
      %get3A_398 = tpu.vector_load %arg6[%get3A_397] {strides = array<i32>} : memref<640xi32, #tpu.memory_space<vmem>>, vector<16xi32>,
      %get3A_399 = vector.shape_cast %get3A_398 : vector<16xi32> to vector<16xi32>
      %swap3A_400 = arith.constant 48 : index
      %swap3A_401 = tpu.vector_load %arg8[%swap3A_400] {strides = array<i32>} : memref<80xi32, #tpu.memory_space<vmem>>, vector<16xi32>,
      %swap3A_402 = vector.shape_cast %swap3A_401 : vector<16xi32> to vector<16xi32>
      %swap3A_403 = vector.shape_cast %get3A_399 : vector<16xi32> to vector<16xi32>
      tpu.vector_store %arg8[%swap3A_400], %swap3A_403 {strides = array<i32>} : memref<80xi32, #tpu.memory_space<vmem>>, vector<16xi32>,
      %get3A_404 = arith.constant 224 : index
      %get3A_405 = tpu.vector_load %arg6[%get3A_404] {strides = array<i32>} : memref<640xi32, #tpu.memory_space<vmem>>, vector<16xi32>,
      %get3A_406 = vector.shape_cast %get3A_405 : vector<16xi32> to vector<16xi32>
      %swap3A_407 = arith.constant 64 : index
      %swap3A_408 = tpu.vector_load %arg8[%swap3A_407] {strides = array<i32>} : memref<80xi32, #tpu.memory_space<vmem>>, vector<16xi32>,
      %swap3A_409 = vector.shape_cast %swap3A_408 : vector<16xi32> to vector<16xi32>
      %swap3A_410 = vector.shape_cast %get3A_406 : vector<16xi32> to vector<16xi32>
      tpu.vector_store %arg8[%swap3A_407], %swap3A_410 {strides = array<i32>} : memref<80xi32, #tpu.memory_space<vmem>>, vector<16xi32>,
      %get3A_411 = arith.constant 400 : index
      %get3A_412 = tpu.vector_load %arg7[%get3A_411] {strides = array<i32>} : memref<640xi32, #tpu.memory_space<vmem>>, vector<16xi32>,
      %get3A_413 = vector.shape_cast %get3A_412 : vector<16xi32> to vector<16xi32>
      %swap3A_414 = arith.constant 0 : index
      %swap3A_415 = tpu.vector_load %arg12[%swap3A_414] {strides = array<i32>} : memref<80xi32, #tpu.memory_space<vmem>>, vector<16xi32>,
      %swap3A_416 = vector.shape_cast %swap3A_415 : vector<16xi32> to vector<16xi32>
      %swap3A_417 = vector.shape_cast %get3A_413 : vector<16xi32> to vector<16xi32>
      tpu.vector_store %arg12[%swap3A_414], %swap3A_417 {strides = array<i32>} : memref<80xi32, #tpu.memory_space<vmem>>, vector<16xi32>,
      %get3A_418 = arith.constant 416 : index
      %get3A_419 = tpu.vector_load %arg7[%get3A_418] {strides = array<i32>} : memref<640xi32, #tpu.memory_space<vmem>>, vector<16xi32>,
      %get3A_420 = vector.shape_cast %get3A_419 : vector<16xi32> to vector<16xi32>
      %swap3A_421 = arith.constant 16 : index
      %swap3A_422 = tpu.vector_load %arg12[%swap3A_421] {strides = array<i32>} : memref<80xi32, #tpu.memory_space<vmem>>, vector<16xi32>,
      %swap3A_423 = vector.shape_cast %swap3A_422 : vector<16xi32> to vector<16xi32>
      %swap3A_424 = vector.shape_cast %get3A_420 : vector<16xi32> to vector<16xi32>
      tpu.vector_store %arg12[%swap3A_421], %swap3A_424 {strides = array<i32>} : memref<80xi32, #tpu.memory_space<vmem>>, vector<16xi32>,
      %get3A_425 = arith.constant 432 : index
      %get3A_426 = tpu.vector_load %arg7[%get3A_425] {strides = array<i32>} : memref<640xi32, #tpu.memory_space<vmem>>, vector<16xi32>,
      %get3A_427 = vector.shape_cast %get3A_426 : vector<16xi32> to vector<16xi32>
      %swap3A_428 = arith.constant 32 : index
      %swap3A_429 = tpu.vector_load %arg12[%swap3A_428] {strides = array<i32>} : memref<80xi32, #tpu.memory_space<vmem>>, vector<16xi32>,
      %swap3A_430 = vector.shape_cast %swap3A_429 : vector<16xi32> to vector<16xi32>
      %swap3A_431 = vector.shape_cast %get3A_427 : vector<16xi32> to vector<16xi32>
      tpu.vector_store %arg12[%swap3A_428], %swap3A_431 {strides = array<i32>} : memref<80xi32, #tpu.memory_space<vmem>>, vector<16xi32>,
      %get3A_432 = arith.constant 448 : index
      %get3A_433 = tpu.vector_load %arg7[%get3A_432] {strides = array<i32>} : memref<640xi32, #tpu.memory_space<vmem>>, vector<16xi32>,
      %get3A_434 = vector.shape_cast %get3A_433 : vector<16xi32> to vector<16xi32>
      %swap3A_435 = arith.constant 48 : index
      %swap3A_436 = tpu.vector_load %arg12[%swap3A_435] {strides = array<i32>} : memref<80xi32, #tpu.memory_space<vmem>>, vector<16xi32>,
      %swap3A_437 = vector.shape_cast %swap3A_436 : vector<16xi32> to vector<16xi32>
      %swap3A_438 = vector.shape_cast %get3A_434 : vector<16xi32> to vector<16xi32>
      tpu.vector_store %arg12[%swap3A_435], %swap3A_438 {strides = array<i32>} : memref<80xi32, #tpu.memory_space<vmem>>, vector<16xi32>,
      %get3A_439 = arith.constant 464 : index
      %get3A_440 = tpu.vector_load %arg7[%get3A_439] {strides = array<i32>} : memref<640xi32, #tpu.memory_space<vmem>>, vector<16xi32>,
      %get3A_441 = vector.shape_cast %get3A_440 : vector<16xi32> to vector<16xi32>
      %swap3A_442 = arith.constant 64 : index
      %swap3A_443 = tpu.vector_load %arg12[%swap3A_442] {strides = array<i32>} : memref<80xi32, #tpu.memory_space<vmem>>, vector<16xi32>,
      %swap3A_444 = vector.shape_cast %swap3A_443 : vector<16xi32> to vector<16xi32>
      %swap3A_445 = vector.shape_cast %get3A_441 : vector<16xi32> to vector<16xi32>
      tpu.vector_store %arg12[%swap3A_442], %swap3A_445 {strides = array<i32>} : memref<80xi32, #tpu.memory_space<vmem>>, vector<16xi32>,
      %dma_start3A_446 = arith.constant 0 : i32
      %dma_start3A_447 = arith.constant 0 : i32
      %dma_start3A_448 = tpu.memref_slice %arg2[%dma_start3A_446, %dma_start3A_447] : memref<10000x128xf32, #tpu.memory_space<hbm>> -> memref<10000x128xf32, #tpu.memory_space<hbm>>
      tpu.enqueue_indirect_dma source(%dma_start3A_448 : memref<10000x128xf32, #tpu.memory_space<hbm>>) target(%arg15 : memref<80x128xf32, #tpu.memory_space<vmem>>) offsets(%arg12 : memref<80xi32, #tpu.memory_space<vmem>>) semaphore(%arg19 : memref<!tpu.dma_semaphore, #tpu.memory_space<semaphore_mem>>)
      %dma_wait3A_449 = arith.constant 0 : i32
      %dma_wait3A_450 = arith.constant 0 : i32
      %dma_wait3A_451 = tpu.memref_slice %arg2[%dma_wait3A_449, %dma_wait3A_450] : memref<10000x128xf32, #tpu.memory_space<hbm>> -> memref<10000x128xf32, #tpu.memory_space<hbm>>
      tpu.wait_indirect_dma semaphore(%arg17 : memref<!tpu.dma_semaphore, #tpu.memory_space<semaphore_mem>>) src(%dma_wait3A_451 : memref<10000x128xf32, #tpu.memory_space<hbm>>) dst(%arg13 : memref<80x128xf32, #tpu.memory_space<vmem>>)
      %get3A_452 = arith.constant 240 : index
      %get3A_453 = tpu.vector_load %arg6[%get3A_452] {strides = array<i32>} : memref<640xi32, #tpu.memory_space<vmem>>, vector<16xi32>,
      %get3A_454 = vector.shape_cast %get3A_453 : vector<16xi32> to vector<16xi32>
      %swap3A_455 = arith.constant 0 : index
      %swap3A_456 = tpu.vector_load %arg9[%swap3A_455] {strides = array<i32>} : memref<80xi32, #tpu.memory_space<vmem>>, vector<16xi32>,
      %swap3A_457 = vector.shape_cast %swap3A_456 : vector<16xi32> to vector<16xi32>
      %swap3A_458 = vector.shape_cast %get3A_454 : vector<16xi32> to vector<16xi32>
      tpu.vector_store %arg9[%swap3A_455], %swap3A_458 {strides = array<i32>} : memref<80xi32, #tpu.memory_space<vmem>>, vector<16xi32>,
      %get3A_459 = arith.constant 256 : index
      %get3A_460 = tpu.vector_load %arg6[%get3A_459] {strides = array<i32>} : memref<640xi32, #tpu.memory_space<vmem>>, vector<16xi32>,
      %get3A_461 = vector.shape_cast %get3A_460 : vector<16xi32> to vector<16xi32>
      %swap3A_462 = arith.constant 16 : index
      %swap3A_463 = tpu.vector_load %arg9[%swap3A_462] {strides = array<i32>} : memref<80xi32, #tpu.memory_space<vmem>>, vector<16xi32>,
      %swap3A_464 = vector.shape_cast %swap3A_463 : vector<16xi32> to vector<16xi32>
      %swap3A_465 = vector.shape_cast %get3A_461 : vector<16xi32> to vector<16xi32>
      tpu.vector_store %arg9[%swap3A_462], %swap3A_465 {strides = array<i32>} : memref<80xi32, #tpu.memory_space<vmem>>, vector<16xi32>,
      %get3A_466 = arith.constant 272 : index
      %get3A_467 = tpu.vector_load %arg6[%get3A_466] {strides = array<i32>} : memref<640xi32, #tpu.memory_space<vmem>>, vector<16xi32>,
      %get3A_468 = vector.shape_cast %get3A_467 : vector<16xi32> to vector<16xi32>
      %swap3A_469 = arith.constant 32 : index
      %swap3A_470 = tpu.vector_load %arg9[%swap3A_469] {strides = array<i32>} : memref<80xi32, #tpu.memory_space<vmem>>, vector<16xi32>,
      %swap3A_471 = vector.shape_cast %swap3A_470 : vector<16xi32> to vector<16xi32>
      %swap3A_472 = vector.shape_cast %get3A_468 : vector<16xi32> to vector<16xi32>
      tpu.vector_store %arg9[%swap3A_469], %swap3A_472 {strides = array<i32>} : memref<80xi32, #tpu.memory_space<vmem>>, vector<16xi32>,
      %get3A_473 = arith.constant 288 : index
      %get3A_474 = tpu.vector_load %arg6[%get3A_473] {strides = array<i32>} : memref<640xi32, #tpu.memory_space<vmem>>, vector<16xi32>,
      %get3A_475 = vector.shape_cast %get3A_474 : vector<16xi32> to vector<16xi32>
      %swap3A_476 = arith.constant 48 : index
      %swap3A_477 = tpu.vector_load %arg9[%swap3A_476] {strides = array<i32>} : memref<80xi32, #tpu.memory_space<vmem>>, vector<16xi32>,
      %swap3A_478 = vector.shape_cast %swap3A_477 : vector<16xi32> to vector<16xi32>
      %swap3A_479 = vector.shape_cast %get3A_475 : vector<16xi32> to vector<16xi32>
      tpu.vector_store %arg9[%swap3A_476], %swap3A_479 {strides = array<i32>} : memref<80xi32, #tpu.memory_space<vmem>>, vector<16xi32>,
      %get3A_480 = arith.constant 304 : index
      %get3A_481 = tpu.vector_load %arg6[%get3A_480] {strides = array<i32>} : memref<640xi32, #tpu.memory_space<vmem>>, vector<16xi32>,
      %get3A_482 = vector.shape_cast %get3A_481 : vector<16xi32> to vector<16xi32>
      %swap3A_483 = arith.constant 64 : index
      %swap3A_484 = tpu.vector_load %arg9[%swap3A_483] {strides = array<i32>} : memref<80xi32, #tpu.memory_space<vmem>>, vector<16xi32>,
      %swap3A_485 = vector.shape_cast %swap3A_484 : vector<16xi32> to vector<16xi32>
      %swap3A_486 = vector.shape_cast %get3A_482 : vector<16xi32> to vector<16xi32>
      tpu.vector_store %arg9[%swap3A_483], %swap3A_486 {strides = array<i32>} : memref<80xi32, #tpu.memory_space<vmem>>, vector<16xi32>,
      %get3A_487 = arith.constant 480 : index
      %get3A_488 = tpu.vector_load %arg7[%get3A_487] {strides = array<i32>} : memref<640xi32, #tpu.memory_space<vmem>>, vector<16xi32>,
      %get3A_489 = vector.shape_cast %get3A_488 : vector<16xi32> to vector<16xi32>
      %swap3A_490 = arith.constant 0 : index
      %swap3A_491 = tpu.vector_load %arg10[%swap3A_490] {strides = array<i32>} : memref<80xi32, #tpu.memory_space<vmem>>, vector<16xi32>,
      %swap3A_492 = vector.shape_cast %swap3A_491 : vector<16xi32> to vector<16xi32>
      %swap3A_493 = vector.shape_cast %get3A_489 : vector<16xi32> to vector<16xi32>
      tpu.vector_store %arg10[%swap3A_490], %swap3A_493 {strides = array<i32>} : memref<80xi32, #tpu.memory_space<vmem>>, vector<16xi32>,
      %get3A_494 = arith.constant 496 : index
      %get3A_495 = tpu.vector_load %arg7[%get3A_494] {strides = array<i32>} : memref<640xi32, #tpu.memory_space<vmem>>, vector<16xi32>,
      %get3A_496 = vector.shape_cast %get3A_495 : vector<16xi32> to vector<16xi32>
      %swap3A_497 = arith.constant 16 : index
      %swap3A_498 = tpu.vector_load %arg10[%swap3A_497] {strides = array<i32>} : memref<80xi32, #tpu.memory_space<vmem>>, vector<16xi32>,
      %swap3A_499 = vector.shape_cast %swap3A_498 : vector<16xi32> to vector<16xi32>
      %swap3A_500 = vector.shape_cast %get3A_496 : vector<16xi32> to vector<16xi32>
      tpu.vector_store %arg10[%swap3A_497], %swap3A_500 {strides = array<i32>} : memref<80xi32, #tpu.memory_space<vmem>>, vector<16xi32>,
      %get3A_501 = arith.constant 512 : index
      %get3A_502 = tpu.vector_load %arg7[%get3A_501] {strides = array<i32>} : memref<640xi32, #tpu.memory_space<vmem>>, vector<16xi32>,
      %get3A_503 = vector.shape_cast %get3A_502 : vector<16xi32> to vector<16xi32>
      %swap3A_504 = arith.constant 32 : index
      %swap3A_505 = tpu.vector_load %arg10[%swap3A_504] {strides = array<i32>} : memref<80xi32, #tpu.memory_space<vmem>>, vector<16xi32>,
      %swap3A_506 = vector.shape_cast %swap3A_505 : vector<16xi32> to vector<16xi32>
      %swap3A_507 = vector.shape_cast %get3A_503 : vector<16xi32> to vector<16xi32>
      tpu.vector_store %arg10[%swap3A_504], %swap3A_507 {strides = array<i32>} : memref<80xi32, #tpu.memory_space<vmem>>, vector<16xi32>,
      %get3A_508 = arith.constant 528 : index
      %get3A_509 = tpu.vector_load %arg7[%get3A_508] {strides = array<i32>} : memref<640xi32, #tpu.memory_space<vmem>>, vector<16xi32>,
      %get3A_510 = vector.shape_cast %get3A_509 : vector<16xi32> to vector<16xi32>
      %swap3A_511 = arith.constant 48 : index
      %swap3A_512 = tpu.vector_load %arg10[%swap3A_511] {strides = array<i32>} : memref<80xi32, #tpu.memory_space<vmem>>, vector<16xi32>,
      %swap3A_513 = vector.shape_cast %swap3A_512 : vector<16xi32> to vector<16xi32>
      %swap3A_514 = vector.shape_cast %get3A_510 : vector<16xi32> to vector<16xi32>
      tpu.vector_store %arg10[%swap3A_511], %swap3A_514 {strides = array<i32>} : memref<80xi32, #tpu.memory_space<vmem>>, vector<16xi32>,
      %get3A_515 = arith.constant 544 : index
      %get3A_516 = tpu.vector_load %arg7[%get3A_515] {strides = array<i32>} : memref<640xi32, #tpu.memory_space<vmem>>, vector<16xi32>,
      %get3A_517 = vector.shape_cast %get3A_516 : vector<16xi32> to vector<16xi32>
      %swap3A_518 = arith.constant 64 : index
      %swap3A_519 = tpu.vector_load %arg10[%swap3A_518] {strides = array<i32>} : memref<80xi32, #tpu.memory_space<vmem>>, vector<16xi32>,
      %swap3A_520 = vector.shape_cast %swap3A_519 : vector<16xi32> to vector<16xi32>
      %swap3A_521 = vector.shape_cast %get3A_517 : vector<16xi32> to vector<16xi32>
      tpu.vector_store %arg10[%swap3A_518], %swap3A_521 {strides = array<i32>} : memref<80xi32, #tpu.memory_space<vmem>>, vector<16xi32>,
      %dma_start3A_522 = arith.constant 0 : i32
      %dma_start3A_523 = arith.constant 0 : i32
      %dma_start3A_524 = tpu.memref_slice %arg2[%dma_start3A_522, %dma_start3A_523] : memref<10000x128xf32, #tpu.memory_space<hbm>> -> memref<10000x128xf32, #tpu.memory_space<hbm>>
      tpu.enqueue_indirect_dma source(%dma_start3A_524 : memref<10000x128xf32, #tpu.memory_space<hbm>>) target(%arg13 : memref<80x128xf32, #tpu.memory_space<vmem>>) offsets(%arg10 : memref<80xi32, #tpu.memory_space<vmem>>) semaphore(%arg17 : memref<!tpu.dma_semaphore, #tpu.memory_space<semaphore_mem>>)
      %dma_wait3A_525 = arith.constant 0 : i32
      %dma_wait3A_526 = arith.constant 0 : i32
      %dma_wait3A_527 = tpu.memref_slice %arg2[%dma_wait3A_525, %dma_wait3A_526] : memref<10000x128xf32, #tpu.memory_space<hbm>> -> memref<10000x128xf32, #tpu.memory_space<hbm>>
      tpu.wait_indirect_dma semaphore(%arg18 : memref<!tpu.dma_semaphore, #tpu.memory_space<semaphore_mem>>) src(%dma_wait3A_527 : memref<10000x128xf32, #tpu.memory_space<hbm>>) dst(%arg14 : memref<80x128xf32, #tpu.memory_space<vmem>>)
      %get3A_528 = arith.constant 320 : index
      %get3A_529 = tpu.vector_load %arg6[%get3A_528] {strides = array<i32>} : memref<640xi32, #tpu.memory_space<vmem>>, vector<16xi32>,
      %get3A_530 = vector.shape_cast %get3A_529 : vector<16xi32> to vector<16xi32>
      %swap3A_531 = arith.constant 0 : index
      %swap3A_532 = tpu.vector_load %arg8[%swap3A_531] {strides = array<i32>} : memref<80xi32, #tpu.memory_space<vmem>>, vector<16xi32>,
      %swap3A_533 = vector.shape_cast %swap3A_532 : vector<16xi32> to vector<16xi32>
      %swap3A_534 = vector.shape_cast %get3A_530 : vector<16xi32> to vector<16xi32>
      tpu.vector_store %arg8[%swap3A_531], %swap3A_534 {strides = array<i32>} : memref<80xi32, #tpu.memory_space<vmem>>, vector<16xi32>,
      %get3A_535 = arith.constant 336 : index
      %get3A_536 = tpu.vector_load %arg6[%get3A_535] {strides = array<i32>} : memref<640xi32, #tpu.memory_space<vmem>>, vector<16xi32>,
      %get3A_537 = vector.shape_cast %get3A_536 : vector<16xi32> to vector<16xi32>
      %swap3A_538 = arith.constant 16 : index
      %swap3A_539 = tpu.vector_load %arg8[%swap3A_538] {strides = array<i32>} : memref<80xi32, #tpu.memory_space<vmem>>, vector<16xi32>,
      %swap3A_540 = vector.shape_cast %swap3A_539 : vector<16xi32> to vector<16xi32>
      %swap3A_541 = vector.shape_cast %get3A_537 : vector<16xi32> to vector<16xi32>
      tpu.vector_store %arg8[%swap3A_538], %swap3A_541 {strides = array<i32>} : memref<80xi32, #tpu.memory_space<vmem>>, vector<16xi32>,
      %get3A_542 = arith.constant 352 : index
      %get3A_543 = tpu.vector_load %arg6[%get3A_542] {strides = array<i32>} : memref<640xi32, #tpu.memory_space<vmem>>, vector<16xi32>,
      %get3A_544 = vector.shape_cast %get3A_543 : vector<16xi32> to vector<16xi32>
      %swap3A_545 = arith.constant 32 : index
      %swap3A_546 = tpu.vector_load %arg8[%swap3A_545] {strides = array<i32>} : memref<80xi32, #tpu.memory_space<vmem>>, vector<16xi32>,
      %swap3A_547 = vector.shape_cast %swap3A_546 : vector<16xi32> to vector<16xi32>
      %swap3A_548 = vector.shape_cast %get3A_544 : vector<16xi32> to vector<16xi32>
      tpu.vector_store %arg8[%swap3A_545], %swap3A_548 {strides = array<i32>} : memref<80xi32, #tpu.memory_space<vmem>>, vector<16xi32>,
      %get3A_549 = arith.constant 368 : index
      %get3A_550 = tpu.vector_load %arg6[%get3A_549] {strides = array<i32>} : memref<640xi32, #tpu.memory_space<vmem>>, vector<16xi32>,
      %get3A_551 = vector.shape_cast %get3A_550 : vector<16xi32> to vector<16xi32>
      %swap3A_552 = arith.constant 48 : index
      %swap3A_553 = tpu.vector_load %arg8[%swap3A_552] {strides = array<i32>} : memref<80xi32, #tpu.memory_space<vmem>>, vector<16xi32>,
      %swap3A_554 = vector.shape_cast %swap3A_553 : vector<16xi32> to vector<16xi32>
      %swap3A_555 = vector.shape_cast %get3A_551 : vector<16xi32> to vector<16xi32>
      tpu.vector_store %arg8[%swap3A_552], %swap3A_555 {strides = array<i32>} : memref<80xi32, #tpu.memory_space<vmem>>, vector<16xi32>,
      %get3A_556 = arith.constant 384 : index
      %get3A_557 = tpu.vector_load %arg6[%get3A_556] {strides = array<i32>} : memref<640xi32, #tpu.memory_space<vmem>>, vector<16xi32>,
      %get3A_558 = vector.shape_cast %get3A_557 : vector<16xi32> to vector<16xi32>
      %swap3A_559 = arith.constant 64 : index
      %swap3A_560 = tpu.vector_load %arg8[%swap3A_559] {strides = array<i32>} : memref<80xi32, #tpu.memory_space<vmem>>, vector<16xi32>,
      %swap3A_561 = vector.shape_cast %swap3A_560 : vector<16xi32> to vector<16xi32>
      %swap3A_562 = vector.shape_cast %get3A_558 : vector<16xi32> to vector<16xi32>
      tpu.vector_store %arg8[%swap3A_559], %swap3A_562 {strides = array<i32>} : memref<80xi32, #tpu.memory_space<vmem>>, vector<16xi32>,
      %get3A_563 = arith.constant 560 : index
      %get3A_564 = tpu.vector_load %arg7[%get3A_563] {strides = array<i32>} : memref<640xi32, #tpu.memory_space<vmem>>, vector<16xi32>,
      %get3A_565 = vector.shape_cast %get3A_564 : vector<16xi32> to vector<16xi32>
      %swap3A_566 = arith.constant 0 : index
      %swap3A_567 = tpu.vector_load %arg11[%swap3A_566] {strides = array<i32>} : memref<80xi32, #tpu.memory_space<vmem>>, vector<16xi32>,
      %swap3A_568 = vector.shape_cast %swap3A_567 : vector<16xi32> to vector<16xi32>
      %swap3A_569 = vector.shape_cast %get3A_565 : vector<16xi32> to vector<16xi32>
      tpu.vector_store %arg11[%swap3A_566], %swap3A_569 {strides = array<i32>} : memref<80xi32, #tpu.memory_space<vmem>>, vector<16xi32>,
      %get3A_570 = arith.constant 576 : index
      %get3A_571 = tpu.vector_load %arg7[%get3A_570] {strides = array<i32>} : memref<640xi32, #tpu.memory_space<vmem>>, vector<16xi32>,
      %get3A_572 = vector.shape_cast %get3A_571 : vector<16xi32> to vector<16xi32>
      %swap3A_573 = arith.constant 16 : index
      %swap3A_574 = tpu.vector_load %arg11[%swap3A_573] {strides = array<i32>} : memref<80xi32, #tpu.memory_space<vmem>>, vector<16xi32>,
      %swap3A_575 = vector.shape_cast %swap3A_574 : vector<16xi32> to vector<16xi32>
      %swap3A_576 = vector.shape_cast %get3A_572 : vector<16xi32> to vector<16xi32>
      tpu.vector_store %arg11[%swap3A_573], %swap3A_576 {strides = array<i32>} : memref<80xi32, #tpu.memory_space<vmem>>, vector<16xi32>,
      %get3A_577 = arith.constant 592 : index
      %get3A_578 = tpu.vector_load %arg7[%get3A_577] {strides = array<i32>} : memref<640xi32, #tpu.memory_space<vmem>>, vector<16xi32>,
      %get3A_579 = vector.shape_cast %get3A_578 : vector<16xi32> to vector<16xi32>
      %swap3A_580 = arith.constant 32 : index
      %swap3A_581 = tpu.vector_load %arg11[%swap3A_580] {strides = array<i32>} : memref<80xi32, #tpu.memory_space<vmem>>, vector<16xi32>,
      %swap3A_582 = vector.shape_cast %swap3A_581 : vector<16xi32> to vector<16xi32>
      %swap3A_583 = vector.shape_cast %get3A_579 : vector<16xi32> to vector<16xi32>
      tpu.vector_store %arg11[%swap3A_580], %swap3A_583 {strides = array<i32>} : memref<80xi32, #tpu.memory_space<vmem>>, vector<16xi32>,
      %get3A_584 = arith.constant 608 : index
      %get3A_585 = tpu.vector_load %arg7[%get3A_584] {strides = array<i32>} : memref<640xi32, #tpu.memory_space<vmem>>, vector<16xi32>,
      %get3A_586 = vector.shape_cast %get3A_585 : vector<16xi32> to vector<16xi32>
      %swap3A_587 = arith.constant 48 : index
      %swap3A_588 = tpu.vector_load %arg11[%swap3A_587] {strides = array<i32>} : memref<80xi32, #tpu.memory_space<vmem>>, vector<16xi32>,
      %swap3A_589 = vector.shape_cast %swap3A_588 : vector<16xi32> to vector<16xi32>
      %swap3A_590 = vector.shape_cast %get3A_586 : vector<16xi32> to vector<16xi32>
      tpu.vector_store %arg11[%swap3A_587], %swap3A_590 {strides = array<i32>} : memref<80xi32, #tpu.memory_space<vmem>>, vector<16xi32>,
      %get3A_591 = arith.constant 624 : index
      %get3A_592 = tpu.vector_load %arg7[%get3A_591] {strides = array<i32>} : memref<640xi32, #tpu.memory_space<vmem>>, vector<16xi32>,
      %get3A_593 = vector.shape_cast %get3A_592 : vector<16xi32> to vector<16xi32>
      %swap3A_594 = arith.constant 64 : index
      %swap3A_595 = tpu.vector_load %arg11[%swap3A_594] {strides = array<i32>} : memref<80xi32, #tpu.memory_space<vmem>>, vector<16xi32>,
      %swap3A_596 = vector.shape_cast %swap3A_595 : vector<16xi32> to vector<16xi32>
      %swap3A_597 = vector.shape_cast %get3A_593 : vector<16xi32> to vector<16xi32>
      tpu.vector_store %arg11[%swap3A_594], %swap3A_597 {strides = array<i32>} : memref<80xi32, #tpu.memory_space<vmem>>, vector<16xi32>,
      %dma_start3A_598 = arith.constant 0 : i32
      %dma_start3A_599 = arith.constant 0 : i32
      %dma_start3A_600 = tpu.memref_slice %arg2[%dma_start3A_598, %dma_start3A_599] : memref<10000x128xf32, #tpu.memory_space<hbm>> -> memref<10000x128xf32, #tpu.memory_space<hbm>>
      tpu.enqueue_indirect_dma source(%dma_start3A_600 : memref<10000x128xf32, #tpu.memory_space<hbm>>) target(%arg14 : memref<80x128xf32, #tpu.memory_space<vmem>>) offsets(%arg11 : memref<80xi32, #tpu.memory_space<vmem>>) semaphore(%arg18 : memref<!tpu.dma_semaphore, #tpu.memory_space<semaphore_mem>>)
      %dma_wait3A_601 = arith.constant 0 : i32
      %dma_wait3A_602 = arith.constant 0 : i32
      %dma_wait3A_603 = tpu.memref_slice %arg2[%dma_wait3A_601, %dma_wait3A_602] : memref<10000x128xf32, #tpu.memory_space<hbm>> -> memref<10000x128xf32, #tpu.memory_space<hbm>>
      tpu.wait_indirect_dma semaphore(%arg19 : memref<!tpu.dma_semaphore, #tpu.memory_space<semaphore_mem>>) src(%dma_wait3A_603 : memref<10000x128xf32, #tpu.memory_space<hbm>>) dst(%arg15 : memref<80x128xf32, #tpu.memory_space<vmem>>)
      %get3A_604 = arith.constant 400 : index
      %get3A_605 = tpu.vector_load %arg6[%get3A_604] {strides = array<i32>} : memref<640xi32, #tpu.memory_space<vmem>>, vector<16xi32>,
      %get3A_606 = vector.shape_cast %get3A_605 : vector<16xi32> to vector<16xi32>
      %swap3A_607 = arith.constant 0 : index
      %swap3A_608 = tpu.vector_load %arg9[%swap3A_607] {strides = array<i32>} : memref<80xi32, #tpu.memory_space<vmem>>, vector<16xi32>,
      %swap3A_609 = vector.shape_cast %swap3A_608 : vector<16xi32> to vector<16xi32>
      %swap3A_610 = vector.shape_cast %get3A_606 : vector<16xi32> to vector<16xi32>
      tpu.vector_store %arg9[%swap3A_607], %swap3A_610 {strides = array<i32>} : memref<80xi32, #tpu.memory_space<vmem>>, vector<16xi32>,
      %get3A_611 = arith.constant 416 : index
      %get3A_612 = tpu.vector_load %arg6[%get3A_611] {strides = array<i32>} : memref<640xi32, #tpu.memory_space<vmem>>, vector<16xi32>,
      %get3A_613 = vector.shape_cast %get3A_612 : vector<16xi32> to vector<16xi32>
      %swap3A_614 = arith.constant 16 : index
      %swap3A_615 = tpu.vector_load %arg9[%swap3A_614] {strides = array<i32>} : memref<80xi32, #tpu.memory_space<vmem>>, vector<16xi32>,
      %swap3A_616 = vector.shape_cast %swap3A_615 : vector<16xi32> to vector<16xi32>
      %swap3A_617 = vector.shape_cast %get3A_613 : vector<16xi32> to vector<16xi32>
      tpu.vector_store %arg9[%swap3A_614], %swap3A_617 {strides = array<i32>} : memref<80xi32, #tpu.memory_space<vmem>>, vector<16xi32>,
      %get3A_618 = arith.constant 432 : index
      %get3A_619 = tpu.vector_load %arg6[%get3A_618] {strides = array<i32>} : memref<640xi32, #tpu.memory_space<vmem>>, vector<16xi32>,
      %get3A_620 = vector.shape_cast %get3A_619 : vector<16xi32> to vector<16xi32>
      %swap3A_621 = arith.constant 32 : index
      %swap3A_622 = tpu.vector_load %arg9[%swap3A_621] {strides = array<i32>} : memref<80xi32, #tpu.memory_space<vmem>>, vector<16xi32>,
      %swap3A_623 = vector.shape_cast %swap3A_622 : vector<16xi32> to vector<16xi32>
      %swap3A_624 = vector.shape_cast %get3A_620 : vector<16xi32> to vector<16xi32>
      tpu.vector_store %arg9[%swap3A_621], %swap3A_624 {strides = array<i32>} : memref<80xi32, #tpu.memory_space<vmem>>, vector<16xi32>,
      %get3A_625 = arith.constant 448 : index
      %get3A_626 = tpu.vector_load %arg6[%get3A_625] {strides = array<i32>} : memref<640xi32, #tpu.memory_space<vmem>>, vector<16xi32>,
      %get3A_627 = vector.shape_cast %get3A_626 : vector<16xi32> to vector<16xi32>
      %swap3A_628 = arith.constant 48 : index
      %swap3A_629 = tpu.vector_load %arg9[%swap3A_628] {strides = array<i32>} : memref<80xi32, #tpu.memory_space<vmem>>, vector<16xi32>,
      %swap3A_630 = vector.shape_cast %swap3A_629 : vector<16xi32> to vector<16xi32>
      %swap3A_631 = vector.shape_cast %get3A_627 : vector<16xi32> to vector<16xi32>
      tpu.vector_store %arg9[%swap3A_628], %swap3A_631 {strides = array<i32>} : memref<80xi32, #tpu.memory_space<vmem>>, vector<16xi32>,
      %get3A_632 = arith.constant 464 : index
      %get3A_633 = tpu.vector_load %arg6[%get3A_632] {strides = array<i32>} : memref<640xi32, #tpu.memory_space<vmem>>, vector<16xi32>,
      %get3A_634 = vector.shape_cast %get3A_633 : vector<16xi32> to vector<16xi32>
      %swap3A_635 = arith.constant 64 : index
      %swap3A_636 = tpu.vector_load %arg9[%swap3A_635] {strides = array<i32>} : memref<80xi32, #tpu.memory_space<vmem>>, vector<16xi32>,
      %swap3A_637 = vector.shape_cast %swap3A_636 : vector<16xi32> to vector<16xi32>
      %swap3A_638 = vector.shape_cast %get3A_634 : vector<16xi32> to vector<16xi32>
      tpu.vector_store %arg9[%swap3A_635], %swap3A_638 {strides = array<i32>} : memref<80xi32, #tpu.memory_space<vmem>>, vector<16xi32>,
      %dma_wait3A_639 = arith.constant 0 : i32
      %dma_wait3A_640 = arith.constant 0 : i32
      %dma_wait3A_641 = tpu.memref_slice %arg2[%dma_wait3A_639, %dma_wait3A_640] : memref<10000x128xf32, #tpu.memory_space<hbm>> -> memref<10000x128xf32, #tpu.memory_space<hbm>>
      tpu.wait_indirect_dma semaphore(%arg17 : memref<!tpu.dma_semaphore, #tpu.memory_space<semaphore_mem>>) src(%dma_wait3A_641 : memref<10000x128xf32, #tpu.memory_space<hbm>>) dst(%arg13 : memref<80x128xf32, #tpu.memory_space<vmem>>)
      %get3A_642 = arith.constant 480 : index
      %get3A_643 = tpu.vector_load %arg6[%get3A_642] {strides = array<i32>} : memref<640xi32, #tpu.memory_space<vmem>>, vector<16xi32>,
      %get3A_644 = vector.shape_cast %get3A_643 : vector<16xi32> to vector<16xi32>
      %swap3A_645 = arith.constant 0 : index
      %swap3A_646 = tpu.vector_load %arg8[%swap3A_645] {strides = array<i32>} : memref<80xi32, #tpu.memory_space<vmem>>, vector<16xi32>,
      %swap3A_647 = vector.shape_cast %swap3A_646 : vector<16xi32> to vector<16xi32>
      %swap3A_648 = vector.shape_cast %get3A_644 : vector<16xi32> to vector<16xi32>
      tpu.vector_store %arg8[%swap3A_645], %swap3A_648 {strides = array<i32>} : memref<80xi32, #tpu.memory_space<vmem>>, vector<16xi32>,
      %get3A_649 = arith.constant 496 : index
      %get3A_650 = tpu.vector_load %arg6[%get3A_649] {strides = array<i32>} : memref<640xi32, #tpu.memory_space<vmem>>, vector<16xi32>,
      %get3A_651 = vector.shape_cast %get3A_650 : vector<16xi32> to vector<16xi32>
      %swap3A_652 = arith.constant 16 : index
      %swap3A_653 = tpu.vector_load %arg8[%swap3A_652] {strides = array<i32>} : memref<80xi32, #tpu.memory_space<vmem>>, vector<16xi32>,
      %swap3A_654 = vector.shape_cast %swap3A_653 : vector<16xi32> to vector<16xi32>
      %swap3A_655 = vector.shape_cast %get3A_651 : vector<16xi32> to vector<16xi32>
      tpu.vector_store %arg8[%swap3A_652], %swap3A_655 {strides = array<i32>} : memref<80xi32, #tpu.memory_space<vmem>>, vector<16xi32>,
      %get3A_656 = arith.constant 512 : index
      %get3A_657 = tpu.vector_load %arg6[%get3A_656] {strides = array<i32>} : memref<640xi32, #tpu.memory_space<vmem>>, vector<16xi32>,
      %get3A_658 = vector.shape_cast %get3A_657 : vector<16xi32> to vector<16xi32>
      %swap3A_659 = arith.constant 32 : index
      %swap3A_660 = tpu.vector_load %arg8[%swap3A_659] {strides = array<i32>} : memref<80xi32, #tpu.memory_space<vmem>>, vector<16xi32>,
      %swap3A_661 = vector.shape_cast %swap3A_660 : vector<16xi32> to vector<16xi32>
      %swap3A_662 = vector.shape_cast %get3A_658 : vector<16xi32> to vector<16xi32>
      tpu.vector_store %arg8[%swap3A_659], %swap3A_662 {strides = array<i32>} : memref<80xi32, #tpu.memory_space<vmem>>, vector<16xi32>,
      %get3A_663 = arith.constant 528 : index
      %get3A_664 = tpu.vector_load %arg6[%get3A_663] {strides = array<i32>} : memref<640xi32, #tpu.memory_space<vmem>>, vector<16xi32>,
      %get3A_665 = vector.shape_cast %get3A_664 : vector<16xi32> to vector<16xi32>
      %swap3A_666 = arith.constant 48 : index
      %swap3A_667 = tpu.vector_load %arg8[%swap3A_666] {strides = array<i32>} : memref<80xi32, #tpu.memory_space<vmem>>, vector<16xi32>,
      %swap3A_668 = vector.shape_cast %swap3A_667 : vector<16xi32> to vector<16xi32>
      %swap3A_669 = vector.shape_cast %get3A_665 : vector<16xi32> to vector<16xi32>
      tpu.vector_store %arg8[%swap3A_666], %swap3A_669 {strides = array<i32>} : memref<80xi32, #tpu.memory_space<vmem>>, vector<16xi32>,
      %get3A_670 = arith.constant 544 : index
      %get3A_671 = tpu.vector_load %arg6[%get3A_670] {strides = array<i32>} : memref<640xi32, #tpu.memory_space<vmem>>, vector<16xi32>,
      %get3A_672 = vector.shape_cast %get3A_671 : vector<16xi32> to vector<16xi32>
      %swap3A_673 = arith.constant 64 : index
      %swap3A_674 = tpu.vector_load %arg8[%swap3A_673] {strides = array<i32>} : memref<80xi32, #tpu.memory_space<vmem>>, vector<16xi32>,
      %swap3A_675 = vector.shape_cast %swap3A_674 : vector<16xi32> to vector<16xi32>
      %swap3A_676 = vector.shape_cast %get3A_672 : vector<16xi32> to vector<16xi32>
      tpu.vector_store %arg8[%swap3A_673], %swap3A_676 {strides = array<i32>} : memref<80xi32, #tpu.memory_space<vmem>>, vector<16xi32>,
      %dma_wait3A_677 = arith.constant 0 : i32
      %dma_wait3A_678 = arith.constant 0 : i32
      %dma_wait3A_679 = tpu.memref_slice %arg2[%dma_wait3A_677, %dma_wait3A_678] : memref<10000x128xf32, #tpu.memory_space<hbm>> -> memref<10000x128xf32, #tpu.memory_space<hbm>>
      tpu.wait_indirect_dma semaphore(%arg18 : memref<!tpu.dma_semaphore, #tpu.memory_space<semaphore_mem>>) src(%dma_wait3A_679 : memref<10000x128xf32, #tpu.memory_space<hbm>>) dst(%arg14 : memref<80x128xf32, #tpu.memory_space<vmem>>)
      %get3A_680 = arith.constant 560 : index
      %get3A_681 = tpu.vector_load %arg6[%get3A_680] {strides = array<i32>} : memref<640xi32, #tpu.memory_space<vmem>>, vector<16xi32>,
      %get3A_682 = vector.shape_cast %get3A_681 : vector<16xi32> to vector<16xi32>
      %swap3A_683 = arith.constant 0 : index
      %swap3A_684 = tpu.vector_load %arg9[%swap3A_683] {strides = array<i32>} : memref<80xi32, #tpu.memory_space<vmem>>, vector<16xi32>,
      %swap3A_685 = vector.shape_cast %swap3A_684 : vector<16xi32> to vector<16xi32>
      %swap3A_686 = vector.shape_cast %get3A_682 : vector<16xi32> to vector<16xi32>
      tpu.vector_store %arg9[%swap3A_683], %swap3A_686 {strides = array<i32>} : memref<80xi32, #tpu.memory_space<vmem>>, vector<16xi32>,
      %get3A_687 = arith.constant 576 : index
      %get3A_688 = tpu.vector_load %arg6[%get3A_687] {strides = array<i32>} : memref<640xi32, #tpu.memory_space<vmem>>, vector<16xi32>,
      %get3A_689 = vector.shape_cast %get3A_688 : vector<16xi32> to vector<16xi32>
      %swap3A_690 = arith.constant 16 : index
      %swap3A_691 = tpu.vector_load %arg9[%swap3A_690] {strides = array<i32>} : memref<80xi32, #tpu.memory_space<vmem>>, vector<16xi32>,
      %swap3A_692 = vector.shape_cast %swap3A_691 : vector<16xi32> to vector<16xi32>
      %swap3A_693 = vector.shape_cast %get3A_689 : vector<16xi32> to vector<16xi32>
      tpu.vector_store %arg9[%swap3A_690], %swap3A_693 {strides = array<i32>} : memref<80xi32, #tpu.memory_space<vmem>>, vector<16xi32>,
      %get3A_694 = arith.constant 592 : index
      %get3A_695 = tpu.vector_load %arg6[%get3A_694] {strides = array<i32>} : memref<640xi32, #tpu.memory_space<vmem>>, vector<16xi32>,
      %get3A_696 = vector.shape_cast %get3A_695 : vector<16xi32> to vector<16xi32>
      %swap3A_697 = arith.constant 32 : index
      %swap3A_698 = tpu.vector_load %arg9[%swap3A_697] {strides = array<i32>} : memref<80xi32, #tpu.memory_space<vmem>>, vector<16xi32>,
      %swap3A_699 = vector.shape_cast %swap3A_698 : vector<16xi32> to vector<16xi32>
      %swap3A_700 = vector.shape_cast %get3A_696 : vector<16xi32> to vector<16xi32>
      tpu.vector_store %arg9[%swap3A_697], %swap3A_700 {strides = array<i32>} : memref<80xi32, #tpu.memory_space<vmem>>, vector<16xi32>,
      %get3A_701 = arith.constant 608 : index
      %get3A_702 = tpu.vector_load %arg6[%get3A_701] {strides = array<i32>} : memref<640xi32, #tpu.memory_space<vmem>>, vector<16xi32>,
      %get3A_703 = vector.shape_cast %get3A_702 : vector<16xi32> to vector<16xi32>
      %swap3A_704 = arith.constant 48 : index
      %swap3A_705 = tpu.vector_load %arg9[%swap3A_704] {strides = array<i32>} : memref<80xi32, #tpu.memory_space<vmem>>, vector<16xi32>,
      %swap3A_706 = vector.shape_cast %swap3A_705 : vector<16xi32> to vector<16xi32>
      %swap3A_707 = vector.shape_cast %get3A_703 : vector<16xi32> to vector<16xi32>
      tpu.vector_store %arg9[%swap3A_704], %swap3A_707 {strides = array<i32>} : memref<80xi32, #tpu.memory_space<vmem>>, vector<16xi32>,
      %get3A_708 = arith.constant 624 : index
      %get3A_709 = tpu.vector_load %arg6[%get3A_708] {strides = array<i32>} : memref<640xi32, #tpu.memory_space<vmem>>, vector<16xi32>,
      %get3A_710 = vector.shape_cast %get3A_709 : vector<16xi32> to vector<16xi32>
      %swap3A_711 = arith.constant 64 : index
      %swap3A_712 = tpu.vector_load %arg9[%swap3A_711] {strides = array<i32>} : memref<80xi32, #tpu.memory_space<vmem>>, vector<16xi32>,
      %swap3A_713 = vector.shape_cast %swap3A_712 : vector<16xi32> to vector<16xi32>
      %swap3A_714 = vector.shape_cast %get3A_710 : vector<16xi32> to vector<16xi32>
      tpu.vector_store %arg9[%swap3A_711], %swap3A_714 {strides = array<i32>} : memref<80xi32, #tpu.memory_space<vmem>>, vector<16xi32>,
      %while3A_715 = arith.constant 0 : i32
      scf.yield %while3A_715 : i32
    }
    %barrier3A_81 = arith.constant 0 : index
    tpu.barrier barrier_id(%barrier3A_81)
    %while3A_82 = arith.constant 0 : i32
    %while3A_83 = arith.constant 0 : i32
    %while3A_84 = arith.subi %select_n3A, %while3A_82 : i32
    %while3A_85 = arith.addi %while3A_82, %while3A_84 : i32
    %while3A_86 = arith.constant 1 : i32
    %while3A_87 = arith.divsi %while3A_84, %while3A_86 : i32
    %while3A_88 = arith.muli %while3A_87, %while3A_86 : i32
    %while3A_89 = arith.addi %while3A_82, %while3A_88 : i32
    %while3A_90 = arith.constant 1 : i32
    %while3A_91 = scf.for %while3A_94 = %while3A_82 to %while3A_89 step %while3A_90 iter_args(%while3A_95 = %while3A_83) -> (i32)  : i32 {
      %mul3A_96 = arith.constant 16 : i32
      %mul3A_97 = arith.muli %mul3A_96, %while3A_94 : i32
      %add3A_98 = arith.addi %arg1, %mul3A_97 : i32
      %mul3A_99 = arith.constant 80 : i32
      %mul3A_100 = arith.muli %add3A_98, %mul3A_99 : i32
      "tpu.region"() ({
        %run_scoped3A = tpu.sem_alloc : memref<!tpu.dma_semaphore, #tpu.memory_space<semaphore_mem>>
        %dma_start3A = arith.constant 0 : i32
        %dma_start3A_107 = tpu.memref_slice %arg16[%mul3A_100, %dma_start3A] : memref<10000x128xf32, #tpu.memory_space<vmem_shared>> -> memref<80x128xf32, #tpu.memory_space<vmem_shared>>
        %dma_start3A_108 = arith.constant 0 : i32
        %dma_start3A_109 = tpu.memref_slice %arg16[%mul3A_100, %dma_start3A_108] : memref<10000x128xf32, #tpu.memory_space<vmem_shared>> -> memref<80x128xf32, #tpu.memory_space<vmem_shared>>
        tpu.enqueue_dma source(%dma_start3A_109 : memref<80x128xf32, #tpu.memory_space<vmem_shared>>) target(%arg14 : memref<80x128xf32, #tpu.memory_space<vmem>>) target_semaphore(%run_scoped3A : memref<!tpu.dma_semaphore, #tpu.memory_space<semaphore_mem>>)
        %dma_wait3A = arith.constant 0 : i32
        %dma_wait3A_110 = tpu.memref_slice %arg16[%mul3A_100, %dma_wait3A] : memref<10000x128xf32, #tpu.memory_space<vmem_shared>> -> memref<80x128xf32, #tpu.memory_space<vmem_shared>>
        %dma_wait3A_111 = arith.constant 0 : i32
        %dma_wait3A_112 = tpu.memref_slice %arg16[%mul3A_100, %dma_wait3A_111] : memref<10000x128xf32, #tpu.memory_space<vmem_shared>> -> memref<80x128xf32, #tpu.memory_space<vmem_shared>>
        tpu.wait_dma2 semaphore(%run_scoped3A : memref<!tpu.dma_semaphore, #tpu.memory_space<semaphore_mem>>) src(%dma_wait3A_112 : memref<80x128xf32, #tpu.memory_space<vmem_shared>>) dst(%arg14 : memref<80x128xf32, #tpu.memory_space<vmem>>)
        tpu.yield
      }) : () -> ()
      %mul3A_101 = arith.constant 10000 : i32
      %mul3A_102 = arith.muli %arg0, %mul3A_101 : i32
      %mul3A_103 = arith.constant 80 : i32
      %mul3A_104 = arith.muli %add3A_98, %mul3A_103 : i32
      %add3A_105 = arith.addi %mul3A_102, %mul3A_104 : i32
      "tpu.region"() ({
        %run_scoped3A = tpu.sem_alloc : memref<!tpu.dma_semaphore, #tpu.memory_space<semaphore_mem>>
        %dma_start3A = arith.constant 0 : i32
        %dma_start3A_107 = tpu.memref_slice %arg5[%add3A_105, %dma_start3A] : memref<20000x128xf32, #tpu.memory_space<hbm>> -> memref<80x128xf32, #tpu.memory_space<hbm>>
        %dma_start3A_108 = arith.constant 0 : i32
        %dma_start3A_109 = tpu.memref_slice %arg5[%add3A_105, %dma_start3A_108] : memref<20000x128xf32, #tpu.memory_space<hbm>> -> memref<80x128xf32, #tpu.memory_space<hbm>>
        tpu.enqueue_dma source(%arg14 : memref<80x128xf32, #tpu.memory_space<vmem>>) target(%dma_start3A_109 : memref<80x128xf32, #tpu.memory_space<hbm>>) target_semaphore(%run_scoped3A : memref<!tpu.dma_semaphore, #tpu.memory_space<semaphore_mem>>)
        %dma_wait3A = arith.constant 0 : i32
        %dma_wait3A_110 = tpu.memref_slice %arg5[%add3A_105, %dma_wait3A] : memref<20000x128xf32, #tpu.memory_space<hbm>> -> memref<80x128xf32, #tpu.memory_space<hbm>>
        %dma_wait3A_111 = arith.constant 0 : i32
        %dma_wait3A_112 = tpu.memref_slice %arg5[%add3A_105, %dma_wait3A_111] : memref<20000x128xf32, #tpu.memory_space<hbm>> -> memref<80x128xf32, #tpu.memory_space<hbm>>
        tpu.wait_dma2 semaphore(%run_scoped3A : memref<!tpu.dma_semaphore, #tpu.memory_space<semaphore_mem>>) src(%arg14 : memref<80x128xf32, #tpu.memory_space<vmem>>) dst(%dma_wait3A_112 : memref<80x128xf32, #tpu.memory_space<hbm>>)
        tpu.yield
      }) : () -> ()
      %while3A_106 = arith.constant 0 : i32
      scf.yield %while3A_106 : i32
    }
    %while3A_92 = arith.constant 1 : i32
    %while3A_93 = scf.for %while3A_94 = %while3A_89 to %while3A_85 step %while3A_92 iter_args(%while3A_95 = %while3A_91) -> (i32)  : i32 {
      %mul3A_96 = arith.constant 16 : i32
      %mul3A_97 = arith.muli %mul3A_96, %while3A_94 : i32
      %add3A_98 = arith.addi %arg1, %mul3A_97 : i32
      %mul3A_99 = arith.constant 80 : i32
      %mul3A_100 = arith.muli %add3A_98, %mul3A_99 : i32
      "tpu.region"() ({
        %run_scoped3A = tpu.sem_alloc : memref<!tpu.dma_semaphore, #tpu.memory_space<semaphore_mem>>
        %dma_start3A = arith.constant 0 : i32
        %dma_start3A_107 = tpu.memref_slice %arg16[%mul3A_100, %dma_start3A] : memref<10000x128xf32, #tpu.memory_space<vmem_shared>> -> memref<80x128xf32, #tpu.memory_space<vmem_shared>>
        %dma_start3A_108 = arith.constant 0 : i32
        %dma_start3A_109 = tpu.memref_slice %arg16[%mul3A_100, %dma_start3A_108] : memref<10000x128xf32, #tpu.memory_space<vmem_shared>> -> memref<80x128xf32, #tpu.memory_space<vmem_shared>>
        tpu.enqueue_dma source(%dma_start3A_109 : memref<80x128xf32, #tpu.memory_space<vmem_shared>>) target(%arg14 : memref<80x128xf32, #tpu.memory_space<vmem>>) target_semaphore(%run_scoped3A : memref<!tpu.dma_semaphore, #tpu.memory_space<semaphore_mem>>)
        %dma_wait3A = arith.constant 0 : i32
        %dma_wait3A_110 = tpu.memref_slice %arg16[%mul3A_100, %dma_wait3A] : memref<10000x128xf32, #tpu.memory_space<vmem_shared>> -> memref<80x128xf32, #tpu.memory_space<vmem_shared>>
        %dma_wait3A_111 = arith.constant 0 : i32
        %dma_wait3A_112 = tpu.memref_slice %arg16[%mul3A_100, %dma_wait3A_111] : memref<10000x128xf32, #tpu.memory_space<vmem_shared>> -> memref<80x128xf32, #tpu.memory_space<vmem_shared>>
        tpu.wait_dma2 semaphore(%run_scoped3A : memref<!tpu.dma_semaphore, #tpu.memory_space<semaphore_mem>>) src(%dma_wait3A_112 : memref<80x128xf32, #tpu.memory_space<vmem_shared>>) dst(%arg14 : memref<80x128xf32, #tpu.memory_space<vmem>>)
        tpu.yield
      }) : () -> ()
      %mul3A_101 = arith.constant 10000 : i32
      %mul3A_102 = arith.muli %arg0, %mul3A_101 : i32
      %mul3A_103 = arith.constant 80 : i32
      %mul3A_104 = arith.muli %add3A_98, %mul3A_103 : i32
      %add3A_105 = arith.addi %mul3A_102, %mul3A_104 : i32
      "tpu.region"() ({
        %run_scoped3A = tpu.sem_alloc : memref<!tpu.dma_semaphore, #tpu.memory_space<semaphore_mem>>
        %dma_start3A = arith.constant 0 : i32
        %dma_start3A_107 = tpu.memref_slice %arg5[%add3A_105, %dma_start3A] : memref<20000x128xf32, #tpu.memory_space<hbm>> -> memref<80x128xf32, #tpu.memory_space<hbm>>
        %dma_start3A_108 = arith.constant 0 : i32
        %dma_start3A_109 = tpu.memref_slice %arg5[%add3A_105, %dma_start3A_108] : memref<20000x128xf32, #tpu.memory_space<hbm>> -> memref<80x128xf32, #tpu.memory_space<hbm>>
        tpu.enqueue_dma source(%arg14 : memref<80x128xf32, #tpu.memory_space<vmem>>) target(%dma_start3A_109 : memref<80x128xf32, #tpu.memory_space<hbm>>) target_semaphore(%run_scoped3A : memref<!tpu.dma_semaphore, #tpu.memory_space<semaphore_mem>>)
        %dma_wait3A = arith.constant 0 : i32
        %dma_wait3A_110 = tpu.memref_slice %arg5[%add3A_105, %dma_wait3A] : memref<20000x128xf32, #tpu.memory_space<hbm>> -> memref<80x128xf32, #tpu.memory_space<hbm>>
        %dma_wait3A_111 = arith.constant 0 : i32
        %dma_wait3A_112 = tpu.memref_slice %arg5[%add3A_105, %dma_wait3A_111] : memref<20000x128xf32, #tpu.memory_space<hbm>> -> memref<80x128xf32, #tpu.memory_space<hbm>>
        tpu.wait_dma2 semaphore(%run_scoped3A : memref<!tpu.dma_semaphore, #tpu.memory_space<semaphore_mem>>) src(%arg14 : memref<80x128xf32, #tpu.memory_space<vmem>>) dst(%dma_wait3A_112 : memref<80x128xf32, #tpu.memory_space<hbm>>)
        tpu.yield
      }) : () -> ()
      %while3A_106 = arith.constant 0 : i32
      scf.yield %while3A_106 : i32
    }
    return
  }
}

module attributes {stable_mosaic.version = 14 : i64} {
  func.func @_linear_body(%arg0: i32, %arg1: memref<1000x128xf32, #tpu.memory_space<vmem>>, %arg2: memref<128x128xf32, #tpu.memory_space<vmem>>, %arg3: memref<1x128xf32, #tpu.memory_space<vmem>>, %arg4: memref<1000x1xf32, #tpu.memory_space<vmem>>, %arg5: memref<1000x1xf32, #tpu.memory_space<vmem>>, %arg6: memref<1000x128xf32, #tpu.memory_space<vmem>>, %arg7: memref<1000x1xf32, #tpu.memory_space<vmem>>) attributes {dimension_semantics = [#tpu.dimension_semantics<arbitrary>], iteration_bounds = array<i64: 10>, scalar_prefetch = 0 : i64, scratch_operands = 0 : i64, tpu.core_type = #tpu.core_type<tc>, window_params = [{transform_indices = @transform_0, window_bounds = array<i64: 1000, 128>}, {pipeline_mode = #tpu.pipeline_mode<synchronous>, transform_indices = @transform_1, window_bounds = array<i64: 128, 128>}, {pipeline_mode = #tpu.pipeline_mode<synchronous>, transform_indices = @transform_2, window_bounds = array<i64: 1, 128>}, {transform_indices = @transform_3, window_bounds = array<i64: 1000, 1>}, {transform_indices = @transform_4, window_bounds = array<i64: 1000, 1>}, {transform_indices = @transform_5, window_bounds = array<i64: 1000, 128>}, {transform_indices = @transform_6, window_bounds = array<i64: 1000, 1>}]} {
    %get3A = arith.constant 0 : index
    %get3A_0 = arith.constant 0 : index
    %get3A_1 = vector.load %arg4[%get3A, %get3A_0] : memref<1000x1xf32, #tpu.memory_space<vmem>>, vector<1000x1xf32>
    %get3A_2 = vector.shape_cast %get3A_1 : vector<1000x1xf32> to vector<1000xf32>
    %get3A_3 = arith.constant 0 : index
    %get3A_4 = arith.constant 0 : index
    %get3A_5 = vector.load %arg5[%get3A_3, %get3A_4] : memref<1000x1xf32, #tpu.memory_space<vmem>>, vector<1000x1xf32>
    %get3A_6 = vector.shape_cast %get3A_5 : vector<1000x1xf32> to vector<1000xf32>
    %add3A = arith.addf %get3A_2, %get3A_6 : vector<1000xf32>
    %rsqrt3A = math.rsqrt %add3A : vector<1000xf32>
    %gt3A = arith.constant 0.000000e+00 : f32
    %gt3A_7 = vector.broadcast %gt3A : f32 to vector<1000xf32>
    %gt3A_8 = arith.cmpf ogt, %add3A, %gt3A_7 : vector<1000xf32>
    %jit3A = arith.constant 0.000000e+00 : f32
    %broadcast_in_dim3A = vector.broadcast %jit3A : f32 to vector<1000xf32>
    %select_n3A = arith.select %gt3A_8, %rsqrt3A, %broadcast_in_dim3A : vector<1000xi1>, vector<1000xf32>
    %get3A_9 = arith.constant 0 : index
    %get3A_10 = arith.constant 0 : index
    %get3A_11 = vector.load %arg1[%get3A_9, %get3A_10] : memref<1000x128xf32, #tpu.memory_space<vmem>>, vector<1000x128xf32>
    %get3A_12 = arith.constant 0 : index
    %get3A_13 = arith.constant 0 : index
    %get3A_14 = vector.load %arg2[%get3A_12, %get3A_13] : memref<128x128xf32, #tpu.memory_space<vmem>>, vector<128x128xf32>
    %dot_general3A = arith.constant dense<0.000000e+00> : vector<1000x128xf32>
    %dot_general3A_15 = tpu.matmul %get3A_11, %get3A_14, %dot_general3A {dimension_numbers = #tpu.dot_dimension_numbers<[1], [1], [0], [0], [0, 0, 1, 0], [], []>, transpose_lhs_hint = false} : vector<1000x128xf32>, vector<128x128xf32>, vector<1000x128xf32> -> vector<1000x128xf32>
    %broadcast_in_dim3A_16 = vector.shape_cast %rsqrt3A : vector<1000xf32> to vector<1000x1xf32>
    %get3A_17 = arith.constant 0 : index
    %get3A_18 = arith.constant 0 : index
    %get3A_19 = vector.load %arg3[%get3A_17, %get3A_18] : memref<1x128xf32, #tpu.memory_space<vmem>>, vector<1x128xf32>
    %get3A_20 = vector.shape_cast %get3A_19 : vector<1x128xf32> to vector<128xf32>
    %broadcast_in_dim3A_21 = vector.shape_cast %get3A_20 : vector<128xf32> to vector<1x128xf32>
    %add3A_22 = vector.broadcast %broadcast_in_dim3A_21 : vector<1x128xf32> to vector<1000x128xf32>
    %add3A_23 = arith.addf %dot_general3A_15, %add3A_22 : vector<1000x128xf32>
    %mul3A = vector.broadcast %broadcast_in_dim3A_16 : vector<1000x1xf32> to vector<1000x128xf32>
    %mul3A_24 = arith.mulf %mul3A, %add3A_23 : vector<1000x128xf32>
    %swap3A = arith.constant 0 : index
    %swap3A_25 = arith.constant 0 : index
    %swap3A_26 = vector.load %arg6[%swap3A, %swap3A_25] : memref<1000x128xf32, #tpu.memory_space<vmem>>, vector<1000x128xf32>
    tpu.vector_store %arg6[%swap3A, %swap3A_25], %mul3A_24 {strides = array<i32>} : memref<1000x128xf32, #tpu.memory_space<vmem>>, vector<1000x128xf32>,
    %broadcast_in_dim3A_27 = vector.shape_cast %select_n3A : vector<1000xf32> to vector<1000x1xf32>
    %swap3A_28 = arith.constant 0 : index
    %swap3A_29 = arith.constant 0 : index
    %swap3A_30 = vector.load %arg7[%swap3A_28, %swap3A_29] : memref<1000x1xf32, #tpu.memory_space<vmem>>, vector<1000x1xf32>
    tpu.vector_store %arg7[%swap3A_28, %swap3A_29], %broadcast_in_dim3A_27 {strides = array<i32>} : memref<1000x1xf32, #tpu.memory_space<vmem>>, vector<1000x1xf32>,
    return
  }
  func.func @transform_0(%arg0: i32) -> (i32, i32) {
    %c0_i32 = arith.constant 0 : i32
    %c0_i32_0 = arith.constant 0 : i32
    return %arg0, %c0_i32 : i32, i32
  }
  func.func @transform_1(%arg0: i32) -> (i32, i32) {
    %c0_i32 = arith.constant 0 : i32
    %c0_i32_0 = arith.constant 0 : i32
    %c0_i32_1 = arith.constant 0 : i32
    return %c0_i32, %c0_i32_0 : i32, i32
  }
  func.func @transform_2(%arg0: i32) -> (i32, i32) {
    %c0_i32 = arith.constant 0 : i32
    %c0_i32_0 = arith.constant 0 : i32
    %c0_i32_1 = arith.constant 0 : i32
    return %c0_i32, %c0_i32_0 : i32, i32
  }
  func.func @transform_3(%arg0: i32) -> (i32, i32) {
    %c0_i32 = arith.constant 0 : i32
    %c0_i32_0 = arith.constant 0 : i32
    return %arg0, %c0_i32 : i32, i32
  }
  func.func @transform_4(%arg0: i32) -> (i32, i32) {
    %c0_i32 = arith.constant 0 : i32
    %c0_i32_0 = arith.constant 0 : i32
    return %arg0, %c0_i32 : i32, i32
  }
  func.func @transform_5(%arg0: i32) -> (i32, i32) {
    %c0_i32 = arith.constant 0 : i32
    %c0_i32_0 = arith.constant 0 : i32
    return %arg0, %c0_i32 : i32, i32
  }
  func.func @transform_6(%arg0: i32) -> (i32, i32) {
    %c0_i32 = arith.constant 0 : i32
    %c0_i32_0 = arith.constant 0 : i32
    return %arg0, %c0_i32 : i32, i32
  }
}

module attributes {stable_mosaic.version = 14 : i64} {
  func.func @_combine_body(%arg0: i32, %arg1: memref<1000x128xf32, #tpu.memory_space<vmem>>, %arg2: memref<1000x128xf32, #tpu.memory_space<vmem>>, %arg3: memref<1000x1xf32, #tpu.memory_space<vmem>>, %arg4: memref<1000x128xf32, #tpu.memory_space<vmem>>) attributes {dimension_semantics = [#tpu.dimension_semantics<arbitrary>], iteration_bounds = array<i64: 10>, scalar_prefetch = 0 : i64, scratch_operands = 0 : i64, tpu.core_type = #tpu.core_type<tc>, window_params = [{transform_indices = @transform_0, window_bounds = array<i64: 1000, 128>}, {transform_indices = @transform_1, window_bounds = array<i64: 1000, 128>}, {transform_indices = @transform_2, window_bounds = array<i64: 1000, 1>}, {transform_indices = @transform_3, window_bounds = array<i64: 1000, 128>}]} {
    %get3A = arith.constant 0 : index
    %get3A_0 = arith.constant 0 : index
    %get3A_1 = vector.load %arg1[%get3A, %get3A_0] : memref<1000x128xf32, #tpu.memory_space<vmem>>, vector<1000x128xf32>
    %get3A_2 = arith.constant 0 : index
    %get3A_3 = arith.constant 0 : index
    %get3A_4 = vector.load %arg2[%get3A_2, %get3A_3] : memref<1000x128xf32, #tpu.memory_space<vmem>>, vector<1000x128xf32>
    %add3A = arith.addf %get3A_1, %get3A_4 : vector<1000x128xf32>
    %get3A_5 = arith.constant 0 : index
    %get3A_6 = arith.constant 0 : index
    %get3A_7 = vector.load %arg3[%get3A_5, %get3A_6] : memref<1000x1xf32, #tpu.memory_space<vmem>>, vector<1000x1xf32>
    %mul3A = vector.broadcast %get3A_7 : vector<1000x1xf32> to vector<1000x128xf32>
    %mul3A_8 = arith.mulf %add3A, %mul3A : vector<1000x128xf32>
    %swap3A = arith.constant 0 : index
    %swap3A_9 = arith.constant 0 : index
    %swap3A_10 = vector.load %arg4[%swap3A, %swap3A_9] : memref<1000x128xf32, #tpu.memory_space<vmem>>, vector<1000x128xf32>
    tpu.vector_store %arg4[%swap3A, %swap3A_9], %mul3A_8 {strides = array<i32>} : memref<1000x128xf32, #tpu.memory_space<vmem>>, vector<1000x128xf32>,
    return
  }
  func.func @transform_0(%arg0: i32) -> (i32, i32) {
    %c0_i32 = arith.constant 0 : i32
    %c0_i32_0 = arith.constant 0 : i32
    return %arg0, %c0_i32 : i32, i32
  }
  func.func @transform_1(%arg0: i32) -> (i32, i32) {
    %c0_i32 = arith.constant 0 : i32
    %c0_i32_0 = arith.constant 0 : i32
    return %arg0, %c0_i32 : i32, i32
  }
  func.func @transform_2(%arg0: i32) -> (i32, i32) {
    %c0_i32 = arith.constant 0 : i32
    %c0_i32_0 = arith.constant 0 : i32
    return %arg0, %c0_i32 : i32, i32
  }
  func.func @transform_3(%arg0: i32) -> (i32, i32) {
    %c0_i32 = arith.constant 0 : i32
    %c0_i32_0 = arith.constant 0 : i32
    return %arg0, %c0_i32 : i32, i32
  }
}

</mosaic_0001>

<sc_bundles>
// kernel: _impl.6.cloned.1.call-start
scs
__scs_entry_jumppad:
0x0: {  	(pc) =	sbr.rel $0x88, $3  }
0x1: {  	(tag) =	ssettag $0x0;
	lr =	simm.s32 $0x1  }
0x2: {  	[smem:$0x3F9C] =	sst lr;
	_ =	strace $0xD0000000  }
0x3: {  	_ = 	snop  }
0x4: {  	_ = 	snop  }
0x5: {  	_ = 	snop  }
0x6: {  	_ = 	snop  }
0x7: {  	_ = 	snop  }
__scs_overlays_trampoline_lowered:
0x8: {  	[smem:$0x3FAB] =	sst s0  }
0x9: {  	[smem:$0x3FAC] =	sst s1  }
0xa: {  	[smem:$0x3FAD] =	sst s2  }
0xb: {  	[smem:$0x3FAE] =	sst s3  }
0xc: {  	[smem:$0x3FAF] =	sst s4  }
0xd: {  	[smem:$0x3FB0] =	sst s5  }
0xe: {  	[smem:$0x3FB1] =	sst s6  }
0xf: {  	[smem:$0x3FB2] =	sst s7  }
0x10: {  	[smem:$0x3FB3] =	sst s8  }
0x11: {  	[smem:$0x3FB4] =	sst s9;
	s0 =	simm.s32 @!p0 $0x0  }
0x12: {  	s1 =	sld [smem:$0x3F9A];
	s0 =	simm.s32 @p0 $0x1  }
0x13: {  	[smem:$0x3FB5] =	sst s0;
	s0 =	simm.s32 @!p1 $0x0  }
0x14: {  	s2 =	sld [smem:$0x3F99];
	s0 =	simm.s32 @p1 $0x1  }
0x15: {  	[smem:$0x3FB6] =	sst s0;
	s0 =	simm.s32 @!p2 $0x0  }
0x16: {  	s3 =	sld [smem:$0x3FDB];
	s0 =	simm.s32 @p2 $0x1  }
0x17: {  	s4 =	simm.s32 $0x1BF5;
	[smem:$0x3FB8] =	sst s0  }
0x18: {  	s0 =	sld [smem:$0x3F9B];
	_ =	swait.ge [sflag:s4], $0x0  }
0x19: {  	s7 =	sld [smem:$0x3F9C]  }
0x1a: {  	s8 =	sadd.s32 $0xFFFFE003, lr  }
0x1b: {  	s9 =	sadd.s32 $0xFFFFFEF7, lr;
	s5 =	simm.s32 $0xFFFFFFFF;
	p2 =	slt.u32 s8, $0xFFFFF086  }
0x1c: {  	p1 =	slt.u32 s9, $0xF7A;
	s5 =	simm.s32 @!p2 $0x0  }
0x1d: {  	s5 =	simm.s32 @p1 $0x1;
	p0 =	seq.s32 s7, s2  }
0x1e: {  	s7 =	smul.u32 @!p0 $0xF7A, s2;
	p2 =	seq.s32 @!p0 s5, $0x0  }
0x1f: {  	s9 =	smul.u32 $0xF7A, s1;
	s8 =	simm.s32 @!p0 $0x1BF5;
	p2 =	por !p2, p0  }
0x20: {  	[sflag:s8] =	ssyncset.s32 @!p0 $0xFFFFF086;
	s6 =	sadd.s32 @!p0 s3, s7;
	s7 =	simm.s32 @!p0 $0x108  }
0x21: {  	s3 =	sadd.s32 s3, s9;
	s6 =	sadd.s32 @!p0 $0x88, s6;
	s7 =	simm.s32 @p2 $0x1082  }
0x22: {  	[simem:s7], [sflag:s8] =	dma.local @!p0 [hbm:s6], $0xF7A  }
0x23: {  	s9 =	sor.u32 $0xD0000000, s2;
	s6 =	simm.s32 $0x108;
	_ =	swait.ge @!p0 [sflag:s8], $0x0  }
0x24: {  	s3 =	sadd.s32 $0x88, s3;
	s6 =	simm.s32 @!p1 $0x1082;
	[sflag:s4] =	ssyncset.s32 $0xFFFFF086  }
0x25: {  	[simem:s6], [sflag:s4] =	dma.local [hbm:s3], $0xF7A  }
0x26: {  	[smem:$0x3F9C] =	sst s1;
	(tag) =	ssettag s2;
	_ =	strace s9  }
0x27: {  	s1 =	sld [smem:$0x3FAC]  }
0x28: {  	s2 =	sld [smem:$0x3FAD]  }
0x29: {  	s4 =	sld [smem:$0x3FAF]  }
0x2a: {  	p0 =	seq.s32 s5, $0x0;
	s5 =	sld [smem:$0x3FB0]  }
0x2b: {  	s6 =	sld [smem:$0x3FB1]  }
0x2c: {  	s7 =	sld [smem:$0x3FB2]  }
0x2d: {  	s3 =	simm.s32 $0x108;
	s8 =	sld [smem:$0x3FB3]  }
0x2e: {  	s3 =	simm.s32 @!p0 $0x1082;
	s9 =	sld [smem:$0x3FB4]  }
0x2f: {  	lr =	sadd.s32 s0, s3;
	s0 =	sld [smem:$0x3FAB]  }
0x30: {  	s3 =	sld [smem:$0x3FAE]  }
0x31: {  	[smem:$0x3FB7] =	sst s10  }
0x32: {  	s10 =	sld [smem:$0x3FB5];
	_ =	sdelay $0x3  }
0x33: {  	p0 =	seq.s32 s10, $0x1;
	s10 =	sld [smem:$0x3FB7];
	_ =	sdelay $0x3  }
0x34: {  	[smem:$0x3FB7] =	sst s10  }
0x35: {  	s10 =	sld [smem:$0x3FB6];
	_ =	sdelay $0x3  }
0x36: {  	p1 =	seq.s32 s10, $0x1;
	s10 =	sld [smem:$0x3FB7];
	_ =	sdelay $0x3  }
0x37: {  	[smem:$0x3FB7] =	sst s10  }
0x38: {  	s10 =	sld [smem:$0x3FB8]  }
0x39: {  	_ = 	snop;
	(pc) =	sbr.ind lr, $3  }
0x3a: {  	_ = 	snop  }
0x3b: {  	_ = 	snop  }
0x3c: {  	p2 =	seq.s32 s10, $0x1;
	s10 =	sld [smem:$0x3FB7]  }
0x3d: {  	_ =	shalt  }
0x3e: {  	_ =	shalt  }
0x3f: {  	_ =	shalt  }
0x40: {  	_ =	shalt  }
0x41: {  	_ =	shalt  }
0x42: {  	_ =	shalt  }
0x43: {  	_ =	shalt  }
0x44: {  	_ =	shalt  }
0x45: {  	_ =	shalt  }
0x46: {  	_ =	shalt  }
0x47: {  	_ =	shalt  }
0x48: {  	_ =	shalt  }
0x49: {  	_ =	shalt  }
0x4a: {  	_ =	shalt  }
0x4b: {  	_ =	shalt  }
0x4c: {  	_ =	shalt  }
0x4d: {  	_ =	shalt  }
0x4e: {  	_ =	shalt  }
0x4f: {  	_ =	shalt  }
0x50: {  	_ =	shalt  }
0x51: {  	_ =	shalt  }
0x52: {  	_ =	shalt  }
0x53: {  	_ =	shalt  }
0x54: {  	_ =	shalt  }
0x55: {  	_ =	shalt  }
0x56: {  	_ =	shalt  }
0x57: {  	_ =	shalt  }
0x58: {  	_ =	shalt  }
0x59: {  	_ =	shalt  }
0x5a: {  	_ =	shalt  }
0x5b: {  	_ =	shalt  }
0x5c: {  	_ =	shalt  }
0x5d: {  	_ =	shalt  }
0x5e: {  	_ =	shalt  }
0x5f: {  	_ =	shalt  }
0x60: {  	_ =	shalt  }
0x61: {  	_ =	shalt  }
0x62: {  	_ =	shalt  }
0x63: {  	_ =	shalt  }
0x64: {  	_ =	shalt  }
0x65: {  	_ =	shalt  }
0x66: {  	_ =	shalt  }
0x67: {  	_ =	shalt  }
0x68: {  	_ =	shalt  }
0x69: {  	_ =	shalt  }
0x6a: {  	_ =	shalt  }
0x6b: {  	_ =	shalt  }
0x6c: {  	_ =	shalt  }
0x6d: {  	_ =	shalt  }
0x6e: {  	_ =	shalt  }
0x6f: {  	_ =	shalt  }
0x70: {  	_ =	shalt  }
0x71: {  	_ =	shalt  }
0x72: {  	_ =	shalt  }
0x73: {  	_ =	shalt  }
0x74: {  	_ =	shalt  }
0x75: {  	_ =	shalt  }
0x76: {  	_ =	shalt  }
0x77: {  	_ =	shalt  }
0x78: {  	_ =	shalt  }
0x79: {  	_ =	shalt  }
0x7a: {  	_ =	shalt  }
0x7b: {  	_ =	shalt  }
0x7c: {  	_ =	shalt  }
0x7d: {  	_ =	shalt  }
0x7e: {  	_ =	shalt  }
0x7f: {  	_ =	shalt  }
0x80: {  	_ =	shalt  }
0x81: {  	_ =	shalt  }
0x82: {  	_ =	shalt  }
0x83: {  	_ =	shalt  }
0x84: {  	_ =	shalt  }
0x85: {  	_ =	shalt  }
0x86: {  	_ =	shalt  }
0x87: {  	_ =	shalt  }
.Lfunc_end0:
.L_simem_size_0:
called_computation_lowered:
.L_overlay_start_0:
0x88: {  	s2 =	sld [smem:$0x3FD9]  }
0x89: {  	s3 =	sld [smem:$0x3FFE];
	_ =	sdelay $0x1  }
0x8a: {  	s1 =	srdreg.scid  }
0x8b: {  	s0 =	sand.u32 $0x1, s1  }
0x8c: {  	s18 =	sshll.u32 s0, $0xA;
	s2 =	sadd.s32 s3, s2  }
0x8d: {  	s2 =	sadd.s32 s2, s18  }
0x8e: {  	[smem:$0x3FC3] =	sst s2  }
0x8f: {  	_ = 	snop  }
0x90: {  	s2 =	sld [smem:$0x3FC8]  }
0x91: {  	s19 =	sld [smem:$0x3FD0];
	(tm) =	ssettm $0x1  }
0x92: {  	s4 =	sld [smem:$0x3FFB];
	_ =	sdelay $0x3  }
0x93: {  	_ =	strace s4  }
0x94: {  	s4 =	sld [smem:$0x3FFC];
	_ =	sdelay $0x3  }
0x95: {  	_ =	strace s4  }
0x96: {  	s4 =	sld [smem:$0x3FFD];
	_ =	sdelay $0x3  }
0x97: {  	_ =	strace s4  }
0x98: {  	_ =	strace $0x8FFFFFFF  }
0x99: {  	s20 =	sld [smem:$0x3FDB];
	_ =	sdelay $0x1  }
0x9a: {  	s5 =	simm.s32 $_scs_section_size  }
0x9b: {  	s6 =	simm.s32 $_size__tile_overlayer_lowered;
	s7 =	simm.s32 $_tile_overlayer_lowered  }
0x9c: {  	s23 =	simm.s32 $0x1BFF;
	s22 =	sshll.u32 s7, $0x1;
	s4 =	sadd.s32 s5, s20  }
0x9d: {  	s8 =	simm.s32 $0x0;
	s21 =	sshll.u32 s6, $0x1;
	s6 =	sadd.s32 s22, s4  }
0x9e: {  	[timem:s8], [sflag:s23] =	dma.local [hbm:s6], s21  }
0x9f: {  	_ =	swait.ge [sflag:s23], s21  }
0xa0: {  	s5 =	ssub.s32 $0x0, s21;
	[sflag:s23] =	ssyncset.done $0x0  }
0xa1: {  	[sflag:s23] =	ssyncadd.s32 s5;
	_ =	sdelay $0x1  }
0xa2: {  	s24 =	simm.s32 $0x1B8B  }
0xa3: {  	_ =	swait.ge [sflag:s24], $0x1  }
0xa4: {  	[sflag:s24] =	ssyncset.done $0x0  }
0xa5: {  	s25 =	simm.s32 $0x1B8E;
	[sflag:s24] =	ssyncadd.s32 $0xFFFFFFFF  }
0xa6: {  	s26 =	simm.s32 $execute0_lowered;
	[smem:$0x3FD2] =	sst s25  }
0xa7: {  	s5 =	sshll.u32 s26, $0x1;
	_ =	strace $0x80000046;
	[dreg:$0x1] =	wrdreg $0xFFFFFFFF  }
0xa8: {  	s28 =	simm.s32 $_size_execute0_lowered;
	s4 =	sadd.s32 s4, s5;
	[dreg:$0x0] =	wrdreg $0x0  }
0xa9: {  	s5 =	sshll.u32 s28, $0x1;
	[dreg:$0x2] =	wrdreg s4  }
0xaa: {  	[dreg:$0x3] =	wrdreg s5  }
0xab: {  	[dreg:$0x4] =	wrdreg $0xC0  }
0xac: {  	_ =	task [dreg:s8], $0x5FFFF  }
0xad: {  	[dreg:$0x1] =	wrdreg $0xFFFFFFFF  }
0xae: {  	[dreg:$0x0] =	wrdreg $0x60  }
0xaf: {  	[dreg:$0x2] =	wrdreg s2  }
0xb0: {  	[dreg:$0x3] =	wrdreg s19  }
0xb1: {  	[dreg:$0x4] =	wrdreg $0xB800  }
0xb2: {  	[dreg:$0x5] =	wrdreg $0x9  }
0xb3: {  	_ =	task.clear_ibuf [dreg:s8], $0x6FFFF;
	_ =	strace $0x90000046  }
0xb4: {  	s29 =	simm.s32 $0x9;
	_ =	strace $0x80000048  }
0xb5: {  	_ =	swait.ge [sflag:s29], $0x1  }
0xb6: {  	[sflag:s29] =	ssyncadd.s32 $0xFFFFFFFF  }
0xb7: {  	_ =	strace $0x90000048  }
0xb8: {  	_ =	sfence  }
0xb9: {  	s30 =	sld [smem:$0x0];
	_ =	sdelay $0x2  }
0xba: {  	s31 =	sshll.u32 s1, $0xD;
	s1 =	sshrl.u32 s1, $0x2  }
0xbb: {  	s3 =	sand.u32 $0x4000, s31;
	s1 =	sadd.s32 s1, s30  }
0xbc: {  	s0 =	sor.u32 s3, s0;
	s1 =	sshll.u32 s1, $0x11  }
0xbd: {  	s0 =	sor.u32 s1, s0  }
0xbe: {  	s0 =	sadd.s32 $0x8F2B, s0  }
0xbf: {  	[sflag:s0] =	ssyncadd.remote.s32 $0x1  }
0xc0: {  	_ =	sfence.sel $0xFFFF  }
0xc1: {  	[dreg:$0x0] =	wrdreg $0xFFFFFFFF;
	(pc) =	sbr.abs _section_cstart, $3  }
0xc2: {  	[dreg:$0x1] =	wrdreg $0xFFFFFFFF  }
0xc3: {  	_ =	task.clear_ibuf [dreg:s8], $0x2FFFF;
	_ =	strace $0x9FFFFFFF  }
0xc4: {  	(tm) =	ssettm $0x7FFFFFFF  }
0xc5: {  	_ =	shalt  }
tec
execute0_lowered:
.L_overlay_start_1:
0x0: {  	(tag) =	ssettag $0x1  }
0x1: {  	s1 =	rddreg [dreg:$0x0]  }
0x2: {  	s7 =	rddreg [dreg:$0x1]  }
0x3: {  	s3 =	rddreg [dreg:$0x2]  }
0x4: {  	s0 =	rddreg [dreg:$0x3]  }
0x5: {  	s4 =	simm.s32 $0x0;
	s5 =	srdreg.scid;
	s2 =	stileid.u32  }
0x6: {  	s14 =	simm.s32 $0x300;
	s15 =	simm.s32 $0x0;
	s29 =	smul.u32 $0x1F40, s2  }
0x7: {  	[smem:$0x7FF] =	sst s4;
	s8 =	sand.u32 $0x1, s5;
	s9 =	smul.u32 $0x3E8, s2  }
0x8: {  	s12 =	sshll.u32 s2, $0x1;
	s30 =	smul.u32 $0x500, s2;
	p0 =	sgt.u32 s2, $0x4  }
0x9: {  	p1 =	sgt.u32 s2, $0x9;
	_ =	strace $0x80000047;
	s11 =	smul.u32 $0x2710, s8  }
0xa: {  	s6 =	ssub.s32 $0x2, s8;
	s12 =	sor.u32 s12, s8;
	s13 =	smul.u32 $0x280, s8  }
0xb: {  	s10 =	sshrl.u32 s6, $0x1;
	s5 =	sshrl.u32 s29, $0x2;
	s31 =	ssub.s32 $0x213, s12  }
0xc: {  	s12 =	simm.s32 $0x50;
	s10 =	ssub.s32 s6, s10;
	s5 =	sadd.s32 s5, s3  }
0xd: {  	s6 =	sadd.s32 s9, s3;
	s9 =	sadd.s32 s9, s11;
	s11 =	simm.s32 $0x1  }
0xe: {  	s9 =	sshrl.u32 s9, $0x3;
	s8 =	smax.u32 s10, $0x1;
	s10 =	sadd.s32 s13, s30  }
0xf: {  	v0 =	vimm.f32 $1.000000000e+00;
	v1 =	vimm.f32 $0.0e+00;
	s13 =	simm.s32 $0x280;
	s7 =	sadd.s32 s7, s9;
	s9 =	sshrl.u32 s31, $0x5  }
.LBB2_1:
0x10: {  	[tilespmem:$0x300] =	vst v0  }
0x11: {  	[tilespmem:$0x310] =	vst v0  }
0x12: {  	[tilespmem:$0x320] =	vst v0  }
0x13: {  	[tilespmem:$0x330] =	vst v0  }
0x14: {  	[tilespmem:$0x340] =	vst v0;
	s16 =	simm.s32 $0x40;
	s17 =	simm.s32 $0x0  }
.LBB2_2:
0x15: {  	p2 =	sne.s32 s16, $0x1F00;
	[tilespmem:s17+$0x380] =	vst v1;
	s17 =	smov.u32 s16;
	s16 =	sadd.s32 $0x40, s16  }
.Ltmp0:
0x16: {  	(pc) =	sbr.rel @p2 .LBB2_2-.Ltmp0, $2  }
0x17: {  	_ =	sdelay $0x2  }
0x18: {  	s17 =	sshra.s32 s17, $0x2  }
0x19: {  	[tilespmem:s17+$0x380] =	vst v1;
	s16 =	simm.s32 @!p0 $0x380  }
0x1a: {  	[spmem:s5] =	stream.linear.scatter @!p0 [tilespmem:s16], [sflag:$0x1], $0x7D0, $0x38;
	[tilespmem:$0xDF8] =	vst v63  }
0x1b: {  	s16 =	simm.s32 @!p0 $0x1  }
0x1c: {  	_ =	swait.ge @!p0 [sflag:s16], $0x7D0  }
0x1d: {  	[sflag:s16] =	ssyncset.done @!p0 $0x0  }
0x1e: {  	s31 =	sshrl.u32 s10, $0x3;
	[sflag:s16] =	ssyncadd.s32 @!p0 $0xFFFFF830  }
0x1f: {  	s16 =	sadd.s32 s1, s31;
	[bflag:$0x0] =	sbarrier.arrive $0xFFFF  }
0x20: {  	[tilespmem:s4], [sflag:$0x1] =	stream.linear.gather [hbm4b:s16+s4], $0x280, $0x38;
	[tilespmem:$0xDF8] =	vst v63  }
0x21: {  	_ =	swait.ge [sflag:s11], $0x280  }
0x22: {  	[sflag:s11] =	ssyncset.done $0x0  }
0x23: {  	[sflag:s11] =	ssyncadd.s32 $0xFFFFFD80  }
0x24: {  	v2 =	vld [tilespmem:$0x40]  }
0x25: {  	v3 =	vld [tilespmem:$0x30]  }
0x26: {  	v4 =	vld [tilespmem:$0x0]  }
0x27: {  	v5 =	vld [tilespmem:$0x20]  }
0x28: {  	v6 =	vld [tilespmem:$0x10]  }
0x29: {  	[tilespmem:$0x2C0] =	vst v2  }
0x2a: {  	[tilespmem:$0x2B0] =	vst v3  }
0x2b: {  	[tilespmem:$0x280] =	vst v4  }
0x2c: {  	[tilespmem:$0x2A0] =	vst v5  }
0x2d: {  	[tilespmem:$0x290] =	vst v6  }
0x2e: {  	[spmem:s3] =	stream.indirect.scatter.add.f32 [tilespmem:s14], [sflag:$0x1], $0x1, s13, s12, $0xb8;
	[tilespmem:$0xDF8] =	vst v63  }
0x2f: {  	_ =	swait.ge [sflag:s11], $0x50  }
0x30: {  	[sflag:s11] =	ssyncset.done $0x0  }
0x31: {  	[sflag:s11] =	ssyncadd.s32 $0xFFFFFFB0  }
0x32: {  	v2 =	vld [tilespmem:$0x70]  }
0x33: {  	v3 =	vld [tilespmem:$0x60]  }
0x34: {  	v4 =	vld [tilespmem:$0x90]  }
0x35: {  	v5 =	vld [tilespmem:$0x80]  }
0x36: {  	v6 =	vld [tilespmem:$0x50]  }
0x37: {  	[tilespmem:$0x2A0] =	vst v2  }
0x38: {  	[tilespmem:$0x290] =	vst v3  }
0x39: {  	[tilespmem:$0x2C0] =	vst v4  }
0x3a: {  	[tilespmem:$0x2B0] =	vst v5  }
0x3b: {  	[tilespmem:$0x280] =	vst v6  }
0x3c: {  	[spmem:s3] =	stream.indirect.scatter.add.f32 [tilespmem:s14], [sflag:$0x1], $0x1, s13, s12, $0xb8;
	[tilespmem:$0xDF8] =	vst v63  }
0x3d: {  	_ =	swait.ge [sflag:s11], $0x50  }
0x3e: {  	[sflag:s11] =	ssyncset.done $0x0  }
0x3f: {  	[sflag:s11] =	ssyncadd.s32 $0xFFFFFFB0  }
0x40: {  	v2 =	vld [tilespmem:$0xC0]  }
0x41: {  	v3 =	vld [tilespmem:$0xE0]  }
0x42: {  	v4 =	vld [tilespmem:$0xD0]  }
0x43: {  	v5 =	vld [tilespmem:$0xA0]  }
0x44: {  	v6 =	vld [tilespmem:$0xB0]  }
0x45: {  	[tilespmem:$0x2A0] =	vst v2  }
0x46: {  	[tilespmem:$0x2C0] =	vst v3  }
0x47: {  	[tilespmem:$0x2B0] =	vst v4  }
0x48: {  	[tilespmem:$0x280] =	vst v5  }
0x49: {  	[tilespmem:$0x290] =	vst v6  }
0x4a: {  	[spmem:s3] =	stream.indirect.scatter.add.f32 [tilespmem:s14], [sflag:$0x1], $0x1, s13, s12, $0xb8;
	[tilespmem:$0xDF8] =	vst v63  }
0x4b: {  	_ =	swait.ge [sflag:s11], $0x50  }
0x4c: {  	[sflag:s11] =	ssyncset.done $0x0  }
0x4d: {  	[sflag:s11] =	ssyncadd.s32 $0xFFFFFFB0  }
0x4e: {  	v2 =	vld [tilespmem:$0x110]  }
0x4f: {  	v3 =	vld [tilespmem:$0x100]  }
0x50: {  	v4 =	vld [tilespmem:$0x130]  }
0x51: {  	v5 =	vld [tilespmem:$0xF0]  }
0x52: {  	v6 =	vld [tilespmem:$0x120]  }
0x53: {  	[tilespmem:$0x2A0] =	vst v2  }
0x54: {  	[tilespmem:$0x290] =	vst v3  }
0x55: {  	[tilespmem:$0x2C0] =	vst v4  }
0x56: {  	[tilespmem:$0x280] =	vst v5  }
0x57: {  	[tilespmem:$0x2B0] =	vst v6  }
0x58: {  	[spmem:s3] =	stream.indirect.scatter.add.f32 [tilespmem:s14], [sflag:$0x1], $0x1, s13, s12, $0xb8;
	[tilespmem:$0xDF8] =	vst v63  }
0x59: {  	_ =	swait.ge [sflag:s11], $0x50  }
0x5a: {  	[sflag:s11] =	ssyncset.done $0x0  }
0x5b: {  	[sflag:s11] =	ssyncadd.s32 $0xFFFFFFB0  }
0x5c: {  	v2 =	vld [tilespmem:$0x160]  }
0x5d: {  	v3 =	vld [tilespmem:$0x180]  }
0x5e: {  	v4 =	vld [tilespmem:$0x140]  }
0x5f: {  	v5 =	vld [tilespmem:$0x170]  }
0x60: {  	v6 =	vld [tilespmem:$0x150]  }
0x61: {  	[tilespmem:$0x2A0] =	vst v2  }
0x62: {  	[tilespmem:$0x2C0] =	vst v3  }
0x63: {  	[tilespmem:$0x280] =	vst v4  }
0x64: {  	[tilespmem:$0x2B0] =	vst v5  }
0x65: {  	[tilespmem:$0x290] =	vst v6  }
0x66: {  	[spmem:s3] =	stream.indirect.scatter.add.f32 [tilespmem:s14], [sflag:$0x1], $0x1, s13, s12, $0xb8;
	[tilespmem:$0xDF8] =	vst v63  }
0x67: {  	_ =	swait.ge [sflag:s11], $0x50  }
0x68: {  	[sflag:s11] =	ssyncset.done $0x0  }
0x69: {  	[sflag:s11] =	ssyncadd.s32 $0xFFFFFFB0  }
0x6a: {  	v4 =	vld [tilespmem:$0x1A0];
	_ =	sdelay $0x1  }
0x6b: {  	p2 =	sne.s32 s9, $0x1;
	v5 =	vld [tilespmem:$0x1D0]  }
.Ltmp1:
0x6c: {  	v2 =	vld [tilespmem:$0x1B0];
	(pc) =	sbr.rel @!p2 .LBB2_5-.Ltmp1, $3  }
0x6d: {  	v3 =	vld [tilespmem:$0x190]  }
0x6e: {  	[tilespmem:$0x290] =	vst v4;
	v4 =	vld [tilespmem:$0x1C0];
	_ =	sdelay $0x1  }
0x6f: {  	s17 =	smov.u32 s10;
	s16 =	sadd.s32 $0xFFFFFFFF, s9;
	[tilespmem:$0x2C0] =	vst v5  }
.LBB2_4:
0x70: {  	p2 =	sne.s32 s16, $0x1;
	s16 =	sadd.s32 $0xFFFFFFFF, s16;
	[tilespmem:$0x2A0] =	vst v2;
	s17 =	sadd.s32 $0x5000, s17  }
0x71: {  	[tilespmem:$0x280] =	vst v3  }
0x72: {  	[tilespmem:$0x2B0] =	vst v4  }
0x73: {  	[spmem:s3] =	stream.indirect.scatter.add.f32 [tilespmem:s14], [sflag:$0x1], $0x1, s13, s12, $0xb8;
	[tilespmem:$0xDF8] =	vst v63  }
0x74: {  	_ =	swait.ge [sflag:s11], $0x50  }
0x75: {  	[sflag:s11] =	ssyncset.done $0x0  }
0x76: {  	[sflag:s11] =	ssyncadd.s32 $0xFFFFFFB0  }
0x77: {  	v2 =	vld [tilespmem:$0x1E0]  }
0x78: {  	v3 =	vld [tilespmem:$0x1F0]  }
0x79: {  	v4 =	vld [tilespmem:$0x200]  }
0x7a: {  	v5 =	vld [tilespmem:$0x220]  }
0x7b: {  	v6 =	vld [tilespmem:$0x210]  }
0x7c: {  	[tilespmem:$0x280] =	vst v2  }
0x7d: {  	[tilespmem:$0x290] =	vst v3  }
0x7e: {  	[tilespmem:$0x2A0] =	vst v4  }
0x7f: {  	[tilespmem:$0x2C0] =	vst v5  }
0x80: {  	[tilespmem:$0x2B0] =	vst v6  }
0x81: {  	[spmem:s3] =	stream.indirect.scatter.add.f32 [tilespmem:s14], [sflag:$0x1], $0x1, s13, s12, $0xb8;
	[tilespmem:$0xDF8] =	vst v63  }
0x82: {  	_ =	swait.ge [sflag:s11], $0x50  }
0x83: {  	[sflag:s11] =	ssyncset.done $0x0  }
0x84: {  	[sflag:s11] =	ssyncadd.s32 $0xFFFFFFB0  }
0x85: {  	v2 =	vld [tilespmem:$0x230]  }
0x86: {  	v3 =	vld [tilespmem:$0x240]  }
0x87: {  	v4 =	vld [tilespmem:$0x250]  }
0x88: {  	v5 =	vld [tilespmem:$0x270]  }
0x89: {  	v6 =	vld [tilespmem:$0x260]  }
0x8a: {  	[tilespmem:$0x280] =	vst v2  }
0x8b: {  	[tilespmem:$0x290] =	vst v3  }
0x8c: {  	[tilespmem:$0x2A0] =	vst v4  }
0x8d: {  	[tilespmem:$0x2C0] =	vst v5  }
0x8e: {  	[tilespmem:$0x2B0] =	vst v6  }
0x8f: {  	[spmem:s3] =	stream.indirect.scatter.add.f32 [tilespmem:s14], [sflag:$0x1], $0x1, s13, s12, $0xb8;
	[tilespmem:$0xDF8] =	vst v63  }
0x90: {  	s18 =	sshrl.u32 s17, $0x3;
	_ =	swait.ge [sflag:s11], $0x50  }
0x91: {  	s18 =	sadd.s32 s1, s18;
	[sflag:s11] =	ssyncset.done $0x0  }
0x92: {  	[sflag:s11] =	ssyncadd.s32 $0xFFFFFFB0  }
0x93: {  	[tilespmem:s4], [sflag:$0x1] =	stream.linear.gather [hbm4b:s18+s4], $0x280, $0x38;
	[tilespmem:$0xDF8] =	vst v63  }
0x94: {  	_ =	swait.ge [sflag:s11], $0x280  }
0x95: {  	[sflag:s11] =	ssyncset.done $0x0  }
0x96: {  	[sflag:s11] =	ssyncadd.s32 $0xFFFFFD80  }
0x97: {  	v2 =	vld [tilespmem:$0x40]  }
0x98: {  	v3 =	vld [tilespmem:$0x30]  }
0x99: {  	v4 =	vld [tilespmem:$0x0]  }
0x9a: {  	v5 =	vld [tilespmem:$0x20]  }
0x9b: {  	v6 =	vld [tilespmem:$0x10]  }
0x9c: {  	[tilespmem:$0x2C0] =	vst v2  }
0x9d: {  	[tilespmem:$0x2B0] =	vst v3  }
0x9e: {  	[tilespmem:$0x280] =	vst v4  }
0x9f: {  	[tilespmem:$0x2A0] =	vst v5  }
0xa0: {  	[tilespmem:$0x290] =	vst v6  }
0xa1: {  	[spmem:s3] =	stream.indirect.scatter.add.f32 [tilespmem:s14], [sflag:$0x1], $0x1, s13, s12, $0xb8;
	[tilespmem:$0xDF8] =	vst v63  }
0xa2: {  	_ =	swait.ge [sflag:s11], $0x50  }
0xa3: {  	[sflag:s11] =	ssyncset.done $0x0  }
0xa4: {  	[sflag:s11] =	ssyncadd.s32 $0xFFFFFFB0  }
0xa5: {  	v2 =	vld [tilespmem:$0x70]  }
0xa6: {  	v3 =	vld [tilespmem:$0x60]  }
0xa7: {  	v4 =	vld [tilespmem:$0x90]  }
0xa8: {  	v5 =	vld [tilespmem:$0x80]  }
0xa9: {  	v6 =	vld [tilespmem:$0x50]  }
0xaa: {  	[tilespmem:$0x2A0] =	vst v2  }
0xab: {  	[tilespmem:$0x290] =	vst v3  }
0xac: {  	[tilespmem:$0x2C0] =	vst v4  }
0xad: {  	[tilespmem:$0x2B0] =	vst v5  }
0xae: {  	[tilespmem:$0x280] =	vst v6  }
0xaf: {  	[spmem:s3] =	stream.indirect.scatter.add.f32 [tilespmem:s14], [sflag:$0x1], $0x1, s13, s12, $0xb8;
	[tilespmem:$0xDF8] =	vst v63  }
0xb0: {  	_ =	swait.ge [sflag:s11], $0x50  }
0xb1: {  	[sflag:s11] =	ssyncset.done $0x0  }
0xb2: {  	[sflag:s11] =	ssyncadd.s32 $0xFFFFFFB0  }
0xb3: {  	v2 =	vld [tilespmem:$0xC0]  }
0xb4: {  	v3 =	vld [tilespmem:$0xE0]  }
0xb5: {  	v4 =	vld [tilespmem:$0xD0]  }
0xb6: {  	v5 =	vld [tilespmem:$0xA0]  }
0xb7: {  	v6 =	vld [tilespmem:$0xB0]  }
0xb8: {  	[tilespmem:$0x2A0] =	vst v2  }
0xb9: {  	[tilespmem:$0x2C0] =	vst v3  }
0xba: {  	[tilespmem:$0x2B0] =	vst v4  }
0xbb: {  	[tilespmem:$0x280] =	vst v5  }
0xbc: {  	[tilespmem:$0x290] =	vst v6  }
0xbd: {  	[spmem:s3] =	stream.indirect.scatter.add.f32 [tilespmem:s14], [sflag:$0x1], $0x1, s13, s12, $0xb8;
	[tilespmem:$0xDF8] =	vst v63  }
0xbe: {  	_ =	swait.ge [sflag:s11], $0x50  }
0xbf: {  	[sflag:s11] =	ssyncset.done $0x0  }
0xc0: {  	[sflag:s11] =	ssyncadd.s32 $0xFFFFFFB0  }
0xc1: {  	v2 =	vld [tilespmem:$0x110]  }
0xc2: {  	v3 =	vld [tilespmem:$0x100]  }
0xc3: {  	v4 =	vld [tilespmem:$0x130]  }
0xc4: {  	v5 =	vld [tilespmem:$0xF0];
	_ =	sdelay $0x1  }
0xc5: {  	[tilespmem:$0x2A0] =	vst v2;
	v2 =	vld [tilespmem:$0x120]  }
0xc6: {  	[tilespmem:$0x290] =	vst v3  }
0xc7: {  	[tilespmem:$0x2C0] =	vst v4  }
0xc8: {  	[tilespmem:$0x280] =	vst v5;
	_ =	sdelay $0x1  }
0xc9: {  	[tilespmem:$0x2B0] =	vst v2  }
0xca: {  	[spmem:s3] =	stream.indirect.scatter.add.f32 [tilespmem:s14], [sflag:$0x1], $0x1, s13, s12, $0xb8;
	[tilespmem:$0xDF8] =	vst v63  }
0xcb: {  	_ =	swait.ge [sflag:s11], $0x50  }
0xcc: {  	[sflag:s11] =	ssyncset.done $0x0  }
0xcd: {  	[sflag:s11] =	ssyncadd.s32 $0xFFFFFFB0  }
0xce: {  	v2 =	vld [tilespmem:$0x160]  }
0xcf: {  	v3 =	vld [tilespmem:$0x180]  }
0xd0: {  	v4 =	vld [tilespmem:$0x140]  }
0xd1: {  	v5 =	vld [tilespmem:$0x170]  }
0xd2: {  	v6 =	vld [tilespmem:$0x150]  }
0xd3: {  	[tilespmem:$0x2A0] =	vst v2  }
0xd4: {  	[tilespmem:$0x2C0] =	vst v3  }
0xd5: {  	[tilespmem:$0x280] =	vst v4  }
0xd6: {  	[tilespmem:$0x2B0] =	vst v5  }
0xd7: {  	[tilespmem:$0x290] =	vst v6  }
0xd8: {  	[spmem:s3] =	stream.indirect.scatter.add.f32 [tilespmem:s14], [sflag:$0x1], $0x1, s13, s12, $0xb8;
	[tilespmem:$0xDF8] =	vst v63  }
0xd9: {  	_ =	swait.ge [sflag:s11], $0x50  }
0xda: {  	[sflag:s11] =	ssyncset.done $0x0  }
0xdb: {  	[sflag:s11] =	ssyncadd.s32 $0xFFFFFFB0  }
0xdc: {  	v5 =	vld [tilespmem:$0x1A0]  }
0xdd: {  	v6 =	vld [tilespmem:$0x1D0]  }
.Ltmp2:
0xde: {  	v2 =	vld [tilespmem:$0x1B0];
	(pc) =	sbr.rel @p2 .LBB2_4-.Ltmp2, $4  }
0xdf: {  	v3 =	vld [tilespmem:$0x190]  }
0xe0: {  	v4 =	vld [tilespmem:$0x1C0]  }
0xe1: {  	[tilespmem:$0x290] =	vst v5  }
0xe2: {  	[tilespmem:$0x2C0] =	vst v6  }
.LBB2_5:
0xe3: {  	[tilespmem:$0x2A0] =	vst v2  }
0xe4: {  	[tilespmem:$0x280] =	vst v3  }
0xe5: {  	[tilespmem:$0x2B0] =	vst v4  }
0xe6: {  	[spmem:s3] =	stream.indirect.scatter.add.f32 [tilespmem:s14], [sflag:$0x1], $0x1, s13, s12, $0xb8;
	[tilespmem:$0xDF8] =	vst v63  }
0xe7: {  	_ =	swait.ge [sflag:s11], $0x50  }
0xe8: {  	[sflag:s11] =	ssyncset.done $0x0  }
0xe9: {  	[sflag:s11] =	ssyncadd.s32 $0xFFFFFFB0  }
0xea: {  	v2 =	vld [tilespmem:$0x1E0]  }
0xeb: {  	v3 =	vld [tilespmem:$0x1F0]  }
0xec: {  	v60 =	vld [tilespmem:$0x200]  }
0xed: {  	v5 =	vld [tilespmem:$0x220]  }
0xee: {  	v6 =	vld [tilespmem:$0x210]  }
0xef: {  	[tilespmem:$0x280] =	vst v2  }
0xf0: {  	[tilespmem:$0x290] =	vst v3  }
0xf1: {  	[tilespmem:$0x2A0] =	vst v60  }
0xf2: {  	[tilespmem:$0x2C0] =	vst v5  }
0xf3: {  	[tilespmem:$0x2B0] =	vst v6  }
0xf4: {  	[spmem:s3] =	stream.indirect.scatter.add.f32 [tilespmem:s14], [sflag:$0x1], $0x1, s13, s12, $0xb8;
	[tilespmem:$0xDF8] =	vst v63  }
0xf5: {  	_ =	swait.ge [sflag:s11], $0x50  }
0xf6: {  	[sflag:s11] =	ssyncset.done $0x0  }
0xf7: {  	[sflag:s11] =	ssyncadd.s32 $0xFFFFFFB0  }
0xf8: {  	v2 =	vld [tilespmem:$0x230]  }
0xf9: {  	v3 =	vld [tilespmem:$0x240]  }
0xfa: {  	v61 =	vld [tilespmem:$0x250]  }
0xfb: {  	v62 =	vld [tilespmem:$0x270]  }
0xfc: {  	v63 =	vld [tilespmem:$0x260]  }
0xfd: {  	[tilespmem:$0x280] =	vst v2  }
0xfe: {  	[tilespmem:$0x290] =	vst v3  }
0xff: {  	[tilespmem:$0x2A0] =	vst v61  }
0x100: {  	[tilespmem:$0x2C0] =	vst v62  }
0x101: {  	[tilespmem:$0x2B0] =	vst v63  }
0x102: {  	[spmem:s3] =	stream.indirect.scatter.add.f32 [tilespmem:s14], [sflag:$0x1], $0x1, s13, s12, $0xb8;
	[tilespmem:$0xDF8] =	vst v63  }
0x103: {  	_ =	swait.ge [sflag:s11], $0x50  }
0x104: {  	[sflag:s11] =	ssyncset.done $0x0  }
0x105: {  	[sflag:s11] =	ssyncadd.s32 $0xFFFFFFB0  }
0x106: {  	s16 =	simm.s32 @!p1 $0x380;
	s17 =	simm.s32 @!p1 $0x1;
	[bflag:$0x0] =	sbarrier.arrive $0xFFFF  }
0x107: {  	[tilespmem:s16], [sflag:$0x1] =	stream.linear.gather @!p1 [spmem:s6], $0x3E8, $0x38;
	[tilespmem:$0xDF8] =	vst v63  }
0x108: {  	s15 =	sadd.s32 $0x1, s15;
	_ =	swait.ge @!p1 [sflag:s17], $0x3E8  }
0x109: {  	p2 =	sne.s32 s15, s8;
	[sflag:s17] =	ssyncset.done @!p1 $0x0  }
.Ltmp3:
0x10a: {  	s18 =	simm.s32 @!p1 $0x0;
	[sflag:s17] =	ssyncadd.s32 @!p1 $0xFFFFFC18;
	(pc) =	sbr.rel @p2 .LBB2_1-.Ltmp3, $4  }
0x10b: {  	[hbm4b:s7+s18] =	stream.linear.scatter @!p1 [tilespmem:s16], [sflag:$0x1], $0x3E8, $0x38;
	[tilespmem:$0xDF8] =	vst v63  }
0x10c: {  	_ =	swait.ge @!p1 [sflag:s17], $0x3E8  }
0x10d: {  	[sflag:s17] =	ssyncset.done @!p1 $0x0  }
0x10e: {  	[sflag:s17] =	ssyncadd.s32 @!p1 $0xFFFFFC18  }
0x10f: {  	_ =	sfence.sel $0x180000  }
0x110: {  	[bflag:$0x0] =	sbarrier.arrive $0xFFFF  }
0x111: {  	p0 =	sne.s32 s2, $0x0;
	_ =	strace $0x90000047  }
0x112: {  	s0 =	sadd.s32 @!p0 $0x100000, s0;
	[bflag:$0x2] =	sbarrier.arrive $0xFFFF  }
0x113: {  	[sflag:s0] =	ssyncadd.tile.s32 @!p0 $0x1;
	_ =	shalt  }
.Lfunc_end2:
_tile_overlayer_lowered:
.L_overlay_start_2:
0x114: {  	(tag) =	ssettag $0x2  }
0x115: {  	s0 =	rddreg [dreg:$0x0];
	s2 =	stileid.u32  }
0x116: {  	s1 =	rddreg [dreg:$0x1];
	p0 =	sne.s32 s2, $0x0  }
0x117: {  	s3 =	rddreg [dreg:$0x2];
	[bflag:$0x3] =	sbarrier.arrive $0xFFFF;
	s2 =	simm.s32 @!p0 $0x1C01  }
0x118: {  	[timem:s3], [sflag:s2] =	dma.local @!p0 [hbm:s0], s1  }
0x119: {  	s0 =	simm.s32 @!p0 $0x1  }
0x11a: {  	_ =	swait.ge @!p0 [sflag:s0], s1  }
0x11b: {  	s1 =	ssub.s32 @!p0 $0x0, s1;
	[sflag:s0] =	ssyncset.done @!p0 $0x0  }
0x11c: {  	[sflag:s0] =	ssyncadd.s32 @!p0 s1  }
0x11d: {  	[bflag:$0x3] =	sbarrier.arrive $0xFFFF  }
0x11e: {  	_ =	shalt  }

// kernel: _impl.9.cloned.1.call-start
scs
__scs_entry_jumppad:
0x0: {  	(pc) =	sbr.rel $0x88, $3  }
0x1: {  	(tag) =	ssettag $0x0;
	lr =	simm.s32 $0x1  }
0x2: {  	[smem:$0x3F9C] =	sst lr;
	_ =	strace $0xD0000000  }
0x3: {  	_ = 	snop  }
0x4: {  	_ = 	snop  }
0x5: {  	_ = 	snop  }
0x6: {  	_ = 	snop  }
0x7: {  	_ = 	snop  }
__scs_overlays_trampoline_lowered:
0x8: {  	[smem:$0x3FAB] =	sst s0  }
0x9: {  	[smem:$0x3FAC] =	sst s1  }
0xa: {  	[smem:$0x3FAD] =	sst s2  }
0xb: {  	[smem:$0x3FAE] =	sst s3  }
0xc: {  	[smem:$0x3FAF] =	sst s4  }
0xd: {  	[smem:$0x3FB0] =	sst s5  }
0xe: {  	[smem:$0x3FB1] =	sst s6  }
0xf: {  	[smem:$0x3FB2] =	sst s7  }
0x10: {  	[smem:$0x3FB3] =	sst s8  }
0x11: {  	[smem:$0x3FB4] =	sst s9;
	s0 =	simm.s32 @!p0 $0x0  }
0x12: {  	s1 =	sld [smem:$0x3F9A];
	s0 =	simm.s32 @p0 $0x1  }
0x13: {  	[smem:$0x3FB5] =	sst s0;
	s0 =	simm.s32 @!p1 $0x0  }
0x14: {  	s2 =	sld [smem:$0x3F99];
	s0 =	simm.s32 @p1 $0x1  }
0x15: {  	[smem:$0x3FB6] =	sst s0;
	s0 =	simm.s32 @!p2 $0x0  }
0x16: {  	s3 =	sld [smem:$0x3FDB];
	s0 =	simm.s32 @p2 $0x1  }
0x17: {  	s4 =	simm.s32 $0x1BF5;
	[smem:$0x3FB8] =	sst s0  }
0x18: {  	s0 =	sld [smem:$0x3F9B];
	_ =	swait.ge [sflag:s4], $0x0  }
0x19: {  	s7 =	sld [smem:$0x3F9C]  }
0x1a: {  	s8 =	sadd.s32 $0xFFFFE003, lr  }
0x1b: {  	s9 =	sadd.s32 $0xFFFFFEF7, lr;
	s5 =	simm.s32 $0xFFFFFFFF;
	p2 =	slt.u32 s8, $0xFFFFF086  }
0x1c: {  	p1 =	slt.u32 s9, $0xF7A;
	s5 =	simm.s32 @!p2 $0x0  }
0x1d: {  	s5 =	simm.s32 @p1 $0x1;
	p0 =	seq.s32 s7, s2  }
0x1e: {  	s7 =	smul.u32 @!p0 $0xF7A, s2;
	p2 =	seq.s32 @!p0 s5, $0x0  }
0x1f: {  	s9 =	smul.u32 $0xF7A, s1;
	s8 =	simm.s32 @!p0 $0x1BF5;
	p2 =	por !p2, p0  }
0x20: {  	[sflag:s8] =	ssyncset.s32 @!p0 $0xFFFFF086;
	s6 =	sadd.s32 @!p0 s3, s7;
	s7 =	simm.s32 @!p0 $0x108  }
0x21: {  	s3 =	sadd.s32 s3, s9;
	s6 =	sadd.s32 @!p0 $0x88, s6;
	s7 =	simm.s32 @p2 $0x1082  }
0x22: {  	[simem:s7], [sflag:s8] =	dma.local @!p0 [hbm:s6], $0xF7A  }
0x23: {  	s9 =	sor.u32 $0xD0000000, s2;
	s6 =	simm.s32 $0x108;
	_ =	swait.ge @!p0 [sflag:s8], $0x0  }
0x24: {  	s3 =	sadd.s32 $0x88, s3;
	s6 =	simm.s32 @!p1 $0x1082;
	[sflag:s4] =	ssyncset.s32 $0xFFFFF086  }
0x25: {  	[simem:s6], [sflag:s4] =	dma.local [hbm:s3], $0xF7A  }
0x26: {  	[smem:$0x3F9C] =	sst s1;
	(tag) =	ssettag s2;
	_ =	strace s9  }
0x27: {  	s1 =	sld [smem:$0x3FAC]  }
0x28: {  	s2 =	sld [smem:$0x3FAD]  }
0x29: {  	s4 =	sld [smem:$0x3FAF]  }
0x2a: {  	p0 =	seq.s32 s5, $0x0;
	s5 =	sld [smem:$0x3FB0]  }
0x2b: {  	s6 =	sld [smem:$0x3FB1]  }
0x2c: {  	s7 =	sld [smem:$0x3FB2]  }
0x2d: {  	s3 =	simm.s32 $0x108;
	s8 =	sld [smem:$0x3FB3]  }
0x2e: {  	s3 =	simm.s32 @!p0 $0x1082;
	s9 =	sld [smem:$0x3FB4]  }
0x2f: {  	lr =	sadd.s32 s0, s3;
	s0 =	sld [smem:$0x3FAB]  }
0x30: {  	s3 =	sld [smem:$0x3FAE]  }
0x31: {  	[smem:$0x3FB7] =	sst s10  }
0x32: {  	s10 =	sld [smem:$0x3FB5];
	_ =	sdelay $0x3  }
0x33: {  	p0 =	seq.s32 s10, $0x1;
	s10 =	sld [smem:$0x3FB7];
	_ =	sdelay $0x3  }
0x34: {  	[smem:$0x3FB7] =	sst s10  }
0x35: {  	s10 =	sld [smem:$0x3FB6];
	_ =	sdelay $0x3  }
0x36: {  	p1 =	seq.s32 s10, $0x1;
	s10 =	sld [smem:$0x3FB7];
	_ =	sdelay $0x3  }
0x37: {  	[smem:$0x3FB7] =	sst s10  }
0x38: {  	s10 =	sld [smem:$0x3FB8]  }
0x39: {  	_ = 	snop;
	(pc) =	sbr.ind lr, $3  }
0x3a: {  	_ = 	snop  }
0x3b: {  	_ = 	snop  }
0x3c: {  	p2 =	seq.s32 s10, $0x1;
	s10 =	sld [smem:$0x3FB7]  }
0x3d: {  	_ =	shalt  }
0x3e: {  	_ =	shalt  }
0x3f: {  	_ =	shalt  }
0x40: {  	_ =	shalt  }
0x41: {  	_ =	shalt  }
0x42: {  	_ =	shalt  }
0x43: {  	_ =	shalt  }
0x44: {  	_ =	shalt  }
0x45: {  	_ =	shalt  }
0x46: {  	_ =	shalt  }
0x47: {  	_ =	shalt  }
0x48: {  	_ =	shalt  }
0x49: {  	_ =	shalt  }
0x4a: {  	_ =	shalt  }
0x4b: {  	_ =	shalt  }
0x4c: {  	_ =	shalt  }
0x4d: {  	_ =	shalt  }
0x4e: {  	_ =	shalt  }
0x4f: {  	_ =	shalt  }
0x50: {  	_ =	shalt  }
0x51: {  	_ =	shalt  }
0x52: {  	_ =	shalt  }
0x53: {  	_ =	shalt  }
0x54: {  	_ =	shalt  }
0x55: {  	_ =	shalt  }
0x56: {  	_ =	shalt  }
0x57: {  	_ =	shalt  }
0x58: {  	_ =	shalt  }
0x59: {  	_ =	shalt  }
0x5a: {  	_ =	shalt  }
0x5b: {  	_ =	shalt  }
0x5c: {  	_ =	shalt  }
0x5d: {  	_ =	shalt  }
0x5e: {  	_ =	shalt  }
0x5f: {  	_ =	shalt  }
0x60: {  	_ =	shalt  }
0x61: {  	_ =	shalt  }
0x62: {  	_ =	shalt  }
0x63: {  	_ =	shalt  }
0x64: {  	_ =	shalt  }
0x65: {  	_ =	shalt  }
0x66: {  	_ =	shalt  }
0x67: {  	_ =	shalt  }
0x68: {  	_ =	shalt  }
0x69: {  	_ =	shalt  }
0x6a: {  	_ =	shalt  }
0x6b: {  	_ =	shalt  }
0x6c: {  	_ =	shalt  }
0x6d: {  	_ =	shalt  }
0x6e: {  	_ =	shalt  }
0x6f: {  	_ =	shalt  }
0x70: {  	_ =	shalt  }
0x71: {  	_ =	shalt  }
0x72: {  	_ =	shalt  }
0x73: {  	_ =	shalt  }
0x74: {  	_ =	shalt  }
0x75: {  	_ =	shalt  }
0x76: {  	_ =	shalt  }
0x77: {  	_ =	shalt  }
0x78: {  	_ =	shalt  }
0x79: {  	_ =	shalt  }
0x7a: {  	_ =	shalt  }
0x7b: {  	_ =	shalt  }
0x7c: {  	_ =	shalt  }
0x7d: {  	_ =	shalt  }
0x7e: {  	_ =	shalt  }
0x7f: {  	_ =	shalt  }
0x80: {  	_ =	shalt  }
0x81: {  	_ =	shalt  }
0x82: {  	_ =	shalt  }
0x83: {  	_ =	shalt  }
0x84: {  	_ =	shalt  }
0x85: {  	_ =	shalt  }
0x86: {  	_ =	shalt  }
0x87: {  	_ =	shalt  }
.Lfunc_end0:
.L_simem_size_0:
called_computation.1_lowered:
.L_overlay_start_0:
0x88: {  	s2 =	sld [smem:$0x3FD9]  }
0x89: {  	s3 =	sld [smem:$0x3FFE];
	_ =	sdelay $0x1  }
0x8a: {  	s1 =	srdreg.scid  }
0x8b: {  	s0 =	sand.u32 $0x1, s1  }
0x8c: {  	s17 =	sshll.u32 s0, $0xA;
	s2 =	sadd.s32 s3, s2  }
0x8d: {  	s2 =	sadd.s32 s2, s17  }
0x8e: {  	[smem:$0x3FC3] =	sst s2  }
0x8f: {  	_ = 	snop  }
0x90: {  	s2 =	sld [smem:$0x3FC8]  }
0x91: {  	s18 =	sld [smem:$0x3FC7]  }
0x92: {  	s4 =	sld [smem:$0x3FD0];
	(tm) =	ssettm $0x1  }
0x93: {  	s5 =	sld [smem:$0x3FFB];
	_ =	sdelay $0x3  }
0x94: {  	_ =	strace s5  }
0x95: {  	s5 =	sld [smem:$0x3FFC];
	_ =	sdelay $0x3  }
0x96: {  	_ =	strace s5  }
0x97: {  	s5 =	sld [smem:$0x3FFD];
	_ =	sdelay $0x3  }
0x98: {  	_ =	strace s5  }
0x99: {  	_ =	strace $0x8FFFFFFF  }
0x9a: {  	s19 =	sld [smem:$0x3FDB];
	_ =	sdelay $0x1  }
0x9b: {  	s6 =	simm.s32 $_scs_section_size  }
0x9c: {  	s7 =	simm.s32 $_size__tile_overlayer_lowered;
	s8 =	simm.s32 $_tile_overlayer_lowered  }
0x9d: {  	s22 =	simm.s32 $0x1BFF;
	s21 =	sshll.u32 s8, $0x1;
	s5 =	sadd.s32 s6, s19  }
0x9e: {  	s9 =	simm.s32 $0x0;
	s20 =	sshll.u32 s7, $0x1;
	s7 =	sadd.s32 s21, s5  }
0x9f: {  	[timem:s9], [sflag:s22] =	dma.local [hbm:s7], s20  }
0xa0: {  	_ =	swait.ge [sflag:s22], s20  }
0xa1: {  	s6 =	ssub.s32 $0x0, s20;
	[sflag:s22] =	ssyncset.done $0x0  }
0xa2: {  	[sflag:s22] =	ssyncadd.s32 s6;
	_ =	sdelay $0x1  }
0xa3: {  	s23 =	simm.s32 $0x1B8B  }
0xa4: {  	_ =	swait.ge [sflag:s23], $0x1  }
0xa5: {  	[sflag:s23] =	ssyncset.done $0x0  }
0xa6: {  	s25 =	simm.s32 $0x1B8E;
	s24 =	sld [smem:$0x3FFE];
	[sflag:s23] =	ssyncadd.s32 $0xFFFFFFFF  }
0xa7: {  	s26 =	simm.s32 $execute0_lowered;
	[smem:$0x3FD2] =	sst s25  }
0xa8: {  	s7 =	sshll.u32 s26, $0x1;
	_ =	strace $0x80000049;
	[dreg:$0x1] =	wrdreg $0xFFFFFFFF  }
0xa9: {  	s28 =	simm.s32 $_size_execute0_lowered;
	s5 =	sadd.s32 s5, s7;
	[dreg:$0x0] =	wrdreg $0x0  }
0xaa: {  	s7 =	sshll.u32 s28, $0x1;
	[dreg:$0x2] =	wrdreg s5  }
0xab: {  	[dreg:$0x3] =	wrdreg s7  }
0xac: {  	[dreg:$0x4] =	wrdreg $0xC0  }
0xad: {  	_ =	task [dreg:s9], $0x5FFFF  }
0xae: {  	[dreg:$0x1] =	wrdreg $0xFFFFFFFF  }
0xaf: {  	[dreg:$0x0] =	wrdreg $0x60  }
0xb0: {  	[dreg:$0x2] =	wrdreg s4  }
0xb1: {  	[dreg:$0x3] =	wrdreg s2  }
0xb2: {  	[dreg:$0x4] =	wrdreg s18  }
0xb3: {  	[dreg:$0x5] =	wrdreg s24  }
0xb4: {  	[dreg:$0x6] =	wrdreg $0x7F800  }
0xb5: {  	[dreg:$0x7] =	wrdreg $0x9  }
0xb6: {  	_ =	task.clear_ibuf [dreg:s9], $0x8FFFF;
	_ =	strace $0x90000049  }
0xb7: {  	s29 =	simm.s32 $0x9;
	_ =	strace $0x8000004B  }
0xb8: {  	_ =	swait.ge [sflag:s29], $0x1  }
0xb9: {  	[sflag:s29] =	ssyncadd.s32 $0xFFFFFFFF  }
0xba: {  	_ =	strace $0x9000004B  }
0xbb: {  	_ =	sfence  }
0xbc: {  	s30 =	sld [smem:$0x0];
	_ =	sdelay $0x2  }
0xbd: {  	s31 =	sshll.u32 s1, $0xD;
	s1 =	sshrl.u32 s1, $0x2  }
0xbe: {  	s3 =	sand.u32 $0x4000, s31;
	s1 =	sadd.s32 s1, s30  }
0xbf: {  	s0 =	sor.u32 s3, s0;
	s1 =	sshll.u32 s1, $0x11  }
0xc0: {  	s0 =	sor.u32 s1, s0  }
0xc1: {  	s0 =	sadd.s32 $0x8F2B, s0  }
0xc2: {  	[sflag:s0] =	ssyncadd.remote.s32 $0x1  }
0xc3: {  	_ =	sfence.sel $0xFFFF  }
0xc4: {  	[dreg:$0x0] =	wrdreg $0xFFFFFFFF;
	(pc) =	sbr.abs _section_cstart, $3  }
0xc5: {  	[dreg:$0x1] =	wrdreg $0xFFFFFFFF  }
0xc6: {  	_ =	task.clear_ibuf [dreg:s9], $0x2FFFF;
	_ =	strace $0x9FFFFFFF  }
0xc7: {  	(tm) =	ssettm $0x7FFFFFFF  }
tec
execute0_lowered:
.L_overlay_start_1:
0x0: {  	(tag) =	ssettag $0x1  }
0x1: {  	s1 =	rddreg [dreg:$0x0]  }
0x2: {  	s2 =	rddreg [dreg:$0x1]  }
0x3: {  	s3 =	rddreg [dreg:$0x2]  }
0x4: {  	s6 =	rddreg [dreg:$0x3]  }
0x5: {  	s8 =	rddreg [dreg:$0x4];
	s5 =	srdreg.scid  }
0x6: {  	s0 =	rddreg [dreg:$0x5];
	s4 =	simm.s32 $0x0;
	s15 =	simm.s32 $0x1  }
0x7: {  	s16 =	simm.s32 $0x2;
	s17 =	simm.s32 $0x50;
	s18 =	simm.s32 $0x600  }
0x8: {  	s19 =	simm.s32 $0x680;
	s20 =	simm.s32 $0x2F80;
	s21 =	simm.s32 $0x700  }
0x9: {  	s22 =	simm.s32 $0x5780;
	s23 =	simm.s32 $0x3;
	s9 =	sand.u32 $0x1, s5  }
0xa: {  	s24 =	simm.s32 $0x0;
	s5 =	stileid.u32;
	s7 =	smul.u32 $0x27100, s9  }
0xb: {  	[smem:$0x7FF] =	sst s4;
	s10 =	ssub.s32 $0x2, s9;
	s30 =	smul.u32 $0xA000, s5  }
0xc: {  	_ =	strace $0x8000004A;
	s28 =	ssub.s32 $0x8C, s5;
	s13 =	smul.u32 $0x500, s5  }
0xd: {  	s29 =	sshll.u32 s5, $0x1;
	s14 =	smul.u32 $0x280, s9;
	s11 =	sshrl.u32 s10, $0x1  }
0xe: {  	s12 =	sadd.s32 s7, s6;
	s26 =	ssub.s32 s10, s11;
	s6 =	sshrl.u32 s28, $0x4  }
0xf: {  	s10 =	sor.u32 s29, s9;
	s11 =	sshrl.u32 s30, $0x2;
	s7 =	smax.u32 s26, $0x1  }
0x10: {  	s10 =	ssub.s32 $0x213, s10;
	s8 =	sadd.s32 s11, s8;
	s31 =	sadd.s32 s13, s12  }
0x11: {  	s12 =	simm.s32 $0x780;
	s9 =	sshrl.u32 s10, $0x5;
	s10 =	sadd.s32 s14, s13  }
0x12: {  	v0 =	vimm.f32 $0.0e+00;
	s11 =	sadd.s32 $0x1C00, s31;
	s13 =	simm.s32 $0x4;
	s14 =	simm.s32 $0x280  }
.LBB2_1:
0x13: {  	s25 =	simm.s32 $0x0;
	s26 =	simm.s32 $0x200  }
.LBB2_2:
0x14: {  	p0 =	sne.s32 s26, $0x9E00;
	[tilespmem:s25+$0x7F0] =	vst v0  }
0x15: {  	[tilespmem:s25+$0x780] =	vst v0  }
0x16: {  	[tilespmem:s25+$0x790] =	vst v0  }
.Ltmp0:
0x17: {  	[tilespmem:s25+$0x7A0] =	vst v0;
	(pc) =	sbr.rel @p0 .LBB2_2-.Ltmp0, $4  }
0x18: {  	[tilespmem:s25+$0x7B0] =	vst v0  }
0x19: {  	[tilespmem:s25+$0x7C0] =	vst v0  }
0x1a: {  	[tilespmem:s25+$0x7D0] =	vst v0  }
0x1b: {  	[tilespmem:s25+$0x7E0] =	vst v0;
	s25 =	sshra.s32 s26, $0x2;
	s26 =	sadd.s32 $0x200, s26  }
0x1c: {  	[tilespmem:s25+$0x7F0] =	vst v0  }
0x1d: {  	[tilespmem:s25+$0x780] =	vst v0  }
0x1e: {  	[tilespmem:s25+$0x790] =	vst v0  }
0x1f: {  	[tilespmem:s25+$0x7A0] =	vst v0  }
0x20: {  	[tilespmem:s25+$0x7B0] =	vst v0  }
0x21: {  	[tilespmem:s25+$0x7C0] =	vst v0;
	p0 =	sne.s32 s6, $0x1  }
.Ltmp1:
0x22: {  	[tilespmem:s25+$0x7D0] =	vst v0;
	(pc) =	sbr.rel @!p0 .LBB2_5-.Ltmp1, $4  }
0x23: {  	[tilespmem:s25+$0x7E0] =	vst v0  }
0x24: {  	[spmem:s8] =	stream.linear.scatter [tilespmem:s12], [sflag:$0x4], $0x2800, $0x38;
	[tilespmem:$0x1B800] =	vst v63  }
0x25: {  	_ =	swait.ge [sflag:s13], $0x2800  }
0x26: {  	s25 =	sadd.s32 $0xFFFFFFFF, s6;
	s26 =	smov.u32 s8;
	[sflag:s13] =	ssyncset.done $0x0  }
.LBB2_4:
0x27: {  	p1 =	sne.s32 s25, $0x1;
	[sflag:s13] =	ssyncadd.s32 $0xFFFFD800;
	s26 =	sadd.s32 $0x28000, s26  }
.Ltmp2:
0x28: {  	s25 =	sadd.s32 $0xFFFFFFFF, s25;
	(pc) =	sbr.rel @p1 .LBB2_4-.Ltmp2, $4  }
0x29: {  	_ = 	snop  }
0x2a: {  	[spmem:s26] =	stream.linear.scatter [tilespmem:s12], [sflag:$0x4], $0x2800, $0x38;
	[tilespmem:$0x1B800] =	vst v63  }
0x2b: {  	_ =	swait.ge [sflag:s13], $0x2800  }
0x2c: {  	[sflag:s13] =	ssyncset.done $0x0  }
.LBB2_5:
0x2d: {  	[sflag:s13] =	ssyncadd.s32 $0xFFFFD800  }
0x2e: {  	s25 =	smov.u32 s10;
	s26 =	smov.u32 s9;
	[bflag:$0x0] =	sbarrier.arrive $0xFFFF  }
.LBB2_6:
0x2f: {  	s28 =	sshrl.u32 s25, $0x3  }
0x30: {  	s29 =	sadd.s32 s2, s28  }
0x31: {  	[tilespmem:s4], [sflag:$0x1] =	stream.linear.gather [hbm4b:s29+s4], $0x280, $0x38;
	[tilespmem:$0x1B800] =	vst v63  }
0x32: {  	s28 =	sadd.s32 s3, s28  }
0x33: {  	[tilespmem:s14], [sflag:$0x2] =	stream.linear.gather [hbm4b:s28+s4], $0x280, $0x38;
	[tilespmem:$0x1B800] =	vst v63  }
0x34: {  	_ =	swait.ge [sflag:s15], $0x280  }
0x35: {  	[sflag:s15] =	ssyncset.done $0x0  }
0x36: {  	[sflag:s15] =	ssyncadd.s32 $0xFFFFFD80  }
0x37: {  	_ =	swait.ge [sflag:s16], $0x280  }
0x38: {  	[sflag:s16] =	ssyncset.done $0x0  }
0x39: {  	[sflag:s16] =	ssyncadd.s32 $0xFFFFFD80  }
0x3a: {  	v1 =	vld [tilespmem:$0x280]  }
0x3b: {  	v2 =	vld [tilespmem:$0x290]  }
0x3c: {  	v3 =	vld [tilespmem:$0x2A0]  }
0x3d: {  	v4 =	vld [tilespmem:$0x2B0]  }
0x3e: {  	v5 =	vld [tilespmem:$0x2C0]  }
0x3f: {  	[tilespmem:$0x600] =	vst v1  }
0x40: {  	[tilespmem:$0x610] =	vst v2  }
0x41: {  	[tilespmem:$0x620] =	vst v3  }
0x42: {  	[tilespmem:$0x630] =	vst v4  }
0x43: {  	[tilespmem:$0x640] =	vst v5  }
0x44: {  	[tilespmem:s12], [sflag:$0x1] =	stream.indirect.gather [hbm4b:s1+s17], $0x80, s18, s17, $0xb8;
	[tilespmem:$0x1B800] =	vst v63  }
0x45: {  	v1 =	vld [tilespmem:$0x2D0]  }
0x46: {  	v2 =	vld [tilespmem:$0x2E0]  }
0x47: {  	v3 =	vld [tilespmem:$0x2F0]  }
0x48: {  	v34 =	vld [tilespmem:$0x300]  }
0x49: {  	v35 =	vld [tilespmem:$0x310]  }
0x4a: {  	[tilespmem:$0x680] =	vst v1  }
0x4b: {  	[tilespmem:$0x690] =	vst v2  }
0x4c: {  	[tilespmem:$0x6A0] =	vst v3  }
0x4d: {  	[tilespmem:$0x6B0] =	vst v34  }
0x4e: {  	[tilespmem:$0x6C0] =	vst v35  }
0x4f: {  	[tilespmem:s20], [sflag:$0x2] =	stream.indirect.gather [hbm4b:s1+s17], $0x80, s19, s17, $0xb8;
	[tilespmem:$0x1B800] =	vst v63  }
0x50: {  	v1 =	vld [tilespmem:$0x320]  }
0x51: {  	v2 =	vld [tilespmem:$0x330]  }
0x52: {  	v3 =	vld [tilespmem:$0x340]  }
0x53: {  	v36 =	vld [tilespmem:$0x350]  }
0x54: {  	v37 =	vld [tilespmem:$0x360]  }
0x55: {  	[tilespmem:$0x700] =	vst v1  }
0x56: {  	[tilespmem:$0x710] =	vst v2  }
0x57: {  	[tilespmem:$0x720] =	vst v3  }
0x58: {  	[tilespmem:$0x730] =	vst v36  }
0x59: {  	[tilespmem:$0x740] =	vst v37  }
0x5a: {  	[tilespmem:s22], [sflag:$0x3] =	stream.indirect.gather [hbm4b:s1+s17], $0x80, s21, s17, $0xb8;
	[tilespmem:$0x1B800] =	vst v63  }
0x5b: {  	_ =	swait.ge [sflag:s15], $0x2800  }
0x5c: {  	[sflag:s15] =	ssyncset.done $0x0  }
0x5d: {  	[sflag:s15] =	ssyncadd.s32 $0xFFFFD800  }
0x5e: {  	v1 =	vld [tilespmem:$0x0]  }
0x5f: {  	v2 =	vld [tilespmem:$0x10]  }
0x60: {  	v3 =	vld [tilespmem:$0x20]  }
0x61: {  	v38 =	vld [tilespmem:$0x30]  }
0x62: {  	v39 =	vld [tilespmem:$0x40]  }
0x63: {  	v40 =	vld [tilespmem:$0x3A0];
	[tilespmem:$0x500] =	vst v1  }
0x64: {  	v41 =	vld [tilespmem:$0x3B0];
	[tilespmem:$0x510] =	vst v2  }
0x65: {  	v1 =	vld [tilespmem:$0x370];
	[tilespmem:$0x520] =	vst v3  }
0x66: {  	v2 =	vld [tilespmem:$0x380];
	[tilespmem:$0x530] =	vst v38  }
0x67: {  	v3 =	vld [tilespmem:$0x390];
	[tilespmem:$0x540] =	vst v39  }
0x68: {  	[tilespmem:$0x630] =	vst v40  }
0x69: {  	[tilespmem:$0x640] =	vst v41  }
0x6a: {  	[tilespmem:$0x600] =	vst v1  }
0x6b: {  	[tilespmem:$0x610] =	vst v2  }
0x6c: {  	[tilespmem:$0x620] =	vst v3  }
0x6d: {  	[tilespmem:s12], [sflag:$0x1] =	stream.indirect.gather [hbm4b:s1+s17], $0x80, s18, s17, $0xb8;
	[tilespmem:$0x1B800] =	vst v63  }
0x6e: {  	_ =	swait.ge [sflag:s16], $0x2800  }
0x6f: {  	[sflag:s16] =	ssyncset.done $0x0  }
0x70: {  	[sflag:s16] =	ssyncadd.s32 $0xFFFFD800  }
0x71: {  	v1 =	vld [tilespmem:$0x50]  }
0x72: {  	v2 =	vld [tilespmem:$0x60]  }
0x73: {  	v3 =	vld [tilespmem:$0x70]  }
0x74: {  	v42 =	vld [tilespmem:$0x80]  }
0x75: {  	v43 =	vld [tilespmem:$0x90]  }
0x76: {  	v44 =	vld [tilespmem:$0x3F0];
	[tilespmem:$0x580] =	vst v1  }
0x77: {  	v45 =	vld [tilespmem:$0x400];
	[tilespmem:$0x590] =	vst v2  }
0x78: {  	v1 =	vld [tilespmem:$0x3C0];
	[tilespmem:$0x5A0] =	vst v3  }
0x79: {  	v2 =	vld [tilespmem:$0x3D0];
	[tilespmem:$0x5B0] =	vst v42  }
0x7a: {  	v3 =	vld [tilespmem:$0x3E0];
	[tilespmem:$0x5C0] =	vst v43  }
0x7b: {  	[tilespmem:$0x6B0] =	vst v44  }
0x7c: {  	[tilespmem:$0x6C0] =	vst v45  }
0x7d: {  	[tilespmem:$0x680] =	vst v1  }
0x7e: {  	[tilespmem:$0x690] =	vst v2  }
0x7f: {  	[tilespmem:$0x6A0] =	vst v3  }
0x80: {  	[tilespmem:s20], [sflag:$0x2] =	stream.indirect.gather [hbm4b:s1+s17], $0x80, s19, s17, $0xb8;
	[tilespmem:$0x1B800] =	vst v63  }
0x81: {  	_ =	swait.ge [sflag:s23], $0x2800  }
0x82: {  	[sflag:s23] =	ssyncset.done $0x0  }
0x83: {  	[sflag:s23] =	ssyncadd.s32 $0xFFFFD800  }
0x84: {  	v1 =	vld [tilespmem:$0xA0]  }
0x85: {  	v2 =	vld [tilespmem:$0xB0]  }
0x86: {  	v3 =	vld [tilespmem:$0xC0]  }
0x87: {  	v46 =	vld [tilespmem:$0xD0]  }
0x88: {  	v47 =	vld [tilespmem:$0xE0]  }
0x89: {  	v48 =	vld [tilespmem:$0x440];
	[tilespmem:$0x500] =	vst v1  }
0x8a: {  	v49 =	vld [tilespmem:$0x450];
	[tilespmem:$0x510] =	vst v2  }
0x8b: {  	v1 =	vld [tilespmem:$0x410];
	[tilespmem:$0x520] =	vst v3  }
0x8c: {  	v2 =	vld [tilespmem:$0x420];
	[tilespmem:$0x530] =	vst v46  }
0x8d: {  	v3 =	vld [tilespmem:$0x430];
	[tilespmem:$0x540] =	vst v47  }
0x8e: {  	[tilespmem:$0x730] =	vst v48  }
0x8f: {  	[tilespmem:$0x740] =	vst v49  }
0x90: {  	[tilespmem:$0x700] =	vst v1  }
0x91: {  	[tilespmem:$0x710] =	vst v2  }
0x92: {  	[tilespmem:$0x720] =	vst v3  }
0x93: {  	[tilespmem:s22], [sflag:$0x3] =	stream.indirect.gather [hbm4b:s1+s17], $0x80, s21, s17, $0xb8;
	[tilespmem:$0x1B800] =	vst v63  }
0x94: {  	_ =	swait.ge [sflag:s15], $0x2800  }
0x95: {  	[sflag:s15] =	ssyncset.done $0x0  }
0x96: {  	[sflag:s15] =	ssyncadd.s32 $0xFFFFD800  }
0x97: {  	v1 =	vld [tilespmem:$0xF0]  }
0x98: {  	v2 =	vld [tilespmem:$0x100]  }
0x99: {  	v3 =	vld [tilespmem:$0x110]  }
0x9a: {  	v50 =	vld [tilespmem:$0x120]  }
0x9b: {  	v51 =	vld [tilespmem:$0x130]  }
0x9c: {  	v52 =	vld [tilespmem:$0x490];
	[tilespmem:$0x580] =	vst v1  }
0x9d: {  	v53 =	vld [tilespmem:$0x4A0];
	[tilespmem:$0x590] =	vst v2  }
0x9e: {  	v1 =	vld [tilespmem:$0x460];
	[tilespmem:$0x5A0] =	vst v3  }
0x9f: {  	v2 =	vld [tilespmem:$0x470];
	[tilespmem:$0x5B0] =	vst v50  }
0xa0: {  	v3 =	vld [tilespmem:$0x480];
	[tilespmem:$0x5C0] =	vst v51  }
0xa1: {  	[tilespmem:$0x630] =	vst v52  }
0xa2: {  	[tilespmem:$0x640] =	vst v53  }
0xa3: {  	[tilespmem:$0x600] =	vst v1  }
0xa4: {  	[tilespmem:$0x610] =	vst v2  }
0xa5: {  	[tilespmem:$0x620] =	vst v3  }
0xa6: {  	[tilespmem:s12], [sflag:$0x1] =	stream.indirect.gather [hbm4b:s1+s17], $0x80, s18, s17, $0xb8;
	[tilespmem:$0x1B800] =	vst v63  }
0xa7: {  	_ =	swait.ge [sflag:s16], $0x2800  }
0xa8: {  	[sflag:s16] =	ssyncset.done $0x0  }
0xa9: {  	[sflag:s16] =	ssyncadd.s32 $0xFFFFD800  }
0xaa: {  	v1 =	vld [tilespmem:$0x140]  }
0xab: {  	v2 =	vld [tilespmem:$0x150]  }
0xac: {  	v3 =	vld [tilespmem:$0x160]  }
0xad: {  	v54 =	vld [tilespmem:$0x170]  }
0xae: {  	v55 =	vld [tilespmem:$0x180]  }
0xaf: {  	v56 =	vld [tilespmem:$0x4E0];
	[tilespmem:$0x500] =	vst v1  }
0xb0: {  	v57 =	vld [tilespmem:$0x4F0];
	[tilespmem:$0x510] =	vst v2  }
0xb1: {  	v1 =	vld [tilespmem:$0x4B0];
	[tilespmem:$0x520] =	vst v3  }
0xb2: {  	v2 =	vld [tilespmem:$0x4C0];
	[tilespmem:$0x530] =	vst v54  }
0xb3: {  	v3 =	vld [tilespmem:$0x4D0];
	[tilespmem:$0x540] =	vst v55  }
0xb4: {  	[tilespmem:$0x6B0] =	vst v56  }
0xb5: {  	[tilespmem:$0x6C0] =	vst v57  }
0xb6: {  	[tilespmem:$0x680] =	vst v1  }
0xb7: {  	[tilespmem:$0x690] =	vst v2  }
0xb8: {  	[tilespmem:$0x6A0] =	vst v3  }
0xb9: {  	[tilespmem:s20], [sflag:$0x2] =	stream.indirect.gather [hbm4b:s1+s17], $0x80, s19, s17, $0xb8;
	[tilespmem:$0x1B800] =	vst v63  }
0xba: {  	_ =	swait.ge [sflag:s23], $0x2800  }
0xbb: {  	[sflag:s23] =	ssyncset.done $0x0  }
0xbc: {  	[sflag:s23] =	ssyncadd.s32 $0xFFFFD800  }
0xbd: {  	v1 =	vld [tilespmem:$0x190]  }
0xbe: {  	v2 =	vld [tilespmem:$0x1A0]  }
0xbf: {  	v3 =	vld [tilespmem:$0x1B0]  }
0xc0: {  	v58 =	vld [tilespmem:$0x1C0]  }
0xc1: {  	v59 =	vld [tilespmem:$0x1D0]  }
0xc2: {  	[tilespmem:$0x580] =	vst v1  }
0xc3: {  	[tilespmem:$0x590] =	vst v2  }
0xc4: {  	[tilespmem:$0x5A0] =	vst v3  }
0xc5: {  	[tilespmem:$0x5B0] =	vst v58  }
0xc6: {  	[tilespmem:$0x5C0] =	vst v59  }
0xc7: {  	_ =	swait.ge [sflag:s15], $0x2800  }
0xc8: {  	[sflag:s15] =	ssyncset.done $0x0  }
0xc9: {  	[sflag:s15] =	ssyncadd.s32 $0xFFFFD800  }
0xca: {  	v1 =	vld [tilespmem:$0x1E0]  }
0xcb: {  	v2 =	vld [tilespmem:$0x1F0]  }
0xcc: {  	v3 =	vld [tilespmem:$0x200]  }
0xcd: {  	v60 =	vld [tilespmem:$0x210]  }
0xce: {  	v61 =	vld [tilespmem:$0x220]  }
0xcf: {  	[tilespmem:$0x500] =	vst v1  }
0xd0: {  	[tilespmem:$0x510] =	vst v2  }
0xd1: {  	[tilespmem:$0x520] =	vst v3  }
0xd2: {  	[tilespmem:$0x530] =	vst v60  }
0xd3: {  	[tilespmem:$0x540] =	vst v61  }
0xd4: {  	_ =	swait.ge [sflag:s16], $0x2800  }
0xd5: {  	[sflag:s16] =	ssyncset.done $0x0  }
0xd6: {  	[sflag:s16] =	ssyncadd.s32 $0xFFFFD800  }
0xd7: {  	v1 =	vld [tilespmem:$0x230]  }
0xd8: {  	v2 =	vld [tilespmem:$0x240]  }
0xd9: {  	v3 =	vld [tilespmem:$0x250]  }
0xda: {  	v62 =	vld [tilespmem:$0x260]  }
0xdb: {  	p1 =	sne.s32 s26, $0x1;
	v63 =	vld [tilespmem:$0x270]  }
.Ltmp3:
0xdc: {  	[tilespmem:$0x580] =	vst v1;
	(pc) =	sbr.rel @p1 .LBB2_6-.Ltmp3, $4  }
0xdd: {  	[tilespmem:$0x590] =	vst v2  }
0xde: {  	[tilespmem:$0x5A0] =	vst v3  }
0xdf: {  	[tilespmem:$0x5B0] =	vst v62  }
0xe0: {  	s25 =	sadd.s32 $0x5000, s25;
	s26 =	sadd.s32 $0xFFFFFFFF, s26;
	[tilespmem:$0x5C0] =	vst v63  }
0xe1: {  	[bflag:$0x0] =	sbarrier.arrive $0xFFFF  }
0xe2: {  	[tilespmem:s20], [sflag:$0x4] =	stream.linear.gather [spmem:s8], $0x2800, $0x38;
	[tilespmem:$0x1B800] =	vst v63  }
0xe3: {  	_ =	swait.ge [sflag:s13], $0x2800  }
.Ltmp4:
0xe4: {  	[sflag:s13] =	ssyncset.done $0x0;
	(pc) =	sbr.rel @!p0 .LBB2_9-.Ltmp4, $4  }
0xe5: {  	[sflag:s13] =	ssyncadd.s32 $0xFFFFD800  }
0xe6: {  	[hbm4b:s11+s4] =	stream.linear.scatter [tilespmem:s20], [sflag:$0x4], $0x2800, $0x38;
	[tilespmem:$0x1B800] =	vst v63  }
0xe7: {  	s25 =	sadd.s32 $0xFFFFFFFF, s6;
	_ =	swait.ge [sflag:s13], $0x2800  }
0xe8: {  	s26 =	smov.u32 s8;
	s28 =	smov.u32 s11;
	[sflag:s13] =	ssyncset.done $0x0  }
.LBB2_8:
0xe9: {  	[sflag:s13] =	ssyncadd.s32 $0xFFFFD800;
	s26 =	sadd.s32 $0x28000, s26;
	s28 =	sadd.s32 $0x5000, s28  }
0xea: {  	[tilespmem:s20], [sflag:$0x4] =	stream.linear.gather [spmem:s26], $0x2800, $0x38;
	[tilespmem:$0x1B800] =	vst v63  }
0xeb: {  	p0 =	sne.s32 s25, $0x1;
	s25 =	sadd.s32 $0xFFFFFFFF, s25;
	_ =	swait.ge [sflag:s13], $0x2800  }
.Ltmp5:
0xec: {  	[sflag:s13] =	ssyncset.done $0x0;
	(pc) =	sbr.rel @p0 .LBB2_8-.Ltmp5, $4  }
0xed: {  	[sflag:s13] =	ssyncadd.s32 $0xFFFFD800  }
0xee: {  	[hbm4b:s28+s4] =	stream.linear.scatter [tilespmem:s20], [sflag:$0x4], $0x2800, $0x38;
	[tilespmem:$0x1B800] =	vst v63  }
0xef: {  	_ =	swait.ge [sflag:s13], $0x2800  }
0xf0: {  	[sflag:s13] =	ssyncset.done $0x0  }
.LBB2_9:
0xf1: {  	s24 =	sadd.s32 $0x1, s24  }
0xf2: {  	p0 =	sne.s32 s24, s7  }
.Ltmp6:
0xf3: {  	_ = 	snop;
	(pc) =	sbr.rel @p0 .LBB2_1-.Ltmp6, $2  }
0xf4: {  	_ =	sdelay $0x2  }
0xf5: {  	[sflag:s13] =	ssyncadd.s32 $0xFFFFD800  }
0xf6: {  	_ =	sfence.sel $0x180000  }
0xf7: {  	[bflag:$0x0] =	sbarrier.arrive $0xFFFF  }
0xf8: {  	p0 =	sne.s32 s5, $0x0;
	_ =	strace $0x9000004A  }
0xf9: {  	s0 =	sadd.s32 @!p0 $0x100000, s0;
	[bflag:$0x2] =	sbarrier.arrive $0xFFFF  }
0xfa: {  	[sflag:s0] =	ssyncadd.tile.s32 @!p0 $0x1;
	_ =	shalt  }
.Lfunc_end2:
_tile_overlayer_lowered:
.L_overlay_start_2:
0xfb: {  	(tag) =	ssettag $0x2  }
0xfc: {  	s0 =	rddreg [dreg:$0x0];
	s2 =	stileid.u32  }
0xfd: {  	s1 =	rddreg [dreg:$0x1];
	p0 =	sne.s32 s2, $0x0  }
0xfe: {  	s3 =	rddreg [dreg:$0x2];
	[bflag:$0x3] =	sbarrier.arrive $0xFFFF;
	s2 =	simm.s32 @!p0 $0x1C04  }
0xff: {  	[timem:s3], [sflag:s2] =	dma.local @!p0 [hbm:s0], s1  }
0x100: {  	s0 =	simm.s32 @!p0 $0x4  }
0x101: {  	_ =	swait.ge @!p0 [sflag:s0], s1  }
0x102: {  	s1 =	ssub.s32 @!p0 $0x0, s1;
	[sflag:s0] =	ssyncset.done @!p0 $0x0  }
0x103: {  	[sflag:s0] =	ssyncadd.s32 @!p0 s1  }
0x104: {  	[bflag:$0x3] =	sbarrier.arrive $0xFFFF  }
0x105: {  	_ =	shalt  }

</sc_bundles>
